<compile_context>
chip_gen: v7x
topology: tpu7x:2x2x1
jax: 0.10.2.dev20260603
libtpu: 0.0.44.dev20260713+nightly
codegen_flags: <defaults>
</compile_context>

<pallas_src>
import functools

import jax
import jax.numpy as jnp
from jax import lax
from jax.experimental import pallas as pl
from jax.experimental.pallas import tpu as pltpu
from jax.experimental.pallas import tpu_sc as plsc

N = 10000
E = 160000
INDIM = 256
HIDIM = 128
OUTDIM = 256

NC, NS, L = 2, 16, 16
E_PAD = 163840
EPT_ALL = E_PAD // NS
EPC = E_PAD // NC
EPT = EPC // NS
BLK = 128
N_PAD = 10240
NPT = N_PAD // NS
FH = 64

_MESH = plsc.VectorSubcoreMesh(
    core_axis_name="c", subcore_axis_name="s", num_cores=NC, num_subcores=NS)
_SC_PARAMS = pltpu.CompilerParams(
    needs_layout_passes=False, use_tc_tiling_on_sc=False)


def _zero_gbuf(gbuf):
    z = jnp.zeros((16,), jnp.float32)

    def body(i, _):
        r = i // (FH // 16)
        j = i % (FH // 16)
        gbuf[r, pl.ds(j * 16, 16)] = z
        return 0

    lax.fori_loop(0, BLK * (FH // 16), body, 0)


def _newton_dis(deg_v, dis_v):

    def body(i, _):
        d = deg_v[pl.ds(i * 16, 16)] + 1.0
        ib = plsc.bitcast(d, jnp.int32)
        y = plsc.bitcast(0x5F3759DF - (ib >> 1), jnp.float32)
        for _ in range(3):
            y = y * (1.5 - 0.5 * d * y * y)
        dis_v[pl.ds(i * 16, 16)] = y
        return 0

    lax.fori_loop(0, N_PAD // 16, body, 0)


def _msg_loop(src_hbm, row_v, col_v, norm_v, gbuf, rblk, cblk, acc, sem,
              n_blocks):

    def blk_body(b, _):
        for j in range(BLK // 16):
            rblk[pl.ds(j * 16, 16)] = row_v[pl.ds(b * BLK + j * 16, 16)]
            cblk[pl.ds(j * 16, 16)] = col_v[pl.ds(b * BLK + j * 16, 16)]
        pltpu.async_copy(src_hbm.at[rblk], gbuf, sem).wait()

        def scale_e(e, _):
            ns = plsc.load_gather(
                norm_v, [jnp.full((16,), b * BLK + e, jnp.int32)])
            for j in range(FH // 16):
                v = gbuf[e, pl.ds(j * 16, 16)]
                gbuf[e, pl.ds(j * 16, 16)] = v * ns
            return 0

        lax.fori_loop(0, BLK, scale_e, 0)
        pltpu.sync_copy(gbuf, acc.at[cblk], add=True)
        return 0

    lax.fori_loop(0, n_blocks, blk_body, 0)


def _zero_acc(gbuf, acc, s):
    _zero_gbuf(gbuf)
    for k in range(NPT // BLK):
        pltpu.sync_copy(gbuf, acc.at[pl.ds(s * NPT + k * BLK, BLK)])


def _copy_out(acc, out_hbm, s):
    pltpu.sync_copy(acc.at[pl.ds(s * NPT, NPT)],
                    out_hbm.at[pl.ds(s * NPT, NPT)])


_P64 = jax.ShapeDtypeStruct((N_PAD, FH), jnp.float32)


@functools.partial(
    pl.kernel,
    out_type=(
        jax.ShapeDtypeStruct((E_PAD,), jnp.float32),
        jax.ShapeDtypeStruct((N,), jnp.float32),
        _P64, _P64,
        _P64, _P64,
    ),
    mesh=_MESH,
    scratch_types=[
        pltpu.VMEM((EPT_ALL,), jnp.int32),
        pltpu.VMEM((EPT_ALL,), jnp.float32),
        pltpu.VMEM((EPT,), jnp.int32),
        pltpu.VMEM((EPT,), jnp.int32),
        pltpu.VMEM((EPT,), jnp.float32),
        pltpu.VMEM((EPT,), jnp.float32),
        pltpu.VMEM((N_PAD,), jnp.float32),
        pltpu.VMEM((N_PAD,), jnp.float32),
        pltpu.VMEM((BLK, FH), jnp.float32),
        pltpu.VMEM((BLK,), jnp.int32),
        pltpu.VMEM((BLK,), jnp.int32),
        pltpu.VMEM((BLK,), jnp.float32),
        pltpu.VMEM_SHARED((N_PAD,), jnp.float32),
        pltpu.VMEM_SHARED((N_PAD, FH), jnp.float32),
        pltpu.SemaphoreType.DMA,
    ],
    compiler_params=_SC_PARAMS,
)
def _sc_layer1(row_hbm, col_hbm, ew_hbm, h1a_hbm, h1b_hbm,
               norm_hbm, dis_hbm, p0a_hbm, p0b_hbm, p1a_hbm, p1b_hbm,
               col_d, ew_d, row_m, col_m, ew_m, norm_m, deg_v, dis_v,
               gbuf, rblk, cblk, wblk, deg_sp, acc, sem):
    c = lax.axis_index("c")
    s = lax.axis_index("s")

    pltpu.sync_copy(col_hbm.at[pl.ds(s * EPT_ALL, EPT_ALL)], col_d)
    pltpu.sync_copy(ew_hbm.at[pl.ds(s * EPT_ALL, EPT_ALL)], ew_d)
    mbase = c * EPC + s * EPT
    pltpu.sync_copy(row_hbm.at[pl.ds(mbase, EPT)], row_m)
    pltpu.sync_copy(col_hbm.at[pl.ds(mbase, EPT)], col_m)
    pltpu.sync_copy(ew_hbm.at[pl.ds(mbase, EPT)], ew_m)

    z = jnp.zeros((16,), jnp.float32)
    for j in range(BLK // 16):
        wblk[pl.ds(j * 16, 16)] = z
    for k in range(NPT // BLK):
        pltpu.sync_copy(wblk, deg_sp.at[pl.ds(s * NPT + k * BLK, BLK)])
    plsc.subcore_barrier()

    def deg_blk(b, _):
        for j in range(BLK // 16):
            cblk[pl.ds(j * 16, 16)] = col_d[pl.ds(b * BLK + j * 16, 16)]
            wblk[pl.ds(j * 16, 16)] = ew_d[pl.ds(b * BLK + j * 16, 16)]
        pltpu.sync_copy(wblk, deg_sp.at[cblk], add=True)
        return 0

    lax.fori_loop(0, EPT_ALL // BLK, deg_blk, 0)
    plsc.subcore_barrier()

    pltpu.sync_copy(deg_sp, deg_v)
    _newton_dis(deg_v, dis_v)

    @pl.when(jnp.logical_and(c == 0, s == 0))
    def _():
        pltpu.sync_copy(dis_v.at[pl.ds(0, N)], dis_hbm)

    def norm_blk(i, _):
        r = row_m[pl.ds(i * 16, 16)]
        cc = col_m[pl.ds(i * 16, 16)]
        w = ew_m[pl.ds(i * 16, 16)]
        dr = plsc.load_gather(dis_v, [r])
        dc = plsc.load_gather(dis_v, [cc])
        norm_m[pl.ds(i * 16, 16)] = dr * w * dc
        return 0

    lax.fori_loop(0, EPT // 16, norm_blk, 0)
    pltpu.sync_copy(norm_m, norm_hbm.at[pl.ds(mbase, EPT)])

    for p, (src, out0, out1) in enumerate(
            ((h1a_hbm, p0a_hbm, p1a_hbm), (h1b_hbm, p0b_hbm, p1b_hbm))):
        _zero_acc(gbuf, acc, s)
        plsc.subcore_barrier()
        _msg_loop(src, row_m, col_m, norm_m, gbuf, rblk, cblk, acc, sem,
                  EPT // BLK)
        plsc.subcore_barrier()

        @pl.when(c == 0)
        def _(out0=out0):
            _copy_out(acc, out0, s)

        @pl.when(c == 1)
        def _(out1=out1):
            _copy_out(acc, out1, s)


@functools.partial(
    pl.kernel,
    out_type=(_P64, _P64, _P64, _P64),
    mesh=_MESH,
    scratch_types=[
        pltpu.VMEM((EPT_ALL,), jnp.int32),
        pltpu.VMEM((EPT_ALL,), jnp.int32),
        pltpu.VMEM((EPT_ALL,), jnp.float32),
        pltpu.VMEM((BLK, FH), jnp.float32),
        pltpu.VMEM((BLK,), jnp.int32),
        pltpu.VMEM((BLK,), jnp.int32),
        pltpu.VMEM_SHARED((N_PAD, FH), jnp.float32),
        pltpu.SemaphoreType.DMA,
    ],
    compiler_params=_SC_PARAMS,
)
def _sc_layer2(row_hbm, col_hbm, norm_hbm, h2s0_hbm, h2s1_hbm, h2s2_hbm,
               h2s3_hbm, q0_hbm, q1_hbm, q2_hbm, q3_hbm,
               row_m, col_m, norm_m, gbuf, rblk, cblk, acc, sem):
    c = lax.axis_index("c")
    s = lax.axis_index("s")

    base = s * EPT_ALL
    pltpu.sync_copy(row_hbm.at[pl.ds(base, EPT_ALL)], row_m)
    pltpu.sync_copy(col_hbm.at[pl.ds(base, EPT_ALL)], col_m)
    pltpu.sync_copy(norm_hbm.at[pl.ds(base, EPT_ALL)], norm_m)

    for p, (src0, src1, out0, out1) in enumerate(
            ((h2s0_hbm, h2s2_hbm, q0_hbm, q2_hbm),
             (h2s1_hbm, h2s3_hbm, q1_hbm, q3_hbm))):
        _zero_acc(gbuf, acc, s)
        plsc.subcore_barrier()

        @pl.when(c == 0)
        def _(src0=src0):
            _msg_loop(src0, row_m, col_m, norm_m, gbuf, rblk, cblk, acc,
                      sem, EPT_ALL // BLK)

        @pl.when(c == 1)
        def _(src1=src1):
            _msg_loop(src1, row_m, col_m, norm_m, gbuf, rblk, cblk, acc,
                      sem, EPT_ALL // BLK)

        plsc.subcore_barrier()

        @pl.when(c == 0)
        def _(out0=out0):
            _copy_out(acc, out0, s)

        @pl.when(c == 1)
        def _(out1=out1):
            _copy_out(acc, out1, s)



_RB = 1000


def _t1_body(x_ref, w_ref, ha_ref, hb_ref):
    h = jnp.dot(x_ref[...], w_ref[...], preferred_element_type=jnp.float32)
    ha_ref[...] = h[:, :FH]
    hb_ref[...] = h[:, FH:]


def _t2_body(p0a_ref, p0b_ref, p1a_ref, p1b_ref, h1a_ref, h1b_ref,
             dis_ref, b1_ref, w2_ref, s0_ref, s1_ref, s2_ref, s3_ref):
    d2 = dis_ref[...] * dis_ref[...]
    a_left = p0a_ref[...] + p1a_ref[...] + d2 * h1a_ref[...]
    a_right = p0b_ref[...] + p1b_ref[...] + d2 * h1b_ref[...]
    a = jnp.concatenate([a_left, a_right], axis=1) + b1_ref[...]
    a = jnp.maximum(a, 0.0)
    h2 = jnp.dot(a, w2_ref[...], preferred_element_type=jnp.float32)
    s0_ref[...] = h2[:, :FH]
    s1_ref[...] = h2[:, FH:2 * FH]
    s2_ref[...] = h2[:, 2 * FH:3 * FH]
    s3_ref[...] = h2[:, 3 * FH:]


def _t3_body(q0_ref, q1_ref, q2_ref, q3_ref, s0_ref, s1_ref, s2_ref, s3_ref,
             dis_ref, b2_ref, y_ref):
    d2 = dis_ref[...] * dis_ref[...]
    y_ref[...] = jnp.concatenate(
        [q0_ref[...] + d2 * s0_ref[...],
         q1_ref[...] + d2 * s1_ref[...],
         q2_ref[...] + d2 * s2_ref[...],
         q3_ref[...] + d2 * s3_ref[...]], axis=1) + b2_ref[...]


def _row_blk(d):
    return pl.BlockSpec((_RB, d), lambda i: (i, 0))


def _full(shape):
    return pl.BlockSpec(shape, lambda i: tuple(0 for _ in shape))


_F64 = jax.ShapeDtypeStruct((N, FH), jnp.float32)


def kernel(x, edge_index, edge_weight, W1, b1, W2, b2):
    row = edge_index[0]
    col = edge_index[1]
    pad = E_PAD - E
    rowp = jnp.concatenate([row, jnp.zeros((pad,), row.dtype)])
    colp = jnp.concatenate([col, jnp.zeros((pad,), col.dtype)])
    ewp = jnp.concatenate([edge_weight, jnp.zeros((pad,), edge_weight.dtype)])

    h1a, h1b = pl.pallas_call(
        _t1_body,
        grid=(N // _RB,),
        in_specs=[_row_blk(INDIM), _full((INDIM, HIDIM))],
        out_specs=[_row_blk(FH), _row_blk(FH)],
        out_shape=[_F64, _F64],
    )(x, W1)

    norm, dis, p0a, p0b, p1a, p1b = _sc_layer1(rowp, colp, ewp, h1a, h1b)

    dis2d = dis.reshape(N, 1)
    h2s = pl.pallas_call(
        _t2_body,
        grid=(N // _RB,),
        in_specs=[_row_blk(FH)] * 6 +
                 [pl.BlockSpec((_RB, 1), lambda i: (i, 0)),
                  _full((1, HIDIM)), _full((HIDIM, OUTDIM))],
        out_specs=[_row_blk(FH)] * 4,
        out_shape=[_F64] * 4,
    )(p0a, p0b, p1a, p1b, h1a, h1b, dis2d, b1.reshape(1, HIDIM), W2)

    q0, q1, q2, q3 = _sc_layer2(rowp, colp, norm, *h2s)

    y = pl.pallas_call(
        _t3_body,
        grid=(N // _RB,),
        in_specs=[_row_blk(FH)] * 8 +
                 [pl.BlockSpec((_RB, 1), lambda i: (i, 0)),
                  _full((1, OUTDIM))],
        out_specs=_row_blk(OUTDIM),
        out_shape=jax.ShapeDtypeStruct((N, OUTDIM), jnp.float32),
    )(q0, q1, q2, q3, *h2s, dis2d, b2.reshape(1, OUTDIM))

    return y

# --- scband reference (transcript-rebuilt; emitter-appended) ---
"""Pipeline reference for scband-gcne-34935263986004 (READ-ONLY COPY).

The authoritative reference and input builder live on the scoring server;
editing this copy changes nothing except your own understanding.
"""

import jax, jax.numpy as jnp
import numpy as np

N_NODES = 10000
N_EDGES = 160000
INDIM = 256
HIDIM = 128
OUTDIM = 256


def setup_inputs(seed: int = 0) -> dict:
    key = jax.random.key(seed)
    ks = jax.random.split(key, 8)
    x = jax.random.normal(ks[0], (N_NODES, INDIM), dtype=jnp.float32)
    edge_index = jax.random.randint(ks[1], (2, N_EDGES), 0, N_NODES, dtype=jnp.int64 if jax.config.jax_enable_x64 else jnp.int32).astype(jnp.int32)
    edge_weight = jax.random.uniform(ks[2], (N_EDGES,), dtype=jnp.float32)
    # GCNConv layer 1: Linear(INDIM -> HIDIM) glorot weight, zero bias
    W1 = jax.random.normal(ks[3], (INDIM, HIDIM), dtype=jnp.float32) * (1.0 / np.sqrt(INDIM))
    b1 = jnp.zeros((HIDIM,), dtype=jnp.float32)
    # GCNConv layer 2: Linear(HIDIM -> OUTDIM)
    W2 = jax.random.normal(ks[4], (HIDIM, OUTDIM), dtype=jnp.float32) * (1.0 / np.sqrt(HIDIM))
    b2 = jnp.zeros((OUTDIM,), dtype=jnp.float32)
    return {"x": x, "edge_index": edge_index, "edge_weight": edge_weight,
            "W1": W1, "b1": b1, "W2": W2, "b2": b2}


def gcn_conv(x, edge_index, edge_weight, W, b, num_nodes):
    # Faithful to torch_geometric.nn.GCNConv with edge_weight:
    # add self-loops (weight 1), symmetric normalization D^-1/2 A D^-1/2.
    row = edge_index[0]
    col = edge_index[1]
    loop = jnp.arange(num_nodes, dtype=row.dtype)
    row = jnp.concatenate([row, loop])
    col = jnp.concatenate([col, loop])
    ew = jnp.concatenate([edge_weight, jnp.ones((num_nodes,), dtype=edge_weight.dtype)])
    deg = jax.ops.segment_sum(ew, col, num_segments=num_nodes)
    deg_inv_sqrt = jnp.where(deg > 0, jax.lax.rsqrt(jnp.maximum(deg, 1e-12)), 0.0)
    norm = deg_inv_sqrt[row] * ew * deg_inv_sqrt[col]
    h = x @ W
    msg = norm[:, None] * jnp.take(h, row, axis=0)
    out = jax.ops.segment_sum(msg, col, num_segments=num_nodes)
    return out + b


def reference(x, edge_index, edge_weight, W1, b1, W2, b2):
    h = gcn_conv(x, edge_index, edge_weight, W1, b1, N_NODES)
    h = jax.nn.relu(h)
    h = gcn_conv(h, edge_index, edge_weight, W2, b2, N_NODES)
    return h

if __name__ == "__main__":
    import jax
    _d = setup_inputs()
    print(jax.jit(kernel)(*tuple(_d.values())))

</pallas_src>

<mosaic_0001>
#map = affine_map<(d0, d1) -> (0)>
#map1 = affine_map<(d0, d1) -> (0, 0)>
module attributes {stable_mosaic.version = 14 : i64} {
  func.func @_sc_layer2(%arg0: i32, %arg1: i32, %arg2: memref<163840xi32, #tpu.memory_space<hbm>>, %arg3: memref<163840xi32, #tpu.memory_space<hbm>>, %arg4: memref<163840xf32, #tpu.memory_space<hbm>>, %arg5: memref<10000x64xf32, #tpu.memory_space<hbm>>, %arg6: memref<10000x64xf32, #tpu.memory_space<hbm>>, %arg7: memref<10000x64xf32, #tpu.memory_space<hbm>>, %arg8: memref<10000x64xf32, #tpu.memory_space<hbm>>, %arg9: memref<10240x64xf32, #tpu.memory_space<hbm>>, %arg10: memref<10240x64xf32, #tpu.memory_space<hbm>>, %arg11: memref<10240x64xf32, #tpu.memory_space<hbm>>, %arg12: memref<10240x64xf32, #tpu.memory_space<hbm>>, %arg13: memref<10240xi32, #tpu.memory_space<vmem>>, %arg14: memref<10240xi32, #tpu.memory_space<vmem>>, %arg15: memref<10240xf32, #tpu.memory_space<vmem>>, %arg16: memref<128x64xf32, #tpu.memory_space<vmem>>, %arg17: memref<128xi32, #tpu.memory_space<vmem>>, %arg18: memref<128xi32, #tpu.memory_space<vmem>>, %arg19: memref<10240x64xf32, #tpu.memory_space<vmem_shared>>, %arg20: memref<!tpu.dma_semaphore, #tpu.memory_space<semaphore_mem>>) attributes {dimension_semantics = [#tpu.dimension_semantics<core_parallel>, #tpu.dimension_semantics<subcore_parallel>], iteration_bounds = array<i64: 2, 16>, scalar_prefetch = 0 : i64, scratch_operands = 8 : i64, tpu.core_type = #tpu.core_type<sc_vector_subcore>, window_params = [{transform_indices = #map}, {transform_indices = #map}, {transform_indices = #map}, {transform_indices = #map1}, {transform_indices = #map1}, {transform_indices = #map1}, {transform_indices = #map1}, {transform_indices = #map1}, {transform_indices = #map1}, {transform_indices = #map1}, {transform_indices = #map1}]} {
    %mul3A = arith.constant 10240 : i32
    %mul3A_0 = arith.muli %arg1, %mul3A : i32
    "tpu.region"() ({
      %run_scoped3A = tpu.sem_alloc : memref<!tpu.dma_semaphore, #tpu.memory_space<semaphore_mem>>
      %dma_start3A = tpu.memref_slice %arg2[%mul3A_0] : memref<163840xi32, #tpu.memory_space<hbm>> -> memref<10240xi32, #tpu.memory_space<hbm>>
      %dma_start3A_96 = tpu.memref_slice %arg2[%mul3A_0] : memref<163840xi32, #tpu.memory_space<hbm>> -> memref<10240xi32, #tpu.memory_space<hbm>>
      tpu.enqueue_dma source(%dma_start3A_96 : memref<10240xi32, #tpu.memory_space<hbm>>) target(%arg13 : memref<10240xi32, #tpu.memory_space<vmem>>) target_semaphore(%run_scoped3A : memref<!tpu.dma_semaphore, #tpu.memory_space<semaphore_mem>>)
      %dma_wait3A = tpu.memref_slice %arg2[%mul3A_0] : memref<163840xi32, #tpu.memory_space<hbm>> -> memref<10240xi32, #tpu.memory_space<hbm>>
      %dma_wait3A_97 = tpu.memref_slice %arg2[%mul3A_0] : memref<163840xi32, #tpu.memory_space<hbm>> -> memref<10240xi32, #tpu.memory_space<hbm>>
      tpu.wait_dma2 semaphore(%run_scoped3A : memref<!tpu.dma_semaphore, #tpu.memory_space<semaphore_mem>>) src(%dma_wait3A_97 : memref<10240xi32, #tpu.memory_space<hbm>>) dst(%arg13 : memref<10240xi32, #tpu.memory_space<vmem>>)
      tpu.yield
    }) : () -> ()
    "tpu.region"() ({
      %run_scoped3A = tpu.sem_alloc : memref<!tpu.dma_semaphore, #tpu.memory_space<semaphore_mem>>
      %dma_start3A = tpu.memref_slice %arg3[%mul3A_0] : memref<163840xi32, #tpu.memory_space<hbm>> -> memref<10240xi32, #tpu.memory_space<hbm>>
      %dma_start3A_96 = tpu.memref_slice %arg3[%mul3A_0] : memref<163840xi32, #tpu.memory_space<hbm>> -> memref<10240xi32, #tpu.memory_space<hbm>>
      tpu.enqueue_dma source(%dma_start3A_96 : memref<10240xi32, #tpu.memory_space<hbm>>) target(%arg14 : memref<10240xi32, #tpu.memory_space<vmem>>) target_semaphore(%run_scoped3A : memref<!tpu.dma_semaphore, #tpu.memory_space<semaphore_mem>>)
      %dma_wait3A = tpu.memref_slice %arg3[%mul3A_0] : memref<163840xi32, #tpu.memory_space<hbm>> -> memref<10240xi32, #tpu.memory_space<hbm>>
      %dma_wait3A_97 = tpu.memref_slice %arg3[%mul3A_0] : memref<163840xi32, #tpu.memory_space<hbm>> -> memref<10240xi32, #tpu.memory_space<hbm>>
      tpu.wait_dma2 semaphore(%run_scoped3A : memref<!tpu.dma_semaphore, #tpu.memory_space<semaphore_mem>>) src(%dma_wait3A_97 : memref<10240xi32, #tpu.memory_space<hbm>>) dst(%arg14 : memref<10240xi32, #tpu.memory_space<vmem>>)
      tpu.yield
    }) : () -> ()
    "tpu.region"() ({
      %run_scoped3A = tpu.sem_alloc : memref<!tpu.dma_semaphore, #tpu.memory_space<semaphore_mem>>
      %dma_start3A = tpu.memref_slice %arg4[%mul3A_0] : memref<163840xf32, #tpu.memory_space<hbm>> -> memref<10240xf32, #tpu.memory_space<hbm>>
      %dma_start3A_96 = tpu.memref_slice %arg4[%mul3A_0] : memref<163840xf32, #tpu.memory_space<hbm>> -> memref<10240xf32, #tpu.memory_space<hbm>>
      tpu.enqueue_dma source(%dma_start3A_96 : memref<10240xf32, #tpu.memory_space<hbm>>) target(%arg15 : memref<10240xf32, #tpu.memory_space<vmem>>) target_semaphore(%run_scoped3A : memref<!tpu.dma_semaphore, #tpu.memory_space<semaphore_mem>>)
      %dma_wait3A = tpu.memref_slice %arg4[%mul3A_0] : memref<163840xf32, #tpu.memory_space<hbm>> -> memref<10240xf32, #tpu.memory_space<hbm>>
      %dma_wait3A_97 = tpu.memref_slice %arg4[%mul3A_0] : memref<163840xf32, #tpu.memory_space<hbm>> -> memref<10240xf32, #tpu.memory_space<hbm>>
      tpu.wait_dma2 semaphore(%run_scoped3A : memref<!tpu.dma_semaphore, #tpu.memory_space<semaphore_mem>>) src(%dma_wait3A_97 : memref<10240xf32, #tpu.memory_space<hbm>>) dst(%arg15 : memref<10240xf32, #tpu.memory_space<vmem>>)
      tpu.yield
    }) : () -> ()
    %broadcast_in_dim3A = arith.constant 0.000000e+00 : f32
    %broadcast_in_dim3A_1 = vector.broadcast %broadcast_in_dim3A : f32 to vector<16xf32>
    %scan3A = arith.constant 0 : i32
    %scan3A_2 = arith.constant 0 : i32
    %scan3A_3 = arith.constant 512 : i32
    %scan3A_4 = arith.addi %scan3A_2, %scan3A_3 : i32
    %scan3A_5 = arith.constant 1 : i32
    %scan3A_6 = scf.for %scan3A_96 = %scan3A_2 to %scan3A_4 step %scan3A_5 iter_args(%scan3A_97 = %scan3A) -> (i32)  : i32 {
      %jit3A = arith.constant 4 : i32
      %div3A = arith.divsi %scan3A_96, %jit3A : i32
      %sign3A = arith.constant 0 : i32
      %sign3A_98 = arith.cmpi sgt, %scan3A_96, %sign3A : i32
      %sign3A_99 = arith.extui %sign3A_98 : i1 to i32
      %sign3A_100 = arith.constant 0 : i32
      %sign3A_101 = arith.cmpi slt, %scan3A_96, %sign3A_100 : i32
      %sign3A_102 = arith.extui %sign3A_101 : i1 to i32
      %sign3A_103 = arith.subi %sign3A_99, %sign3A_102 : i32
      %sign3A_104 = arith.constant 0 : i32
      %sign3A_105 = arith.cmpi sgt, %jit3A, %sign3A_104 : i32
      %sign3A_106 = arith.extui %sign3A_105 : i1 to i32
      %sign3A_107 = arith.constant 0 : i32
      %sign3A_108 = arith.cmpi slt, %jit3A, %sign3A_107 : i32
      %sign3A_109 = arith.extui %sign3A_108 : i1 to i32
      %sign3A_110 = arith.subi %sign3A_106, %sign3A_109 : i32
      %ne3A = arith.cmpi ne, %sign3A_103, %sign3A_110 : i32
      %rem3A = arith.remsi %scan3A_96, %jit3A : i32
      %ne3A_111 = arith.constant 0 : i32
      %ne3A_112 = arith.cmpi ne, %rem3A, %ne3A_111 : i32
      %and3A = arith.andi %ne3A, %ne3A_112 : i1
      %sub3A = arith.constant 1 : i32
      %sub3A_113 = arith.subi %div3A, %sub3A : i32
      %select_n3A = arith.select %and3A, %sub3A_113, %div3A : i32
      %jit3A_114 = arith.constant 4 : i32
      %eq3A_115 = arith.constant 0 : i32
      %eq3A_116 = arith.cmpi eq, %jit3A_114, %eq3A_115 : i32
      %jit3A_117 = arith.constant 1 : i32
      %select_n3A_118 = arith.select %eq3A_116, %jit3A_117, %jit3A_114 : i32
      %rem3A_119 = arith.remsi %scan3A_96, %select_n3A_118 : i32
      %ne3A_120 = arith.constant 0 : i32
      %ne3A_121 = arith.cmpi ne, %rem3A_119, %ne3A_120 : i32
      %lt3A = arith.constant 0 : i32
      %lt3A_122 = arith.cmpi slt, %rem3A_119, %lt3A : i32
      %lt3A_123 = arith.constant 0 : i32
      %lt3A_124 = arith.cmpi slt, %select_n3A_118, %lt3A_123 : i32
      %ne3A_125 = arith.xori %lt3A_122, %lt3A_124 : i1
      %and3A_126 = arith.andi %ne3A_125, %ne3A_121 : i1
      %add3A_127 = arith.addi %rem3A_119, %select_n3A_118 : i32
      %select_n3A_128 = arith.select %and3A_126, %add3A_127, %rem3A_119 : i32
      %mul3A_129 = arith.constant 16 : i32
      %mul3A_130 = arith.muli %select_n3A_128, %mul3A_129 : i32
      %swap3A = arith.index_cast %select_n3A : i32 to index
      %swap3A_131 = arith.index_cast %mul3A_130 : i32 to index
      %swap3A_132 = tpu.vector_load %arg16[%swap3A, %swap3A_131] {strides = array<i32>} : memref<128x64xf32, #tpu.memory_space<vmem>>, vector<16xf32>,
      tpu.vector_store %arg16[%swap3A, %swap3A_131], %broadcast_in_dim3A_1 {strides = array<i32>} : memref<128x64xf32, #tpu.memory_space<vmem>>, vector<16xf32>,
      %scan3A_133 = arith.constant 0 : i32
      scf.yield %scan3A_133 : i32
    }
    %scan3A_7 = arith.constant 512 : i32
    %mul3A_8 = arith.constant 640 : i32
    %mul3A_9 = arith.muli %arg1, %mul3A_8 : i32
    %add3A = arith.constant 0 : i32
    %add3A_10 = arith.addi %mul3A_9, %add3A : i32
    "tpu.region"() ({
      %run_scoped3A = tpu.sem_alloc : memref<!tpu.dma_semaphore, #tpu.memory_space<semaphore_mem>>
      %dma_start3A = arith.constant 0 : i32
      %dma_start3A_96 = tpu.memref_slice %arg19[%add3A_10, %dma_start3A] : memref<10240x64xf32, #tpu.memory_space<vmem_shared>> -> memref<128x64xf32, #tpu.memory_space<vmem_shared>>
      %dma_start3A_97 = arith.constant 0 : i32
      %dma_start3A_98 = tpu.memref_slice %arg19[%add3A_10, %dma_start3A_97] : memref<10240x64xf32, #tpu.memory_space<vmem_shared>> -> memref<128x64xf32, #tpu.memory_space<vmem_shared>>
      tpu.enqueue_dma source(%arg16 : memref<128x64xf32, #tpu.memory_space<vmem>>) target(%dma_start3A_98 : memref<128x64xf32, #tpu.memory_space<vmem_shared>>) target_semaphore(%run_scoped3A : memref<!tpu.dma_semaphore, #tpu.memory_space<semaphore_mem>>)
      %dma_wait3A = arith.constant 0 : i32
      %dma_wait3A_99 = tpu.memref_slice %arg19[%add3A_10, %dma_wait3A] : memref<10240x64xf32, #tpu.memory_space<vmem_shared>> -> memref<128x64xf32, #tpu.memory_space<vmem_shared>>
      %dma_wait3A_100 = arith.constant 0 : i32
      %dma_wait3A_101 = tpu.memref_slice %arg19[%add3A_10, %dma_wait3A_100] : memref<10240x64xf32, #tpu.memory_space<vmem_shared>> -> memref<128x64xf32, #tpu.memory_space<vmem_shared>>
      tpu.wait_dma2 semaphore(%run_scoped3A : memref<!tpu.dma_semaphore, #tpu.memory_space<semaphore_mem>>) src(%arg16 : memref<128x64xf32, #tpu.memory_space<vmem>>) dst(%dma_wait3A_101 : memref<128x64xf32, #tpu.memory_space<vmem_shared>>)
      tpu.yield
    }) : () -> ()
    %mul3A_11 = arith.constant 640 : i32
    %mul3A_12 = arith.muli %arg1, %mul3A_11 : i32
    %add3A_13 = arith.constant 128 : i32
    %add3A_14 = arith.addi %mul3A_12, %add3A_13 : i32
    "tpu.region"() ({
      %run_scoped3A = tpu.sem_alloc : memref<!tpu.dma_semaphore, #tpu.memory_space<semaphore_mem>>
      %dma_start3A = arith.constant 0 : i32
      %dma_start3A_96 = tpu.memref_slice %arg19[%add3A_14, %dma_start3A] : memref<10240x64xf32, #tpu.memory_space<vmem_shared>> -> memref<128x64xf32, #tpu.memory_space<vmem_shared>>
      %dma_start3A_97 = arith.constant 0 : i32
      %dma_start3A_98 = tpu.memref_slice %arg19[%add3A_14, %dma_start3A_97] : memref<10240x64xf32, #tpu.memory_space<vmem_shared>> -> memref<128x64xf32, #tpu.memory_space<vmem_shared>>
      tpu.enqueue_dma source(%arg16 : memref<128x64xf32, #tpu.memory_space<vmem>>) target(%dma_start3A_98 : memref<128x64xf32, #tpu.memory_space<vmem_shared>>) target_semaphore(%run_scoped3A : memref<!tpu.dma_semaphore, #tpu.memory_space<semaphore_mem>>)
      %dma_wait3A = arith.constant 0 : i32
      %dma_wait3A_99 = tpu.memref_slice %arg19[%add3A_14, %dma_wait3A] : memref<10240x64xf32, #tpu.memory_space<vmem_shared>> -> memref<128x64xf32, #tpu.memory_space<vmem_shared>>
      %dma_wait3A_100 = arith.constant 0 : i32
      %dma_wait3A_101 = tpu.memref_slice %arg19[%add3A_14, %dma_wait3A_100] : memref<10240x64xf32, #tpu.memory_space<vmem_shared>> -> memref<128x64xf32, #tpu.memory_space<vmem_shared>>
      tpu.wait_dma2 semaphore(%run_scoped3A : memref<!tpu.dma_semaphore, #tpu.memory_space<semaphore_mem>>) src(%arg16 : memref<128x64xf32, #tpu.memory_space<vmem>>) dst(%dma_wait3A_101 : memref<128x64xf32, #tpu.memory_space<vmem_shared>>)
      tpu.yield
    }) : () -> ()
    %mul3A_15 = arith.constant 640 : i32
    %mul3A_16 = arith.muli %arg1, %mul3A_15 : i32
    %add3A_17 = arith.constant 256 : i32
    %add3A_18 = arith.addi %mul3A_16, %add3A_17 : i32
    "tpu.region"() ({
      %run_scoped3A = tpu.sem_alloc : memref<!tpu.dma_semaphore, #tpu.memory_space<semaphore_mem>>
      %dma_start3A = arith.constant 0 : i32
      %dma_start3A_96 = tpu.memref_slice %arg19[%add3A_18, %dma_start3A] : memref<10240x64xf32, #tpu.memory_space<vmem_shared>> -> memref<128x64xf32, #tpu.memory_space<vmem_shared>>
      %dma_start3A_97 = arith.constant 0 : i32
      %dma_start3A_98 = tpu.memref_slice %arg19[%add3A_18, %dma_start3A_97] : memref<10240x64xf32, #tpu.memory_space<vmem_shared>> -> memref<128x64xf32, #tpu.memory_space<vmem_shared>>
      tpu.enqueue_dma source(%arg16 : memref<128x64xf32, #tpu.memory_space<vmem>>) target(%dma_start3A_98 : memref<128x64xf32, #tpu.memory_space<vmem_shared>>) target_semaphore(%run_scoped3A : memref<!tpu.dma_semaphore, #tpu.memory_space<semaphore_mem>>)
      %dma_wait3A = arith.constant 0 : i32
      %dma_wait3A_99 = tpu.memref_slice %arg19[%add3A_18, %dma_wait3A] : memref<10240x64xf32, #tpu.memory_space<vmem_shared>> -> memref<128x64xf32, #tpu.memory_space<vmem_shared>>
      %dma_wait3A_100 = arith.constant 0 : i32
      %dma_wait3A_101 = tpu.memref_slice %arg19[%add3A_18, %dma_wait3A_100] : memref<10240x64xf32, #tpu.memory_space<vmem_shared>> -> memref<128x64xf32, #tpu.memory_space<vmem_shared>>
      tpu.wait_dma2 semaphore(%run_scoped3A : memref<!tpu.dma_semaphore, #tpu.memory_space<semaphore_mem>>) src(%arg16 : memref<128x64xf32, #tpu.memory_space<vmem>>) dst(%dma_wait3A_101 : memref<128x64xf32, #tpu.memory_space<vmem_shared>>)
      tpu.yield
    }) : () -> ()
    %mul3A_19 = arith.constant 640 : i32
    %mul3A_20 = arith.muli %arg1, %mul3A_19 : i32
    %add3A_21 = arith.constant 384 : i32
    %add3A_22 = arith.addi %mul3A_20, %add3A_21 : i32
    "tpu.region"() ({
      %run_scoped3A = tpu.sem_alloc : memref<!tpu.dma_semaphore, #tpu.memory_space<semaphore_mem>>
      %dma_start3A = arith.constant 0 : i32
      %dma_start3A_96 = tpu.memref_slice %arg19[%add3A_22, %dma_start3A] : memref<10240x64xf32, #tpu.memory_space<vmem_shared>> -> memref<128x64xf32, #tpu.memory_space<vmem_shared>>
      %dma_start3A_97 = arith.constant 0 : i32
      %dma_start3A_98 = tpu.memref_slice %arg19[%add3A_22, %dma_start3A_97] : memref<10240x64xf32, #tpu.memory_space<vmem_shared>> -> memref<128x64xf32, #tpu.memory_space<vmem_shared>>
      tpu.enqueue_dma source(%arg16 : memref<128x64xf32, #tpu.memory_space<vmem>>) target(%dma_start3A_98 : memref<128x64xf32, #tpu.memory_space<vmem_shared>>) target_semaphore(%run_scoped3A : memref<!tpu.dma_semaphore, #tpu.memory_space<semaphore_mem>>)
      %dma_wait3A = arith.constant 0 : i32
      %dma_wait3A_99 = tpu.memref_slice %arg19[%add3A_22, %dma_wait3A] : memref<10240x64xf32, #tpu.memory_space<vmem_shared>> -> memref<128x64xf32, #tpu.memory_space<vmem_shared>>
      %dma_wait3A_100 = arith.constant 0 : i32
      %dma_wait3A_101 = tpu.memref_slice %arg19[%add3A_22, %dma_wait3A_100] : memref<10240x64xf32, #tpu.memory_space<vmem_shared>> -> memref<128x64xf32, #tpu.memory_space<vmem_shared>>
      tpu.wait_dma2 semaphore(%run_scoped3A : memref<!tpu.dma_semaphore, #tpu.memory_space<semaphore_mem>>) src(%arg16 : memref<128x64xf32, #tpu.memory_space<vmem>>) dst(%dma_wait3A_101 : memref<128x64xf32, #tpu.memory_space<vmem_shared>>)
      tpu.yield
    }) : () -> ()
    %mul3A_23 = arith.constant 640 : i32
    %mul3A_24 = arith.muli %arg1, %mul3A_23 : i32
    %add3A_25 = arith.constant 512 : i32
    %add3A_26 = arith.addi %mul3A_24, %add3A_25 : i32
    "tpu.region"() ({
      %run_scoped3A = tpu.sem_alloc : memref<!tpu.dma_semaphore, #tpu.memory_space<semaphore_mem>>
      %dma_start3A = arith.constant 0 : i32
      %dma_start3A_96 = tpu.memref_slice %arg19[%add3A_26, %dma_start3A] : memref<10240x64xf32, #tpu.memory_space<vmem_shared>> -> memref<128x64xf32, #tpu.memory_space<vmem_shared>>
      %dma_start3A_97 = arith.constant 0 : i32
      %dma_start3A_98 = tpu.memref_slice %arg19[%add3A_26, %dma_start3A_97] : memref<10240x64xf32, #tpu.memory_space<vmem_shared>> -> memref<128x64xf32, #tpu.memory_space<vmem_shared>>
      tpu.enqueue_dma source(%arg16 : memref<128x64xf32, #tpu.memory_space<vmem>>) target(%dma_start3A_98 : memref<128x64xf32, #tpu.memory_space<vmem_shared>>) target_semaphore(%run_scoped3A : memref<!tpu.dma_semaphore, #tpu.memory_space<semaphore_mem>>)
      %dma_wait3A = arith.constant 0 : i32
      %dma_wait3A_99 = tpu.memref_slice %arg19[%add3A_26, %dma_wait3A] : memref<10240x64xf32, #tpu.memory_space<vmem_shared>> -> memref<128x64xf32, #tpu.memory_space<vmem_shared>>
      %dma_wait3A_100 = arith.constant 0 : i32
      %dma_wait3A_101 = tpu.memref_slice %arg19[%add3A_26, %dma_wait3A_100] : memref<10240x64xf32, #tpu.memory_space<vmem_shared>> -> memref<128x64xf32, #tpu.memory_space<vmem_shared>>
      tpu.wait_dma2 semaphore(%run_scoped3A : memref<!tpu.dma_semaphore, #tpu.memory_space<semaphore_mem>>) src(%arg16 : memref<128x64xf32, #tpu.memory_space<vmem>>) dst(%dma_wait3A_101 : memref<128x64xf32, #tpu.memory_space<vmem_shared>>)
      tpu.yield
    }) : () -> ()
    %barrier3A = arith.constant 0 : index
    tpu.barrier barrier_id(%barrier3A)
    %eq3A = arith.constant 0 : i32
    %eq3A_27 = arith.cmpi eq, %arg0, %eq3A : i32
    %convert_element_type3A = arith.extui %eq3A_27 : i1 to i32
    %cond3A = arith.constant 0 : i32
    %cond3A_28 = arith.cmpi ne, %convert_element_type3A, %cond3A : i32
    scf.if %cond3A_28 {
      %scan3A_96 = arith.constant 0 : i32
      %scan3A_97 = arith.constant 0 : i32
      %scan3A_98 = arith.constant 80 : i32
      %scan3A_99 = arith.addi %scan3A_97, %scan3A_98 : i32
      %scan3A_100 = arith.constant 1 : i32
      %scan3A_101 = scf.for %scan3A_103 = %scan3A_97 to %scan3A_99 step %scan3A_100 iter_args(%scan3A_104 = %scan3A_96) -> (i32)  : i32 {
        %mul3A_105 = arith.constant 128 : i32
        %mul3A_106 = arith.muli %scan3A_103, %mul3A_105 : i32
        %add3A_107 = arith.constant 0 : i32
        %add3A_108 = arith.addi %mul3A_106, %add3A_107 : i32
        %get3A = arith.index_cast %add3A_108 : i32 to index
        %get3A_109 = tpu.vector_load %arg13[%get3A] {strides = array<i32>} : memref<10240xi32, #tpu.memory_space<vmem>>, vector<16xi32>,
        %swap3A = arith.constant 0 : index
        %swap3A_110 = tpu.vector_load %arg17[%swap3A] {strides = array<i32>} : memref<128xi32, #tpu.memory_space<vmem>>, vector<16xi32>,
        tpu.vector_store %arg17[%swap3A], %get3A_109 {strides = array<i32>} : memref<128xi32, #tpu.memory_space<vmem>>, vector<16xi32>,
        %mul3A_111 = arith.constant 128 : i32
        %mul3A_112 = arith.muli %scan3A_103, %mul3A_111 : i32
        %add3A_113 = arith.constant 0 : i32
        %add3A_114 = arith.addi %mul3A_112, %add3A_113 : i32
        %get3A_115 = arith.index_cast %add3A_114 : i32 to index
        %get3A_116 = tpu.vector_load %arg14[%get3A_115] {strides = array<i32>} : memref<10240xi32, #tpu.memory_space<vmem>>, vector<16xi32>,
        %swap3A_117 = arith.constant 0 : index
        %swap3A_118 = tpu.vector_load %arg18[%swap3A_117] {strides = array<i32>} : memref<128xi32, #tpu.memory_space<vmem>>, vector<16xi32>,
        tpu.vector_store %arg18[%swap3A_117], %get3A_116 {strides = array<i32>} : memref<128xi32, #tpu.memory_space<vmem>>, vector<16xi32>,
        %mul3A_119 = arith.constant 128 : i32
        %mul3A_120 = arith.muli %scan3A_103, %mul3A_119 : i32
        %add3A_121 = arith.constant 16 : i32
        %add3A_122 = arith.addi %mul3A_120, %add3A_121 : i32
        %get3A_123 = arith.index_cast %add3A_122 : i32 to index
        %get3A_124 = tpu.vector_load %arg13[%get3A_123] {strides = array<i32>} : memref<10240xi32, #tpu.memory_space<vmem>>, vector<16xi32>,
        %swap3A_125 = arith.constant 16 : index
        %swap3A_126 = tpu.vector_load %arg17[%swap3A_125] {strides = array<i32>} : memref<128xi32, #tpu.memory_space<vmem>>, vector<16xi32>,
        tpu.vector_store %arg17[%swap3A_125], %get3A_124 {strides = array<i32>} : memref<128xi32, #tpu.memory_space<vmem>>, vector<16xi32>,
        %mul3A_127 = arith.constant 128 : i32
        %mul3A_128 = arith.muli %scan3A_103, %mul3A_127 : i32
        %add3A_129 = arith.constant 16 : i32
        %add3A_130 = arith.addi %mul3A_128, %add3A_129 : i32
        %get3A_131 = arith.index_cast %add3A_130 : i32 to index
        %get3A_132 = tpu.vector_load %arg14[%get3A_131] {strides = array<i32>} : memref<10240xi32, #tpu.memory_space<vmem>>, vector<16xi32>,
        %swap3A_133 = arith.constant 16 : index
        %swap3A_134 = tpu.vector_load %arg18[%swap3A_133] {strides = array<i32>} : memref<128xi32, #tpu.memory_space<vmem>>, vector<16xi32>,
        tpu.vector_store %arg18[%swap3A_133], %get3A_132 {strides = array<i32>} : memref<128xi32, #tpu.memory_space<vmem>>, vector<16xi32>,
        %mul3A_135 = arith.constant 128 : i32
        %mul3A_136 = arith.muli %scan3A_103, %mul3A_135 : i32
        %add3A_137 = arith.constant 32 : i32
        %add3A_138 = arith.addi %mul3A_136, %add3A_137 : i32
        %get3A_139 = arith.index_cast %add3A_138 : i32 to index
        %get3A_140 = tpu.vector_load %arg13[%get3A_139] {strides = array<i32>} : memref<10240xi32, #tpu.memory_space<vmem>>, vector<16xi32>,
        %swap3A_141 = arith.constant 32 : index
        %swap3A_142 = tpu.vector_load %arg17[%swap3A_141] {strides = array<i32>} : memref<128xi32, #tpu.memory_space<vmem>>, vector<16xi32>,
        tpu.vector_store %arg17[%swap3A_141], %get3A_140 {strides = array<i32>} : memref<128xi32, #tpu.memory_space<vmem>>, vector<16xi32>,
        %mul3A_143 = arith.constant 128 : i32
        %mul3A_144 = arith.muli %scan3A_103, %mul3A_143 : i32
        %add3A_145 = arith.constant 32 : i32
        %add3A_146 = arith.addi %mul3A_144, %add3A_145 : i32
        %get3A_147 = arith.index_cast %add3A_146 : i32 to index
        %get3A_148 = tpu.vector_load %arg14[%get3A_147] {strides = array<i32>} : memref<10240xi32, #tpu.memory_space<vmem>>, vector<16xi32>,
        %swap3A_149 = arith.constant 32 : index
        %swap3A_150 = tpu.vector_load %arg18[%swap3A_149] {strides = array<i32>} : memref<128xi32, #tpu.memory_space<vmem>>, vector<16xi32>,
        tpu.vector_store %arg18[%swap3A_149], %get3A_148 {strides = array<i32>} : memref<128xi32, #tpu.memory_space<vmem>>, vector<16xi32>,
        %mul3A_151 = arith.constant 128 : i32
        %mul3A_152 = arith.muli %scan3A_103, %mul3A_151 : i32
        %add3A_153 = arith.constant 48 : i32
        %add3A_154 = arith.addi %mul3A_152, %add3A_153 : i32
        %get3A_155 = arith.index_cast %add3A_154 : i32 to index
        %get3A_156 = tpu.vector_load %arg13[%get3A_155] {strides = array<i32>} : memref<10240xi32, #tpu.memory_space<vmem>>, vector<16xi32>,
        %swap3A_157 = arith.constant 48 : index
        %swap3A_158 = tpu.vector_load %arg17[%swap3A_157] {strides = array<i32>} : memref<128xi32, #tpu.memory_space<vmem>>, vector<16xi32>,
        tpu.vector_store %arg17[%swap3A_157], %get3A_156 {strides = array<i32>} : memref<128xi32, #tpu.memory_space<vmem>>, vector<16xi32>,
        %mul3A_159 = arith.constant 128 : i32
        %mul3A_160 = arith.muli %scan3A_103, %mul3A_159 : i32
        %add3A_161 = arith.constant 48 : i32
        %add3A_162 = arith.addi %mul3A_160, %add3A_161 : i32
        %get3A_163 = arith.index_cast %add3A_162 : i32 to index
        %get3A_164 = tpu.vector_load %arg14[%get3A_163] {strides = array<i32>} : memref<10240xi32, #tpu.memory_space<vmem>>, vector<16xi32>,
        %swap3A_165 = arith.constant 48 : index
        %swap3A_166 = tpu.vector_load %arg18[%swap3A_165] {strides = array<i32>} : memref<128xi32, #tpu.memory_space<vmem>>, vector<16xi32>,
        tpu.vector_store %arg18[%swap3A_165], %get3A_164 {strides = array<i32>} : memref<128xi32, #tpu.memory_space<vmem>>, vector<16xi32>,
        %mul3A_167 = arith.constant 128 : i32
        %mul3A_168 = arith.muli %scan3A_103, %mul3A_167 : i32
        %add3A_169 = arith.constant 64 : i32
        %add3A_170 = arith.addi %mul3A_168, %add3A_169 : i32
        %get3A_171 = arith.index_cast %add3A_170 : i32 to index
        %get3A_172 = tpu.vector_load %arg13[%get3A_171] {strides = array<i32>} : memref<10240xi32, #tpu.memory_space<vmem>>, vector<16xi32>,
        %swap3A_173 = arith.constant 64 : index
        %swap3A_174 = tpu.vector_load %arg17[%swap3A_173] {strides = array<i32>} : memref<128xi32, #tpu.memory_space<vmem>>, vector<16xi32>,
        tpu.vector_store %arg17[%swap3A_173], %get3A_172 {strides = array<i32>} : memref<128xi32, #tpu.memory_space<vmem>>, vector<16xi32>,
        %mul3A_175 = arith.constant 128 : i32
        %mul3A_176 = arith.muli %scan3A_103, %mul3A_175 : i32
        %add3A_177 = arith.constant 64 : i32
        %add3A_178 = arith.addi %mul3A_176, %add3A_177 : i32
        %get3A_179 = arith.index_cast %add3A_178 : i32 to index
        %get3A_180 = tpu.vector_load %arg14[%get3A_179] {strides = array<i32>} : memref<10240xi32, #tpu.memory_space<vmem>>, vector<16xi32>,
        %swap3A_181 = arith.constant 64 : index
        %swap3A_182 = tpu.vector_load %arg18[%swap3A_181] {strides = array<i32>} : memref<128xi32, #tpu.memory_space<vmem>>, vector<16xi32>,
        tpu.vector_store %arg18[%swap3A_181], %get3A_180 {strides = array<i32>} : memref<128xi32, #tpu.memory_space<vmem>>, vector<16xi32>,
        %mul3A_183 = arith.constant 128 : i32
        %mul3A_184 = arith.muli %scan3A_103, %mul3A_183 : i32
        %add3A_185 = arith.constant 80 : i32
        %add3A_186 = arith.addi %mul3A_184, %add3A_185 : i32
        %get3A_187 = arith.index_cast %add3A_186 : i32 to index
        %get3A_188 = tpu.vector_load %arg13[%get3A_187] {strides = array<i32>} : memref<10240xi32, #tpu.memory_space<vmem>>, vector<16xi32>,
        %swap3A_189 = arith.constant 80 : index
        %swap3A_190 = tpu.vector_load %arg17[%swap3A_189] {strides = array<i32>} : memref<128xi32, #tpu.memory_space<vmem>>, vector<16xi32>,
        tpu.vector_store %arg17[%swap3A_189], %get3A_188 {strides = array<i32>} : memref<128xi32, #tpu.memory_space<vmem>>, vector<16xi32>,
        %mul3A_191 = arith.constant 128 : i32
        %mul3A_192 = arith.muli %scan3A_103, %mul3A_191 : i32
        %add3A_193 = arith.constant 80 : i32
        %add3A_194 = arith.addi %mul3A_192, %add3A_193 : i32
        %get3A_195 = arith.index_cast %add3A_194 : i32 to index
        %get3A_196 = tpu.vector_load %arg14[%get3A_195] {strides = array<i32>} : memref<10240xi32, #tpu.memory_space<vmem>>, vector<16xi32>,
        %swap3A_197 = arith.constant 80 : index
        %swap3A_198 = tpu.vector_load %arg18[%swap3A_197] {strides = array<i32>} : memref<128xi32, #tpu.memory_space<vmem>>, vector<16xi32>,
        tpu.vector_store %arg18[%swap3A_197], %get3A_196 {strides = array<i32>} : memref<128xi32, #tpu.memory_space<vmem>>, vector<16xi32>,
        %mul3A_199 = arith.constant 128 : i32
        %mul3A_200 = arith.muli %scan3A_103, %mul3A_199 : i32
        %add3A_201 = arith.constant 96 : i32
        %add3A_202 = arith.addi %mul3A_200, %add3A_201 : i32
        %get3A_203 = arith.index_cast %add3A_202 : i32 to index
        %get3A_204 = tpu.vector_load %arg13[%get3A_203] {strides = array<i32>} : memref<10240xi32, #tpu.memory_space<vmem>>, vector<16xi32>,
        %swap3A_205 = arith.constant 96 : index
        %swap3A_206 = tpu.vector_load %arg17[%swap3A_205] {strides = array<i32>} : memref<128xi32, #tpu.memory_space<vmem>>, vector<16xi32>,
        tpu.vector_store %arg17[%swap3A_205], %get3A_204 {strides = array<i32>} : memref<128xi32, #tpu.memory_space<vmem>>, vector<16xi32>,
        %mul3A_207 = arith.constant 128 : i32
        %mul3A_208 = arith.muli %scan3A_103, %mul3A_207 : i32
        %add3A_209 = arith.constant 96 : i32
        %add3A_210 = arith.addi %mul3A_208, %add3A_209 : i32
        %get3A_211 = arith.index_cast %add3A_210 : i32 to index
        %get3A_212 = tpu.vector_load %arg14[%get3A_211] {strides = array<i32>} : memref<10240xi32, #tpu.memory_space<vmem>>, vector<16xi32>,
        %swap3A_213 = arith.constant 96 : index
        %swap3A_214 = tpu.vector_load %arg18[%swap3A_213] {strides = array<i32>} : memref<128xi32, #tpu.memory_space<vmem>>, vector<16xi32>,
        tpu.vector_store %arg18[%swap3A_213], %get3A_212 {strides = array<i32>} : memref<128xi32, #tpu.memory_space<vmem>>, vector<16xi32>,
        %mul3A_215 = arith.constant 128 : i32
        %mul3A_216 = arith.muli %scan3A_103, %mul3A_215 : i32
        %add3A_217 = arith.constant 112 : i32
        %add3A_218 = arith.addi %mul3A_216, %add3A_217 : i32
        %get3A_219 = arith.index_cast %add3A_218 : i32 to index
        %get3A_220 = tpu.vector_load %arg13[%get3A_219] {strides = array<i32>} : memref<10240xi32, #tpu.memory_space<vmem>>, vector<16xi32>,
        %swap3A_221 = arith.constant 112 : index
        %swap3A_222 = tpu.vector_load %arg17[%swap3A_221] {strides = array<i32>} : memref<128xi32, #tpu.memory_space<vmem>>, vector<16xi32>,
        tpu.vector_store %arg17[%swap3A_221], %get3A_220 {strides = array<i32>} : memref<128xi32, #tpu.memory_space<vmem>>, vector<16xi32>,
        %mul3A_223 = arith.constant 128 : i32
        %mul3A_224 = arith.muli %scan3A_103, %mul3A_223 : i32
        %add3A_225 = arith.constant 112 : i32
        %add3A_226 = arith.addi %mul3A_224, %add3A_225 : i32
        %get3A_227 = arith.index_cast %add3A_226 : i32 to index
        %get3A_228 = tpu.vector_load %arg14[%get3A_227] {strides = array<i32>} : memref<10240xi32, #tpu.memory_space<vmem>>, vector<16xi32>,
        %swap3A_229 = arith.constant 112 : index
        %swap3A_230 = tpu.vector_load %arg18[%swap3A_229] {strides = array<i32>} : memref<128xi32, #tpu.memory_space<vmem>>, vector<16xi32>,
        tpu.vector_store %arg18[%swap3A_229], %get3A_228 {strides = array<i32>} : memref<128xi32, #tpu.memory_space<vmem>>, vector<16xi32>,
        %dma_start3A = arith.constant 0 : i32
        %dma_start3A_231 = arith.constant 0 : i32
        %dma_start3A_232 = tpu.memref_slice %arg5[%dma_start3A, %dma_start3A_231] : memref<10000x64xf32, #tpu.memory_space<hbm>> -> memref<10000x64xf32, #tpu.memory_space<hbm>>
        tpu.enqueue_indirect_dma source(%dma_start3A_232 : memref<10000x64xf32, #tpu.memory_space<hbm>>) target(%arg16 : memref<128x64xf32, #tpu.memory_space<vmem>>) offsets(%arg17 : memref<128xi32, #tpu.memory_space<vmem>>) semaphore(%arg20 : memref<!tpu.dma_semaphore, #tpu.memory_space<semaphore_mem>>)
        %dma_wait3A = arith.constant 0 : i32
        %dma_wait3A_233 = arith.constant 0 : i32
        %dma_wait3A_234 = tpu.memref_slice %arg5[%dma_wait3A, %dma_wait3A_233] : memref<10000x64xf32, #tpu.memory_space<hbm>> -> memref<10000x64xf32, #tpu.memory_space<hbm>>
        tpu.wait_indirect_dma semaphore(%arg20 : memref<!tpu.dma_semaphore, #tpu.memory_space<semaphore_mem>>) src(%dma_wait3A_234 : memref<10000x64xf32, #tpu.memory_space<hbm>>) dst(%arg16 : memref<128x64xf32, #tpu.memory_space<vmem>>)
        %scan3A_235 = arith.constant 0 : i32
        %scan3A_236 = arith.constant 0 : i32
        %scan3A_237 = arith.constant 128 : i32
        %scan3A_238 = arith.addi %scan3A_236, %scan3A_237 : i32
        %scan3A_239 = arith.constant 1 : i32
        %scan3A_240 = scf.for %scan3A_243 = %scan3A_236 to %scan3A_238 step %scan3A_239 iter_args(%scan3A_244 = %scan3A_235) -> (i32)  : i32 {
          %mul3A_245 = arith.constant 128 : i32
          %mul3A_246 = arith.muli %scan3A_103, %mul3A_245 : i32
          %add3A_247 = arith.addi %mul3A_246, %scan3A_243 : i32
          %broadcast_in_dim3A_248 = vector.broadcast %add3A_247 : i32 to vector<16xi32>
          %gather3A = tpu.vector_load_idx %arg15[%broadcast_in_dim3A_248] : memref<10240xf32, #tpu.memory_space<vmem>>[vector<16xi32>], vector<16xf32>,
          %get3A_249 = arith.index_cast %scan3A_243 : i32 to index
          %get3A_250 = arith.constant 0 : index
          %get3A_251 = tpu.vector_load %arg16[%get3A_249, %get3A_250] {strides = array<i32>} : memref<128x64xf32, #tpu.memory_space<vmem>>, vector<16xf32>,
          %mul3A_252 = arith.mulf %get3A_251, %gather3A : vector<16xf32>
          %swap3A_253 = arith.index_cast %scan3A_243 : i32 to index
          %swap3A_254 = arith.constant 0 : index
          %swap3A_255 = tpu.vector_load %arg16[%swap3A_253, %swap3A_254] {strides = array<i32>} : memref<128x64xf32, #tpu.memory_space<vmem>>, vector<16xf32>,
          tpu.vector_store %arg16[%swap3A_253, %swap3A_254], %mul3A_252 {strides = array<i32>} : memref<128x64xf32, #tpu.memory_space<vmem>>, vector<16xf32>,
          %get3A_256 = arith.index_cast %scan3A_243 : i32 to index
          %get3A_257 = arith.constant 16 : index
          %get3A_258 = tpu.vector_load %arg16[%get3A_256, %get3A_257] {strides = array<i32>} : memref<128x64xf32, #tpu.memory_space<vmem>>, vector<16xf32>,
          %mul3A_259 = arith.mulf %get3A_258, %gather3A : vector<16xf32>
          %swap3A_260 = arith.index_cast %scan3A_243 : i32 to index
          %swap3A_261 = arith.constant 16 : index
          %swap3A_262 = tpu.vector_load %arg16[%swap3A_260, %swap3A_261] {strides = array<i32>} : memref<128x64xf32, #tpu.memory_space<vmem>>, vector<16xf32>,
          tpu.vector_store %arg16[%swap3A_260, %swap3A_261], %mul3A_259 {strides = array<i32>} : memref<128x64xf32, #tpu.memory_space<vmem>>, vector<16xf32>,
          %get3A_263 = arith.index_cast %scan3A_243 : i32 to index
          %get3A_264 = arith.constant 32 : index
          %get3A_265 = tpu.vector_load %arg16[%get3A_263, %get3A_264] {strides = array<i32>} : memref<128x64xf32, #tpu.memory_space<vmem>>, vector<16xf32>,
          %mul3A_266 = arith.mulf %get3A_265, %gather3A : vector<16xf32>
          %swap3A_267 = arith.index_cast %scan3A_243 : i32 to index
          %swap3A_268 = arith.constant 32 : index
          %swap3A_269 = tpu.vector_load %arg16[%swap3A_267, %swap3A_268] {strides = array<i32>} : memref<128x64xf32, #tpu.memory_space<vmem>>, vector<16xf32>,
          tpu.vector_store %arg16[%swap3A_267, %swap3A_268], %mul3A_266 {strides = array<i32>} : memref<128x64xf32, #tpu.memory_space<vmem>>, vector<16xf32>,
          %get3A_270 = arith.index_cast %scan3A_243 : i32 to index
          %get3A_271 = arith.constant 48 : index
          %get3A_272 = tpu.vector_load %arg16[%get3A_270, %get3A_271] {strides = array<i32>} : memref<128x64xf32, #tpu.memory_space<vmem>>, vector<16xf32>,
          %mul3A_273 = arith.mulf %get3A_272, %gather3A : vector<16xf32>
          %swap3A_274 = arith.index_cast %scan3A_243 : i32 to index
          %swap3A_275 = arith.constant 48 : index
          %swap3A_276 = tpu.vector_load %arg16[%swap3A_274, %swap3A_275] {strides = array<i32>} : memref<128x64xf32, #tpu.memory_space<vmem>>, vector<16xf32>,
          tpu.vector_store %arg16[%swap3A_274, %swap3A_275], %mul3A_273 {strides = array<i32>} : memref<128x64xf32, #tpu.memory_space<vmem>>, vector<16xf32>,
          %scan3A_277 = arith.constant 0 : i32
          scf.yield %scan3A_277 : i32
        }
        %scan3A_241 = arith.constant 128 : i32
        "tpu.region"() ({
          %run_scoped3A = tpu.sem_alloc : memref<!tpu.dma_semaphore, #tpu.memory_space<semaphore_mem>>
          %dma_start3A_243 = arith.constant 0 : i32
          %dma_start3A_244 = arith.constant 0 : i32
          %dma_start3A_245 = tpu.memref_slice %arg19[%dma_start3A_243, %dma_start3A_244] : memref<10240x64xf32, #tpu.memory_space<vmem_shared>> -> memref<10240x64xf32, #tpu.memory_space<vmem_shared>>
          tpu.enqueue_indirect_dma source(%arg16 : memref<128x64xf32, #tpu.memory_space<vmem>>) target(%dma_start3A_245 : memref<10240x64xf32, #tpu.memory_space<vmem_shared>>) offsets(%arg18 : memref<128xi32, #tpu.memory_space<vmem>>) semaphore(%run_scoped3A : memref<!tpu.dma_semaphore, #tpu.memory_space<semaphore_mem>>) {add = true}
          %dma_wait3A_246 = arith.constant 0 : i32
          %dma_wait3A_247 = arith.constant 0 : i32
          %dma_wait3A_248 = tpu.memref_slice %arg19[%dma_wait3A_246, %dma_wait3A_247] : memref<10240x64xf32, #tpu.memory_space<vmem_shared>> -> memref<10240x64xf32, #tpu.memory_space<vmem_shared>>
          tpu.wait_indirect_dma semaphore(%run_scoped3A : memref<!tpu.dma_semaphore, #tpu.memory_space<semaphore_mem>>) src(%arg16 : memref<128x64xf32, #tpu.memory_space<vmem>>) dst(%dma_wait3A_248 : memref<10240x64xf32, #tpu.memory_space<vmem_shared>>)
          tpu.yield
        }) : () -> ()
        %scan3A_242 = arith.constant 0 : i32
        scf.yield %scan3A_242 : i32
      }
      %scan3A_102 = arith.constant 80 : i32
    } else {
    }
    %eq3A_29 = arith.constant 1 : i32
    %eq3A_30 = arith.cmpi eq, %arg0, %eq3A_29 : i32
    %convert_element_type3A_31 = arith.extui %eq3A_30 : i1 to i32
    %cond3A_32 = arith.constant 0 : i32
    %cond3A_33 = arith.cmpi ne, %convert_element_type3A_31, %cond3A_32 : i32
    scf.if %cond3A_33 {
      %scan3A_96 = arith.constant 0 : i32
      %scan3A_97 = arith.constant 0 : i32
      %scan3A_98 = arith.constant 80 : i32
      %scan3A_99 = arith.addi %scan3A_97, %scan3A_98 : i32
      %scan3A_100 = arith.constant 1 : i32
      %scan3A_101 = scf.for %scan3A_103 = %scan3A_97 to %scan3A_99 step %scan3A_100 iter_args(%scan3A_104 = %scan3A_96) -> (i32)  : i32 {
        %mul3A_105 = arith.constant 128 : i32
        %mul3A_106 = arith.muli %scan3A_103, %mul3A_105 : i32
        %add3A_107 = arith.constant 0 : i32
        %add3A_108 = arith.addi %mul3A_106, %add3A_107 : i32
        %get3A = arith.index_cast %add3A_108 : i32 to index
        %get3A_109 = tpu.vector_load %arg13[%get3A] {strides = array<i32>} : memref<10240xi32, #tpu.memory_space<vmem>>, vector<16xi32>,
        %swap3A = arith.constant 0 : index
        %swap3A_110 = tpu.vector_load %arg17[%swap3A] {strides = array<i32>} : memref<128xi32, #tpu.memory_space<vmem>>, vector<16xi32>,
        tpu.vector_store %arg17[%swap3A], %get3A_109 {strides = array<i32>} : memref<128xi32, #tpu.memory_space<vmem>>, vector<16xi32>,
        %mul3A_111 = arith.constant 128 : i32
        %mul3A_112 = arith.muli %scan3A_103, %mul3A_111 : i32
        %add3A_113 = arith.constant 0 : i32
        %add3A_114 = arith.addi %mul3A_112, %add3A_113 : i32
        %get3A_115 = arith.index_cast %add3A_114 : i32 to index
        %get3A_116 = tpu.vector_load %arg14[%get3A_115] {strides = array<i32>} : memref<10240xi32, #tpu.memory_space<vmem>>, vector<16xi32>,
        %swap3A_117 = arith.constant 0 : index
        %swap3A_118 = tpu.vector_load %arg18[%swap3A_117] {strides = array<i32>} : memref<128xi32, #tpu.memory_space<vmem>>, vector<16xi32>,
        tpu.vector_store %arg18[%swap3A_117], %get3A_116 {strides = array<i32>} : memref<128xi32, #tpu.memory_space<vmem>>, vector<16xi32>,
        %mul3A_119 = arith.constant 128 : i32
        %mul3A_120 = arith.muli %scan3A_103, %mul3A_119 : i32
        %add3A_121 = arith.constant 16 : i32
        %add3A_122 = arith.addi %mul3A_120, %add3A_121 : i32
        %get3A_123 = arith.index_cast %add3A_122 : i32 to index
        %get3A_124 = tpu.vector_load %arg13[%get3A_123] {strides = array<i32>} : memref<10240xi32, #tpu.memory_space<vmem>>, vector<16xi32>,
        %swap3A_125 = arith.constant 16 : index
        %swap3A_126 = tpu.vector_load %arg17[%swap3A_125] {strides = array<i32>} : memref<128xi32, #tpu.memory_space<vmem>>, vector<16xi32>,
        tpu.vector_store %arg17[%swap3A_125], %get3A_124 {strides = array<i32>} : memref<128xi32, #tpu.memory_space<vmem>>, vector<16xi32>,
        %mul3A_127 = arith.constant 128 : i32
        %mul3A_128 = arith.muli %scan3A_103, %mul3A_127 : i32
        %add3A_129 = arith.constant 16 : i32
        %add3A_130 = arith.addi %mul3A_128, %add3A_129 : i32
        %get3A_131 = arith.index_cast %add3A_130 : i32 to index
        %get3A_132 = tpu.vector_load %arg14[%get3A_131] {strides = array<i32>} : memref<10240xi32, #tpu.memory_space<vmem>>, vector<16xi32>,
        %swap3A_133 = arith.constant 16 : index
        %swap3A_134 = tpu.vector_load %arg18[%swap3A_133] {strides = array<i32>} : memref<128xi32, #tpu.memory_space<vmem>>, vector<16xi32>,
        tpu.vector_store %arg18[%swap3A_133], %get3A_132 {strides = array<i32>} : memref<128xi32, #tpu.memory_space<vmem>>, vector<16xi32>,
        %mul3A_135 = arith.constant 128 : i32
        %mul3A_136 = arith.muli %scan3A_103, %mul3A_135 : i32
        %add3A_137 = arith.constant 32 : i32
        %add3A_138 = arith.addi %mul3A_136, %add3A_137 : i32
        %get3A_139 = arith.index_cast %add3A_138 : i32 to index
        %get3A_140 = tpu.vector_load %arg13[%get3A_139] {strides = array<i32>} : memref<10240xi32, #tpu.memory_space<vmem>>, vector<16xi32>,
        %swap3A_141 = arith.constant 32 : index
        %swap3A_142 = tpu.vector_load %arg17[%swap3A_141] {strides = array<i32>} : memref<128xi32, #tpu.memory_space<vmem>>, vector<16xi32>,
        tpu.vector_store %arg17[%swap3A_141], %get3A_140 {strides = array<i32>} : memref<128xi32, #tpu.memory_space<vmem>>, vector<16xi32>,
        %mul3A_143 = arith.constant 128 : i32
        %mul3A_144 = arith.muli %scan3A_103, %mul3A_143 : i32
        %add3A_145 = arith.constant 32 : i32
        %add3A_146 = arith.addi %mul3A_144, %add3A_145 : i32
        %get3A_147 = arith.index_cast %add3A_146 : i32 to index
        %get3A_148 = tpu.vector_load %arg14[%get3A_147] {strides = array<i32>} : memref<10240xi32, #tpu.memory_space<vmem>>, vector<16xi32>,
        %swap3A_149 = arith.constant 32 : index
        %swap3A_150 = tpu.vector_load %arg18[%swap3A_149] {strides = array<i32>} : memref<128xi32, #tpu.memory_space<vmem>>, vector<16xi32>,
        tpu.vector_store %arg18[%swap3A_149], %get3A_148 {strides = array<i32>} : memref<128xi32, #tpu.memory_space<vmem>>, vector<16xi32>,
        %mul3A_151 = arith.constant 128 : i32
        %mul3A_152 = arith.muli %scan3A_103, %mul3A_151 : i32
        %add3A_153 = arith.constant 48 : i32
        %add3A_154 = arith.addi %mul3A_152, %add3A_153 : i32
        %get3A_155 = arith.index_cast %add3A_154 : i32 to index
        %get3A_156 = tpu.vector_load %arg13[%get3A_155] {strides = array<i32>} : memref<10240xi32, #tpu.memory_space<vmem>>, vector<16xi32>,
        %swap3A_157 = arith.constant 48 : index
        %swap3A_158 = tpu.vector_load %arg17[%swap3A_157] {strides = array<i32>} : memref<128xi32, #tpu.memory_space<vmem>>, vector<16xi32>,
        tpu.vector_store %arg17[%swap3A_157], %get3A_156 {strides = array<i32>} : memref<128xi32, #tpu.memory_space<vmem>>, vector<16xi32>,
        %mul3A_159 = arith.constant 128 : i32
        %mul3A_160 = arith.muli %scan3A_103, %mul3A_159 : i32
        %add3A_161 = arith.constant 48 : i32
        %add3A_162 = arith.addi %mul3A_160, %add3A_161 : i32
        %get3A_163 = arith.index_cast %add3A_162 : i32 to index
        %get3A_164 = tpu.vector_load %arg14[%get3A_163] {strides = array<i32>} : memref<10240xi32, #tpu.memory_space<vmem>>, vector<16xi32>,
        %swap3A_165 = arith.constant 48 : index
        %swap3A_166 = tpu.vector_load %arg18[%swap3A_165] {strides = array<i32>} : memref<128xi32, #tpu.memory_space<vmem>>, vector<16xi32>,
        tpu.vector_store %arg18[%swap3A_165], %get3A_164 {strides = array<i32>} : memref<128xi32, #tpu.memory_space<vmem>>, vector<16xi32>,
        %mul3A_167 = arith.constant 128 : i32
        %mul3A_168 = arith.muli %scan3A_103, %mul3A_167 : i32
        %add3A_169 = arith.constant 64 : i32
        %add3A_170 = arith.addi %mul3A_168, %add3A_169 : i32
        %get3A_171 = arith.index_cast %add3A_170 : i32 to index
        %get3A_172 = tpu.vector_load %arg13[%get3A_171] {strides = array<i32>} : memref<10240xi32, #tpu.memory_space<vmem>>, vector<16xi32>,
        %swap3A_173 = arith.constant 64 : index
        %swap3A_174 = tpu.vector_load %arg17[%swap3A_173] {strides = array<i32>} : memref<128xi32, #tpu.memory_space<vmem>>, vector<16xi32>,
        tpu.vector_store %arg17[%swap3A_173], %get3A_172 {strides = array<i32>} : memref<128xi32, #tpu.memory_space<vmem>>, vector<16xi32>,
        %mul3A_175 = arith.constant 128 : i32
        %mul3A_176 = arith.muli %scan3A_103, %mul3A_175 : i32
        %add3A_177 = arith.constant 64 : i32
        %add3A_178 = arith.addi %mul3A_176, %add3A_177 : i32
        %get3A_179 = arith.index_cast %add3A_178 : i32 to index
        %get3A_180 = tpu.vector_load %arg14[%get3A_179] {strides = array<i32>} : memref<10240xi32, #tpu.memory_space<vmem>>, vector<16xi32>,
        %swap3A_181 = arith.constant 64 : index
        %swap3A_182 = tpu.vector_load %arg18[%swap3A_181] {strides = array<i32>} : memref<128xi32, #tpu.memory_space<vmem>>, vector<16xi32>,
        tpu.vector_store %arg18[%swap3A_181], %get3A_180 {strides = array<i32>} : memref<128xi32, #tpu.memory_space<vmem>>, vector<16xi32>,
        %mul3A_183 = arith.constant 128 : i32
        %mul3A_184 = arith.muli %scan3A_103, %mul3A_183 : i32
        %add3A_185 = arith.constant 80 : i32
        %add3A_186 = arith.addi %mul3A_184, %add3A_185 : i32
        %get3A_187 = arith.index_cast %add3A_186 : i32 to index
        %get3A_188 = tpu.vector_load %arg13[%get3A_187] {strides = array<i32>} : memref<10240xi32, #tpu.memory_space<vmem>>, vector<16xi32>,
        %swap3A_189 = arith.constant 80 : index
        %swap3A_190 = tpu.vector_load %arg17[%swap3A_189] {strides = array<i32>} : memref<128xi32, #tpu.memory_space<vmem>>, vector<16xi32>,
        tpu.vector_store %arg17[%swap3A_189], %get3A_188 {strides = array<i32>} : memref<128xi32, #tpu.memory_space<vmem>>, vector<16xi32>,
        %mul3A_191 = arith.constant 128 : i32
        %mul3A_192 = arith.muli %scan3A_103, %mul3A_191 : i32
        %add3A_193 = arith.constant 80 : i32
        %add3A_194 = arith.addi %mul3A_192, %add3A_193 : i32
        %get3A_195 = arith.index_cast %add3A_194 : i32 to index
        %get3A_196 = tpu.vector_load %arg14[%get3A_195] {strides = array<i32>} : memref<10240xi32, #tpu.memory_space<vmem>>, vector<16xi32>,
        %swap3A_197 = arith.constant 80 : index
        %swap3A_198 = tpu.vector_load %arg18[%swap3A_197] {strides = array<i32>} : memref<128xi32, #tpu.memory_space<vmem>>, vector<16xi32>,
        tpu.vector_store %arg18[%swap3A_197], %get3A_196 {strides = array<i32>} : memref<128xi32, #tpu.memory_space<vmem>>, vector<16xi32>,
        %mul3A_199 = arith.constant 128 : i32
        %mul3A_200 = arith.muli %scan3A_103, %mul3A_199 : i32
        %add3A_201 = arith.constant 96 : i32
        %add3A_202 = arith.addi %mul3A_200, %add3A_201 : i32
        %get3A_203 = arith.index_cast %add3A_202 : i32 to index
        %get3A_204 = tpu.vector_load %arg13[%get3A_203] {strides = array<i32>} : memref<10240xi32, #tpu.memory_space<vmem>>, vector<16xi32>,
        %swap3A_205 = arith.constant 96 : index
        %swap3A_206 = tpu.vector_load %arg17[%swap3A_205] {strides = array<i32>} : memref<128xi32, #tpu.memory_space<vmem>>, vector<16xi32>,
        tpu.vector_store %arg17[%swap3A_205], %get3A_204 {strides = array<i32>} : memref<128xi32, #tpu.memory_space<vmem>>, vector<16xi32>,
        %mul3A_207 = arith.constant 128 : i32
        %mul3A_208 = arith.muli %scan3A_103, %mul3A_207 : i32
        %add3A_209 = arith.constant 96 : i32
        %add3A_210 = arith.addi %mul3A_208, %add3A_209 : i32
        %get3A_211 = arith.index_cast %add3A_210 : i32 to index
        %get3A_212 = tpu.vector_load %arg14[%get3A_211] {strides = array<i32>} : memref<10240xi32, #tpu.memory_space<vmem>>, vector<16xi32>,
        %swap3A_213 = arith.constant 96 : index
        %swap3A_214 = tpu.vector_load %arg18[%swap3A_213] {strides = array<i32>} : memref<128xi32, #tpu.memory_space<vmem>>, vector<16xi32>,
        tpu.vector_store %arg18[%swap3A_213], %get3A_212 {strides = array<i32>} : memref<128xi32, #tpu.memory_space<vmem>>, vector<16xi32>,
        %mul3A_215 = arith.constant 128 : i32
        %mul3A_216 = arith.muli %scan3A_103, %mul3A_215 : i32
        %add3A_217 = arith.constant 112 : i32
        %add3A_218 = arith.addi %mul3A_216, %add3A_217 : i32
        %get3A_219 = arith.index_cast %add3A_218 : i32 to index
        %get3A_220 = tpu.vector_load %arg13[%get3A_219] {strides = array<i32>} : memref<10240xi32, #tpu.memory_space<vmem>>, vector<16xi32>,
        %swap3A_221 = arith.constant 112 : index
        %swap3A_222 = tpu.vector_load %arg17[%swap3A_221] {strides = array<i32>} : memref<128xi32, #tpu.memory_space<vmem>>, vector<16xi32>,
        tpu.vector_store %arg17[%swap3A_221], %get3A_220 {strides = array<i32>} : memref<128xi32, #tpu.memory_space<vmem>>, vector<16xi32>,
        %mul3A_223 = arith.constant 128 : i32
        %mul3A_224 = arith.muli %scan3A_103, %mul3A_223 : i32
        %add3A_225 = arith.constant 112 : i32
        %add3A_226 = arith.addi %mul3A_224, %add3A_225 : i32
        %get3A_227 = arith.index_cast %add3A_226 : i32 to index
        %get3A_228 = tpu.vector_load %arg14[%get3A_227] {strides = array<i32>} : memref<10240xi32, #tpu.memory_space<vmem>>, vector<16xi32>,
        %swap3A_229 = arith.constant 112 : index
        %swap3A_230 = tpu.vector_load %arg18[%swap3A_229] {strides = array<i32>} : memref<128xi32, #tpu.memory_space<vmem>>, vector<16xi32>,
        tpu.vector_store %arg18[%swap3A_229], %get3A_228 {strides = array<i32>} : memref<128xi32, #tpu.memory_space<vmem>>, vector<16xi32>,
        %dma_start3A = arith.constant 0 : i32
        %dma_start3A_231 = arith.constant 0 : i32
        %dma_start3A_232 = tpu.memref_slice %arg7[%dma_start3A, %dma_start3A_231] : memref<10000x64xf32, #tpu.memory_space<hbm>> -> memref<10000x64xf32, #tpu.memory_space<hbm>>
        tpu.enqueue_indirect_dma source(%dma_start3A_232 : memref<10000x64xf32, #tpu.memory_space<hbm>>) target(%arg16 : memref<128x64xf32, #tpu.memory_space<vmem>>) offsets(%arg17 : memref<128xi32, #tpu.memory_space<vmem>>) semaphore(%arg20 : memref<!tpu.dma_semaphore, #tpu.memory_space<semaphore_mem>>)
        %dma_wait3A = arith.constant 0 : i32
        %dma_wait3A_233 = arith.constant 0 : i32
        %dma_wait3A_234 = tpu.memref_slice %arg7[%dma_wait3A, %dma_wait3A_233] : memref<10000x64xf32, #tpu.memory_space<hbm>> -> memref<10000x64xf32, #tpu.memory_space<hbm>>
        tpu.wait_indirect_dma semaphore(%arg20 : memref<!tpu.dma_semaphore, #tpu.memory_space<semaphore_mem>>) src(%dma_wait3A_234 : memref<10000x64xf32, #tpu.memory_space<hbm>>) dst(%arg16 : memref<128x64xf32, #tpu.memory_space<vmem>>)
        %scan3A_235 = arith.constant 0 : i32
        %scan3A_236 = arith.constant 0 : i32
        %scan3A_237 = arith.constant 128 : i32
        %scan3A_238 = arith.addi %scan3A_236, %scan3A_237 : i32
        %scan3A_239 = arith.constant 1 : i32
        %scan3A_240 = scf.for %scan3A_243 = %scan3A_236 to %scan3A_238 step %scan3A_239 iter_args(%scan3A_244 = %scan3A_235) -> (i32)  : i32 {
          %mul3A_245 = arith.constant 128 : i32
          %mul3A_246 = arith.muli %scan3A_103, %mul3A_245 : i32
          %add3A_247 = arith.addi %mul3A_246, %scan3A_243 : i32
          %broadcast_in_dim3A_248 = vector.broadcast %add3A_247 : i32 to vector<16xi32>
          %gather3A = tpu.vector_load_idx %arg15[%broadcast_in_dim3A_248] : memref<10240xf32, #tpu.memory_space<vmem>>[vector<16xi32>], vector<16xf32>,
          %get3A_249 = arith.index_cast %scan3A_243 : i32 to index
          %get3A_250 = arith.constant 0 : index
          %get3A_251 = tpu.vector_load %arg16[%get3A_249, %get3A_250] {strides = array<i32>} : memref<128x64xf32, #tpu.memory_space<vmem>>, vector<16xf32>,
          %mul3A_252 = arith.mulf %get3A_251, %gather3A : vector<16xf32>
          %swap3A_253 = arith.index_cast %scan3A_243 : i32 to index
          %swap3A_254 = arith.constant 0 : index
          %swap3A_255 = tpu.vector_load %arg16[%swap3A_253, %swap3A_254] {strides = array<i32>} : memref<128x64xf32, #tpu.memory_space<vmem>>, vector<16xf32>,
          tpu.vector_store %arg16[%swap3A_253, %swap3A_254], %mul3A_252 {strides = array<i32>} : memref<128x64xf32, #tpu.memory_space<vmem>>, vector<16xf32>,
          %get3A_256 = arith.index_cast %scan3A_243 : i32 to index
          %get3A_257 = arith.constant 16 : index
          %get3A_258 = tpu.vector_load %arg16[%get3A_256, %get3A_257] {strides = array<i32>} : memref<128x64xf32, #tpu.memory_space<vmem>>, vector<16xf32>,
          %mul3A_259 = arith.mulf %get3A_258, %gather3A : vector<16xf32>
          %swap3A_260 = arith.index_cast %scan3A_243 : i32 to index
          %swap3A_261 = arith.constant 16 : index
          %swap3A_262 = tpu.vector_load %arg16[%swap3A_260, %swap3A_261] {strides = array<i32>} : memref<128x64xf32, #tpu.memory_space<vmem>>, vector<16xf32>,
          tpu.vector_store %arg16[%swap3A_260, %swap3A_261], %mul3A_259 {strides = array<i32>} : memref<128x64xf32, #tpu.memory_space<vmem>>, vector<16xf32>,
          %get3A_263 = arith.index_cast %scan3A_243 : i32 to index
          %get3A_264 = arith.constant 32 : index
          %get3A_265 = tpu.vector_load %arg16[%get3A_263, %get3A_264] {strides = array<i32>} : memref<128x64xf32, #tpu.memory_space<vmem>>, vector<16xf32>,
          %mul3A_266 = arith.mulf %get3A_265, %gather3A : vector<16xf32>
          %swap3A_267 = arith.index_cast %scan3A_243 : i32 to index
          %swap3A_268 = arith.constant 32 : index
          %swap3A_269 = tpu.vector_load %arg16[%swap3A_267, %swap3A_268] {strides = array<i32>} : memref<128x64xf32, #tpu.memory_space<vmem>>, vector<16xf32>,
          tpu.vector_store %arg16[%swap3A_267, %swap3A_268], %mul3A_266 {strides = array<i32>} : memref<128x64xf32, #tpu.memory_space<vmem>>, vector<16xf32>,
          %get3A_270 = arith.index_cast %scan3A_243 : i32 to index
          %get3A_271 = arith.constant 48 : index
          %get3A_272 = tpu.vector_load %arg16[%get3A_270, %get3A_271] {strides = array<i32>} : memref<128x64xf32, #tpu.memory_space<vmem>>, vector<16xf32>,
          %mul3A_273 = arith.mulf %get3A_272, %gather3A : vector<16xf32>
          %swap3A_274 = arith.index_cast %scan3A_243 : i32 to index
          %swap3A_275 = arith.constant 48 : index
          %swap3A_276 = tpu.vector_load %arg16[%swap3A_274, %swap3A_275] {strides = array<i32>} : memref<128x64xf32, #tpu.memory_space<vmem>>, vector<16xf32>,
          tpu.vector_store %arg16[%swap3A_274, %swap3A_275], %mul3A_273 {strides = array<i32>} : memref<128x64xf32, #tpu.memory_space<vmem>>, vector<16xf32>,
          %scan3A_277 = arith.constant 0 : i32
          scf.yield %scan3A_277 : i32
        }
        %scan3A_241 = arith.constant 128 : i32
        "tpu.region"() ({
          %run_scoped3A = tpu.sem_alloc : memref<!tpu.dma_semaphore, #tpu.memory_space<semaphore_mem>>
          %dma_start3A_243 = arith.constant 0 : i32
          %dma_start3A_244 = arith.constant 0 : i32
          %dma_start3A_245 = tpu.memref_slice %arg19[%dma_start3A_243, %dma_start3A_244] : memref<10240x64xf32, #tpu.memory_space<vmem_shared>> -> memref<10240x64xf32, #tpu.memory_space<vmem_shared>>
          tpu.enqueue_indirect_dma source(%arg16 : memref<128x64xf32, #tpu.memory_space<vmem>>) target(%dma_start3A_245 : memref<10240x64xf32, #tpu.memory_space<vmem_shared>>) offsets(%arg18 : memref<128xi32, #tpu.memory_space<vmem>>) semaphore(%run_scoped3A : memref<!tpu.dma_semaphore, #tpu.memory_space<semaphore_mem>>) {add = true}
          %dma_wait3A_246 = arith.constant 0 : i32
          %dma_wait3A_247 = arith.constant 0 : i32
          %dma_wait3A_248 = tpu.memref_slice %arg19[%dma_wait3A_246, %dma_wait3A_247] : memref<10240x64xf32, #tpu.memory_space<vmem_shared>> -> memref<10240x64xf32, #tpu.memory_space<vmem_shared>>
          tpu.wait_indirect_dma semaphore(%run_scoped3A : memref<!tpu.dma_semaphore, #tpu.memory_space<semaphore_mem>>) src(%arg16 : memref<128x64xf32, #tpu.memory_space<vmem>>) dst(%dma_wait3A_248 : memref<10240x64xf32, #tpu.memory_space<vmem_shared>>)
          tpu.yield
        }) : () -> ()
        %scan3A_242 = arith.constant 0 : i32
        scf.yield %scan3A_242 : i32
      }
      %scan3A_102 = arith.constant 80 : i32
    } else {
    }
    %barrier3A_34 = arith.constant 0 : index
    tpu.barrier barrier_id(%barrier3A_34)
    %eq3A_35 = arith.constant 0 : i32
    %eq3A_36 = arith.cmpi eq, %arg0, %eq3A_35 : i32
    %convert_element_type3A_37 = arith.extui %eq3A_36 : i1 to i32
    %cond3A_38 = arith.constant 0 : i32
    %cond3A_39 = arith.cmpi ne, %convert_element_type3A_37, %cond3A_38 : i32
    scf.if %cond3A_39 {
      %mul3A_96 = arith.constant 640 : i32
      %mul3A_97 = arith.muli %arg1, %mul3A_96 : i32
      %mul3A_98 = arith.constant 640 : i32
      %mul3A_99 = arith.muli %arg1, %mul3A_98 : i32
      "tpu.region"() ({
        %run_scoped3A = tpu.sem_alloc : memref<!tpu.dma_semaphore, #tpu.memory_space<semaphore_mem>>
        %dma_start3A = arith.constant 0 : i32
        %dma_start3A_100 = tpu.memref_slice %arg9[%mul3A_99, %dma_start3A] : memref<10240x64xf32, #tpu.memory_space<hbm>> -> memref<640x64xf32, #tpu.memory_space<hbm>>
        %dma_start3A_101 = arith.constant 0 : i32
        %dma_start3A_102 = tpu.memref_slice %arg19[%mul3A_97, %dma_start3A_101] : memref<10240x64xf32, #tpu.memory_space<vmem_shared>> -> memref<640x64xf32, #tpu.memory_space<vmem_shared>>
        tpu.enqueue_dma source(%dma_start3A_102 : memref<640x64xf32, #tpu.memory_space<vmem_shared>>) target(%dma_start3A_100 : memref<640x64xf32, #tpu.memory_space<hbm>>) target_semaphore(%run_scoped3A : memref<!tpu.dma_semaphore, #tpu.memory_space<semaphore_mem>>)
        %dma_wait3A = arith.constant 0 : i32
        %dma_wait3A_103 = tpu.memref_slice %arg9[%mul3A_99, %dma_wait3A] : memref<10240x64xf32, #tpu.memory_space<hbm>> -> memref<640x64xf32, #tpu.memory_space<hbm>>
        %dma_wait3A_104 = arith.constant 0 : i32
        %dma_wait3A_105 = tpu.memref_slice %arg19[%mul3A_97, %dma_wait3A_104] : memref<10240x64xf32, #tpu.memory_space<vmem_shared>> -> memref<640x64xf32, #tpu.memory_space<vmem_shared>>
        tpu.wait_dma2 semaphore(%run_scoped3A : memref<!tpu.dma_semaphore, #tpu.memory_space<semaphore_mem>>) src(%dma_wait3A_105 : memref<640x64xf32, #tpu.memory_space<vmem_shared>>) dst(%dma_wait3A_103 : memref<640x64xf32, #tpu.memory_space<hbm>>)
        tpu.yield
      }) : () -> ()
    } else {
    }
    %eq3A_40 = arith.constant 1 : i32
    %eq3A_41 = arith.cmpi eq, %arg0, %eq3A_40 : i32
    %convert_element_type3A_42 = arith.extui %eq3A_41 : i1 to i32
    %cond3A_43 = arith.constant 0 : i32
    %cond3A_44 = arith.cmpi ne, %convert_element_type3A_42, %cond3A_43 : i32
    scf.if %cond3A_44 {
      %mul3A_96 = arith.constant 640 : i32
      %mul3A_97 = arith.muli %arg1, %mul3A_96 : i32
      %mul3A_98 = arith.constant 640 : i32
      %mul3A_99 = arith.muli %arg1, %mul3A_98 : i32
      "tpu.region"() ({
        %run_scoped3A = tpu.sem_alloc : memref<!tpu.dma_semaphore, #tpu.memory_space<semaphore_mem>>
        %dma_start3A = arith.constant 0 : i32
        %dma_start3A_100 = tpu.memref_slice %arg11[%mul3A_99, %dma_start3A] : memref<10240x64xf32, #tpu.memory_space<hbm>> -> memref<640x64xf32, #tpu.memory_space<hbm>>
        %dma_start3A_101 = arith.constant 0 : i32
        %dma_start3A_102 = tpu.memref_slice %arg19[%mul3A_97, %dma_start3A_101] : memref<10240x64xf32, #tpu.memory_space<vmem_shared>> -> memref<640x64xf32, #tpu.memory_space<vmem_shared>>
        tpu.enqueue_dma source(%dma_start3A_102 : memref<640x64xf32, #tpu.memory_space<vmem_shared>>) target(%dma_start3A_100 : memref<640x64xf32, #tpu.memory_space<hbm>>) target_semaphore(%run_scoped3A : memref<!tpu.dma_semaphore, #tpu.memory_space<semaphore_mem>>)
        %dma_wait3A = arith.constant 0 : i32
        %dma_wait3A_103 = tpu.memref_slice %arg11[%mul3A_99, %dma_wait3A] : memref<10240x64xf32, #tpu.memory_space<hbm>> -> memref<640x64xf32, #tpu.memory_space<hbm>>
        %dma_wait3A_104 = arith.constant 0 : i32
        %dma_wait3A_105 = tpu.memref_slice %arg19[%mul3A_97, %dma_wait3A_104] : memref<10240x64xf32, #tpu.memory_space<vmem_shared>> -> memref<640x64xf32, #tpu.memory_space<vmem_shared>>
        tpu.wait_dma2 semaphore(%run_scoped3A : memref<!tpu.dma_semaphore, #tpu.memory_space<semaphore_mem>>) src(%dma_wait3A_105 : memref<640x64xf32, #tpu.memory_space<vmem_shared>>) dst(%dma_wait3A_103 : memref<640x64xf32, #tpu.memory_space<hbm>>)
        tpu.yield
      }) : () -> ()
    } else {
    }
    %broadcast_in_dim3A_45 = arith.constant 0.000000e+00 : f32
    %broadcast_in_dim3A_46 = vector.broadcast %broadcast_in_dim3A_45 : f32 to vector<16xf32>
    %scan3A_47 = arith.constant 0 : i32
    %scan3A_48 = arith.constant 0 : i32
    %scan3A_49 = arith.constant 512 : i32
    %scan3A_50 = arith.addi %scan3A_48, %scan3A_49 : i32
    %scan3A_51 = arith.constant 1 : i32
    %scan3A_52 = scf.for %scan3A_96 = %scan3A_48 to %scan3A_50 step %scan3A_51 iter_args(%scan3A_97 = %scan3A_47) -> (i32)  : i32 {
      %jit3A = arith.constant 4 : i32
      %div3A = arith.divsi %scan3A_96, %jit3A : i32
      %sign3A = arith.constant 0 : i32
      %sign3A_98 = arith.cmpi sgt, %scan3A_96, %sign3A : i32
      %sign3A_99 = arith.extui %sign3A_98 : i1 to i32
      %sign3A_100 = arith.constant 0 : i32
      %sign3A_101 = arith.cmpi slt, %scan3A_96, %sign3A_100 : i32
      %sign3A_102 = arith.extui %sign3A_101 : i1 to i32
      %sign3A_103 = arith.subi %sign3A_99, %sign3A_102 : i32
      %sign3A_104 = arith.constant 0 : i32
      %sign3A_105 = arith.cmpi sgt, %jit3A, %sign3A_104 : i32
      %sign3A_106 = arith.extui %sign3A_105 : i1 to i32
      %sign3A_107 = arith.constant 0 : i32
      %sign3A_108 = arith.cmpi slt, %jit3A, %sign3A_107 : i32
      %sign3A_109 = arith.extui %sign3A_108 : i1 to i32
      %sign3A_110 = arith.subi %sign3A_106, %sign3A_109 : i32
      %ne3A = arith.cmpi ne, %sign3A_103, %sign3A_110 : i32
      %rem3A = arith.remsi %scan3A_96, %jit3A : i32
      %ne3A_111 = arith.constant 0 : i32
      %ne3A_112 = arith.cmpi ne, %rem3A, %ne3A_111 : i32
      %and3A = arith.andi %ne3A, %ne3A_112 : i1
      %sub3A = arith.constant 1 : i32
      %sub3A_113 = arith.subi %div3A, %sub3A : i32
      %select_n3A = arith.select %and3A, %sub3A_113, %div3A : i32
      %jit3A_114 = arith.constant 4 : i32
      %eq3A_115 = arith.constant 0 : i32
      %eq3A_116 = arith.cmpi eq, %jit3A_114, %eq3A_115 : i32
      %jit3A_117 = arith.constant 1 : i32
      %select_n3A_118 = arith.select %eq3A_116, %jit3A_117, %jit3A_114 : i32
      %rem3A_119 = arith.remsi %scan3A_96, %select_n3A_118 : i32
      %ne3A_120 = arith.constant 0 : i32
      %ne3A_121 = arith.cmpi ne, %rem3A_119, %ne3A_120 : i32
      %lt3A = arith.constant 0 : i32
      %lt3A_122 = arith.cmpi slt, %rem3A_119, %lt3A : i32
      %lt3A_123 = arith.constant 0 : i32
      %lt3A_124 = arith.cmpi slt, %select_n3A_118, %lt3A_123 : i32
      %ne3A_125 = arith.xori %lt3A_122, %lt3A_124 : i1
      %and3A_126 = arith.andi %ne3A_125, %ne3A_121 : i1
      %add3A_127 = arith.addi %rem3A_119, %select_n3A_118 : i32
      %select_n3A_128 = arith.select %and3A_126, %add3A_127, %rem3A_119 : i32
      %mul3A_129 = arith.constant 16 : i32
      %mul3A_130 = arith.muli %select_n3A_128, %mul3A_129 : i32
      %swap3A = arith.index_cast %select_n3A : i32 to index
      %swap3A_131 = arith.index_cast %mul3A_130 : i32 to index
      %swap3A_132 = tpu.vector_load %arg16[%swap3A, %swap3A_131] {strides = array<i32>} : memref<128x64xf32, #tpu.memory_space<vmem>>, vector<16xf32>,
      tpu.vector_store %arg16[%swap3A, %swap3A_131], %broadcast_in_dim3A_46 {strides = array<i32>} : memref<128x64xf32, #tpu.memory_space<vmem>>, vector<16xf32>,
      %scan3A_133 = arith.constant 0 : i32
      scf.yield %scan3A_133 : i32
    }
    %scan3A_53 = arith.constant 512 : i32
    %mul3A_54 = arith.constant 640 : i32
    %mul3A_55 = arith.muli %arg1, %mul3A_54 : i32
    %add3A_56 = arith.constant 0 : i32
    %add3A_57 = arith.addi %mul3A_55, %add3A_56 : i32
    "tpu.region"() ({
      %run_scoped3A = tpu.sem_alloc : memref<!tpu.dma_semaphore, #tpu.memory_space<semaphore_mem>>
      %dma_start3A = arith.constant 0 : i32
      %dma_start3A_96 = tpu.memref_slice %arg19[%add3A_57, %dma_start3A] : memref<10240x64xf32, #tpu.memory_space<vmem_shared>> -> memref<128x64xf32, #tpu.memory_space<vmem_shared>>
      %dma_start3A_97 = arith.constant 0 : i32
      %dma_start3A_98 = tpu.memref_slice %arg19[%add3A_57, %dma_start3A_97] : memref<10240x64xf32, #tpu.memory_space<vmem_shared>> -> memref<128x64xf32, #tpu.memory_space<vmem_shared>>
      tpu.enqueue_dma source(%arg16 : memref<128x64xf32, #tpu.memory_space<vmem>>) target(%dma_start3A_98 : memref<128x64xf32, #tpu.memory_space<vmem_shared>>) target_semaphore(%run_scoped3A : memref<!tpu.dma_semaphore, #tpu.memory_space<semaphore_mem>>)
      %dma_wait3A = arith.constant 0 : i32
      %dma_wait3A_99 = tpu.memref_slice %arg19[%add3A_57, %dma_wait3A] : memref<10240x64xf32, #tpu.memory_space<vmem_shared>> -> memref<128x64xf32, #tpu.memory_space<vmem_shared>>
      %dma_wait3A_100 = arith.constant 0 : i32
      %dma_wait3A_101 = tpu.memref_slice %arg19[%add3A_57, %dma_wait3A_100] : memref<10240x64xf32, #tpu.memory_space<vmem_shared>> -> memref<128x64xf32, #tpu.memory_space<vmem_shared>>
      tpu.wait_dma2 semaphore(%run_scoped3A : memref<!tpu.dma_semaphore, #tpu.memory_space<semaphore_mem>>) src(%arg16 : memref<128x64xf32, #tpu.memory_space<vmem>>) dst(%dma_wait3A_101 : memref<128x64xf32, #tpu.memory_space<vmem_shared>>)
      tpu.yield
    }) : () -> ()
    %mul3A_58 = arith.constant 640 : i32
    %mul3A_59 = arith.muli %arg1, %mul3A_58 : i32
    %add3A_60 = arith.constant 128 : i32
    %add3A_61 = arith.addi %mul3A_59, %add3A_60 : i32
    "tpu.region"() ({
      %run_scoped3A = tpu.sem_alloc : memref<!tpu.dma_semaphore, #tpu.memory_space<semaphore_mem>>
      %dma_start3A = arith.constant 0 : i32
      %dma_start3A_96 = tpu.memref_slice %arg19[%add3A_61, %dma_start3A] : memref<10240x64xf32, #tpu.memory_space<vmem_shared>> -> memref<128x64xf32, #tpu.memory_space<vmem_shared>>
      %dma_start3A_97 = arith.constant 0 : i32
      %dma_start3A_98 = tpu.memref_slice %arg19[%add3A_61, %dma_start3A_97] : memref<10240x64xf32, #tpu.memory_space<vmem_shared>> -> memref<128x64xf32, #tpu.memory_space<vmem_shared>>
      tpu.enqueue_dma source(%arg16 : memref<128x64xf32, #tpu.memory_space<vmem>>) target(%dma_start3A_98 : memref<128x64xf32, #tpu.memory_space<vmem_shared>>) target_semaphore(%run_scoped3A : memref<!tpu.dma_semaphore, #tpu.memory_space<semaphore_mem>>)
      %dma_wait3A = arith.constant 0 : i32
      %dma_wait3A_99 = tpu.memref_slice %arg19[%add3A_61, %dma_wait3A] : memref<10240x64xf32, #tpu.memory_space<vmem_shared>> -> memref<128x64xf32, #tpu.memory_space<vmem_shared>>
      %dma_wait3A_100 = arith.constant 0 : i32
      %dma_wait3A_101 = tpu.memref_slice %arg19[%add3A_61, %dma_wait3A_100] : memref<10240x64xf32, #tpu.memory_space<vmem_shared>> -> memref<128x64xf32, #tpu.memory_space<vmem_shared>>
      tpu.wait_dma2 semaphore(%run_scoped3A : memref<!tpu.dma_semaphore, #tpu.memory_space<semaphore_mem>>) src(%arg16 : memref<128x64xf32, #tpu.memory_space<vmem>>) dst(%dma_wait3A_101 : memref<128x64xf32, #tpu.memory_space<vmem_shared>>)
      tpu.yield
    }) : () -> ()
    %mul3A_62 = arith.constant 640 : i32
    %mul3A_63 = arith.muli %arg1, %mul3A_62 : i32
    %add3A_64 = arith.constant 256 : i32
    %add3A_65 = arith.addi %mul3A_63, %add3A_64 : i32
    "tpu.region"() ({
      %run_scoped3A = tpu.sem_alloc : memref<!tpu.dma_semaphore, #tpu.memory_space<semaphore_mem>>
      %dma_start3A = arith.constant 0 : i32
      %dma_start3A_96 = tpu.memref_slice %arg19[%add3A_65, %dma_start3A] : memref<10240x64xf32, #tpu.memory_space<vmem_shared>> -> memref<128x64xf32, #tpu.memory_space<vmem_shared>>
      %dma_start3A_97 = arith.constant 0 : i32
      %dma_start3A_98 = tpu.memref_slice %arg19[%add3A_65, %dma_start3A_97] : memref<10240x64xf32, #tpu.memory_space<vmem_shared>> -> memref<128x64xf32, #tpu.memory_space<vmem_shared>>
      tpu.enqueue_dma source(%arg16 : memref<128x64xf32, #tpu.memory_space<vmem>>) target(%dma_start3A_98 : memref<128x64xf32, #tpu.memory_space<vmem_shared>>) target_semaphore(%run_scoped3A : memref<!tpu.dma_semaphore, #tpu.memory_space<semaphore_mem>>)
      %dma_wait3A = arith.constant 0 : i32
      %dma_wait3A_99 = tpu.memref_slice %arg19[%add3A_65, %dma_wait3A] : memref<10240x64xf32, #tpu.memory_space<vmem_shared>> -> memref<128x64xf32, #tpu.memory_space<vmem_shared>>
      %dma_wait3A_100 = arith.constant 0 : i32
      %dma_wait3A_101 = tpu.memref_slice %arg19[%add3A_65, %dma_wait3A_100] : memref<10240x64xf32, #tpu.memory_space<vmem_shared>> -> memref<128x64xf32, #tpu.memory_space<vmem_shared>>
      tpu.wait_dma2 semaphore(%run_scoped3A : memref<!tpu.dma_semaphore, #tpu.memory_space<semaphore_mem>>) src(%arg16 : memref<128x64xf32, #tpu.memory_space<vmem>>) dst(%dma_wait3A_101 : memref<128x64xf32, #tpu.memory_space<vmem_shared>>)
      tpu.yield
    }) : () -> ()
    %mul3A_66 = arith.constant 640 : i32
    %mul3A_67 = arith.muli %arg1, %mul3A_66 : i32
    %add3A_68 = arith.constant 384 : i32
    %add3A_69 = arith.addi %mul3A_67, %add3A_68 : i32
    "tpu.region"() ({
      %run_scoped3A = tpu.sem_alloc : memref<!tpu.dma_semaphore, #tpu.memory_space<semaphore_mem>>
      %dma_start3A = arith.constant 0 : i32
      %dma_start3A_96 = tpu.memref_slice %arg19[%add3A_69, %dma_start3A] : memref<10240x64xf32, #tpu.memory_space<vmem_shared>> -> memref<128x64xf32, #tpu.memory_space<vmem_shared>>
      %dma_start3A_97 = arith.constant 0 : i32
      %dma_start3A_98 = tpu.memref_slice %arg19[%add3A_69, %dma_start3A_97] : memref<10240x64xf32, #tpu.memory_space<vmem_shared>> -> memref<128x64xf32, #tpu.memory_space<vmem_shared>>
      tpu.enqueue_dma source(%arg16 : memref<128x64xf32, #tpu.memory_space<vmem>>) target(%dma_start3A_98 : memref<128x64xf32, #tpu.memory_space<vmem_shared>>) target_semaphore(%run_scoped3A : memref<!tpu.dma_semaphore, #tpu.memory_space<semaphore_mem>>)
      %dma_wait3A = arith.constant 0 : i32
      %dma_wait3A_99 = tpu.memref_slice %arg19[%add3A_69, %dma_wait3A] : memref<10240x64xf32, #tpu.memory_space<vmem_shared>> -> memref<128x64xf32, #tpu.memory_space<vmem_shared>>
      %dma_wait3A_100 = arith.constant 0 : i32
      %dma_wait3A_101 = tpu.memref_slice %arg19[%add3A_69, %dma_wait3A_100] : memref<10240x64xf32, #tpu.memory_space<vmem_shared>> -> memref<128x64xf32, #tpu.memory_space<vmem_shared>>
      tpu.wait_dma2 semaphore(%run_scoped3A : memref<!tpu.dma_semaphore, #tpu.memory_space<semaphore_mem>>) src(%arg16 : memref<128x64xf32, #tpu.memory_space<vmem>>) dst(%dma_wait3A_101 : memref<128x64xf32, #tpu.memory_space<vmem_shared>>)
      tpu.yield
    }) : () -> ()
    %mul3A_70 = arith.constant 640 : i32
    %mul3A_71 = arith.muli %arg1, %mul3A_70 : i32
    %add3A_72 = arith.constant 512 : i32
    %add3A_73 = arith.addi %mul3A_71, %add3A_72 : i32
    "tpu.region"() ({
      %run_scoped3A = tpu.sem_alloc : memref<!tpu.dma_semaphore, #tpu.memory_space<semaphore_mem>>
      %dma_start3A = arith.constant 0 : i32
      %dma_start3A_96 = tpu.memref_slice %arg19[%add3A_73, %dma_start3A] : memref<10240x64xf32, #tpu.memory_space<vmem_shared>> -> memref<128x64xf32, #tpu.memory_space<vmem_shared>>
      %dma_start3A_97 = arith.constant 0 : i32
      %dma_start3A_98 = tpu.memref_slice %arg19[%add3A_73, %dma_start3A_97] : memref<10240x64xf32, #tpu.memory_space<vmem_shared>> -> memref<128x64xf32, #tpu.memory_space<vmem_shared>>
      tpu.enqueue_dma source(%arg16 : memref<128x64xf32, #tpu.memory_space<vmem>>) target(%dma_start3A_98 : memref<128x64xf32, #tpu.memory_space<vmem_shared>>) target_semaphore(%run_scoped3A : memref<!tpu.dma_semaphore, #tpu.memory_space<semaphore_mem>>)
      %dma_wait3A = arith.constant 0 : i32
      %dma_wait3A_99 = tpu.memref_slice %arg19[%add3A_73, %dma_wait3A] : memref<10240x64xf32, #tpu.memory_space<vmem_shared>> -> memref<128x64xf32, #tpu.memory_space<vmem_shared>>
      %dma_wait3A_100 = arith.constant 0 : i32
      %dma_wait3A_101 = tpu.memref_slice %arg19[%add3A_73, %dma_wait3A_100] : memref<10240x64xf32, #tpu.memory_space<vmem_shared>> -> memref<128x64xf32, #tpu.memory_space<vmem_shared>>
      tpu.wait_dma2 semaphore(%run_scoped3A : memref<!tpu.dma_semaphore, #tpu.memory_space<semaphore_mem>>) src(%arg16 : memref<128x64xf32, #tpu.memory_space<vmem>>) dst(%dma_wait3A_101 : memref<128x64xf32, #tpu.memory_space<vmem_shared>>)
      tpu.yield
    }) : () -> ()
    %barrier3A_74 = arith.constant 0 : index
    tpu.barrier barrier_id(%barrier3A_74)
    %eq3A_75 = arith.constant 0 : i32
    %eq3A_76 = arith.cmpi eq, %arg0, %eq3A_75 : i32
    %convert_element_type3A_77 = arith.extui %eq3A_76 : i1 to i32
    %cond3A_78 = arith.constant 0 : i32
    %cond3A_79 = arith.cmpi ne, %convert_element_type3A_77, %cond3A_78 : i32
    scf.if %cond3A_79 {
      %scan3A_96 = arith.constant 0 : i32
      %scan3A_97 = arith.constant 0 : i32
      %scan3A_98 = arith.constant 80 : i32
      %scan3A_99 = arith.addi %scan3A_97, %scan3A_98 : i32
      %scan3A_100 = arith.constant 1 : i32
      %scan3A_101 = scf.for %scan3A_103 = %scan3A_97 to %scan3A_99 step %scan3A_100 iter_args(%scan3A_104 = %scan3A_96) -> (i32)  : i32 {
        %mul3A_105 = arith.constant 128 : i32
        %mul3A_106 = arith.muli %scan3A_103, %mul3A_105 : i32
        %add3A_107 = arith.constant 0 : i32
        %add3A_108 = arith.addi %mul3A_106, %add3A_107 : i32
        %get3A = arith.index_cast %add3A_108 : i32 to index
        %get3A_109 = tpu.vector_load %arg13[%get3A] {strides = array<i32>} : memref<10240xi32, #tpu.memory_space<vmem>>, vector<16xi32>,
        %swap3A = arith.constant 0 : index
        %swap3A_110 = tpu.vector_load %arg17[%swap3A] {strides = array<i32>} : memref<128xi32, #tpu.memory_space<vmem>>, vector<16xi32>,
        tpu.vector_store %arg17[%swap3A], %get3A_109 {strides = array<i32>} : memref<128xi32, #tpu.memory_space<vmem>>, vector<16xi32>,
        %mul3A_111 = arith.constant 128 : i32
        %mul3A_112 = arith.muli %scan3A_103, %mul3A_111 : i32
        %add3A_113 = arith.constant 0 : i32
        %add3A_114 = arith.addi %mul3A_112, %add3A_113 : i32
        %get3A_115 = arith.index_cast %add3A_114 : i32 to index
        %get3A_116 = tpu.vector_load %arg14[%get3A_115] {strides = array<i32>} : memref<10240xi32, #tpu.memory_space<vmem>>, vector<16xi32>,
        %swap3A_117 = arith.constant 0 : index
        %swap3A_118 = tpu.vector_load %arg18[%swap3A_117] {strides = array<i32>} : memref<128xi32, #tpu.memory_space<vmem>>, vector<16xi32>,
        tpu.vector_store %arg18[%swap3A_117], %get3A_116 {strides = array<i32>} : memref<128xi32, #tpu.memory_space<vmem>>, vector<16xi32>,
        %mul3A_119 = arith.constant 128 : i32
        %mul3A_120 = arith.muli %scan3A_103, %mul3A_119 : i32
        %add3A_121 = arith.constant 16 : i32
        %add3A_122 = arith.addi %mul3A_120, %add3A_121 : i32
        %get3A_123 = arith.index_cast %add3A_122 : i32 to index
        %get3A_124 = tpu.vector_load %arg13[%get3A_123] {strides = array<i32>} : memref<10240xi32, #tpu.memory_space<vmem>>, vector<16xi32>,
        %swap3A_125 = arith.constant 16 : index
        %swap3A_126 = tpu.vector_load %arg17[%swap3A_125] {strides = array<i32>} : memref<128xi32, #tpu.memory_space<vmem>>, vector<16xi32>,
        tpu.vector_store %arg17[%swap3A_125], %get3A_124 {strides = array<i32>} : memref<128xi32, #tpu.memory_space<vmem>>, vector<16xi32>,
        %mul3A_127 = arith.constant 128 : i32
        %mul3A_128 = arith.muli %scan3A_103, %mul3A_127 : i32
        %add3A_129 = arith.constant 16 : i32
        %add3A_130 = arith.addi %mul3A_128, %add3A_129 : i32
        %get3A_131 = arith.index_cast %add3A_130 : i32 to index
        %get3A_132 = tpu.vector_load %arg14[%get3A_131] {strides = array<i32>} : memref<10240xi32, #tpu.memory_space<vmem>>, vector<16xi32>,
        %swap3A_133 = arith.constant 16 : index
        %swap3A_134 = tpu.vector_load %arg18[%swap3A_133] {strides = array<i32>} : memref<128xi32, #tpu.memory_space<vmem>>, vector<16xi32>,
        tpu.vector_store %arg18[%swap3A_133], %get3A_132 {strides = array<i32>} : memref<128xi32, #tpu.memory_space<vmem>>, vector<16xi32>,
        %mul3A_135 = arith.constant 128 : i32
        %mul3A_136 = arith.muli %scan3A_103, %mul3A_135 : i32
        %add3A_137 = arith.constant 32 : i32
        %add3A_138 = arith.addi %mul3A_136, %add3A_137 : i32
        %get3A_139 = arith.index_cast %add3A_138 : i32 to index
        %get3A_140 = tpu.vector_load %arg13[%get3A_139] {strides = array<i32>} : memref<10240xi32, #tpu.memory_space<vmem>>, vector<16xi32>,
        %swap3A_141 = arith.constant 32 : index
        %swap3A_142 = tpu.vector_load %arg17[%swap3A_141] {strides = array<i32>} : memref<128xi32, #tpu.memory_space<vmem>>, vector<16xi32>,
        tpu.vector_store %arg17[%swap3A_141], %get3A_140 {strides = array<i32>} : memref<128xi32, #tpu.memory_space<vmem>>, vector<16xi32>,
        %mul3A_143 = arith.constant 128 : i32
        %mul3A_144 = arith.muli %scan3A_103, %mul3A_143 : i32
        %add3A_145 = arith.constant 32 : i32
        %add3A_146 = arith.addi %mul3A_144, %add3A_145 : i32
        %get3A_147 = arith.index_cast %add3A_146 : i32 to index
        %get3A_148 = tpu.vector_load %arg14[%get3A_147] {strides = array<i32>} : memref<10240xi32, #tpu.memory_space<vmem>>, vector<16xi32>,
        %swap3A_149 = arith.constant 32 : index
        %swap3A_150 = tpu.vector_load %arg18[%swap3A_149] {strides = array<i32>} : memref<128xi32, #tpu.memory_space<vmem>>, vector<16xi32>,
        tpu.vector_store %arg18[%swap3A_149], %get3A_148 {strides = array<i32>} : memref<128xi32, #tpu.memory_space<vmem>>, vector<16xi32>,
        %mul3A_151 = arith.constant 128 : i32
        %mul3A_152 = arith.muli %scan3A_103, %mul3A_151 : i32
        %add3A_153 = arith.constant 48 : i32
        %add3A_154 = arith.addi %mul3A_152, %add3A_153 : i32
        %get3A_155 = arith.index_cast %add3A_154 : i32 to index
        %get3A_156 = tpu.vector_load %arg13[%get3A_155] {strides = array<i32>} : memref<10240xi32, #tpu.memory_space<vmem>>, vector<16xi32>,
        %swap3A_157 = arith.constant 48 : index
        %swap3A_158 = tpu.vector_load %arg17[%swap3A_157] {strides = array<i32>} : memref<128xi32, #tpu.memory_space<vmem>>, vector<16xi32>,
        tpu.vector_store %arg17[%swap3A_157], %get3A_156 {strides = array<i32>} : memref<128xi32, #tpu.memory_space<vmem>>, vector<16xi32>,
        %mul3A_159 = arith.constant 128 : i32
        %mul3A_160 = arith.muli %scan3A_103, %mul3A_159 : i32
        %add3A_161 = arith.constant 48 : i32
        %add3A_162 = arith.addi %mul3A_160, %add3A_161 : i32
        %get3A_163 = arith.index_cast %add3A_162 : i32 to index
        %get3A_164 = tpu.vector_load %arg14[%get3A_163] {strides = array<i32>} : memref<10240xi32, #tpu.memory_space<vmem>>, vector<16xi32>,
        %swap3A_165 = arith.constant 48 : index
        %swap3A_166 = tpu.vector_load %arg18[%swap3A_165] {strides = array<i32>} : memref<128xi32, #tpu.memory_space<vmem>>, vector<16xi32>,
        tpu.vector_store %arg18[%swap3A_165], %get3A_164 {strides = array<i32>} : memref<128xi32, #tpu.memory_space<vmem>>, vector<16xi32>,
        %mul3A_167 = arith.constant 128 : i32
        %mul3A_168 = arith.muli %scan3A_103, %mul3A_167 : i32
        %add3A_169 = arith.constant 64 : i32
        %add3A_170 = arith.addi %mul3A_168, %add3A_169 : i32
        %get3A_171 = arith.index_cast %add3A_170 : i32 to index
        %get3A_172 = tpu.vector_load %arg13[%get3A_171] {strides = array<i32>} : memref<10240xi32, #tpu.memory_space<vmem>>, vector<16xi32>,
        %swap3A_173 = arith.constant 64 : index
        %swap3A_174 = tpu.vector_load %arg17[%swap3A_173] {strides = array<i32>} : memref<128xi32, #tpu.memory_space<vmem>>, vector<16xi32>,
        tpu.vector_store %arg17[%swap3A_173], %get3A_172 {strides = array<i32>} : memref<128xi32, #tpu.memory_space<vmem>>, vector<16xi32>,
        %mul3A_175 = arith.constant 128 : i32
        %mul3A_176 = arith.muli %scan3A_103, %mul3A_175 : i32
        %add3A_177 = arith.constant 64 : i32
        %add3A_178 = arith.addi %mul3A_176, %add3A_177 : i32
        %get3A_179 = arith.index_cast %add3A_178 : i32 to index
        %get3A_180 = tpu.vector_load %arg14[%get3A_179] {strides = array<i32>} : memref<10240xi32, #tpu.memory_space<vmem>>, vector<16xi32>,
        %swap3A_181 = arith.constant 64 : index
        %swap3A_182 = tpu.vector_load %arg18[%swap3A_181] {strides = array<i32>} : memref<128xi32, #tpu.memory_space<vmem>>, vector<16xi32>,
        tpu.vector_store %arg18[%swap3A_181], %get3A_180 {strides = array<i32>} : memref<128xi32, #tpu.memory_space<vmem>>, vector<16xi32>,
        %mul3A_183 = arith.constant 128 : i32
        %mul3A_184 = arith.muli %scan3A_103, %mul3A_183 : i32
        %add3A_185 = arith.constant 80 : i32
        %add3A_186 = arith.addi %mul3A_184, %add3A_185 : i32
        %get3A_187 = arith.index_cast %add3A_186 : i32 to index
        %get3A_188 = tpu.vector_load %arg13[%get3A_187] {strides = array<i32>} : memref<10240xi32, #tpu.memory_space<vmem>>, vector<16xi32>,
        %swap3A_189 = arith.constant 80 : index
        %swap3A_190 = tpu.vector_load %arg17[%swap3A_189] {strides = array<i32>} : memref<128xi32, #tpu.memory_space<vmem>>, vector<16xi32>,
        tpu.vector_store %arg17[%swap3A_189], %get3A_188 {strides = array<i32>} : memref<128xi32, #tpu.memory_space<vmem>>, vector<16xi32>,
        %mul3A_191 = arith.constant 128 : i32
        %mul3A_192 = arith.muli %scan3A_103, %mul3A_191 : i32
        %add3A_193 = arith.constant 80 : i32
        %add3A_194 = arith.addi %mul3A_192, %add3A_193 : i32
        %get3A_195 = arith.index_cast %add3A_194 : i32 to index
        %get3A_196 = tpu.vector_load %arg14[%get3A_195] {strides = array<i32>} : memref<10240xi32, #tpu.memory_space<vmem>>, vector<16xi32>,
        %swap3A_197 = arith.constant 80 : index
        %swap3A_198 = tpu.vector_load %arg18[%swap3A_197] {strides = array<i32>} : memref<128xi32, #tpu.memory_space<vmem>>, vector<16xi32>,
        tpu.vector_store %arg18[%swap3A_197], %get3A_196 {strides = array<i32>} : memref<128xi32, #tpu.memory_space<vmem>>, vector<16xi32>,
        %mul3A_199 = arith.constant 128 : i32
        %mul3A_200 = arith.muli %scan3A_103, %mul3A_199 : i32
        %add3A_201 = arith.constant 96 : i32
        %add3A_202 = arith.addi %mul3A_200, %add3A_201 : i32
        %get3A_203 = arith.index_cast %add3A_202 : i32 to index
        %get3A_204 = tpu.vector_load %arg13[%get3A_203] {strides = array<i32>} : memref<10240xi32, #tpu.memory_space<vmem>>, vector<16xi32>,
        %swap3A_205 = arith.constant 96 : index
        %swap3A_206 = tpu.vector_load %arg17[%swap3A_205] {strides = array<i32>} : memref<128xi32, #tpu.memory_space<vmem>>, vector<16xi32>,
        tpu.vector_store %arg17[%swap3A_205], %get3A_204 {strides = array<i32>} : memref<128xi32, #tpu.memory_space<vmem>>, vector<16xi32>,
        %mul3A_207 = arith.constant 128 : i32
        %mul3A_208 = arith.muli %scan3A_103, %mul3A_207 : i32
        %add3A_209 = arith.constant 96 : i32
        %add3A_210 = arith.addi %mul3A_208, %add3A_209 : i32
        %get3A_211 = arith.index_cast %add3A_210 : i32 to index
        %get3A_212 = tpu.vector_load %arg14[%get3A_211] {strides = array<i32>} : memref<10240xi32, #tpu.memory_space<vmem>>, vector<16xi32>,
        %swap3A_213 = arith.constant 96 : index
        %swap3A_214 = tpu.vector_load %arg18[%swap3A_213] {strides = array<i32>} : memref<128xi32, #tpu.memory_space<vmem>>, vector<16xi32>,
        tpu.vector_store %arg18[%swap3A_213], %get3A_212 {strides = array<i32>} : memref<128xi32, #tpu.memory_space<vmem>>, vector<16xi32>,
        %mul3A_215 = arith.constant 128 : i32
        %mul3A_216 = arith.muli %scan3A_103, %mul3A_215 : i32
        %add3A_217 = arith.constant 112 : i32
        %add3A_218 = arith.addi %mul3A_216, %add3A_217 : i32
        %get3A_219 = arith.index_cast %add3A_218 : i32 to index
        %get3A_220 = tpu.vector_load %arg13[%get3A_219] {strides = array<i32>} : memref<10240xi32, #tpu.memory_space<vmem>>, vector<16xi32>,
        %swap3A_221 = arith.constant 112 : index
        %swap3A_222 = tpu.vector_load %arg17[%swap3A_221] {strides = array<i32>} : memref<128xi32, #tpu.memory_space<vmem>>, vector<16xi32>,
        tpu.vector_store %arg17[%swap3A_221], %get3A_220 {strides = array<i32>} : memref<128xi32, #tpu.memory_space<vmem>>, vector<16xi32>,
        %mul3A_223 = arith.constant 128 : i32
        %mul3A_224 = arith.muli %scan3A_103, %mul3A_223 : i32
        %add3A_225 = arith.constant 112 : i32
        %add3A_226 = arith.addi %mul3A_224, %add3A_225 : i32
        %get3A_227 = arith.index_cast %add3A_226 : i32 to index
        %get3A_228 = tpu.vector_load %arg14[%get3A_227] {strides = array<i32>} : memref<10240xi32, #tpu.memory_space<vmem>>, vector<16xi32>,
        %swap3A_229 = arith.constant 112 : index
        %swap3A_230 = tpu.vector_load %arg18[%swap3A_229] {strides = array<i32>} : memref<128xi32, #tpu.memory_space<vmem>>, vector<16xi32>,
        tpu.vector_store %arg18[%swap3A_229], %get3A_228 {strides = array<i32>} : memref<128xi32, #tpu.memory_space<vmem>>, vector<16xi32>,
        %dma_start3A = arith.constant 0 : i32
        %dma_start3A_231 = arith.constant 0 : i32
        %dma_start3A_232 = tpu.memref_slice %arg6[%dma_start3A, %dma_start3A_231] : memref<10000x64xf32, #tpu.memory_space<hbm>> -> memref<10000x64xf32, #tpu.memory_space<hbm>>
        tpu.enqueue_indirect_dma source(%dma_start3A_232 : memref<10000x64xf32, #tpu.memory_space<hbm>>) target(%arg16 : memref<128x64xf32, #tpu.memory_space<vmem>>) offsets(%arg17 : memref<128xi32, #tpu.memory_space<vmem>>) semaphore(%arg20 : memref<!tpu.dma_semaphore, #tpu.memory_space<semaphore_mem>>)
        %dma_wait3A = arith.constant 0 : i32
        %dma_wait3A_233 = arith.constant 0 : i32
        %dma_wait3A_234 = tpu.memref_slice %arg6[%dma_wait3A, %dma_wait3A_233] : memref<10000x64xf32, #tpu.memory_space<hbm>> -> memref<10000x64xf32, #tpu.memory_space<hbm>>
        tpu.wait_indirect_dma semaphore(%arg20 : memref<!tpu.dma_semaphore, #tpu.memory_space<semaphore_mem>>) src(%dma_wait3A_234 : memref<10000x64xf32, #tpu.memory_space<hbm>>) dst(%arg16 : memref<128x64xf32, #tpu.memory_space<vmem>>)
        %scan3A_235 = arith.constant 0 : i32
        %scan3A_236 = arith.constant 0 : i32
        %scan3A_237 = arith.constant 128 : i32
        %scan3A_238 = arith.addi %scan3A_236, %scan3A_237 : i32
        %scan3A_239 = arith.constant 1 : i32
        %scan3A_240 = scf.for %scan3A_243 = %scan3A_236 to %scan3A_238 step %scan3A_239 iter_args(%scan3A_244 = %scan3A_235) -> (i32)  : i32 {
          %mul3A_245 = arith.constant 128 : i32
          %mul3A_246 = arith.muli %scan3A_103, %mul3A_245 : i32
          %add3A_247 = arith.addi %mul3A_246, %scan3A_243 : i32
          %broadcast_in_dim3A_248 = vector.broadcast %add3A_247 : i32 to vector<16xi32>
          %gather3A = tpu.vector_load_idx %arg15[%broadcast_in_dim3A_248] : memref<10240xf32, #tpu.memory_space<vmem>>[vector<16xi32>], vector<16xf32>,
          %get3A_249 = arith.index_cast %scan3A_243 : i32 to index
          %get3A_250 = arith.constant 0 : index
          %get3A_251 = tpu.vector_load %arg16[%get3A_249, %get3A_250] {strides = array<i32>} : memref<128x64xf32, #tpu.memory_space<vmem>>, vector<16xf32>,
          %mul3A_252 = arith.mulf %get3A_251, %gather3A : vector<16xf32>
          %swap3A_253 = arith.index_cast %scan3A_243 : i32 to index
          %swap3A_254 = arith.constant 0 : index
          %swap3A_255 = tpu.vector_load %arg16[%swap3A_253, %swap3A_254] {strides = array<i32>} : memref<128x64xf32, #tpu.memory_space<vmem>>, vector<16xf32>,
          tpu.vector_store %arg16[%swap3A_253, %swap3A_254], %mul3A_252 {strides = array<i32>} : memref<128x64xf32, #tpu.memory_space<vmem>>, vector<16xf32>,
          %get3A_256 = arith.index_cast %scan3A_243 : i32 to index
          %get3A_257 = arith.constant 16 : index
          %get3A_258 = tpu.vector_load %arg16[%get3A_256, %get3A_257] {strides = array<i32>} : memref<128x64xf32, #tpu.memory_space<vmem>>, vector<16xf32>,
          %mul3A_259 = arith.mulf %get3A_258, %gather3A : vector<16xf32>
          %swap3A_260 = arith.index_cast %scan3A_243 : i32 to index
          %swap3A_261 = arith.constant 16 : index
          %swap3A_262 = tpu.vector_load %arg16[%swap3A_260, %swap3A_261] {strides = array<i32>} : memref<128x64xf32, #tpu.memory_space<vmem>>, vector<16xf32>,
          tpu.vector_store %arg16[%swap3A_260, %swap3A_261], %mul3A_259 {strides = array<i32>} : memref<128x64xf32, #tpu.memory_space<vmem>>, vector<16xf32>,
          %get3A_263 = arith.index_cast %scan3A_243 : i32 to index
          %get3A_264 = arith.constant 32 : index
          %get3A_265 = tpu.vector_load %arg16[%get3A_263, %get3A_264] {strides = array<i32>} : memref<128x64xf32, #tpu.memory_space<vmem>>, vector<16xf32>,
          %mul3A_266 = arith.mulf %get3A_265, %gather3A : vector<16xf32>
          %swap3A_267 = arith.index_cast %scan3A_243 : i32 to index
          %swap3A_268 = arith.constant 32 : index
          %swap3A_269 = tpu.vector_load %arg16[%swap3A_267, %swap3A_268] {strides = array<i32>} : memref<128x64xf32, #tpu.memory_space<vmem>>, vector<16xf32>,
          tpu.vector_store %arg16[%swap3A_267, %swap3A_268], %mul3A_266 {strides = array<i32>} : memref<128x64xf32, #tpu.memory_space<vmem>>, vector<16xf32>,
          %get3A_270 = arith.index_cast %scan3A_243 : i32 to index
          %get3A_271 = arith.constant 48 : index
          %get3A_272 = tpu.vector_load %arg16[%get3A_270, %get3A_271] {strides = array<i32>} : memref<128x64xf32, #tpu.memory_space<vmem>>, vector<16xf32>,
          %mul3A_273 = arith.mulf %get3A_272, %gather3A : vector<16xf32>
          %swap3A_274 = arith.index_cast %scan3A_243 : i32 to index
          %swap3A_275 = arith.constant 48 : index
          %swap3A_276 = tpu.vector_load %arg16[%swap3A_274, %swap3A_275] {strides = array<i32>} : memref<128x64xf32, #tpu.memory_space<vmem>>, vector<16xf32>,
          tpu.vector_store %arg16[%swap3A_274, %swap3A_275], %mul3A_273 {strides = array<i32>} : memref<128x64xf32, #tpu.memory_space<vmem>>, vector<16xf32>,
          %scan3A_277 = arith.constant 0 : i32
          scf.yield %scan3A_277 : i32
        }
        %scan3A_241 = arith.constant 128 : i32
        "tpu.region"() ({
          %run_scoped3A = tpu.sem_alloc : memref<!tpu.dma_semaphore, #tpu.memory_space<semaphore_mem>>
          %dma_start3A_243 = arith.constant 0 : i32
          %dma_start3A_244 = arith.constant 0 : i32
          %dma_start3A_245 = tpu.memref_slice %arg19[%dma_start3A_243, %dma_start3A_244] : memref<10240x64xf32, #tpu.memory_space<vmem_shared>> -> memref<10240x64xf32, #tpu.memory_space<vmem_shared>>
          tpu.enqueue_indirect_dma source(%arg16 : memref<128x64xf32, #tpu.memory_space<vmem>>) target(%dma_start3A_245 : memref<10240x64xf32, #tpu.memory_space<vmem_shared>>) offsets(%arg18 : memref<128xi32, #tpu.memory_space<vmem>>) semaphore(%run_scoped3A : memref<!tpu.dma_semaphore, #tpu.memory_space<semaphore_mem>>) {add = true}
          %dma_wait3A_246 = arith.constant 0 : i32
          %dma_wait3A_247 = arith.constant 0 : i32
          %dma_wait3A_248 = tpu.memref_slice %arg19[%dma_wait3A_246, %dma_wait3A_247] : memref<10240x64xf32, #tpu.memory_space<vmem_shared>> -> memref<10240x64xf32, #tpu.memory_space<vmem_shared>>
          tpu.wait_indirect_dma semaphore(%run_scoped3A : memref<!tpu.dma_semaphore, #tpu.memory_space<semaphore_mem>>) src(%arg16 : memref<128x64xf32, #tpu.memory_space<vmem>>) dst(%dma_wait3A_248 : memref<10240x64xf32, #tpu.memory_space<vmem_shared>>)
          tpu.yield
        }) : () -> ()
        %scan3A_242 = arith.constant 0 : i32
        scf.yield %scan3A_242 : i32
      }
      %scan3A_102 = arith.constant 80 : i32
    } else {
    }
    %eq3A_80 = arith.constant 1 : i32
    %eq3A_81 = arith.cmpi eq, %arg0, %eq3A_80 : i32
    %convert_element_type3A_82 = arith.extui %eq3A_81 : i1 to i32
    %cond3A_83 = arith.constant 0 : i32
    %cond3A_84 = arith.cmpi ne, %convert_element_type3A_82, %cond3A_83 : i32
    scf.if %cond3A_84 {
      %scan3A_96 = arith.constant 0 : i32
      %scan3A_97 = arith.constant 0 : i32
      %scan3A_98 = arith.constant 80 : i32
      %scan3A_99 = arith.addi %scan3A_97, %scan3A_98 : i32
      %scan3A_100 = arith.constant 1 : i32
      %scan3A_101 = scf.for %scan3A_103 = %scan3A_97 to %scan3A_99 step %scan3A_100 iter_args(%scan3A_104 = %scan3A_96) -> (i32)  : i32 {
        %mul3A_105 = arith.constant 128 : i32
        %mul3A_106 = arith.muli %scan3A_103, %mul3A_105 : i32
        %add3A_107 = arith.constant 0 : i32
        %add3A_108 = arith.addi %mul3A_106, %add3A_107 : i32
        %get3A = arith.index_cast %add3A_108 : i32 to index
        %get3A_109 = tpu.vector_load %arg13[%get3A] {strides = array<i32>} : memref<10240xi32, #tpu.memory_space<vmem>>, vector<16xi32>,
        %swap3A = arith.constant 0 : index
        %swap3A_110 = tpu.vector_load %arg17[%swap3A] {strides = array<i32>} : memref<128xi32, #tpu.memory_space<vmem>>, vector<16xi32>,
        tpu.vector_store %arg17[%swap3A], %get3A_109 {strides = array<i32>} : memref<128xi32, #tpu.memory_space<vmem>>, vector<16xi32>,
        %mul3A_111 = arith.constant 128 : i32
        %mul3A_112 = arith.muli %scan3A_103, %mul3A_111 : i32
        %add3A_113 = arith.constant 0 : i32
        %add3A_114 = arith.addi %mul3A_112, %add3A_113 : i32
        %get3A_115 = arith.index_cast %add3A_114 : i32 to index
        %get3A_116 = tpu.vector_load %arg14[%get3A_115] {strides = array<i32>} : memref<10240xi32, #tpu.memory_space<vmem>>, vector<16xi32>,
        %swap3A_117 = arith.constant 0 : index
        %swap3A_118 = tpu.vector_load %arg18[%swap3A_117] {strides = array<i32>} : memref<128xi32, #tpu.memory_space<vmem>>, vector<16xi32>,
        tpu.vector_store %arg18[%swap3A_117], %get3A_116 {strides = array<i32>} : memref<128xi32, #tpu.memory_space<vmem>>, vector<16xi32>,
        %mul3A_119 = arith.constant 128 : i32
        %mul3A_120 = arith.muli %scan3A_103, %mul3A_119 : i32
        %add3A_121 = arith.constant 16 : i32
        %add3A_122 = arith.addi %mul3A_120, %add3A_121 : i32
        %get3A_123 = arith.index_cast %add3A_122 : i32 to index
        %get3A_124 = tpu.vector_load %arg13[%get3A_123] {strides = array<i32>} : memref<10240xi32, #tpu.memory_space<vmem>>, vector<16xi32>,
        %swap3A_125 = arith.constant 16 : index
        %swap3A_126 = tpu.vector_load %arg17[%swap3A_125] {strides = array<i32>} : memref<128xi32, #tpu.memory_space<vmem>>, vector<16xi32>,
        tpu.vector_store %arg17[%swap3A_125], %get3A_124 {strides = array<i32>} : memref<128xi32, #tpu.memory_space<vmem>>, vector<16xi32>,
        %mul3A_127 = arith.constant 128 : i32
        %mul3A_128 = arith.muli %scan3A_103, %mul3A_127 : i32
        %add3A_129 = arith.constant 16 : i32
        %add3A_130 = arith.addi %mul3A_128, %add3A_129 : i32
        %get3A_131 = arith.index_cast %add3A_130 : i32 to index
        %get3A_132 = tpu.vector_load %arg14[%get3A_131] {strides = array<i32>} : memref<10240xi32, #tpu.memory_space<vmem>>, vector<16xi32>,
        %swap3A_133 = arith.constant 16 : index
        %swap3A_134 = tpu.vector_load %arg18[%swap3A_133] {strides = array<i32>} : memref<128xi32, #tpu.memory_space<vmem>>, vector<16xi32>,
        tpu.vector_store %arg18[%swap3A_133], %get3A_132 {strides = array<i32>} : memref<128xi32, #tpu.memory_space<vmem>>, vector<16xi32>,
        %mul3A_135 = arith.constant 128 : i32
        %mul3A_136 = arith.muli %scan3A_103, %mul3A_135 : i32
        %add3A_137 = arith.constant 32 : i32
        %add3A_138 = arith.addi %mul3A_136, %add3A_137 : i32
        %get3A_139 = arith.index_cast %add3A_138 : i32 to index
        %get3A_140 = tpu.vector_load %arg13[%get3A_139] {strides = array<i32>} : memref<10240xi32, #tpu.memory_space<vmem>>, vector<16xi32>,
        %swap3A_141 = arith.constant 32 : index
        %swap3A_142 = tpu.vector_load %arg17[%swap3A_141] {strides = array<i32>} : memref<128xi32, #tpu.memory_space<vmem>>, vector<16xi32>,
        tpu.vector_store %arg17[%swap3A_141], %get3A_140 {strides = array<i32>} : memref<128xi32, #tpu.memory_space<vmem>>, vector<16xi32>,
        %mul3A_143 = arith.constant 128 : i32
        %mul3A_144 = arith.muli %scan3A_103, %mul3A_143 : i32
        %add3A_145 = arith.constant 32 : i32
        %add3A_146 = arith.addi %mul3A_144, %add3A_145 : i32
        %get3A_147 = arith.index_cast %add3A_146 : i32 to index
        %get3A_148 = tpu.vector_load %arg14[%get3A_147] {strides = array<i32>} : memref<10240xi32, #tpu.memory_space<vmem>>, vector<16xi32>,
        %swap3A_149 = arith.constant 32 : index
        %swap3A_150 = tpu.vector_load %arg18[%swap3A_149] {strides = array<i32>} : memref<128xi32, #tpu.memory_space<vmem>>, vector<16xi32>,
        tpu.vector_store %arg18[%swap3A_149], %get3A_148 {strides = array<i32>} : memref<128xi32, #tpu.memory_space<vmem>>, vector<16xi32>,
        %mul3A_151 = arith.constant 128 : i32
        %mul3A_152 = arith.muli %scan3A_103, %mul3A_151 : i32
        %add3A_153 = arith.constant 48 : i32
        %add3A_154 = arith.addi %mul3A_152, %add3A_153 : i32
        %get3A_155 = arith.index_cast %add3A_154 : i32 to index
        %get3A_156 = tpu.vector_load %arg13[%get3A_155] {strides = array<i32>} : memref<10240xi32, #tpu.memory_space<vmem>>, vector<16xi32>,
        %swap3A_157 = arith.constant 48 : index
        %swap3A_158 = tpu.vector_load %arg17[%swap3A_157] {strides = array<i32>} : memref<128xi32, #tpu.memory_space<vmem>>, vector<16xi32>,
        tpu.vector_store %arg17[%swap3A_157], %get3A_156 {strides = array<i32>} : memref<128xi32, #tpu.memory_space<vmem>>, vector<16xi32>,
        %mul3A_159 = arith.constant 128 : i32
        %mul3A_160 = arith.muli %scan3A_103, %mul3A_159 : i32
        %add3A_161 = arith.constant 48 : i32
        %add3A_162 = arith.addi %mul3A_160, %add3A_161 : i32
        %get3A_163 = arith.index_cast %add3A_162 : i32 to index
        %get3A_164 = tpu.vector_load %arg14[%get3A_163] {strides = array<i32>} : memref<10240xi32, #tpu.memory_space<vmem>>, vector<16xi32>,
        %swap3A_165 = arith.constant 48 : index
        %swap3A_166 = tpu.vector_load %arg18[%swap3A_165] {strides = array<i32>} : memref<128xi32, #tpu.memory_space<vmem>>, vector<16xi32>,
        tpu.vector_store %arg18[%swap3A_165], %get3A_164 {strides = array<i32>} : memref<128xi32, #tpu.memory_space<vmem>>, vector<16xi32>,
        %mul3A_167 = arith.constant 128 : i32
        %mul3A_168 = arith.muli %scan3A_103, %mul3A_167 : i32
        %add3A_169 = arith.constant 64 : i32
        %add3A_170 = arith.addi %mul3A_168, %add3A_169 : i32
        %get3A_171 = arith.index_cast %add3A_170 : i32 to index
        %get3A_172 = tpu.vector_load %arg13[%get3A_171] {strides = array<i32>} : memref<10240xi32, #tpu.memory_space<vmem>>, vector<16xi32>,
        %swap3A_173 = arith.constant 64 : index
        %swap3A_174 = tpu.vector_load %arg17[%swap3A_173] {strides = array<i32>} : memref<128xi32, #tpu.memory_space<vmem>>, vector<16xi32>,
        tpu.vector_store %arg17[%swap3A_173], %get3A_172 {strides = array<i32>} : memref<128xi32, #tpu.memory_space<vmem>>, vector<16xi32>,
        %mul3A_175 = arith.constant 128 : i32
        %mul3A_176 = arith.muli %scan3A_103, %mul3A_175 : i32
        %add3A_177 = arith.constant 64 : i32
        %add3A_178 = arith.addi %mul3A_176, %add3A_177 : i32
        %get3A_179 = arith.index_cast %add3A_178 : i32 to index
        %get3A_180 = tpu.vector_load %arg14[%get3A_179] {strides = array<i32>} : memref<10240xi32, #tpu.memory_space<vmem>>, vector<16xi32>,
        %swap3A_181 = arith.constant 64 : index
        %swap3A_182 = tpu.vector_load %arg18[%swap3A_181] {strides = array<i32>} : memref<128xi32, #tpu.memory_space<vmem>>, vector<16xi32>,
        tpu.vector_store %arg18[%swap3A_181], %get3A_180 {strides = array<i32>} : memref<128xi32, #tpu.memory_space<vmem>>, vector<16xi32>,
        %mul3A_183 = arith.constant 128 : i32
        %mul3A_184 = arith.muli %scan3A_103, %mul3A_183 : i32
        %add3A_185 = arith.constant 80 : i32
        %add3A_186 = arith.addi %mul3A_184, %add3A_185 : i32
        %get3A_187 = arith.index_cast %add3A_186 : i32 to index
        %get3A_188 = tpu.vector_load %arg13[%get3A_187] {strides = array<i32>} : memref<10240xi32, #tpu.memory_space<vmem>>, vector<16xi32>,
        %swap3A_189 = arith.constant 80 : index
        %swap3A_190 = tpu.vector_load %arg17[%swap3A_189] {strides = array<i32>} : memref<128xi32, #tpu.memory_space<vmem>>, vector<16xi32>,
        tpu.vector_store %arg17[%swap3A_189], %get3A_188 {strides = array<i32>} : memref<128xi32, #tpu.memory_space<vmem>>, vector<16xi32>,
        %mul3A_191 = arith.constant 128 : i32
        %mul3A_192 = arith.muli %scan3A_103, %mul3A_191 : i32
        %add3A_193 = arith.constant 80 : i32
        %add3A_194 = arith.addi %mul3A_192, %add3A_193 : i32
        %get3A_195 = arith.index_cast %add3A_194 : i32 to index
        %get3A_196 = tpu.vector_load %arg14[%get3A_195] {strides = array<i32>} : memref<10240xi32, #tpu.memory_space<vmem>>, vector<16xi32>,
        %swap3A_197 = arith.constant 80 : index
        %swap3A_198 = tpu.vector_load %arg18[%swap3A_197] {strides = array<i32>} : memref<128xi32, #tpu.memory_space<vmem>>, vector<16xi32>,
        tpu.vector_store %arg18[%swap3A_197], %get3A_196 {strides = array<i32>} : memref<128xi32, #tpu.memory_space<vmem>>, vector<16xi32>,
        %mul3A_199 = arith.constant 128 : i32
        %mul3A_200 = arith.muli %scan3A_103, %mul3A_199 : i32
        %add3A_201 = arith.constant 96 : i32
        %add3A_202 = arith.addi %mul3A_200, %add3A_201 : i32
        %get3A_203 = arith.index_cast %add3A_202 : i32 to index
        %get3A_204 = tpu.vector_load %arg13[%get3A_203] {strides = array<i32>} : memref<10240xi32, #tpu.memory_space<vmem>>, vector<16xi32>,
        %swap3A_205 = arith.constant 96 : index
        %swap3A_206 = tpu.vector_load %arg17[%swap3A_205] {strides = array<i32>} : memref<128xi32, #tpu.memory_space<vmem>>, vector<16xi32>,
        tpu.vector_store %arg17[%swap3A_205], %get3A_204 {strides = array<i32>} : memref<128xi32, #tpu.memory_space<vmem>>, vector<16xi32>,
        %mul3A_207 = arith.constant 128 : i32
        %mul3A_208 = arith.muli %scan3A_103, %mul3A_207 : i32
        %add3A_209 = arith.constant 96 : i32
        %add3A_210 = arith.addi %mul3A_208, %add3A_209 : i32
        %get3A_211 = arith.index_cast %add3A_210 : i32 to index
        %get3A_212 = tpu.vector_load %arg14[%get3A_211] {strides = array<i32>} : memref<10240xi32, #tpu.memory_space<vmem>>, vector<16xi32>,
        %swap3A_213 = arith.constant 96 : index
        %swap3A_214 = tpu.vector_load %arg18[%swap3A_213] {strides = array<i32>} : memref<128xi32, #tpu.memory_space<vmem>>, vector<16xi32>,
        tpu.vector_store %arg18[%swap3A_213], %get3A_212 {strides = array<i32>} : memref<128xi32, #tpu.memory_space<vmem>>, vector<16xi32>,
        %mul3A_215 = arith.constant 128 : i32
        %mul3A_216 = arith.muli %scan3A_103, %mul3A_215 : i32
        %add3A_217 = arith.constant 112 : i32
        %add3A_218 = arith.addi %mul3A_216, %add3A_217 : i32
        %get3A_219 = arith.index_cast %add3A_218 : i32 to index
        %get3A_220 = tpu.vector_load %arg13[%get3A_219] {strides = array<i32>} : memref<10240xi32, #tpu.memory_space<vmem>>, vector<16xi32>,
        %swap3A_221 = arith.constant 112 : index
        %swap3A_222 = tpu.vector_load %arg17[%swap3A_221] {strides = array<i32>} : memref<128xi32, #tpu.memory_space<vmem>>, vector<16xi32>,
        tpu.vector_store %arg17[%swap3A_221], %get3A_220 {strides = array<i32>} : memref<128xi32, #tpu.memory_space<vmem>>, vector<16xi32>,
        %mul3A_223 = arith.constant 128 : i32
        %mul3A_224 = arith.muli %scan3A_103, %mul3A_223 : i32
        %add3A_225 = arith.constant 112 : i32
        %add3A_226 = arith.addi %mul3A_224, %add3A_225 : i32
        %get3A_227 = arith.index_cast %add3A_226 : i32 to index
        %get3A_228 = tpu.vector_load %arg14[%get3A_227] {strides = array<i32>} : memref<10240xi32, #tpu.memory_space<vmem>>, vector<16xi32>,
        %swap3A_229 = arith.constant 112 : index
        %swap3A_230 = tpu.vector_load %arg18[%swap3A_229] {strides = array<i32>} : memref<128xi32, #tpu.memory_space<vmem>>, vector<16xi32>,
        tpu.vector_store %arg18[%swap3A_229], %get3A_228 {strides = array<i32>} : memref<128xi32, #tpu.memory_space<vmem>>, vector<16xi32>,
        %dma_start3A = arith.constant 0 : i32
        %dma_start3A_231 = arith.constant 0 : i32
        %dma_start3A_232 = tpu.memref_slice %arg8[%dma_start3A, %dma_start3A_231] : memref<10000x64xf32, #tpu.memory_space<hbm>> -> memref<10000x64xf32, #tpu.memory_space<hbm>>
        tpu.enqueue_indirect_dma source(%dma_start3A_232 : memref<10000x64xf32, #tpu.memory_space<hbm>>) target(%arg16 : memref<128x64xf32, #tpu.memory_space<vmem>>) offsets(%arg17 : memref<128xi32, #tpu.memory_space<vmem>>) semaphore(%arg20 : memref<!tpu.dma_semaphore, #tpu.memory_space<semaphore_mem>>)
        %dma_wait3A = arith.constant 0 : i32
        %dma_wait3A_233 = arith.constant 0 : i32
        %dma_wait3A_234 = tpu.memref_slice %arg8[%dma_wait3A, %dma_wait3A_233] : memref<10000x64xf32, #tpu.memory_space<hbm>> -> memref<10000x64xf32, #tpu.memory_space<hbm>>
        tpu.wait_indirect_dma semaphore(%arg20 : memref<!tpu.dma_semaphore, #tpu.memory_space<semaphore_mem>>) src(%dma_wait3A_234 : memref<10000x64xf32, #tpu.memory_space<hbm>>) dst(%arg16 : memref<128x64xf32, #tpu.memory_space<vmem>>)
        %scan3A_235 = arith.constant 0 : i32
        %scan3A_236 = arith.constant 0 : i32
        %scan3A_237 = arith.constant 128 : i32
        %scan3A_238 = arith.addi %scan3A_236, %scan3A_237 : i32
        %scan3A_239 = arith.constant 1 : i32
        %scan3A_240 = scf.for %scan3A_243 = %scan3A_236 to %scan3A_238 step %scan3A_239 iter_args(%scan3A_244 = %scan3A_235) -> (i32)  : i32 {
          %mul3A_245 = arith.constant 128 : i32
          %mul3A_246 = arith.muli %scan3A_103, %mul3A_245 : i32
          %add3A_247 = arith.addi %mul3A_246, %scan3A_243 : i32
          %broadcast_in_dim3A_248 = vector.broadcast %add3A_247 : i32 to vector<16xi32>
          %gather3A = tpu.vector_load_idx %arg15[%broadcast_in_dim3A_248] : memref<10240xf32, #tpu.memory_space<vmem>>[vector<16xi32>], vector<16xf32>,
          %get3A_249 = arith.index_cast %scan3A_243 : i32 to index
          %get3A_250 = arith.constant 0 : index
          %get3A_251 = tpu.vector_load %arg16[%get3A_249, %get3A_250] {strides = array<i32>} : memref<128x64xf32, #tpu.memory_space<vmem>>, vector<16xf32>,
          %mul3A_252 = arith.mulf %get3A_251, %gather3A : vector<16xf32>
          %swap3A_253 = arith.index_cast %scan3A_243 : i32 to index
          %swap3A_254 = arith.constant 0 : index
          %swap3A_255 = tpu.vector_load %arg16[%swap3A_253, %swap3A_254] {strides = array<i32>} : memref<128x64xf32, #tpu.memory_space<vmem>>, vector<16xf32>,
          tpu.vector_store %arg16[%swap3A_253, %swap3A_254], %mul3A_252 {strides = array<i32>} : memref<128x64xf32, #tpu.memory_space<vmem>>, vector<16xf32>,
          %get3A_256 = arith.index_cast %scan3A_243 : i32 to index
          %get3A_257 = arith.constant 16 : index
          %get3A_258 = tpu.vector_load %arg16[%get3A_256, %get3A_257] {strides = array<i32>} : memref<128x64xf32, #tpu.memory_space<vmem>>, vector<16xf32>,
          %mul3A_259 = arith.mulf %get3A_258, %gather3A : vector<16xf32>
          %swap3A_260 = arith.index_cast %scan3A_243 : i32 to index
          %swap3A_261 = arith.constant 16 : index
          %swap3A_262 = tpu.vector_load %arg16[%swap3A_260, %swap3A_261] {strides = array<i32>} : memref<128x64xf32, #tpu.memory_space<vmem>>, vector<16xf32>,
          tpu.vector_store %arg16[%swap3A_260, %swap3A_261], %mul3A_259 {strides = array<i32>} : memref<128x64xf32, #tpu.memory_space<vmem>>, vector<16xf32>,
          %get3A_263 = arith.index_cast %scan3A_243 : i32 to index
          %get3A_264 = arith.constant 32 : index
          %get3A_265 = tpu.vector_load %arg16[%get3A_263, %get3A_264] {strides = array<i32>} : memref<128x64xf32, #tpu.memory_space<vmem>>, vector<16xf32>,
          %mul3A_266 = arith.mulf %get3A_265, %gather3A : vector<16xf32>
          %swap3A_267 = arith.index_cast %scan3A_243 : i32 to index
          %swap3A_268 = arith.constant 32 : index
          %swap3A_269 = tpu.vector_load %arg16[%swap3A_267, %swap3A_268] {strides = array<i32>} : memref<128x64xf32, #tpu.memory_space<vmem>>, vector<16xf32>,
          tpu.vector_store %arg16[%swap3A_267, %swap3A_268], %mul3A_266 {strides = array<i32>} : memref<128x64xf32, #tpu.memory_space<vmem>>, vector<16xf32>,
          %get3A_270 = arith.index_cast %scan3A_243 : i32 to index
          %get3A_271 = arith.constant 48 : index
          %get3A_272 = tpu.vector_load %arg16[%get3A_270, %get3A_271] {strides = array<i32>} : memref<128x64xf32, #tpu.memory_space<vmem>>, vector<16xf32>,
          %mul3A_273 = arith.mulf %get3A_272, %gather3A : vector<16xf32>
          %swap3A_274 = arith.index_cast %scan3A_243 : i32 to index
          %swap3A_275 = arith.constant 48 : index
          %swap3A_276 = tpu.vector_load %arg16[%swap3A_274, %swap3A_275] {strides = array<i32>} : memref<128x64xf32, #tpu.memory_space<vmem>>, vector<16xf32>,
          tpu.vector_store %arg16[%swap3A_274, %swap3A_275], %mul3A_273 {strides = array<i32>} : memref<128x64xf32, #tpu.memory_space<vmem>>, vector<16xf32>,
          %scan3A_277 = arith.constant 0 : i32
          scf.yield %scan3A_277 : i32
        }
        %scan3A_241 = arith.constant 128 : i32
        "tpu.region"() ({
          %run_scoped3A = tpu.sem_alloc : memref<!tpu.dma_semaphore, #tpu.memory_space<semaphore_mem>>
          %dma_start3A_243 = arith.constant 0 : i32
          %dma_start3A_244 = arith.constant 0 : i32
          %dma_start3A_245 = tpu.memref_slice %arg19[%dma_start3A_243, %dma_start3A_244] : memref<10240x64xf32, #tpu.memory_space<vmem_shared>> -> memref<10240x64xf32, #tpu.memory_space<vmem_shared>>
          tpu.enqueue_indirect_dma source(%arg16 : memref<128x64xf32, #tpu.memory_space<vmem>>) target(%dma_start3A_245 : memref<10240x64xf32, #tpu.memory_space<vmem_shared>>) offsets(%arg18 : memref<128xi32, #tpu.memory_space<vmem>>) semaphore(%run_scoped3A : memref<!tpu.dma_semaphore, #tpu.memory_space<semaphore_mem>>) {add = true}
          %dma_wait3A_246 = arith.constant 0 : i32
          %dma_wait3A_247 = arith.constant 0 : i32
          %dma_wait3A_248 = tpu.memref_slice %arg19[%dma_wait3A_246, %dma_wait3A_247] : memref<10240x64xf32, #tpu.memory_space<vmem_shared>> -> memref<10240x64xf32, #tpu.memory_space<vmem_shared>>
          tpu.wait_indirect_dma semaphore(%run_scoped3A : memref<!tpu.dma_semaphore, #tpu.memory_space<semaphore_mem>>) src(%arg16 : memref<128x64xf32, #tpu.memory_space<vmem>>) dst(%dma_wait3A_248 : memref<10240x64xf32, #tpu.memory_space<vmem_shared>>)
          tpu.yield
        }) : () -> ()
        %scan3A_242 = arith.constant 0 : i32
        scf.yield %scan3A_242 : i32
      }
      %scan3A_102 = arith.constant 80 : i32
    } else {
    }
    %barrier3A_85 = arith.constant 0 : index
    tpu.barrier barrier_id(%barrier3A_85)
    %eq3A_86 = arith.constant 0 : i32
    %eq3A_87 = arith.cmpi eq, %arg0, %eq3A_86 : i32
    %convert_element_type3A_88 = arith.extui %eq3A_87 : i1 to i32
    %cond3A_89 = arith.constant 0 : i32
    %cond3A_90 = arith.cmpi ne, %convert_element_type3A_88, %cond3A_89 : i32
    scf.if %cond3A_90 {
      %mul3A_96 = arith.constant 640 : i32
      %mul3A_97 = arith.muli %arg1, %mul3A_96 : i32
      %mul3A_98 = arith.constant 640 : i32
      %mul3A_99 = arith.muli %arg1, %mul3A_98 : i32
      "tpu.region"() ({
        %run_scoped3A = tpu.sem_alloc : memref<!tpu.dma_semaphore, #tpu.memory_space<semaphore_mem>>
        %dma_start3A = arith.constant 0 : i32
        %dma_start3A_100 = tpu.memref_slice %arg10[%mul3A_99, %dma_start3A] : memref<10240x64xf32, #tpu.memory_space<hbm>> -> memref<640x64xf32, #tpu.memory_space<hbm>>
        %dma_start3A_101 = arith.constant 0 : i32
        %dma_start3A_102 = tpu.memref_slice %arg19[%mul3A_97, %dma_start3A_101] : memref<10240x64xf32, #tpu.memory_space<vmem_shared>> -> memref<640x64xf32, #tpu.memory_space<vmem_shared>>
        tpu.enqueue_dma source(%dma_start3A_102 : memref<640x64xf32, #tpu.memory_space<vmem_shared>>) target(%dma_start3A_100 : memref<640x64xf32, #tpu.memory_space<hbm>>) target_semaphore(%run_scoped3A : memref<!tpu.dma_semaphore, #tpu.memory_space<semaphore_mem>>)
        %dma_wait3A = arith.constant 0 : i32
        %dma_wait3A_103 = tpu.memref_slice %arg10[%mul3A_99, %dma_wait3A] : memref<10240x64xf32, #tpu.memory_space<hbm>> -> memref<640x64xf32, #tpu.memory_space<hbm>>
        %dma_wait3A_104 = arith.constant 0 : i32
        %dma_wait3A_105 = tpu.memref_slice %arg19[%mul3A_97, %dma_wait3A_104] : memref<10240x64xf32, #tpu.memory_space<vmem_shared>> -> memref<640x64xf32, #tpu.memory_space<vmem_shared>>
        tpu.wait_dma2 semaphore(%run_scoped3A : memref<!tpu.dma_semaphore, #tpu.memory_space<semaphore_mem>>) src(%dma_wait3A_105 : memref<640x64xf32, #tpu.memory_space<vmem_shared>>) dst(%dma_wait3A_103 : memref<640x64xf32, #tpu.memory_space<hbm>>)
        tpu.yield
      }) : () -> ()
    } else {
    }
    %eq3A_91 = arith.constant 1 : i32
    %eq3A_92 = arith.cmpi eq, %arg0, %eq3A_91 : i32
    %convert_element_type3A_93 = arith.extui %eq3A_92 : i1 to i32
    %cond3A_94 = arith.constant 0 : i32
    %cond3A_95 = arith.cmpi ne, %convert_element_type3A_93, %cond3A_94 : i32
    scf.if %cond3A_95 {
      %mul3A_96 = arith.constant 640 : i32
      %mul3A_97 = arith.muli %arg1, %mul3A_96 : i32
      %mul3A_98 = arith.constant 640 : i32
      %mul3A_99 = arith.muli %arg1, %mul3A_98 : i32
      "tpu.region"() ({
        %run_scoped3A = tpu.sem_alloc : memref<!tpu.dma_semaphore, #tpu.memory_space<semaphore_mem>>
        %dma_start3A = arith.constant 0 : i32
        %dma_start3A_100 = tpu.memref_slice %arg12[%mul3A_99, %dma_start3A] : memref<10240x64xf32, #tpu.memory_space<hbm>> -> memref<640x64xf32, #tpu.memory_space<hbm>>
        %dma_start3A_101 = arith.constant 0 : i32
        %dma_start3A_102 = tpu.memref_slice %arg19[%mul3A_97, %dma_start3A_101] : memref<10240x64xf32, #tpu.memory_space<vmem_shared>> -> memref<640x64xf32, #tpu.memory_space<vmem_shared>>
        tpu.enqueue_dma source(%dma_start3A_102 : memref<640x64xf32, #tpu.memory_space<vmem_shared>>) target(%dma_start3A_100 : memref<640x64xf32, #tpu.memory_space<hbm>>) target_semaphore(%run_scoped3A : memref<!tpu.dma_semaphore, #tpu.memory_space<semaphore_mem>>)
        %dma_wait3A = arith.constant 0 : i32
        %dma_wait3A_103 = tpu.memref_slice %arg12[%mul3A_99, %dma_wait3A] : memref<10240x64xf32, #tpu.memory_space<hbm>> -> memref<640x64xf32, #tpu.memory_space<hbm>>
        %dma_wait3A_104 = arith.constant 0 : i32
        %dma_wait3A_105 = tpu.memref_slice %arg19[%mul3A_97, %dma_wait3A_104] : memref<10240x64xf32, #tpu.memory_space<vmem_shared>> -> memref<640x64xf32, #tpu.memory_space<vmem_shared>>
        tpu.wait_dma2 semaphore(%run_scoped3A : memref<!tpu.dma_semaphore, #tpu.memory_space<semaphore_mem>>) src(%dma_wait3A_105 : memref<640x64xf32, #tpu.memory_space<vmem_shared>>) dst(%dma_wait3A_103 : memref<640x64xf32, #tpu.memory_space<hbm>>)
        tpu.yield
      }) : () -> ()
    } else {
    }
    return
  }
}

#map = affine_map<(d0, d1) -> (0)>
#map1 = affine_map<(d0, d1) -> (0, 0)>
module attributes {stable_mosaic.version = 14 : i64} {
  func.func @_sc_layer1(%arg0: i32, %arg1: i32, %arg2: memref<163840xi32, #tpu.memory_space<hbm>>, %arg3: memref<163840xi32, #tpu.memory_space<hbm>>, %arg4: memref<163840xf32, #tpu.memory_space<hbm>>, %arg5: memref<10000x64xf32, #tpu.memory_space<hbm>>, %arg6: memref<10000x64xf32, #tpu.memory_space<hbm>>, %arg7: memref<163840xf32, #tpu.memory_space<hbm>>, %arg8: memref<10000xf32, #tpu.memory_space<hbm>>, %arg9: memref<10240x64xf32, #tpu.memory_space<hbm>>, %arg10: memref<10240x64xf32, #tpu.memory_space<hbm>>, %arg11: memref<10240x64xf32, #tpu.memory_space<hbm>>, %arg12: memref<10240x64xf32, #tpu.memory_space<hbm>>, %arg13: memref<10240xi32, #tpu.memory_space<vmem>>, %arg14: memref<10240xf32, #tpu.memory_space<vmem>>, %arg15: memref<5120xi32, #tpu.memory_space<vmem>>, %arg16: memref<5120xi32, #tpu.memory_space<vmem>>, %arg17: memref<5120xf32, #tpu.memory_space<vmem>>, %arg18: memref<5120xf32, #tpu.memory_space<vmem>>, %arg19: memref<10240xf32, #tpu.memory_space<vmem>>, %arg20: memref<10240xf32, #tpu.memory_space<vmem>>, %arg21: memref<128x64xf32, #tpu.memory_space<vmem>>, %arg22: memref<128xi32, #tpu.memory_space<vmem>>, %arg23: memref<128xi32, #tpu.memory_space<vmem>>, %arg24: memref<128xf32, #tpu.memory_space<vmem>>, %arg25: memref<10240xf32, #tpu.memory_space<vmem_shared>>, %arg26: memref<10240x64xf32, #tpu.memory_space<vmem_shared>>, %arg27: memref<!tpu.dma_semaphore, #tpu.memory_space<semaphore_mem>>) attributes {dimension_semantics = [#tpu.dimension_semantics<core_parallel>, #tpu.dimension_semantics<subcore_parallel>], iteration_bounds = array<i64: 2, 16>, scalar_prefetch = 0 : i64, scratch_operands = 15 : i64, tpu.core_type = #tpu.core_type<sc_vector_subcore>, window_params = [{transform_indices = #map}, {transform_indices = #map}, {transform_indices = #map}, {transform_indices = #map1}, {transform_indices = #map1}, {transform_indices = #map}, {transform_indices = #map}, {transform_indices = #map1}, {transform_indices = #map1}, {transform_indices = #map1}, {transform_indices = #map1}]} {
    %mul3A = arith.constant 10240 : i32
    %mul3A_0 = arith.muli %arg1, %mul3A : i32
    "tpu.region"() ({
      %run_scoped3A = tpu.sem_alloc : memref<!tpu.dma_semaphore, #tpu.memory_space<semaphore_mem>>
      %dma_start3A = tpu.memref_slice %arg3[%mul3A_0] : memref<163840xi32, #tpu.memory_space<hbm>> -> memref<10240xi32, #tpu.memory_space<hbm>>
      %dma_start3A_164 = tpu.memref_slice %arg3[%mul3A_0] : memref<163840xi32, #tpu.memory_space<hbm>> -> memref<10240xi32, #tpu.memory_space<hbm>>
      tpu.enqueue_dma source(%dma_start3A_164 : memref<10240xi32, #tpu.memory_space<hbm>>) target(%arg13 : memref<10240xi32, #tpu.memory_space<vmem>>) target_semaphore(%run_scoped3A : memref<!tpu.dma_semaphore, #tpu.memory_space<semaphore_mem>>)
      %dma_wait3A = tpu.memref_slice %arg3[%mul3A_0] : memref<163840xi32, #tpu.memory_space<hbm>> -> memref<10240xi32, #tpu.memory_space<hbm>>
      %dma_wait3A_165 = tpu.memref_slice %arg3[%mul3A_0] : memref<163840xi32, #tpu.memory_space<hbm>> -> memref<10240xi32, #tpu.memory_space<hbm>>
      tpu.wait_dma2 semaphore(%run_scoped3A : memref<!tpu.dma_semaphore, #tpu.memory_space<semaphore_mem>>) src(%dma_wait3A_165 : memref<10240xi32, #tpu.memory_space<hbm>>) dst(%arg13 : memref<10240xi32, #tpu.memory_space<vmem>>)
      tpu.yield
    }) : () -> ()
    %mul3A_1 = arith.constant 10240 : i32
    %mul3A_2 = arith.muli %arg1, %mul3A_1 : i32
    "tpu.region"() ({
      %run_scoped3A = tpu.sem_alloc : memref<!tpu.dma_semaphore, #tpu.memory_space<semaphore_mem>>
      %dma_start3A = tpu.memref_slice %arg4[%mul3A_2] : memref<163840xf32, #tpu.memory_space<hbm>> -> memref<10240xf32, #tpu.memory_space<hbm>>
      %dma_start3A_164 = tpu.memref_slice %arg4[%mul3A_2] : memref<163840xf32, #tpu.memory_space<hbm>> -> memref<10240xf32, #tpu.memory_space<hbm>>
      tpu.enqueue_dma source(%dma_start3A_164 : memref<10240xf32, #tpu.memory_space<hbm>>) target(%arg14 : memref<10240xf32, #tpu.memory_space<vmem>>) target_semaphore(%run_scoped3A : memref<!tpu.dma_semaphore, #tpu.memory_space<semaphore_mem>>)
      %dma_wait3A = tpu.memref_slice %arg4[%mul3A_2] : memref<163840xf32, #tpu.memory_space<hbm>> -> memref<10240xf32, #tpu.memory_space<hbm>>
      %dma_wait3A_165 = tpu.memref_slice %arg4[%mul3A_2] : memref<163840xf32, #tpu.memory_space<hbm>> -> memref<10240xf32, #tpu.memory_space<hbm>>
      tpu.wait_dma2 semaphore(%run_scoped3A : memref<!tpu.dma_semaphore, #tpu.memory_space<semaphore_mem>>) src(%dma_wait3A_165 : memref<10240xf32, #tpu.memory_space<hbm>>) dst(%arg14 : memref<10240xf32, #tpu.memory_space<vmem>>)
      tpu.yield
    }) : () -> ()
    %mul3A_3 = arith.constant 81920 : i32
    %mul3A_4 = arith.muli %arg0, %mul3A_3 : i32
    %mul3A_5 = arith.constant 5120 : i32
    %mul3A_6 = arith.muli %arg1, %mul3A_5 : i32
    %add3A = arith.addi %mul3A_4, %mul3A_6 : i32
    "tpu.region"() ({
      %run_scoped3A = tpu.sem_alloc : memref<!tpu.dma_semaphore, #tpu.memory_space<semaphore_mem>>
      %dma_start3A = tpu.memref_slice %arg2[%add3A] : memref<163840xi32, #tpu.memory_space<hbm>> -> memref<5120xi32, #tpu.memory_space<hbm>>
      %dma_start3A_164 = tpu.memref_slice %arg2[%add3A] : memref<163840xi32, #tpu.memory_space<hbm>> -> memref<5120xi32, #tpu.memory_space<hbm>>
      tpu.enqueue_dma source(%dma_start3A_164 : memref<5120xi32, #tpu.memory_space<hbm>>) target(%arg15 : memref<5120xi32, #tpu.memory_space<vmem>>) target_semaphore(%run_scoped3A : memref<!tpu.dma_semaphore, #tpu.memory_space<semaphore_mem>>)
      %dma_wait3A = tpu.memref_slice %arg2[%add3A] : memref<163840xi32, #tpu.memory_space<hbm>> -> memref<5120xi32, #tpu.memory_space<hbm>>
      %dma_wait3A_165 = tpu.memref_slice %arg2[%add3A] : memref<163840xi32, #tpu.memory_space<hbm>> -> memref<5120xi32, #tpu.memory_space<hbm>>
      tpu.wait_dma2 semaphore(%run_scoped3A : memref<!tpu.dma_semaphore, #tpu.memory_space<semaphore_mem>>) src(%dma_wait3A_165 : memref<5120xi32, #tpu.memory_space<hbm>>) dst(%arg15 : memref<5120xi32, #tpu.memory_space<vmem>>)
      tpu.yield
    }) : () -> ()
    "tpu.region"() ({
      %run_scoped3A = tpu.sem_alloc : memref<!tpu.dma_semaphore, #tpu.memory_space<semaphore_mem>>
      %dma_start3A = tpu.memref_slice %arg3[%add3A] : memref<163840xi32, #tpu.memory_space<hbm>> -> memref<5120xi32, #tpu.memory_space<hbm>>
      %dma_start3A_164 = tpu.memref_slice %arg3[%add3A] : memref<163840xi32, #tpu.memory_space<hbm>> -> memref<5120xi32, #tpu.memory_space<hbm>>
      tpu.enqueue_dma source(%dma_start3A_164 : memref<5120xi32, #tpu.memory_space<hbm>>) target(%arg16 : memref<5120xi32, #tpu.memory_space<vmem>>) target_semaphore(%run_scoped3A : memref<!tpu.dma_semaphore, #tpu.memory_space<semaphore_mem>>)
      %dma_wait3A = tpu.memref_slice %arg3[%add3A] : memref<163840xi32, #tpu.memory_space<hbm>> -> memref<5120xi32, #tpu.memory_space<hbm>>
      %dma_wait3A_165 = tpu.memref_slice %arg3[%add3A] : memref<163840xi32, #tpu.memory_space<hbm>> -> memref<5120xi32, #tpu.memory_space<hbm>>
      tpu.wait_dma2 semaphore(%run_scoped3A : memref<!tpu.dma_semaphore, #tpu.memory_space<semaphore_mem>>) src(%dma_wait3A_165 : memref<5120xi32, #tpu.memory_space<hbm>>) dst(%arg16 : memref<5120xi32, #tpu.memory_space<vmem>>)
      tpu.yield
    }) : () -> ()
    "tpu.region"() ({
      %run_scoped3A = tpu.sem_alloc : memref<!tpu.dma_semaphore, #tpu.memory_space<semaphore_mem>>
      %dma_start3A = tpu.memref_slice %arg4[%add3A] : memref<163840xf32, #tpu.memory_space<hbm>> -> memref<5120xf32, #tpu.memory_space<hbm>>
      %dma_start3A_164 = tpu.memref_slice %arg4[%add3A] : memref<163840xf32, #tpu.memory_space<hbm>> -> memref<5120xf32, #tpu.memory_space<hbm>>
      tpu.enqueue_dma source(%dma_start3A_164 : memref<5120xf32, #tpu.memory_space<hbm>>) target(%arg17 : memref<5120xf32, #tpu.memory_space<vmem>>) target_semaphore(%run_scoped3A : memref<!tpu.dma_semaphore, #tpu.memory_space<semaphore_mem>>)
      %dma_wait3A = tpu.memref_slice %arg4[%add3A] : memref<163840xf32, #tpu.memory_space<hbm>> -> memref<5120xf32, #tpu.memory_space<hbm>>
      %dma_wait3A_165 = tpu.memref_slice %arg4[%add3A] : memref<163840xf32, #tpu.memory_space<hbm>> -> memref<5120xf32, #tpu.memory_space<hbm>>
      tpu.wait_dma2 semaphore(%run_scoped3A : memref<!tpu.dma_semaphore, #tpu.memory_space<semaphore_mem>>) src(%dma_wait3A_165 : memref<5120xf32, #tpu.memory_space<hbm>>) dst(%arg17 : memref<5120xf32, #tpu.memory_space<vmem>>)
      tpu.yield
    }) : () -> ()
    %broadcast_in_dim3A = arith.constant 0.000000e+00 : f32
    %broadcast_in_dim3A_7 = vector.broadcast %broadcast_in_dim3A : f32 to vector<16xf32>
    %swap3A = arith.constant 0 : index
    %swap3A_8 = tpu.vector_load %arg24[%swap3A] {strides = array<i32>} : memref<128xf32, #tpu.memory_space<vmem>>, vector<16xf32>,
    tpu.vector_store %arg24[%swap3A], %broadcast_in_dim3A_7 {strides = array<i32>} : memref<128xf32, #tpu.memory_space<vmem>>, vector<16xf32>,
    %swap3A_9 = arith.constant 16 : index
    %swap3A_10 = tpu.vector_load %arg24[%swap3A_9] {strides = array<i32>} : memref<128xf32, #tpu.memory_space<vmem>>, vector<16xf32>,
    tpu.vector_store %arg24[%swap3A_9], %broadcast_in_dim3A_7 {strides = array<i32>} : memref<128xf32, #tpu.memory_space<vmem>>, vector<16xf32>,
    %swap3A_11 = arith.constant 32 : index
    %swap3A_12 = tpu.vector_load %arg24[%swap3A_11] {strides = array<i32>} : memref<128xf32, #tpu.memory_space<vmem>>, vector<16xf32>,
    tpu.vector_store %arg24[%swap3A_11], %broadcast_in_dim3A_7 {strides = array<i32>} : memref<128xf32, #tpu.memory_space<vmem>>, vector<16xf32>,
    %swap3A_13 = arith.constant 48 : index
    %swap3A_14 = tpu.vector_load %arg24[%swap3A_13] {strides = array<i32>} : memref<128xf32, #tpu.memory_space<vmem>>, vector<16xf32>,
    tpu.vector_store %arg24[%swap3A_13], %broadcast_in_dim3A_7 {strides = array<i32>} : memref<128xf32, #tpu.memory_space<vmem>>, vector<16xf32>,
    %swap3A_15 = arith.constant 64 : index
    %swap3A_16 = tpu.vector_load %arg24[%swap3A_15] {strides = array<i32>} : memref<128xf32, #tpu.memory_space<vmem>>, vector<16xf32>,
    tpu.vector_store %arg24[%swap3A_15], %broadcast_in_dim3A_7 {strides = array<i32>} : memref<128xf32, #tpu.memory_space<vmem>>, vector<16xf32>,
    %swap3A_17 = arith.constant 80 : index
    %swap3A_18 = tpu.vector_load %arg24[%swap3A_17] {strides = array<i32>} : memref<128xf32, #tpu.memory_space<vmem>>, vector<16xf32>,
    tpu.vector_store %arg24[%swap3A_17], %broadcast_in_dim3A_7 {strides = array<i32>} : memref<128xf32, #tpu.memory_space<vmem>>, vector<16xf32>,
    %swap3A_19 = arith.constant 96 : index
    %swap3A_20 = tpu.vector_load %arg24[%swap3A_19] {strides = array<i32>} : memref<128xf32, #tpu.memory_space<vmem>>, vector<16xf32>,
    tpu.vector_store %arg24[%swap3A_19], %broadcast_in_dim3A_7 {strides = array<i32>} : memref<128xf32, #tpu.memory_space<vmem>>, vector<16xf32>,
    %swap3A_21 = arith.constant 112 : index
    %swap3A_22 = tpu.vector_load %arg24[%swap3A_21] {strides = array<i32>} : memref<128xf32, #tpu.memory_space<vmem>>, vector<16xf32>,
    tpu.vector_store %arg24[%swap3A_21], %broadcast_in_dim3A_7 {strides = array<i32>} : memref<128xf32, #tpu.memory_space<vmem>>, vector<16xf32>,
    %mul3A_23 = arith.constant 640 : i32
    %mul3A_24 = arith.muli %arg1, %mul3A_23 : i32
    %add3A_25 = arith.constant 0 : i32
    %add3A_26 = arith.addi %mul3A_24, %add3A_25 : i32
    "tpu.region"() ({
      %run_scoped3A = tpu.sem_alloc : memref<!tpu.dma_semaphore, #tpu.memory_space<semaphore_mem>>
      %dma_start3A = tpu.memref_slice %arg25[%add3A_26] : memref<10240xf32, #tpu.memory_space<vmem_shared>> -> memref<128xf32, #tpu.memory_space<vmem_shared>>
      %dma_start3A_164 = tpu.memref_slice %arg25[%add3A_26] : memref<10240xf32, #tpu.memory_space<vmem_shared>> -> memref<128xf32, #tpu.memory_space<vmem_shared>>
      tpu.enqueue_dma source(%arg24 : memref<128xf32, #tpu.memory_space<vmem>>) target(%dma_start3A_164 : memref<128xf32, #tpu.memory_space<vmem_shared>>) target_semaphore(%run_scoped3A : memref<!tpu.dma_semaphore, #tpu.memory_space<semaphore_mem>>)
      %dma_wait3A = tpu.memref_slice %arg25[%add3A_26] : memref<10240xf32, #tpu.memory_space<vmem_shared>> -> memref<128xf32, #tpu.memory_space<vmem_shared>>
      %dma_wait3A_165 = tpu.memref_slice %arg25[%add3A_26] : memref<10240xf32, #tpu.memory_space<vmem_shared>> -> memref<128xf32, #tpu.memory_space<vmem_shared>>
      tpu.wait_dma2 semaphore(%run_scoped3A : memref<!tpu.dma_semaphore, #tpu.memory_space<semaphore_mem>>) src(%arg24 : memref<128xf32, #tpu.memory_space<vmem>>) dst(%dma_wait3A_165 : memref<128xf32, #tpu.memory_space<vmem_shared>>)
      tpu.yield
    }) : () -> ()
    %mul3A_27 = arith.constant 640 : i32
    %mul3A_28 = arith.muli %arg1, %mul3A_27 : i32
    %add3A_29 = arith.constant 128 : i32
    %add3A_30 = arith.addi %mul3A_28, %add3A_29 : i32
    "tpu.region"() ({
      %run_scoped3A = tpu.sem_alloc : memref<!tpu.dma_semaphore, #tpu.memory_space<semaphore_mem>>
      %dma_start3A = tpu.memref_slice %arg25[%add3A_30] : memref<10240xf32, #tpu.memory_space<vmem_shared>> -> memref<128xf32, #tpu.memory_space<vmem_shared>>
      %dma_start3A_164 = tpu.memref_slice %arg25[%add3A_30] : memref<10240xf32, #tpu.memory_space<vmem_shared>> -> memref<128xf32, #tpu.memory_space<vmem_shared>>
      tpu.enqueue_dma source(%arg24 : memref<128xf32, #tpu.memory_space<vmem>>) target(%dma_start3A_164 : memref<128xf32, #tpu.memory_space<vmem_shared>>) target_semaphore(%run_scoped3A : memref<!tpu.dma_semaphore, #tpu.memory_space<semaphore_mem>>)
      %dma_wait3A = tpu.memref_slice %arg25[%add3A_30] : memref<10240xf32, #tpu.memory_space<vmem_shared>> -> memref<128xf32, #tpu.memory_space<vmem_shared>>
      %dma_wait3A_165 = tpu.memref_slice %arg25[%add3A_30] : memref<10240xf32, #tpu.memory_space<vmem_shared>> -> memref<128xf32, #tpu.memory_space<vmem_shared>>
      tpu.wait_dma2 semaphore(%run_scoped3A : memref<!tpu.dma_semaphore, #tpu.memory_space<semaphore_mem>>) src(%arg24 : memref<128xf32, #tpu.memory_space<vmem>>) dst(%dma_wait3A_165 : memref<128xf32, #tpu.memory_space<vmem_shared>>)
      tpu.yield
    }) : () -> ()
    %mul3A_31 = arith.constant 640 : i32
    %mul3A_32 = arith.muli %arg1, %mul3A_31 : i32
    %add3A_33 = arith.constant 256 : i32
    %add3A_34 = arith.addi %mul3A_32, %add3A_33 : i32
    "tpu.region"() ({
      %run_scoped3A = tpu.sem_alloc : memref<!tpu.dma_semaphore, #tpu.memory_space<semaphore_mem>>
      %dma_start3A = tpu.memref_slice %arg25[%add3A_34] : memref<10240xf32, #tpu.memory_space<vmem_shared>> -> memref<128xf32, #tpu.memory_space<vmem_shared>>
      %dma_start3A_164 = tpu.memref_slice %arg25[%add3A_34] : memref<10240xf32, #tpu.memory_space<vmem_shared>> -> memref<128xf32, #tpu.memory_space<vmem_shared>>
      tpu.enqueue_dma source(%arg24 : memref<128xf32, #tpu.memory_space<vmem>>) target(%dma_start3A_164 : memref<128xf32, #tpu.memory_space<vmem_shared>>) target_semaphore(%run_scoped3A : memref<!tpu.dma_semaphore, #tpu.memory_space<semaphore_mem>>)
      %dma_wait3A = tpu.memref_slice %arg25[%add3A_34] : memref<10240xf32, #tpu.memory_space<vmem_shared>> -> memref<128xf32, #tpu.memory_space<vmem_shared>>
      %dma_wait3A_165 = tpu.memref_slice %arg25[%add3A_34] : memref<10240xf32, #tpu.memory_space<vmem_shared>> -> memref<128xf32, #tpu.memory_space<vmem_shared>>
      tpu.wait_dma2 semaphore(%run_scoped3A : memref<!tpu.dma_semaphore, #tpu.memory_space<semaphore_mem>>) src(%arg24 : memref<128xf32, #tpu.memory_space<vmem>>) dst(%dma_wait3A_165 : memref<128xf32, #tpu.memory_space<vmem_shared>>)
      tpu.yield
    }) : () -> ()
    %mul3A_35 = arith.constant 640 : i32
    %mul3A_36 = arith.muli %arg1, %mul3A_35 : i32
    %add3A_37 = arith.constant 384 : i32
    %add3A_38 = arith.addi %mul3A_36, %add3A_37 : i32
    "tpu.region"() ({
      %run_scoped3A = tpu.sem_alloc : memref<!tpu.dma_semaphore, #tpu.memory_space<semaphore_mem>>
      %dma_start3A = tpu.memref_slice %arg25[%add3A_38] : memref<10240xf32, #tpu.memory_space<vmem_shared>> -> memref<128xf32, #tpu.memory_space<vmem_shared>>
      %dma_start3A_164 = tpu.memref_slice %arg25[%add3A_38] : memref<10240xf32, #tpu.memory_space<vmem_shared>> -> memref<128xf32, #tpu.memory_space<vmem_shared>>
      tpu.enqueue_dma source(%arg24 : memref<128xf32, #tpu.memory_space<vmem>>) target(%dma_start3A_164 : memref<128xf32, #tpu.memory_space<vmem_shared>>) target_semaphore(%run_scoped3A : memref<!tpu.dma_semaphore, #tpu.memory_space<semaphore_mem>>)
      %dma_wait3A = tpu.memref_slice %arg25[%add3A_38] : memref<10240xf32, #tpu.memory_space<vmem_shared>> -> memref<128xf32, #tpu.memory_space<vmem_shared>>
      %dma_wait3A_165 = tpu.memref_slice %arg25[%add3A_38] : memref<10240xf32, #tpu.memory_space<vmem_shared>> -> memref<128xf32, #tpu.memory_space<vmem_shared>>
      tpu.wait_dma2 semaphore(%run_scoped3A : memref<!tpu.dma_semaphore, #tpu.memory_space<semaphore_mem>>) src(%arg24 : memref<128xf32, #tpu.memory_space<vmem>>) dst(%dma_wait3A_165 : memref<128xf32, #tpu.memory_space<vmem_shared>>)
      tpu.yield
    }) : () -> ()
    %mul3A_39 = arith.constant 640 : i32
    %mul3A_40 = arith.muli %arg1, %mul3A_39 : i32
    %add3A_41 = arith.constant 512 : i32
    %add3A_42 = arith.addi %mul3A_40, %add3A_41 : i32
    "tpu.region"() ({
      %run_scoped3A = tpu.sem_alloc : memref<!tpu.dma_semaphore, #tpu.memory_space<semaphore_mem>>
      %dma_start3A = tpu.memref_slice %arg25[%add3A_42] : memref<10240xf32, #tpu.memory_space<vmem_shared>> -> memref<128xf32, #tpu.memory_space<vmem_shared>>
      %dma_start3A_164 = tpu.memref_slice %arg25[%add3A_42] : memref<10240xf32, #tpu.memory_space<vmem_shared>> -> memref<128xf32, #tpu.memory_space<vmem_shared>>
      tpu.enqueue_dma source(%arg24 : memref<128xf32, #tpu.memory_space<vmem>>) target(%dma_start3A_164 : memref<128xf32, #tpu.memory_space<vmem_shared>>) target_semaphore(%run_scoped3A : memref<!tpu.dma_semaphore, #tpu.memory_space<semaphore_mem>>)
      %dma_wait3A = tpu.memref_slice %arg25[%add3A_42] : memref<10240xf32, #tpu.memory_space<vmem_shared>> -> memref<128xf32, #tpu.memory_space<vmem_shared>>
      %dma_wait3A_165 = tpu.memref_slice %arg25[%add3A_42] : memref<10240xf32, #tpu.memory_space<vmem_shared>> -> memref<128xf32, #tpu.memory_space<vmem_shared>>
      tpu.wait_dma2 semaphore(%run_scoped3A : memref<!tpu.dma_semaphore, #tpu.memory_space<semaphore_mem>>) src(%arg24 : memref<128xf32, #tpu.memory_space<vmem>>) dst(%dma_wait3A_165 : memref<128xf32, #tpu.memory_space<vmem_shared>>)
      tpu.yield
    }) : () -> ()
    %barrier3A = arith.constant 0 : index
    tpu.barrier barrier_id(%barrier3A)
    %scan3A = arith.constant 0 : i32
    %scan3A_43 = arith.constant 0 : i32
    %scan3A_44 = arith.constant 80 : i32
    %scan3A_45 = arith.addi %scan3A_43, %scan3A_44 : i32
    %scan3A_46 = arith.constant 1 : i32
    %scan3A_47 = scf.for %scan3A_164 = %scan3A_43 to %scan3A_45 step %scan3A_46 iter_args(%scan3A_165 = %scan3A) -> (i32)  : i32 {
      %mul3A_166 = arith.constant 128 : i32
      %mul3A_167 = arith.muli %scan3A_164, %mul3A_166 : i32
      %add3A_168 = arith.constant 0 : i32
      %add3A_169 = arith.addi %mul3A_167, %add3A_168 : i32
      %get3A = arith.index_cast %add3A_169 : i32 to index
      %get3A_170 = tpu.vector_load %arg13[%get3A] {strides = array<i32>} : memref<10240xi32, #tpu.memory_space<vmem>>, vector<16xi32>,
      %swap3A_171 = arith.constant 0 : index
      %swap3A_172 = tpu.vector_load %arg23[%swap3A_171] {strides = array<i32>} : memref<128xi32, #tpu.memory_space<vmem>>, vector<16xi32>,
      tpu.vector_store %arg23[%swap3A_171], %get3A_170 {strides = array<i32>} : memref<128xi32, #tpu.memory_space<vmem>>, vector<16xi32>,
      %mul3A_173 = arith.constant 128 : i32
      %mul3A_174 = arith.muli %scan3A_164, %mul3A_173 : i32
      %add3A_175 = arith.constant 0 : i32
      %add3A_176 = arith.addi %mul3A_174, %add3A_175 : i32
      %get3A_177 = arith.index_cast %add3A_176 : i32 to index
      %get3A_178 = tpu.vector_load %arg14[%get3A_177] {strides = array<i32>} : memref<10240xf32, #tpu.memory_space<vmem>>, vector<16xf32>,
      %swap3A_179 = arith.constant 0 : index
      %swap3A_180 = tpu.vector_load %arg24[%swap3A_179] {strides = array<i32>} : memref<128xf32, #tpu.memory_space<vmem>>, vector<16xf32>,
      tpu.vector_store %arg24[%swap3A_179], %get3A_178 {strides = array<i32>} : memref<128xf32, #tpu.memory_space<vmem>>, vector<16xf32>,
      %mul3A_181 = arith.constant 128 : i32
      %mul3A_182 = arith.muli %scan3A_164, %mul3A_181 : i32
      %add3A_183 = arith.constant 16 : i32
      %add3A_184 = arith.addi %mul3A_182, %add3A_183 : i32
      %get3A_185 = arith.index_cast %add3A_184 : i32 to index
      %get3A_186 = tpu.vector_load %arg13[%get3A_185] {strides = array<i32>} : memref<10240xi32, #tpu.memory_space<vmem>>, vector<16xi32>,
      %swap3A_187 = arith.constant 16 : index
      %swap3A_188 = tpu.vector_load %arg23[%swap3A_187] {strides = array<i32>} : memref<128xi32, #tpu.memory_space<vmem>>, vector<16xi32>,
      tpu.vector_store %arg23[%swap3A_187], %get3A_186 {strides = array<i32>} : memref<128xi32, #tpu.memory_space<vmem>>, vector<16xi32>,
      %mul3A_189 = arith.constant 128 : i32
      %mul3A_190 = arith.muli %scan3A_164, %mul3A_189 : i32
      %add3A_191 = arith.constant 16 : i32
      %add3A_192 = arith.addi %mul3A_190, %add3A_191 : i32
      %get3A_193 = arith.index_cast %add3A_192 : i32 to index
      %get3A_194 = tpu.vector_load %arg14[%get3A_193] {strides = array<i32>} : memref<10240xf32, #tpu.memory_space<vmem>>, vector<16xf32>,
      %swap3A_195 = arith.constant 16 : index
      %swap3A_196 = tpu.vector_load %arg24[%swap3A_195] {strides = array<i32>} : memref<128xf32, #tpu.memory_space<vmem>>, vector<16xf32>,
      tpu.vector_store %arg24[%swap3A_195], %get3A_194 {strides = array<i32>} : memref<128xf32, #tpu.memory_space<vmem>>, vector<16xf32>,
      %mul3A_197 = arith.constant 128 : i32
      %mul3A_198 = arith.muli %scan3A_164, %mul3A_197 : i32
      %add3A_199 = arith.constant 32 : i32
      %add3A_200 = arith.addi %mul3A_198, %add3A_199 : i32
      %get3A_201 = arith.index_cast %add3A_200 : i32 to index
      %get3A_202 = tpu.vector_load %arg13[%get3A_201] {strides = array<i32>} : memref<10240xi32, #tpu.memory_space<vmem>>, vector<16xi32>,
      %swap3A_203 = arith.constant 32 : index
      %swap3A_204 = tpu.vector_load %arg23[%swap3A_203] {strides = array<i32>} : memref<128xi32, #tpu.memory_space<vmem>>, vector<16xi32>,
      tpu.vector_store %arg23[%swap3A_203], %get3A_202 {strides = array<i32>} : memref<128xi32, #tpu.memory_space<vmem>>, vector<16xi32>,
      %mul3A_205 = arith.constant 128 : i32
      %mul3A_206 = arith.muli %scan3A_164, %mul3A_205 : i32
      %add3A_207 = arith.constant 32 : i32
      %add3A_208 = arith.addi %mul3A_206, %add3A_207 : i32
      %get3A_209 = arith.index_cast %add3A_208 : i32 to index
      %get3A_210 = tpu.vector_load %arg14[%get3A_209] {strides = array<i32>} : memref<10240xf32, #tpu.memory_space<vmem>>, vector<16xf32>,
      %swap3A_211 = arith.constant 32 : index
      %swap3A_212 = tpu.vector_load %arg24[%swap3A_211] {strides = array<i32>} : memref<128xf32, #tpu.memory_space<vmem>>, vector<16xf32>,
      tpu.vector_store %arg24[%swap3A_211], %get3A_210 {strides = array<i32>} : memref<128xf32, #tpu.memory_space<vmem>>, vector<16xf32>,
      %mul3A_213 = arith.constant 128 : i32
      %mul3A_214 = arith.muli %scan3A_164, %mul3A_213 : i32
      %add3A_215 = arith.constant 48 : i32
      %add3A_216 = arith.addi %mul3A_214, %add3A_215 : i32
      %get3A_217 = arith.index_cast %add3A_216 : i32 to index
      %get3A_218 = tpu.vector_load %arg13[%get3A_217] {strides = array<i32>} : memref<10240xi32, #tpu.memory_space<vmem>>, vector<16xi32>,
      %swap3A_219 = arith.constant 48 : index
      %swap3A_220 = tpu.vector_load %arg23[%swap3A_219] {strides = array<i32>} : memref<128xi32, #tpu.memory_space<vmem>>, vector<16xi32>,
      tpu.vector_store %arg23[%swap3A_219], %get3A_218 {strides = array<i32>} : memref<128xi32, #tpu.memory_space<vmem>>, vector<16xi32>,
      %mul3A_221 = arith.constant 128 : i32
      %mul3A_222 = arith.muli %scan3A_164, %mul3A_221 : i32
      %add3A_223 = arith.constant 48 : i32
      %add3A_224 = arith.addi %mul3A_222, %add3A_223 : i32
      %get3A_225 = arith.index_cast %add3A_224 : i32 to index
      %get3A_226 = tpu.vector_load %arg14[%get3A_225] {strides = array<i32>} : memref<10240xf32, #tpu.memory_space<vmem>>, vector<16xf32>,
      %swap3A_227 = arith.constant 48 : index
      %swap3A_228 = tpu.vector_load %arg24[%swap3A_227] {strides = array<i32>} : memref<128xf32, #tpu.memory_space<vmem>>, vector<16xf32>,
      tpu.vector_store %arg24[%swap3A_227], %get3A_226 {strides = array<i32>} : memref<128xf32, #tpu.memory_space<vmem>>, vector<16xf32>,
      %mul3A_229 = arith.constant 128 : i32
      %mul3A_230 = arith.muli %scan3A_164, %mul3A_229 : i32
      %add3A_231 = arith.constant 64 : i32
      %add3A_232 = arith.addi %mul3A_230, %add3A_231 : i32
      %get3A_233 = arith.index_cast %add3A_232 : i32 to index
      %get3A_234 = tpu.vector_load %arg13[%get3A_233] {strides = array<i32>} : memref<10240xi32, #tpu.memory_space<vmem>>, vector<16xi32>,
      %swap3A_235 = arith.constant 64 : index
      %swap3A_236 = tpu.vector_load %arg23[%swap3A_235] {strides = array<i32>} : memref<128xi32, #tpu.memory_space<vmem>>, vector<16xi32>,
      tpu.vector_store %arg23[%swap3A_235], %get3A_234 {strides = array<i32>} : memref<128xi32, #tpu.memory_space<vmem>>, vector<16xi32>,
      %mul3A_237 = arith.constant 128 : i32
      %mul3A_238 = arith.muli %scan3A_164, %mul3A_237 : i32
      %add3A_239 = arith.constant 64 : i32
      %add3A_240 = arith.addi %mul3A_238, %add3A_239 : i32
      %get3A_241 = arith.index_cast %add3A_240 : i32 to index
      %get3A_242 = tpu.vector_load %arg14[%get3A_241] {strides = array<i32>} : memref<10240xf32, #tpu.memory_space<vmem>>, vector<16xf32>,
      %swap3A_243 = arith.constant 64 : index
      %swap3A_244 = tpu.vector_load %arg24[%swap3A_243] {strides = array<i32>} : memref<128xf32, #tpu.memory_space<vmem>>, vector<16xf32>,
      tpu.vector_store %arg24[%swap3A_243], %get3A_242 {strides = array<i32>} : memref<128xf32, #tpu.memory_space<vmem>>, vector<16xf32>,
      %mul3A_245 = arith.constant 128 : i32
      %mul3A_246 = arith.muli %scan3A_164, %mul3A_245 : i32
      %add3A_247 = arith.constant 80 : i32
      %add3A_248 = arith.addi %mul3A_246, %add3A_247 : i32
      %get3A_249 = arith.index_cast %add3A_248 : i32 to index
      %get3A_250 = tpu.vector_load %arg13[%get3A_249] {strides = array<i32>} : memref<10240xi32, #tpu.memory_space<vmem>>, vector<16xi32>,
      %swap3A_251 = arith.constant 80 : index
      %swap3A_252 = tpu.vector_load %arg23[%swap3A_251] {strides = array<i32>} : memref<128xi32, #tpu.memory_space<vmem>>, vector<16xi32>,
      tpu.vector_store %arg23[%swap3A_251], %get3A_250 {strides = array<i32>} : memref<128xi32, #tpu.memory_space<vmem>>, vector<16xi32>,
      %mul3A_253 = arith.constant 128 : i32
      %mul3A_254 = arith.muli %scan3A_164, %mul3A_253 : i32
      %add3A_255 = arith.constant 80 : i32
      %add3A_256 = arith.addi %mul3A_254, %add3A_255 : i32
      %get3A_257 = arith.index_cast %add3A_256 : i32 to index
      %get3A_258 = tpu.vector_load %arg14[%get3A_257] {strides = array<i32>} : memref<10240xf32, #tpu.memory_space<vmem>>, vector<16xf32>,
      %swap3A_259 = arith.constant 80 : index
      %swap3A_260 = tpu.vector_load %arg24[%swap3A_259] {strides = array<i32>} : memref<128xf32, #tpu.memory_space<vmem>>, vector<16xf32>,
      tpu.vector_store %arg24[%swap3A_259], %get3A_258 {strides = array<i32>} : memref<128xf32, #tpu.memory_space<vmem>>, vector<16xf32>,
      %mul3A_261 = arith.constant 128 : i32
      %mul3A_262 = arith.muli %scan3A_164, %mul3A_261 : i32
      %add3A_263 = arith.constant 96 : i32
      %add3A_264 = arith.addi %mul3A_262, %add3A_263 : i32
      %get3A_265 = arith.index_cast %add3A_264 : i32 to index
      %get3A_266 = tpu.vector_load %arg13[%get3A_265] {strides = array<i32>} : memref<10240xi32, #tpu.memory_space<vmem>>, vector<16xi32>,
      %swap3A_267 = arith.constant 96 : index
      %swap3A_268 = tpu.vector_load %arg23[%swap3A_267] {strides = array<i32>} : memref<128xi32, #tpu.memory_space<vmem>>, vector<16xi32>,
      tpu.vector_store %arg23[%swap3A_267], %get3A_266 {strides = array<i32>} : memref<128xi32, #tpu.memory_space<vmem>>, vector<16xi32>,
      %mul3A_269 = arith.constant 128 : i32
      %mul3A_270 = arith.muli %scan3A_164, %mul3A_269 : i32
      %add3A_271 = arith.constant 96 : i32
      %add3A_272 = arith.addi %mul3A_270, %add3A_271 : i32
      %get3A_273 = arith.index_cast %add3A_272 : i32 to index
      %get3A_274 = tpu.vector_load %arg14[%get3A_273] {strides = array<i32>} : memref<10240xf32, #tpu.memory_space<vmem>>, vector<16xf32>,
      %swap3A_275 = arith.constant 96 : index
      %swap3A_276 = tpu.vector_load %arg24[%swap3A_275] {strides = array<i32>} : memref<128xf32, #tpu.memory_space<vmem>>, vector<16xf32>,
      tpu.vector_store %arg24[%swap3A_275], %get3A_274 {strides = array<i32>} : memref<128xf32, #tpu.memory_space<vmem>>, vector<16xf32>,
      %mul3A_277 = arith.constant 128 : i32
      %mul3A_278 = arith.muli %scan3A_164, %mul3A_277 : i32
      %add3A_279 = arith.constant 112 : i32
      %add3A_280 = arith.addi %mul3A_278, %add3A_279 : i32
      %get3A_281 = arith.index_cast %add3A_280 : i32 to index
      %get3A_282 = tpu.vector_load %arg13[%get3A_281] {strides = array<i32>} : memref<10240xi32, #tpu.memory_space<vmem>>, vector<16xi32>,
      %swap3A_283 = arith.constant 112 : index
      %swap3A_284 = tpu.vector_load %arg23[%swap3A_283] {strides = array<i32>} : memref<128xi32, #tpu.memory_space<vmem>>, vector<16xi32>,
      tpu.vector_store %arg23[%swap3A_283], %get3A_282 {strides = array<i32>} : memref<128xi32, #tpu.memory_space<vmem>>, vector<16xi32>,
      %mul3A_285 = arith.constant 128 : i32
      %mul3A_286 = arith.muli %scan3A_164, %mul3A_285 : i32
      %add3A_287 = arith.constant 112 : i32
      %add3A_288 = arith.addi %mul3A_286, %add3A_287 : i32
      %get3A_289 = arith.index_cast %add3A_288 : i32 to index
      %get3A_290 = tpu.vector_load %arg14[%get3A_289] {strides = array<i32>} : memref<10240xf32, #tpu.memory_space<vmem>>, vector<16xf32>,
      %swap3A_291 = arith.constant 112 : index
      %swap3A_292 = tpu.vector_load %arg24[%swap3A_291] {strides = array<i32>} : memref<128xf32, #tpu.memory_space<vmem>>, vector<16xf32>,
      tpu.vector_store %arg24[%swap3A_291], %get3A_290 {strides = array<i32>} : memref<128xf32, #tpu.memory_space<vmem>>, vector<16xf32>,
      "tpu.region"() ({
        %run_scoped3A = tpu.sem_alloc : memref<!tpu.dma_semaphore, #tpu.memory_space<semaphore_mem>>
        %dma_start3A = arith.constant 0 : i32
        %dma_start3A_294 = tpu.memref_slice %arg25[%dma_start3A] : memref<10240xf32, #tpu.memory_space<vmem_shared>> -> memref<10240xf32, #tpu.memory_space<vmem_shared>>
        tpu.enqueue_indirect_dma source(%arg24 : memref<128xf32, #tpu.memory_space<vmem>>) target(%dma_start3A_294 : memref<10240xf32, #tpu.memory_space<vmem_shared>>) offsets(%arg23 : memref<128xi32, #tpu.memory_space<vmem>>) semaphore(%run_scoped3A : memref<!tpu.dma_semaphore, #tpu.memory_space<semaphore_mem>>) {add = true}
        %dma_wait3A = arith.constant 0 : i32
        %dma_wait3A_295 = tpu.memref_slice %arg25[%dma_wait3A] : memref<10240xf32, #tpu.memory_space<vmem_shared>> -> memref<10240xf32, #tpu.memory_space<vmem_shared>>
        tpu.wait_indirect_dma semaphore(%run_scoped3A : memref<!tpu.dma_semaphore, #tpu.memory_space<semaphore_mem>>) src(%arg24 : memref<128xf32, #tpu.memory_space<vmem>>) dst(%dma_wait3A_295 : memref<10240xf32, #tpu.memory_space<vmem_shared>>)
        tpu.yield
      }) : () -> ()
      %scan3A_293 = arith.constant 0 : i32
      scf.yield %scan3A_293 : i32
    }
    %scan3A_48 = arith.constant 80 : i32
    %barrier3A_49 = arith.constant 0 : index
    tpu.barrier barrier_id(%barrier3A_49)
    "tpu.region"() ({
      %run_scoped3A = tpu.sem_alloc : memref<!tpu.dma_semaphore, #tpu.memory_space<semaphore_mem>>
      tpu.enqueue_dma source(%arg25 : memref<10240xf32, #tpu.memory_space<vmem_shared>>) target(%arg19 : memref<10240xf32, #tpu.memory_space<vmem>>) target_semaphore(%run_scoped3A : memref<!tpu.dma_semaphore, #tpu.memory_space<semaphore_mem>>)
      tpu.wait_dma2 semaphore(%run_scoped3A : memref<!tpu.dma_semaphore, #tpu.memory_space<semaphore_mem>>) src(%arg25 : memref<10240xf32, #tpu.memory_space<vmem_shared>>) dst(%arg19 : memref<10240xf32, #tpu.memory_space<vmem>>)
      tpu.yield
    }) : () -> ()
    %scan3A_50 = arith.constant 0 : i32
    %scan3A_51 = arith.constant 0 : i32
    %scan3A_52 = arith.constant 640 : i32
    %scan3A_53 = arith.addi %scan3A_51, %scan3A_52 : i32
    %scan3A_54 = arith.constant 1 : i32
    %scan3A_55 = scf.for %scan3A_164 = %scan3A_51 to %scan3A_53 step %scan3A_54 iter_args(%scan3A_165 = %scan3A_50) -> (i32)  : i32 {
      %mul3A_166 = arith.constant 16 : i32
      %mul3A_167 = arith.muli %scan3A_164, %mul3A_166 : i32
      %get3A = arith.index_cast %mul3A_167 : i32 to index
      %get3A_168 = tpu.vector_load %arg19[%get3A] {strides = array<i32>} : memref<10240xf32, #tpu.memory_space<vmem>>, vector<16xf32>,
      %add3A_169 = arith.constant 1.000000e+00 : f32
      %add3A_170 = vector.broadcast %add3A_169 : f32 to vector<16xf32>
      %add3A_171 = arith.addf %get3A_168, %add3A_170 : vector<16xf32>
      %bitcast3A = vector.bitcast %add3A_171 : vector<16xf32> to vector<16xi32>
      %shift_right_arithmetic3A = arith.constant 1 : i32
      %shift_right_arithmetic3A_172 = vector.broadcast %shift_right_arithmetic3A : i32 to vector<16xi32>
      %shift_right_arithmetic3A_173 = arith.shrsi %bitcast3A, %shift_right_arithmetic3A_172 : vector<16xi32>
      %sub3A = arith.constant 1597463007 : i32
      %sub3A_174 = vector.broadcast %sub3A : i32 to vector<16xi32>
      %sub3A_175 = arith.subi %sub3A_174, %shift_right_arithmetic3A_173 : vector<16xi32>
      %bitcast3A_176 = vector.bitcast %sub3A_175 : vector<16xi32> to vector<16xf32>
      %mul3A_177 = arith.constant 5.000000e-01 : f32
      %mul3A_178 = vector.broadcast %mul3A_177 : f32 to vector<16xf32>
      %mul3A_179 = arith.mulf %mul3A_178, %add3A_171 : vector<16xf32>
      %mul3A_180 = arith.mulf %mul3A_179, %bitcast3A_176 : vector<16xf32>
      %mul3A_181 = arith.mulf %mul3A_180, %bitcast3A_176 : vector<16xf32>
      %sub3A_182 = arith.constant 1.500000e+00 : f32
      %sub3A_183 = vector.broadcast %sub3A_182 : f32 to vector<16xf32>
      %sub3A_184 = arith.subf %sub3A_183, %mul3A_181 : vector<16xf32>
      %mul3A_185 = arith.mulf %bitcast3A_176, %sub3A_184 : vector<16xf32>
      %mul3A_186 = arith.constant 5.000000e-01 : f32
      %mul3A_187 = vector.broadcast %mul3A_186 : f32 to vector<16xf32>
      %mul3A_188 = arith.mulf %mul3A_187, %add3A_171 : vector<16xf32>
      %mul3A_189 = arith.mulf %mul3A_188, %mul3A_185 : vector<16xf32>
      %mul3A_190 = arith.mulf %mul3A_189, %mul3A_185 : vector<16xf32>
      %sub3A_191 = arith.constant 1.500000e+00 : f32
      %sub3A_192 = vector.broadcast %sub3A_191 : f32 to vector<16xf32>
      %sub3A_193 = arith.subf %sub3A_192, %mul3A_190 : vector<16xf32>
      %mul3A_194 = arith.mulf %mul3A_185, %sub3A_193 : vector<16xf32>
      %mul3A_195 = arith.constant 5.000000e-01 : f32
      %mul3A_196 = vector.broadcast %mul3A_195 : f32 to vector<16xf32>
      %mul3A_197 = arith.mulf %mul3A_196, %add3A_171 : vector<16xf32>
      %mul3A_198 = arith.mulf %mul3A_197, %mul3A_194 : vector<16xf32>
      %mul3A_199 = arith.mulf %mul3A_198, %mul3A_194 : vector<16xf32>
      %sub3A_200 = arith.constant 1.500000e+00 : f32
      %sub3A_201 = vector.broadcast %sub3A_200 : f32 to vector<16xf32>
      %sub3A_202 = arith.subf %sub3A_201, %mul3A_199 : vector<16xf32>
      %mul3A_203 = arith.mulf %mul3A_194, %sub3A_202 : vector<16xf32>
      %mul3A_204 = arith.constant 16 : i32
      %mul3A_205 = arith.muli %scan3A_164, %mul3A_204 : i32
      %swap3A_206 = arith.index_cast %mul3A_205 : i32 to index
      %swap3A_207 = tpu.vector_load %arg20[%swap3A_206] {strides = array<i32>} : memref<10240xf32, #tpu.memory_space<vmem>>, vector<16xf32>,
      tpu.vector_store %arg20[%swap3A_206], %mul3A_203 {strides = array<i32>} : memref<10240xf32, #tpu.memory_space<vmem>>, vector<16xf32>,
      %scan3A_208 = arith.constant 0 : i32
      scf.yield %scan3A_208 : i32
    }
    %scan3A_56 = arith.constant 640 : i32
    %eq3A = arith.constant 0 : i32
    %eq3A_57 = arith.cmpi eq, %arg0, %eq3A : i32
    %eq3A_58 = arith.constant 0 : i32
    %eq3A_59 = arith.cmpi eq, %arg1, %eq3A_58 : i32
    %and3A = arith.andi %eq3A_57, %eq3A_59 : i1
    %convert_element_type3A = arith.extui %and3A : i1 to i32
    %cond3A = arith.constant 0 : i32
    %cond3A_60 = arith.cmpi ne, %convert_element_type3A, %cond3A : i32
    scf.if %cond3A_60 {
      "tpu.region"() ({
        %run_scoped3A = tpu.sem_alloc : memref<!tpu.dma_semaphore, #tpu.memory_space<semaphore_mem>>
        %dma_start3A = arith.constant 0 : i32
        %dma_start3A_164 = tpu.memref_slice %arg20[%dma_start3A] : memref<10240xf32, #tpu.memory_space<vmem>> -> memref<10000xf32, #tpu.memory_space<vmem>>
        %dma_start3A_165 = arith.constant 0 : i32
        %dma_start3A_166 = tpu.memref_slice %arg20[%dma_start3A_165] : memref<10240xf32, #tpu.memory_space<vmem>> -> memref<10000xf32, #tpu.memory_space<vmem>>
        tpu.enqueue_dma source(%dma_start3A_166 : memref<10000xf32, #tpu.memory_space<vmem>>) target(%arg8 : memref<10000xf32, #tpu.memory_space<hbm>>) target_semaphore(%run_scoped3A : memref<!tpu.dma_semaphore, #tpu.memory_space<semaphore_mem>>)
        %dma_wait3A = arith.constant 0 : i32
        %dma_wait3A_167 = tpu.memref_slice %arg20[%dma_wait3A] : memref<10240xf32, #tpu.memory_space<vmem>> -> memref<10000xf32, #tpu.memory_space<vmem>>
        %dma_wait3A_168 = arith.constant 0 : i32
        %dma_wait3A_169 = tpu.memref_slice %arg20[%dma_wait3A_168] : memref<10240xf32, #tpu.memory_space<vmem>> -> memref<10000xf32, #tpu.memory_space<vmem>>
        tpu.wait_dma2 semaphore(%run_scoped3A : memref<!tpu.dma_semaphore, #tpu.memory_space<semaphore_mem>>) src(%dma_wait3A_169 : memref<10000xf32, #tpu.memory_space<vmem>>) dst(%arg8 : memref<10000xf32, #tpu.memory_space<hbm>>)
        tpu.yield
      }) : () -> ()
    } else {
    }
    %scan3A_61 = arith.constant 0 : i32
    %scan3A_62 = arith.constant 0 : i32
    %scan3A_63 = arith.constant 320 : i32
    %scan3A_64 = arith.addi %scan3A_62, %scan3A_63 : i32
    %scan3A_65 = arith.constant 1 : i32
    %scan3A_66 = scf.for %scan3A_164 = %scan3A_62 to %scan3A_64 step %scan3A_65 iter_args(%scan3A_165 = %scan3A_61) -> (i32)  : i32 {
      %mul3A_166 = arith.constant 16 : i32
      %mul3A_167 = arith.muli %scan3A_164, %mul3A_166 : i32
      %get3A = arith.index_cast %mul3A_167 : i32 to index
      %get3A_168 = tpu.vector_load %arg15[%get3A] {strides = array<i32>} : memref<5120xi32, #tpu.memory_space<vmem>>, vector<16xi32>,
      %mul3A_169 = arith.constant 16 : i32
      %mul3A_170 = arith.muli %scan3A_164, %mul3A_169 : i32
      %get3A_171 = arith.index_cast %mul3A_170 : i32 to index
      %get3A_172 = tpu.vector_load %arg16[%get3A_171] {strides = array<i32>} : memref<5120xi32, #tpu.memory_space<vmem>>, vector<16xi32>,
      %mul3A_173 = arith.constant 16 : i32
      %mul3A_174 = arith.muli %scan3A_164, %mul3A_173 : i32
      %get3A_175 = arith.index_cast %mul3A_174 : i32 to index
      %get3A_176 = tpu.vector_load %arg17[%get3A_175] {strides = array<i32>} : memref<5120xf32, #tpu.memory_space<vmem>>, vector<16xf32>,
      %gather3A = tpu.vector_load_idx %arg20[%get3A_168] : memref<10240xf32, #tpu.memory_space<vmem>>[vector<16xi32>], vector<16xf32>,
      %gather3A_177 = tpu.vector_load_idx %arg20[%get3A_172] : memref<10240xf32, #tpu.memory_space<vmem>>[vector<16xi32>], vector<16xf32>,
      %mul3A_178 = arith.mulf %gather3A, %get3A_176 : vector<16xf32>
      %mul3A_179 = arith.mulf %mul3A_178, %gather3A_177 : vector<16xf32>
      %mul3A_180 = arith.constant 16 : i32
      %mul3A_181 = arith.muli %scan3A_164, %mul3A_180 : i32
      %swap3A_182 = arith.index_cast %mul3A_181 : i32 to index
      %swap3A_183 = tpu.vector_load %arg18[%swap3A_182] {strides = array<i32>} : memref<5120xf32, #tpu.memory_space<vmem>>, vector<16xf32>,
      tpu.vector_store %arg18[%swap3A_182], %mul3A_179 {strides = array<i32>} : memref<5120xf32, #tpu.memory_space<vmem>>, vector<16xf32>,
      %scan3A_184 = arith.constant 0 : i32
      scf.yield %scan3A_184 : i32
    }
    %scan3A_67 = arith.constant 320 : i32
    "tpu.region"() ({
      %run_scoped3A = tpu.sem_alloc : memref<!tpu.dma_semaphore, #tpu.memory_space<semaphore_mem>>
      %dma_start3A = tpu.memref_slice %arg7[%add3A] : memref<163840xf32, #tpu.memory_space<hbm>> -> memref<5120xf32, #tpu.memory_space<hbm>>
      %dma_start3A_164 = tpu.memref_slice %arg7[%add3A] : memref<163840xf32, #tpu.memory_space<hbm>> -> memref<5120xf32, #tpu.memory_space<hbm>>
      tpu.enqueue_dma source(%arg18 : memref<5120xf32, #tpu.memory_space<vmem>>) target(%dma_start3A_164 : memref<5120xf32, #tpu.memory_space<hbm>>) target_semaphore(%run_scoped3A : memref<!tpu.dma_semaphore, #tpu.memory_space<semaphore_mem>>)
      %dma_wait3A = tpu.memref_slice %arg7[%add3A] : memref<163840xf32, #tpu.memory_space<hbm>> -> memref<5120xf32, #tpu.memory_space<hbm>>
      %dma_wait3A_165 = tpu.memref_slice %arg7[%add3A] : memref<163840xf32, #tpu.memory_space<hbm>> -> memref<5120xf32, #tpu.memory_space<hbm>>
      tpu.wait_dma2 semaphore(%run_scoped3A : memref<!tpu.dma_semaphore, #tpu.memory_space<semaphore_mem>>) src(%arg18 : memref<5120xf32, #tpu.memory_space<vmem>>) dst(%dma_wait3A_165 : memref<5120xf32, #tpu.memory_space<hbm>>)
      tpu.yield
    }) : () -> ()
    %broadcast_in_dim3A_68 = arith.constant 0.000000e+00 : f32
    %broadcast_in_dim3A_69 = vector.broadcast %broadcast_in_dim3A_68 : f32 to vector<16xf32>
    %scan3A_70 = arith.constant 0 : i32
    %scan3A_71 = arith.constant 0 : i32
    %scan3A_72 = arith.constant 512 : i32
    %scan3A_73 = arith.addi %scan3A_71, %scan3A_72 : i32
    %scan3A_74 = arith.constant 1 : i32
    %scan3A_75 = scf.for %scan3A_164 = %scan3A_71 to %scan3A_73 step %scan3A_74 iter_args(%scan3A_165 = %scan3A_70) -> (i32)  : i32 {
      %jit3A = arith.constant 4 : i32
      %div3A = arith.divsi %scan3A_164, %jit3A : i32
      %sign3A = arith.constant 0 : i32
      %sign3A_166 = arith.cmpi sgt, %scan3A_164, %sign3A : i32
      %sign3A_167 = arith.extui %sign3A_166 : i1 to i32
      %sign3A_168 = arith.constant 0 : i32
      %sign3A_169 = arith.cmpi slt, %scan3A_164, %sign3A_168 : i32
      %sign3A_170 = arith.extui %sign3A_169 : i1 to i32
      %sign3A_171 = arith.subi %sign3A_167, %sign3A_170 : i32
      %sign3A_172 = arith.constant 0 : i32
      %sign3A_173 = arith.cmpi sgt, %jit3A, %sign3A_172 : i32
      %sign3A_174 = arith.extui %sign3A_173 : i1 to i32
      %sign3A_175 = arith.constant 0 : i32
      %sign3A_176 = arith.cmpi slt, %jit3A, %sign3A_175 : i32
      %sign3A_177 = arith.extui %sign3A_176 : i1 to i32
      %sign3A_178 = arith.subi %sign3A_174, %sign3A_177 : i32
      %ne3A = arith.cmpi ne, %sign3A_171, %sign3A_178 : i32
      %rem3A = arith.remsi %scan3A_164, %jit3A : i32
      %ne3A_179 = arith.constant 0 : i32
      %ne3A_180 = arith.cmpi ne, %rem3A, %ne3A_179 : i32
      %and3A_181 = arith.andi %ne3A, %ne3A_180 : i1
      %sub3A = arith.constant 1 : i32
      %sub3A_182 = arith.subi %div3A, %sub3A : i32
      %select_n3A = arith.select %and3A_181, %sub3A_182, %div3A : i32
      %jit3A_183 = arith.constant 4 : i32
      %eq3A_184 = arith.constant 0 : i32
      %eq3A_185 = arith.cmpi eq, %jit3A_183, %eq3A_184 : i32
      %jit3A_186 = arith.constant 1 : i32
      %select_n3A_187 = arith.select %eq3A_185, %jit3A_186, %jit3A_183 : i32
      %rem3A_188 = arith.remsi %scan3A_164, %select_n3A_187 : i32
      %ne3A_189 = arith.constant 0 : i32
      %ne3A_190 = arith.cmpi ne, %rem3A_188, %ne3A_189 : i32
      %lt3A = arith.constant 0 : i32
      %lt3A_191 = arith.cmpi slt, %rem3A_188, %lt3A : i32
      %lt3A_192 = arith.constant 0 : i32
      %lt3A_193 = arith.cmpi slt, %select_n3A_187, %lt3A_192 : i32
      %ne3A_194 = arith.xori %lt3A_191, %lt3A_193 : i1
      %and3A_195 = arith.andi %ne3A_194, %ne3A_190 : i1
      %add3A_196 = arith.addi %rem3A_188, %select_n3A_187 : i32
      %select_n3A_197 = arith.select %and3A_195, %add3A_196, %rem3A_188 : i32
      %mul3A_198 = arith.constant 16 : i32
      %mul3A_199 = arith.muli %select_n3A_197, %mul3A_198 : i32
      %swap3A_200 = arith.index_cast %select_n3A : i32 to index
      %swap3A_201 = arith.index_cast %mul3A_199 : i32 to index
      %swap3A_202 = tpu.vector_load %arg21[%swap3A_200, %swap3A_201] {strides = array<i32>} : memref<128x64xf32, #tpu.memory_space<vmem>>, vector<16xf32>,
      tpu.vector_store %arg21[%swap3A_200, %swap3A_201], %broadcast_in_dim3A_69 {strides = array<i32>} : memref<128x64xf32, #tpu.memory_space<vmem>>, vector<16xf32>,
      %scan3A_203 = arith.constant 0 : i32
      scf.yield %scan3A_203 : i32
    }
    %scan3A_76 = arith.constant 512 : i32
    %mul3A_77 = arith.constant 640 : i32
    %mul3A_78 = arith.muli %arg1, %mul3A_77 : i32
    %add3A_79 = arith.constant 0 : i32
    %add3A_80 = arith.addi %mul3A_78, %add3A_79 : i32
    "tpu.region"() ({
      %run_scoped3A = tpu.sem_alloc : memref<!tpu.dma_semaphore, #tpu.memory_space<semaphore_mem>>
      %dma_start3A = arith.constant 0 : i32
      %dma_start3A_164 = tpu.memref_slice %arg26[%add3A_80, %dma_start3A] : memref<10240x64xf32, #tpu.memory_space<vmem_shared>> -> memref<128x64xf32, #tpu.memory_space<vmem_shared>>
      %dma_start3A_165 = arith.constant 0 : i32
      %dma_start3A_166 = tpu.memref_slice %arg26[%add3A_80, %dma_start3A_165] : memref<10240x64xf32, #tpu.memory_space<vmem_shared>> -> memref<128x64xf32, #tpu.memory_space<vmem_shared>>
      tpu.enqueue_dma source(%arg21 : memref<128x64xf32, #tpu.memory_space<vmem>>) target(%dma_start3A_166 : memref<128x64xf32, #tpu.memory_space<vmem_shared>>) target_semaphore(%run_scoped3A : memref<!tpu.dma_semaphore, #tpu.memory_space<semaphore_mem>>)
      %dma_wait3A = arith.constant 0 : i32
      %dma_wait3A_167 = tpu.memref_slice %arg26[%add3A_80, %dma_wait3A] : memref<10240x64xf32, #tpu.memory_space<vmem_shared>> -> memref<128x64xf32, #tpu.memory_space<vmem_shared>>
      %dma_wait3A_168 = arith.constant 0 : i32
      %dma_wait3A_169 = tpu.memref_slice %arg26[%add3A_80, %dma_wait3A_168] : memref<10240x64xf32, #tpu.memory_space<vmem_shared>> -> memref<128x64xf32, #tpu.memory_space<vmem_shared>>
      tpu.wait_dma2 semaphore(%run_scoped3A : memref<!tpu.dma_semaphore, #tpu.memory_space<semaphore_mem>>) src(%arg21 : memref<128x64xf32, #tpu.memory_space<vmem>>) dst(%dma_wait3A_169 : memref<128x64xf32, #tpu.memory_space<vmem_shared>>)
      tpu.yield
    }) : () -> ()
    %mul3A_81 = arith.constant 640 : i32
    %mul3A_82 = arith.muli %arg1, %mul3A_81 : i32
    %add3A_83 = arith.constant 128 : i32
    %add3A_84 = arith.addi %mul3A_82, %add3A_83 : i32
    "tpu.region"() ({
      %run_scoped3A = tpu.sem_alloc : memref<!tpu.dma_semaphore, #tpu.memory_space<semaphore_mem>>
      %dma_start3A = arith.constant 0 : i32
      %dma_start3A_164 = tpu.memref_slice %arg26[%add3A_84, %dma_start3A] : memref<10240x64xf32, #tpu.memory_space<vmem_shared>> -> memref<128x64xf32, #tpu.memory_space<vmem_shared>>
      %dma_start3A_165 = arith.constant 0 : i32
      %dma_start3A_166 = tpu.memref_slice %arg26[%add3A_84, %dma_start3A_165] : memref<10240x64xf32, #tpu.memory_space<vmem_shared>> -> memref<128x64xf32, #tpu.memory_space<vmem_shared>>
      tpu.enqueue_dma source(%arg21 : memref<128x64xf32, #tpu.memory_space<vmem>>) target(%dma_start3A_166 : memref<128x64xf32, #tpu.memory_space<vmem_shared>>) target_semaphore(%run_scoped3A : memref<!tpu.dma_semaphore, #tpu.memory_space<semaphore_mem>>)
      %dma_wait3A = arith.constant 0 : i32
      %dma_wait3A_167 = tpu.memref_slice %arg26[%add3A_84, %dma_wait3A] : memref<10240x64xf32, #tpu.memory_space<vmem_shared>> -> memref<128x64xf32, #tpu.memory_space<vmem_shared>>
      %dma_wait3A_168 = arith.constant 0 : i32
      %dma_wait3A_169 = tpu.memref_slice %arg26[%add3A_84, %dma_wait3A_168] : memref<10240x64xf32, #tpu.memory_space<vmem_shared>> -> memref<128x64xf32, #tpu.memory_space<vmem_shared>>
      tpu.wait_dma2 semaphore(%run_scoped3A : memref<!tpu.dma_semaphore, #tpu.memory_space<semaphore_mem>>) src(%arg21 : memref<128x64xf32, #tpu.memory_space<vmem>>) dst(%dma_wait3A_169 : memref<128x64xf32, #tpu.memory_space<vmem_shared>>)
      tpu.yield
    }) : () -> ()
    %mul3A_85 = arith.constant 640 : i32
    %mul3A_86 = arith.muli %arg1, %mul3A_85 : i32
    %add3A_87 = arith.constant 256 : i32
    %add3A_88 = arith.addi %mul3A_86, %add3A_87 : i32
    "tpu.region"() ({
      %run_scoped3A = tpu.sem_alloc : memref<!tpu.dma_semaphore, #tpu.memory_space<semaphore_mem>>
      %dma_start3A = arith.constant 0 : i32
      %dma_start3A_164 = tpu.memref_slice %arg26[%add3A_88, %dma_start3A] : memref<10240x64xf32, #tpu.memory_space<vmem_shared>> -> memref<128x64xf32, #tpu.memory_space<vmem_shared>>
      %dma_start3A_165 = arith.constant 0 : i32
      %dma_start3A_166 = tpu.memref_slice %arg26[%add3A_88, %dma_start3A_165] : memref<10240x64xf32, #tpu.memory_space<vmem_shared>> -> memref<128x64xf32, #tpu.memory_space<vmem_shared>>
      tpu.enqueue_dma source(%arg21 : memref<128x64xf32, #tpu.memory_space<vmem>>) target(%dma_start3A_166 : memref<128x64xf32, #tpu.memory_space<vmem_shared>>) target_semaphore(%run_scoped3A : memref<!tpu.dma_semaphore, #tpu.memory_space<semaphore_mem>>)
      %dma_wait3A = arith.constant 0 : i32
      %dma_wait3A_167 = tpu.memref_slice %arg26[%add3A_88, %dma_wait3A] : memref<10240x64xf32, #tpu.memory_space<vmem_shared>> -> memref<128x64xf32, #tpu.memory_space<vmem_shared>>
      %dma_wait3A_168 = arith.constant 0 : i32
      %dma_wait3A_169 = tpu.memref_slice %arg26[%add3A_88, %dma_wait3A_168] : memref<10240x64xf32, #tpu.memory_space<vmem_shared>> -> memref<128x64xf32, #tpu.memory_space<vmem_shared>>
      tpu.wait_dma2 semaphore(%run_scoped3A : memref<!tpu.dma_semaphore, #tpu.memory_space<semaphore_mem>>) src(%arg21 : memref<128x64xf32, #tpu.memory_space<vmem>>) dst(%dma_wait3A_169 : memref<128x64xf32, #tpu.memory_space<vmem_shared>>)
      tpu.yield
    }) : () -> ()
    %mul3A_89 = arith.constant 640 : i32
    %mul3A_90 = arith.muli %arg1, %mul3A_89 : i32
    %add3A_91 = arith.constant 384 : i32
    %add3A_92 = arith.addi %mul3A_90, %add3A_91 : i32
    "tpu.region"() ({
      %run_scoped3A = tpu.sem_alloc : memref<!tpu.dma_semaphore, #tpu.memory_space<semaphore_mem>>
      %dma_start3A = arith.constant 0 : i32
      %dma_start3A_164 = tpu.memref_slice %arg26[%add3A_92, %dma_start3A] : memref<10240x64xf32, #tpu.memory_space<vmem_shared>> -> memref<128x64xf32, #tpu.memory_space<vmem_shared>>
      %dma_start3A_165 = arith.constant 0 : i32
      %dma_start3A_166 = tpu.memref_slice %arg26[%add3A_92, %dma_start3A_165] : memref<10240x64xf32, #tpu.memory_space<vmem_shared>> -> memref<128x64xf32, #tpu.memory_space<vmem_shared>>
      tpu.enqueue_dma source(%arg21 : memref<128x64xf32, #tpu.memory_space<vmem>>) target(%dma_start3A_166 : memref<128x64xf32, #tpu.memory_space<vmem_shared>>) target_semaphore(%run_scoped3A : memref<!tpu.dma_semaphore, #tpu.memory_space<semaphore_mem>>)
      %dma_wait3A = arith.constant 0 : i32
      %dma_wait3A_167 = tpu.memref_slice %arg26[%add3A_92, %dma_wait3A] : memref<10240x64xf32, #tpu.memory_space<vmem_shared>> -> memref<128x64xf32, #tpu.memory_space<vmem_shared>>
      %dma_wait3A_168 = arith.constant 0 : i32
      %dma_wait3A_169 = tpu.memref_slice %arg26[%add3A_92, %dma_wait3A_168] : memref<10240x64xf32, #tpu.memory_space<vmem_shared>> -> memref<128x64xf32, #tpu.memory_space<vmem_shared>>
      tpu.wait_dma2 semaphore(%run_scoped3A : memref<!tpu.dma_semaphore, #tpu.memory_space<semaphore_mem>>) src(%arg21 : memref<128x64xf32, #tpu.memory_space<vmem>>) dst(%dma_wait3A_169 : memref<128x64xf32, #tpu.memory_space<vmem_shared>>)
      tpu.yield
    }) : () -> ()
    %mul3A_93 = arith.constant 640 : i32
    %mul3A_94 = arith.muli %arg1, %mul3A_93 : i32
    %add3A_95 = arith.constant 512 : i32
    %add3A_96 = arith.addi %mul3A_94, %add3A_95 : i32
    "tpu.region"() ({
      %run_scoped3A = tpu.sem_alloc : memref<!tpu.dma_semaphore, #tpu.memory_space<semaphore_mem>>
      %dma_start3A = arith.constant 0 : i32
      %dma_start3A_164 = tpu.memref_slice %arg26[%add3A_96, %dma_start3A] : memref<10240x64xf32, #tpu.memory_space<vmem_shared>> -> memref<128x64xf32, #tpu.memory_space<vmem_shared>>
      %dma_start3A_165 = arith.constant 0 : i32
      %dma_start3A_166 = tpu.memref_slice %arg26[%add3A_96, %dma_start3A_165] : memref<10240x64xf32, #tpu.memory_space<vmem_shared>> -> memref<128x64xf32, #tpu.memory_space<vmem_shared>>
      tpu.enqueue_dma source(%arg21 : memref<128x64xf32, #tpu.memory_space<vmem>>) target(%dma_start3A_166 : memref<128x64xf32, #tpu.memory_space<vmem_shared>>) target_semaphore(%run_scoped3A : memref<!tpu.dma_semaphore, #tpu.memory_space<semaphore_mem>>)
      %dma_wait3A = arith.constant 0 : i32
      %dma_wait3A_167 = tpu.memref_slice %arg26[%add3A_96, %dma_wait3A] : memref<10240x64xf32, #tpu.memory_space<vmem_shared>> -> memref<128x64xf32, #tpu.memory_space<vmem_shared>>
      %dma_wait3A_168 = arith.constant 0 : i32
      %dma_wait3A_169 = tpu.memref_slice %arg26[%add3A_96, %dma_wait3A_168] : memref<10240x64xf32, #tpu.memory_space<vmem_shared>> -> memref<128x64xf32, #tpu.memory_space<vmem_shared>>
      tpu.wait_dma2 semaphore(%run_scoped3A : memref<!tpu.dma_semaphore, #tpu.memory_space<semaphore_mem>>) src(%arg21 : memref<128x64xf32, #tpu.memory_space<vmem>>) dst(%dma_wait3A_169 : memref<128x64xf32, #tpu.memory_space<vmem_shared>>)
      tpu.yield
    }) : () -> ()
    %barrier3A_97 = arith.constant 0 : index
    tpu.barrier barrier_id(%barrier3A_97)
    %scan3A_98 = arith.constant 0 : i32
    %scan3A_99 = arith.constant 0 : i32
    %scan3A_100 = arith.constant 40 : i32
    %scan3A_101 = arith.addi %scan3A_99, %scan3A_100 : i32
    %scan3A_102 = arith.constant 1 : i32
    %scan3A_103 = scf.for %scan3A_164 = %scan3A_99 to %scan3A_101 step %scan3A_102 iter_args(%scan3A_165 = %scan3A_98) -> (i32)  : i32 {
      %mul3A_166 = arith.constant 128 : i32
      %mul3A_167 = arith.muli %scan3A_164, %mul3A_166 : i32
      %add3A_168 = arith.constant 0 : i32
      %add3A_169 = arith.addi %mul3A_167, %add3A_168 : i32
      %get3A = arith.index_cast %add3A_169 : i32 to index
      %get3A_170 = tpu.vector_load %arg15[%get3A] {strides = array<i32>} : memref<5120xi32, #tpu.memory_space<vmem>>, vector<16xi32>,
      %swap3A_171 = arith.constant 0 : index
      %swap3A_172 = tpu.vector_load %arg22[%swap3A_171] {strides = array<i32>} : memref<128xi32, #tpu.memory_space<vmem>>, vector<16xi32>,
      tpu.vector_store %arg22[%swap3A_171], %get3A_170 {strides = array<i32>} : memref<128xi32, #tpu.memory_space<vmem>>, vector<16xi32>,
      %mul3A_173 = arith.constant 128 : i32
      %mul3A_174 = arith.muli %scan3A_164, %mul3A_173 : i32
      %add3A_175 = arith.constant 0 : i32
      %add3A_176 = arith.addi %mul3A_174, %add3A_175 : i32
      %get3A_177 = arith.index_cast %add3A_176 : i32 to index
      %get3A_178 = tpu.vector_load %arg16[%get3A_177] {strides = array<i32>} : memref<5120xi32, #tpu.memory_space<vmem>>, vector<16xi32>,
      %swap3A_179 = arith.constant 0 : index
      %swap3A_180 = tpu.vector_load %arg23[%swap3A_179] {strides = array<i32>} : memref<128xi32, #tpu.memory_space<vmem>>, vector<16xi32>,
      tpu.vector_store %arg23[%swap3A_179], %get3A_178 {strides = array<i32>} : memref<128xi32, #tpu.memory_space<vmem>>, vector<16xi32>,
      %mul3A_181 = arith.constant 128 : i32
      %mul3A_182 = arith.muli %scan3A_164, %mul3A_181 : i32
      %add3A_183 = arith.constant 16 : i32
      %add3A_184 = arith.addi %mul3A_182, %add3A_183 : i32
      %get3A_185 = arith.index_cast %add3A_184 : i32 to index
      %get3A_186 = tpu.vector_load %arg15[%get3A_185] {strides = array<i32>} : memref<5120xi32, #tpu.memory_space<vmem>>, vector<16xi32>,
      %swap3A_187 = arith.constant 16 : index
      %swap3A_188 = tpu.vector_load %arg22[%swap3A_187] {strides = array<i32>} : memref<128xi32, #tpu.memory_space<vmem>>, vector<16xi32>,
      tpu.vector_store %arg22[%swap3A_187], %get3A_186 {strides = array<i32>} : memref<128xi32, #tpu.memory_space<vmem>>, vector<16xi32>,
      %mul3A_189 = arith.constant 128 : i32
      %mul3A_190 = arith.muli %scan3A_164, %mul3A_189 : i32
      %add3A_191 = arith.constant 16 : i32
      %add3A_192 = arith.addi %mul3A_190, %add3A_191 : i32
      %get3A_193 = arith.index_cast %add3A_192 : i32 to index
      %get3A_194 = tpu.vector_load %arg16[%get3A_193] {strides = array<i32>} : memref<5120xi32, #tpu.memory_space<vmem>>, vector<16xi32>,
      %swap3A_195 = arith.constant 16 : index
      %swap3A_196 = tpu.vector_load %arg23[%swap3A_195] {strides = array<i32>} : memref<128xi32, #tpu.memory_space<vmem>>, vector<16xi32>,
      tpu.vector_store %arg23[%swap3A_195], %get3A_194 {strides = array<i32>} : memref<128xi32, #tpu.memory_space<vmem>>, vector<16xi32>,
      %mul3A_197 = arith.constant 128 : i32
      %mul3A_198 = arith.muli %scan3A_164, %mul3A_197 : i32
      %add3A_199 = arith.constant 32 : i32
      %add3A_200 = arith.addi %mul3A_198, %add3A_199 : i32
      %get3A_201 = arith.index_cast %add3A_200 : i32 to index
      %get3A_202 = tpu.vector_load %arg15[%get3A_201] {strides = array<i32>} : memref<5120xi32, #tpu.memory_space<vmem>>, vector<16xi32>,
      %swap3A_203 = arith.constant 32 : index
      %swap3A_204 = tpu.vector_load %arg22[%swap3A_203] {strides = array<i32>} : memref<128xi32, #tpu.memory_space<vmem>>, vector<16xi32>,
      tpu.vector_store %arg22[%swap3A_203], %get3A_202 {strides = array<i32>} : memref<128xi32, #tpu.memory_space<vmem>>, vector<16xi32>,
      %mul3A_205 = arith.constant 128 : i32
      %mul3A_206 = arith.muli %scan3A_164, %mul3A_205 : i32
      %add3A_207 = arith.constant 32 : i32
      %add3A_208 = arith.addi %mul3A_206, %add3A_207 : i32
      %get3A_209 = arith.index_cast %add3A_208 : i32 to index
      %get3A_210 = tpu.vector_load %arg16[%get3A_209] {strides = array<i32>} : memref<5120xi32, #tpu.memory_space<vmem>>, vector<16xi32>,
      %swap3A_211 = arith.constant 32 : index
      %swap3A_212 = tpu.vector_load %arg23[%swap3A_211] {strides = array<i32>} : memref<128xi32, #tpu.memory_space<vmem>>, vector<16xi32>,
      tpu.vector_store %arg23[%swap3A_211], %get3A_210 {strides = array<i32>} : memref<128xi32, #tpu.memory_space<vmem>>, vector<16xi32>,
      %mul3A_213 = arith.constant 128 : i32
      %mul3A_214 = arith.muli %scan3A_164, %mul3A_213 : i32
      %add3A_215 = arith.constant 48 : i32
      %add3A_216 = arith.addi %mul3A_214, %add3A_215 : i32
      %get3A_217 = arith.index_cast %add3A_216 : i32 to index
      %get3A_218 = tpu.vector_load %arg15[%get3A_217] {strides = array<i32>} : memref<5120xi32, #tpu.memory_space<vmem>>, vector<16xi32>,
      %swap3A_219 = arith.constant 48 : index
      %swap3A_220 = tpu.vector_load %arg22[%swap3A_219] {strides = array<i32>} : memref<128xi32, #tpu.memory_space<vmem>>, vector<16xi32>,
      tpu.vector_store %arg22[%swap3A_219], %get3A_218 {strides = array<i32>} : memref<128xi32, #tpu.memory_space<vmem>>, vector<16xi32>,
      %mul3A_221 = arith.constant 128 : i32
      %mul3A_222 = arith.muli %scan3A_164, %mul3A_221 : i32
      %add3A_223 = arith.constant 48 : i32
      %add3A_224 = arith.addi %mul3A_222, %add3A_223 : i32
      %get3A_225 = arith.index_cast %add3A_224 : i32 to index
      %get3A_226 = tpu.vector_load %arg16[%get3A_225] {strides = array<i32>} : memref<5120xi32, #tpu.memory_space<vmem>>, vector<16xi32>,
      %swap3A_227 = arith.constant 48 : index
      %swap3A_228 = tpu.vector_load %arg23[%swap3A_227] {strides = array<i32>} : memref<128xi32, #tpu.memory_space<vmem>>, vector<16xi32>,
      tpu.vector_store %arg23[%swap3A_227], %get3A_226 {strides = array<i32>} : memref<128xi32, #tpu.memory_space<vmem>>, vector<16xi32>,
      %mul3A_229 = arith.constant 128 : i32
      %mul3A_230 = arith.muli %scan3A_164, %mul3A_229 : i32
      %add3A_231 = arith.constant 64 : i32
      %add3A_232 = arith.addi %mul3A_230, %add3A_231 : i32
      %get3A_233 = arith.index_cast %add3A_232 : i32 to index
      %get3A_234 = tpu.vector_load %arg15[%get3A_233] {strides = array<i32>} : memref<5120xi32, #tpu.memory_space<vmem>>, vector<16xi32>,
      %swap3A_235 = arith.constant 64 : index
      %swap3A_236 = tpu.vector_load %arg22[%swap3A_235] {strides = array<i32>} : memref<128xi32, #tpu.memory_space<vmem>>, vector<16xi32>,
      tpu.vector_store %arg22[%swap3A_235], %get3A_234 {strides = array<i32>} : memref<128xi32, #tpu.memory_space<vmem>>, vector<16xi32>,
      %mul3A_237 = arith.constant 128 : i32
      %mul3A_238 = arith.muli %scan3A_164, %mul3A_237 : i32
      %add3A_239 = arith.constant 64 : i32
      %add3A_240 = arith.addi %mul3A_238, %add3A_239 : i32
      %get3A_241 = arith.index_cast %add3A_240 : i32 to index
      %get3A_242 = tpu.vector_load %arg16[%get3A_241] {strides = array<i32>} : memref<5120xi32, #tpu.memory_space<vmem>>, vector<16xi32>,
      %swap3A_243 = arith.constant 64 : index
      %swap3A_244 = tpu.vector_load %arg23[%swap3A_243] {strides = array<i32>} : memref<128xi32, #tpu.memory_space<vmem>>, vector<16xi32>,
      tpu.vector_store %arg23[%swap3A_243], %get3A_242 {strides = array<i32>} : memref<128xi32, #tpu.memory_space<vmem>>, vector<16xi32>,
      %mul3A_245 = arith.constant 128 : i32
      %mul3A_246 = arith.muli %scan3A_164, %mul3A_245 : i32
      %add3A_247 = arith.constant 80 : i32
      %add3A_248 = arith.addi %mul3A_246, %add3A_247 : i32
      %get3A_249 = arith.index_cast %add3A_248 : i32 to index
      %get3A_250 = tpu.vector_load %arg15[%get3A_249] {strides = array<i32>} : memref<5120xi32, #tpu.memory_space<vmem>>, vector<16xi32>,
      %swap3A_251 = arith.constant 80 : index
      %swap3A_252 = tpu.vector_load %arg22[%swap3A_251] {strides = array<i32>} : memref<128xi32, #tpu.memory_space<vmem>>, vector<16xi32>,
      tpu.vector_store %arg22[%swap3A_251], %get3A_250 {strides = array<i32>} : memref<128xi32, #tpu.memory_space<vmem>>, vector<16xi32>,
      %mul3A_253 = arith.constant 128 : i32
      %mul3A_254 = arith.muli %scan3A_164, %mul3A_253 : i32
      %add3A_255 = arith.constant 80 : i32
      %add3A_256 = arith.addi %mul3A_254, %add3A_255 : i32
      %get3A_257 = arith.index_cast %add3A_256 : i32 to index
      %get3A_258 = tpu.vector_load %arg16[%get3A_257] {strides = array<i32>} : memref<5120xi32, #tpu.memory_space<vmem>>, vector<16xi32>,
      %swap3A_259 = arith.constant 80 : index
      %swap3A_260 = tpu.vector_load %arg23[%swap3A_259] {strides = array<i32>} : memref<128xi32, #tpu.memory_space<vmem>>, vector<16xi32>,
      tpu.vector_store %arg23[%swap3A_259], %get3A_258 {strides = array<i32>} : memref<128xi32, #tpu.memory_space<vmem>>, vector<16xi32>,
      %mul3A_261 = arith.constant 128 : i32
      %mul3A_262 = arith.muli %scan3A_164, %mul3A_261 : i32
      %add3A_263 = arith.constant 96 : i32
      %add3A_264 = arith.addi %mul3A_262, %add3A_263 : i32
      %get3A_265 = arith.index_cast %add3A_264 : i32 to index
      %get3A_266 = tpu.vector_load %arg15[%get3A_265] {strides = array<i32>} : memref<5120xi32, #tpu.memory_space<vmem>>, vector<16xi32>,
      %swap3A_267 = arith.constant 96 : index
      %swap3A_268 = tpu.vector_load %arg22[%swap3A_267] {strides = array<i32>} : memref<128xi32, #tpu.memory_space<vmem>>, vector<16xi32>,
      tpu.vector_store %arg22[%swap3A_267], %get3A_266 {strides = array<i32>} : memref<128xi32, #tpu.memory_space<vmem>>, vector<16xi32>,
      %mul3A_269 = arith.constant 128 : i32
      %mul3A_270 = arith.muli %scan3A_164, %mul3A_269 : i32
      %add3A_271 = arith.constant 96 : i32
      %add3A_272 = arith.addi %mul3A_270, %add3A_271 : i32
      %get3A_273 = arith.index_cast %add3A_272 : i32 to index
      %get3A_274 = tpu.vector_load %arg16[%get3A_273] {strides = array<i32>} : memref<5120xi32, #tpu.memory_space<vmem>>, vector<16xi32>,
      %swap3A_275 = arith.constant 96 : index
      %swap3A_276 = tpu.vector_load %arg23[%swap3A_275] {strides = array<i32>} : memref<128xi32, #tpu.memory_space<vmem>>, vector<16xi32>,
      tpu.vector_store %arg23[%swap3A_275], %get3A_274 {strides = array<i32>} : memref<128xi32, #tpu.memory_space<vmem>>, vector<16xi32>,
      %mul3A_277 = arith.constant 128 : i32
      %mul3A_278 = arith.muli %scan3A_164, %mul3A_277 : i32
      %add3A_279 = arith.constant 112 : i32
      %add3A_280 = arith.addi %mul3A_278, %add3A_279 : i32
      %get3A_281 = arith.index_cast %add3A_280 : i32 to index
      %get3A_282 = tpu.vector_load %arg15[%get3A_281] {strides = array<i32>} : memref<5120xi32, #tpu.memory_space<vmem>>, vector<16xi32>,
      %swap3A_283 = arith.constant 112 : index
      %swap3A_284 = tpu.vector_load %arg22[%swap3A_283] {strides = array<i32>} : memref<128xi32, #tpu.memory_space<vmem>>, vector<16xi32>,
      tpu.vector_store %arg22[%swap3A_283], %get3A_282 {strides = array<i32>} : memref<128xi32, #tpu.memory_space<vmem>>, vector<16xi32>,
      %mul3A_285 = arith.constant 128 : i32
      %mul3A_286 = arith.muli %scan3A_164, %mul3A_285 : i32
      %add3A_287 = arith.constant 112 : i32
      %add3A_288 = arith.addi %mul3A_286, %add3A_287 : i32
      %get3A_289 = arith.index_cast %add3A_288 : i32 to index
      %get3A_290 = tpu.vector_load %arg16[%get3A_289] {strides = array<i32>} : memref<5120xi32, #tpu.memory_space<vmem>>, vector<16xi32>,
      %swap3A_291 = arith.constant 112 : index
      %swap3A_292 = tpu.vector_load %arg23[%swap3A_291] {strides = array<i32>} : memref<128xi32, #tpu.memory_space<vmem>>, vector<16xi32>,
      tpu.vector_store %arg23[%swap3A_291], %get3A_290 {strides = array<i32>} : memref<128xi32, #tpu.memory_space<vmem>>, vector<16xi32>,
      %dma_start3A = arith.constant 0 : i32
      %dma_start3A_293 = arith.constant 0 : i32
      %dma_start3A_294 = tpu.memref_slice %arg5[%dma_start3A, %dma_start3A_293] : memref<10000x64xf32, #tpu.memory_space<hbm>> -> memref<10000x64xf32, #tpu.memory_space<hbm>>
      tpu.enqueue_indirect_dma source(%dma_start3A_294 : memref<10000x64xf32, #tpu.memory_space<hbm>>) target(%arg21 : memref<128x64xf32, #tpu.memory_space<vmem>>) offsets(%arg22 : memref<128xi32, #tpu.memory_space<vmem>>) semaphore(%arg27 : memref<!tpu.dma_semaphore, #tpu.memory_space<semaphore_mem>>)
      %dma_wait3A = arith.constant 0 : i32
      %dma_wait3A_295 = arith.constant 0 : i32
      %dma_wait3A_296 = tpu.memref_slice %arg5[%dma_wait3A, %dma_wait3A_295] : memref<10000x64xf32, #tpu.memory_space<hbm>> -> memref<10000x64xf32, #tpu.memory_space<hbm>>
      tpu.wait_indirect_dma semaphore(%arg27 : memref<!tpu.dma_semaphore, #tpu.memory_space<semaphore_mem>>) src(%dma_wait3A_296 : memref<10000x64xf32, #tpu.memory_space<hbm>>) dst(%arg21 : memref<128x64xf32, #tpu.memory_space<vmem>>)
      %scan3A_297 = arith.constant 0 : i32
      %scan3A_298 = arith.constant 0 : i32
      %scan3A_299 = arith.constant 128 : i32
      %scan3A_300 = arith.addi %scan3A_298, %scan3A_299 : i32
      %scan3A_301 = arith.constant 1 : i32
      %scan3A_302 = scf.for %scan3A_305 = %scan3A_298 to %scan3A_300 step %scan3A_301 iter_args(%scan3A_306 = %scan3A_297) -> (i32)  : i32 {
        %mul3A_307 = arith.constant 128 : i32
        %mul3A_308 = arith.muli %scan3A_164, %mul3A_307 : i32
        %add3A_309 = arith.addi %mul3A_308, %scan3A_305 : i32
        %broadcast_in_dim3A_310 = vector.broadcast %add3A_309 : i32 to vector<16xi32>
        %gather3A = tpu.vector_load_idx %arg18[%broadcast_in_dim3A_310] : memref<5120xf32, #tpu.memory_space<vmem>>[vector<16xi32>], vector<16xf32>,
        %get3A_311 = arith.index_cast %scan3A_305 : i32 to index
        %get3A_312 = arith.constant 0 : index
        %get3A_313 = tpu.vector_load %arg21[%get3A_311, %get3A_312] {strides = array<i32>} : memref<128x64xf32, #tpu.memory_space<vmem>>, vector<16xf32>,
        %mul3A_314 = arith.mulf %get3A_313, %gather3A : vector<16xf32>
        %swap3A_315 = arith.index_cast %scan3A_305 : i32 to index
        %swap3A_316 = arith.constant 0 : index
        %swap3A_317 = tpu.vector_load %arg21[%swap3A_315, %swap3A_316] {strides = array<i32>} : memref<128x64xf32, #tpu.memory_space<vmem>>, vector<16xf32>,
        tpu.vector_store %arg21[%swap3A_315, %swap3A_316], %mul3A_314 {strides = array<i32>} : memref<128x64xf32, #tpu.memory_space<vmem>>, vector<16xf32>,
        %get3A_318 = arith.index_cast %scan3A_305 : i32 to index
        %get3A_319 = arith.constant 16 : index
        %get3A_320 = tpu.vector_load %arg21[%get3A_318, %get3A_319] {strides = array<i32>} : memref<128x64xf32, #tpu.memory_space<vmem>>, vector<16xf32>,
        %mul3A_321 = arith.mulf %get3A_320, %gather3A : vector<16xf32>
        %swap3A_322 = arith.index_cast %scan3A_305 : i32 to index
        %swap3A_323 = arith.constant 16 : index
        %swap3A_324 = tpu.vector_load %arg21[%swap3A_322, %swap3A_323] {strides = array<i32>} : memref<128x64xf32, #tpu.memory_space<vmem>>, vector<16xf32>,
        tpu.vector_store %arg21[%swap3A_322, %swap3A_323], %mul3A_321 {strides = array<i32>} : memref<128x64xf32, #tpu.memory_space<vmem>>, vector<16xf32>,
        %get3A_325 = arith.index_cast %scan3A_305 : i32 to index
        %get3A_326 = arith.constant 32 : index
        %get3A_327 = tpu.vector_load %arg21[%get3A_325, %get3A_326] {strides = array<i32>} : memref<128x64xf32, #tpu.memory_space<vmem>>, vector<16xf32>,
        %mul3A_328 = arith.mulf %get3A_327, %gather3A : vector<16xf32>
        %swap3A_329 = arith.index_cast %scan3A_305 : i32 to index
        %swap3A_330 = arith.constant 32 : index
        %swap3A_331 = tpu.vector_load %arg21[%swap3A_329, %swap3A_330] {strides = array<i32>} : memref<128x64xf32, #tpu.memory_space<vmem>>, vector<16xf32>,
        tpu.vector_store %arg21[%swap3A_329, %swap3A_330], %mul3A_328 {strides = array<i32>} : memref<128x64xf32, #tpu.memory_space<vmem>>, vector<16xf32>,
        %get3A_332 = arith.index_cast %scan3A_305 : i32 to index
        %get3A_333 = arith.constant 48 : index
        %get3A_334 = tpu.vector_load %arg21[%get3A_332, %get3A_333] {strides = array<i32>} : memref<128x64xf32, #tpu.memory_space<vmem>>, vector<16xf32>,
        %mul3A_335 = arith.mulf %get3A_334, %gather3A : vector<16xf32>
        %swap3A_336 = arith.index_cast %scan3A_305 : i32 to index
        %swap3A_337 = arith.constant 48 : index
        %swap3A_338 = tpu.vector_load %arg21[%swap3A_336, %swap3A_337] {strides = array<i32>} : memref<128x64xf32, #tpu.memory_space<vmem>>, vector<16xf32>,
        tpu.vector_store %arg21[%swap3A_336, %swap3A_337], %mul3A_335 {strides = array<i32>} : memref<128x64xf32, #tpu.memory_space<vmem>>, vector<16xf32>,
        %scan3A_339 = arith.constant 0 : i32
        scf.yield %scan3A_339 : i32
      }
      %scan3A_303 = arith.constant 128 : i32
      "tpu.region"() ({
        %run_scoped3A = tpu.sem_alloc : memref<!tpu.dma_semaphore, #tpu.memory_space<semaphore_mem>>
        %dma_start3A_305 = arith.constant 0 : i32
        %dma_start3A_306 = arith.constant 0 : i32
        %dma_start3A_307 = tpu.memref_slice %arg26[%dma_start3A_305, %dma_start3A_306] : memref<10240x64xf32, #tpu.memory_space<vmem_shared>> -> memref<10240x64xf32, #tpu.memory_space<vmem_shared>>
        tpu.enqueue_indirect_dma source(%arg21 : memref<128x64xf32, #tpu.memory_space<vmem>>) target(%dma_start3A_307 : memref<10240x64xf32, #tpu.memory_space<vmem_shared>>) offsets(%arg23 : memref<128xi32, #tpu.memory_space<vmem>>) semaphore(%run_scoped3A : memref<!tpu.dma_semaphore, #tpu.memory_space<semaphore_mem>>) {add = true}
        %dma_wait3A_308 = arith.constant 0 : i32
        %dma_wait3A_309 = arith.constant 0 : i32
        %dma_wait3A_310 = tpu.memref_slice %arg26[%dma_wait3A_308, %dma_wait3A_309] : memref<10240x64xf32, #tpu.memory_space<vmem_shared>> -> memref<10240x64xf32, #tpu.memory_space<vmem_shared>>
        tpu.wait_indirect_dma semaphore(%run_scoped3A : memref<!tpu.dma_semaphore, #tpu.memory_space<semaphore_mem>>) src(%arg21 : memref<128x64xf32, #tpu.memory_space<vmem>>) dst(%dma_wait3A_310 : memref<10240x64xf32, #tpu.memory_space<vmem_shared>>)
        tpu.yield
      }) : () -> ()
      %scan3A_304 = arith.constant 0 : i32
      scf.yield %scan3A_304 : i32
    }
    %scan3A_104 = arith.constant 40 : i32
    %barrier3A_105 = arith.constant 0 : index
    tpu.barrier barrier_id(%barrier3A_105)
    %eq3A_106 = arith.constant 0 : i32
    %eq3A_107 = arith.cmpi eq, %arg0, %eq3A_106 : i32
    %convert_element_type3A_108 = arith.extui %eq3A_107 : i1 to i32
    %cond3A_109 = arith.constant 0 : i32
    %cond3A_110 = arith.cmpi ne, %convert_element_type3A_108, %cond3A_109 : i32
    scf.if %cond3A_110 {
      %mul3A_164 = arith.constant 640 : i32
      %mul3A_165 = arith.muli %arg1, %mul3A_164 : i32
      %mul3A_166 = arith.constant 640 : i32
      %mul3A_167 = arith.muli %arg1, %mul3A_166 : i32
      "tpu.region"() ({
        %run_scoped3A = tpu.sem_alloc : memref<!tpu.dma_semaphore, #tpu.memory_space<semaphore_mem>>
        %dma_start3A = arith.constant 0 : i32
        %dma_start3A_168 = tpu.memref_slice %arg9[%mul3A_167, %dma_start3A] : memref<10240x64xf32, #tpu.memory_space<hbm>> -> memref<640x64xf32, #tpu.memory_space<hbm>>
        %dma_start3A_169 = arith.constant 0 : i32
        %dma_start3A_170 = tpu.memref_slice %arg26[%mul3A_165, %dma_start3A_169] : memref<10240x64xf32, #tpu.memory_space<vmem_shared>> -> memref<640x64xf32, #tpu.memory_space<vmem_shared>>
        tpu.enqueue_dma source(%dma_start3A_170 : memref<640x64xf32, #tpu.memory_space<vmem_shared>>) target(%dma_start3A_168 : memref<640x64xf32, #tpu.memory_space<hbm>>) target_semaphore(%run_scoped3A : memref<!tpu.dma_semaphore, #tpu.memory_space<semaphore_mem>>)
        %dma_wait3A = arith.constant 0 : i32
        %dma_wait3A_171 = tpu.memref_slice %arg9[%mul3A_167, %dma_wait3A] : memref<10240x64xf32, #tpu.memory_space<hbm>> -> memref<640x64xf32, #tpu.memory_space<hbm>>
        %dma_wait3A_172 = arith.constant 0 : i32
        %dma_wait3A_173 = tpu.memref_slice %arg26[%mul3A_165, %dma_wait3A_172] : memref<10240x64xf32, #tpu.memory_space<vmem_shared>> -> memref<640x64xf32, #tpu.memory_space<vmem_shared>>
        tpu.wait_dma2 semaphore(%run_scoped3A : memref<!tpu.dma_semaphore, #tpu.memory_space<semaphore_mem>>) src(%dma_wait3A_173 : memref<640x64xf32, #tpu.memory_space<vmem_shared>>) dst(%dma_wait3A_171 : memref<640x64xf32, #tpu.memory_space<hbm>>)
        tpu.yield
      }) : () -> ()
    } else {
    }
    %eq3A_111 = arith.constant 1 : i32
    %eq3A_112 = arith.cmpi eq, %arg0, %eq3A_111 : i32
    %convert_element_type3A_113 = arith.extui %eq3A_112 : i1 to i32
    %cond3A_114 = arith.constant 0 : i32
    %cond3A_115 = arith.cmpi ne, %convert_element_type3A_113, %cond3A_114 : i32
    scf.if %cond3A_115 {
      %mul3A_164 = arith.constant 640 : i32
      %mul3A_165 = arith.muli %arg1, %mul3A_164 : i32
      %mul3A_166 = arith.constant 640 : i32
      %mul3A_167 = arith.muli %arg1, %mul3A_166 : i32
      "tpu.region"() ({
        %run_scoped3A = tpu.sem_alloc : memref<!tpu.dma_semaphore, #tpu.memory_space<semaphore_mem>>
        %dma_start3A = arith.constant 0 : i32
        %dma_start3A_168 = tpu.memref_slice %arg11[%mul3A_167, %dma_start3A] : memref<10240x64xf32, #tpu.memory_space<hbm>> -> memref<640x64xf32, #tpu.memory_space<hbm>>
        %dma_start3A_169 = arith.constant 0 : i32
        %dma_start3A_170 = tpu.memref_slice %arg26[%mul3A_165, %dma_start3A_169] : memref<10240x64xf32, #tpu.memory_space<vmem_shared>> -> memref<640x64xf32, #tpu.memory_space<vmem_shared>>
        tpu.enqueue_dma source(%dma_start3A_170 : memref<640x64xf32, #tpu.memory_space<vmem_shared>>) target(%dma_start3A_168 : memref<640x64xf32, #tpu.memory_space<hbm>>) target_semaphore(%run_scoped3A : memref<!tpu.dma_semaphore, #tpu.memory_space<semaphore_mem>>)
        %dma_wait3A = arith.constant 0 : i32
        %dma_wait3A_171 = tpu.memref_slice %arg11[%mul3A_167, %dma_wait3A] : memref<10240x64xf32, #tpu.memory_space<hbm>> -> memref<640x64xf32, #tpu.memory_space<hbm>>
        %dma_wait3A_172 = arith.constant 0 : i32
        %dma_wait3A_173 = tpu.memref_slice %arg26[%mul3A_165, %dma_wait3A_172] : memref<10240x64xf32, #tpu.memory_space<vmem_shared>> -> memref<640x64xf32, #tpu.memory_space<vmem_shared>>
        tpu.wait_dma2 semaphore(%run_scoped3A : memref<!tpu.dma_semaphore, #tpu.memory_space<semaphore_mem>>) src(%dma_wait3A_173 : memref<640x64xf32, #tpu.memory_space<vmem_shared>>) dst(%dma_wait3A_171 : memref<640x64xf32, #tpu.memory_space<hbm>>)
        tpu.yield
      }) : () -> ()
    } else {
    }
    %broadcast_in_dim3A_116 = arith.constant 0.000000e+00 : f32
    %broadcast_in_dim3A_117 = vector.broadcast %broadcast_in_dim3A_116 : f32 to vector<16xf32>
    %scan3A_118 = arith.constant 0 : i32
    %scan3A_119 = arith.constant 0 : i32
    %scan3A_120 = arith.constant 512 : i32
    %scan3A_121 = arith.addi %scan3A_119, %scan3A_120 : i32
    %scan3A_122 = arith.constant 1 : i32
    %scan3A_123 = scf.for %scan3A_164 = %scan3A_119 to %scan3A_121 step %scan3A_122 iter_args(%scan3A_165 = %scan3A_118) -> (i32)  : i32 {
      %jit3A = arith.constant 4 : i32
      %div3A = arith.divsi %scan3A_164, %jit3A : i32
      %sign3A = arith.constant 0 : i32
      %sign3A_166 = arith.cmpi sgt, %scan3A_164, %sign3A : i32
      %sign3A_167 = arith.extui %sign3A_166 : i1 to i32
      %sign3A_168 = arith.constant 0 : i32
      %sign3A_169 = arith.cmpi slt, %scan3A_164, %sign3A_168 : i32
      %sign3A_170 = arith.extui %sign3A_169 : i1 to i32
      %sign3A_171 = arith.subi %sign3A_167, %sign3A_170 : i32
      %sign3A_172 = arith.constant 0 : i32
      %sign3A_173 = arith.cmpi sgt, %jit3A, %sign3A_172 : i32
      %sign3A_174 = arith.extui %sign3A_173 : i1 to i32
      %sign3A_175 = arith.constant 0 : i32
      %sign3A_176 = arith.cmpi slt, %jit3A, %sign3A_175 : i32
      %sign3A_177 = arith.extui %sign3A_176 : i1 to i32
      %sign3A_178 = arith.subi %sign3A_174, %sign3A_177 : i32
      %ne3A = arith.cmpi ne, %sign3A_171, %sign3A_178 : i32
      %rem3A = arith.remsi %scan3A_164, %jit3A : i32
      %ne3A_179 = arith.constant 0 : i32
      %ne3A_180 = arith.cmpi ne, %rem3A, %ne3A_179 : i32
      %and3A_181 = arith.andi %ne3A, %ne3A_180 : i1
      %sub3A = arith.constant 1 : i32
      %sub3A_182 = arith.subi %div3A, %sub3A : i32
      %select_n3A = arith.select %and3A_181, %sub3A_182, %div3A : i32
      %jit3A_183 = arith.constant 4 : i32
      %eq3A_184 = arith.constant 0 : i32
      %eq3A_185 = arith.cmpi eq, %jit3A_183, %eq3A_184 : i32
      %jit3A_186 = arith.constant 1 : i32
      %select_n3A_187 = arith.select %eq3A_185, %jit3A_186, %jit3A_183 : i32
      %rem3A_188 = arith.remsi %scan3A_164, %select_n3A_187 : i32
      %ne3A_189 = arith.constant 0 : i32
      %ne3A_190 = arith.cmpi ne, %rem3A_188, %ne3A_189 : i32
      %lt3A = arith.constant 0 : i32
      %lt3A_191 = arith.cmpi slt, %rem3A_188, %lt3A : i32
      %lt3A_192 = arith.constant 0 : i32
      %lt3A_193 = arith.cmpi slt, %select_n3A_187, %lt3A_192 : i32
      %ne3A_194 = arith.xori %lt3A_191, %lt3A_193 : i1
      %and3A_195 = arith.andi %ne3A_194, %ne3A_190 : i1
      %add3A_196 = arith.addi %rem3A_188, %select_n3A_187 : i32
      %select_n3A_197 = arith.select %and3A_195, %add3A_196, %rem3A_188 : i32
      %mul3A_198 = arith.constant 16 : i32
      %mul3A_199 = arith.muli %select_n3A_197, %mul3A_198 : i32
      %swap3A_200 = arith.index_cast %select_n3A : i32 to index
      %swap3A_201 = arith.index_cast %mul3A_199 : i32 to index
      %swap3A_202 = tpu.vector_load %arg21[%swap3A_200, %swap3A_201] {strides = array<i32>} : memref<128x64xf32, #tpu.memory_space<vmem>>, vector<16xf32>,
      tpu.vector_store %arg21[%swap3A_200, %swap3A_201], %broadcast_in_dim3A_117 {strides = array<i32>} : memref<128x64xf32, #tpu.memory_space<vmem>>, vector<16xf32>,
      %scan3A_203 = arith.constant 0 : i32
      scf.yield %scan3A_203 : i32
    }
    %scan3A_124 = arith.constant 512 : i32
    %mul3A_125 = arith.constant 640 : i32
    %mul3A_126 = arith.muli %arg1, %mul3A_125 : i32
    %add3A_127 = arith.constant 0 : i32
    %add3A_128 = arith.addi %mul3A_126, %add3A_127 : i32
    "tpu.region"() ({
      %run_scoped3A = tpu.sem_alloc : memref<!tpu.dma_semaphore, #tpu.memory_space<semaphore_mem>>
      %dma_start3A = arith.constant 0 : i32
      %dma_start3A_164 = tpu.memref_slice %arg26[%add3A_128, %dma_start3A] : memref<10240x64xf32, #tpu.memory_space<vmem_shared>> -> memref<128x64xf32, #tpu.memory_space<vmem_shared>>
      %dma_start3A_165 = arith.constant 0 : i32
      %dma_start3A_166 = tpu.memref_slice %arg26[%add3A_128, %dma_start3A_165] : memref<10240x64xf32, #tpu.memory_space<vmem_shared>> -> memref<128x64xf32, #tpu.memory_space<vmem_shared>>
      tpu.enqueue_dma source(%arg21 : memref<128x64xf32, #tpu.memory_space<vmem>>) target(%dma_start3A_166 : memref<128x64xf32, #tpu.memory_space<vmem_shared>>) target_semaphore(%run_scoped3A : memref<!tpu.dma_semaphore, #tpu.memory_space<semaphore_mem>>)
      %dma_wait3A = arith.constant 0 : i32
      %dma_wait3A_167 = tpu.memref_slice %arg26[%add3A_128, %dma_wait3A] : memref<10240x64xf32, #tpu.memory_space<vmem_shared>> -> memref<128x64xf32, #tpu.memory_space<vmem_shared>>
      %dma_wait3A_168 = arith.constant 0 : i32
      %dma_wait3A_169 = tpu.memref_slice %arg26[%add3A_128, %dma_wait3A_168] : memref<10240x64xf32, #tpu.memory_space<vmem_shared>> -> memref<128x64xf32, #tpu.memory_space<vmem_shared>>
      tpu.wait_dma2 semaphore(%run_scoped3A : memref<!tpu.dma_semaphore, #tpu.memory_space<semaphore_mem>>) src(%arg21 : memref<128x64xf32, #tpu.memory_space<vmem>>) dst(%dma_wait3A_169 : memref<128x64xf32, #tpu.memory_space<vmem_shared>>)
      tpu.yield
    }) : () -> ()
    %mul3A_129 = arith.constant 640 : i32
    %mul3A_130 = arith.muli %arg1, %mul3A_129 : i32
    %add3A_131 = arith.constant 128 : i32
    %add3A_132 = arith.addi %mul3A_130, %add3A_131 : i32
    "tpu.region"() ({
      %run_scoped3A = tpu.sem_alloc : memref<!tpu.dma_semaphore, #tpu.memory_space<semaphore_mem>>
      %dma_start3A = arith.constant 0 : i32
      %dma_start3A_164 = tpu.memref_slice %arg26[%add3A_132, %dma_start3A] : memref<10240x64xf32, #tpu.memory_space<vmem_shared>> -> memref<128x64xf32, #tpu.memory_space<vmem_shared>>
      %dma_start3A_165 = arith.constant 0 : i32
      %dma_start3A_166 = tpu.memref_slice %arg26[%add3A_132, %dma_start3A_165] : memref<10240x64xf32, #tpu.memory_space<vmem_shared>> -> memref<128x64xf32, #tpu.memory_space<vmem_shared>>
      tpu.enqueue_dma source(%arg21 : memref<128x64xf32, #tpu.memory_space<vmem>>) target(%dma_start3A_166 : memref<128x64xf32, #tpu.memory_space<vmem_shared>>) target_semaphore(%run_scoped3A : memref<!tpu.dma_semaphore, #tpu.memory_space<semaphore_mem>>)
      %dma_wait3A = arith.constant 0 : i32
      %dma_wait3A_167 = tpu.memref_slice %arg26[%add3A_132, %dma_wait3A] : memref<10240x64xf32, #tpu.memory_space<vmem_shared>> -> memref<128x64xf32, #tpu.memory_space<vmem_shared>>
      %dma_wait3A_168 = arith.constant 0 : i32
      %dma_wait3A_169 = tpu.memref_slice %arg26[%add3A_132, %dma_wait3A_168] : memref<10240x64xf32, #tpu.memory_space<vmem_shared>> -> memref<128x64xf32, #tpu.memory_space<vmem_shared>>
      tpu.wait_dma2 semaphore(%run_scoped3A : memref<!tpu.dma_semaphore, #tpu.memory_space<semaphore_mem>>) src(%arg21 : memref<128x64xf32, #tpu.memory_space<vmem>>) dst(%dma_wait3A_169 : memref<128x64xf32, #tpu.memory_space<vmem_shared>>)
      tpu.yield
    }) : () -> ()
    %mul3A_133 = arith.constant 640 : i32
    %mul3A_134 = arith.muli %arg1, %mul3A_133 : i32
    %add3A_135 = arith.constant 256 : i32
    %add3A_136 = arith.addi %mul3A_134, %add3A_135 : i32
    "tpu.region"() ({
      %run_scoped3A = tpu.sem_alloc : memref<!tpu.dma_semaphore, #tpu.memory_space<semaphore_mem>>
      %dma_start3A = arith.constant 0 : i32
      %dma_start3A_164 = tpu.memref_slice %arg26[%add3A_136, %dma_start3A] : memref<10240x64xf32, #tpu.memory_space<vmem_shared>> -> memref<128x64xf32, #tpu.memory_space<vmem_shared>>
      %dma_start3A_165 = arith.constant 0 : i32
      %dma_start3A_166 = tpu.memref_slice %arg26[%add3A_136, %dma_start3A_165] : memref<10240x64xf32, #tpu.memory_space<vmem_shared>> -> memref<128x64xf32, #tpu.memory_space<vmem_shared>>
      tpu.enqueue_dma source(%arg21 : memref<128x64xf32, #tpu.memory_space<vmem>>) target(%dma_start3A_166 : memref<128x64xf32, #tpu.memory_space<vmem_shared>>) target_semaphore(%run_scoped3A : memref<!tpu.dma_semaphore, #tpu.memory_space<semaphore_mem>>)
      %dma_wait3A = arith.constant 0 : i32
      %dma_wait3A_167 = tpu.memref_slice %arg26[%add3A_136, %dma_wait3A] : memref<10240x64xf32, #tpu.memory_space<vmem_shared>> -> memref<128x64xf32, #tpu.memory_space<vmem_shared>>
      %dma_wait3A_168 = arith.constant 0 : i32
      %dma_wait3A_169 = tpu.memref_slice %arg26[%add3A_136, %dma_wait3A_168] : memref<10240x64xf32, #tpu.memory_space<vmem_shared>> -> memref<128x64xf32, #tpu.memory_space<vmem_shared>>
      tpu.wait_dma2 semaphore(%run_scoped3A : memref<!tpu.dma_semaphore, #tpu.memory_space<semaphore_mem>>) src(%arg21 : memref<128x64xf32, #tpu.memory_space<vmem>>) dst(%dma_wait3A_169 : memref<128x64xf32, #tpu.memory_space<vmem_shared>>)
      tpu.yield
    }) : () -> ()
    %mul3A_137 = arith.constant 640 : i32
    %mul3A_138 = arith.muli %arg1, %mul3A_137 : i32
    %add3A_139 = arith.constant 384 : i32
    %add3A_140 = arith.addi %mul3A_138, %add3A_139 : i32
    "tpu.region"() ({
      %run_scoped3A = tpu.sem_alloc : memref<!tpu.dma_semaphore, #tpu.memory_space<semaphore_mem>>
      %dma_start3A = arith.constant 0 : i32
      %dma_start3A_164 = tpu.memref_slice %arg26[%add3A_140, %dma_start3A] : memref<10240x64xf32, #tpu.memory_space<vmem_shared>> -> memref<128x64xf32, #tpu.memory_space<vmem_shared>>
      %dma_start3A_165 = arith.constant 0 : i32
      %dma_start3A_166 = tpu.memref_slice %arg26[%add3A_140, %dma_start3A_165] : memref<10240x64xf32, #tpu.memory_space<vmem_shared>> -> memref<128x64xf32, #tpu.memory_space<vmem_shared>>
      tpu.enqueue_dma source(%arg21 : memref<128x64xf32, #tpu.memory_space<vmem>>) target(%dma_start3A_166 : memref<128x64xf32, #tpu.memory_space<vmem_shared>>) target_semaphore(%run_scoped3A : memref<!tpu.dma_semaphore, #tpu.memory_space<semaphore_mem>>)
      %dma_wait3A = arith.constant 0 : i32
      %dma_wait3A_167 = tpu.memref_slice %arg26[%add3A_140, %dma_wait3A] : memref<10240x64xf32, #tpu.memory_space<vmem_shared>> -> memref<128x64xf32, #tpu.memory_space<vmem_shared>>
      %dma_wait3A_168 = arith.constant 0 : i32
      %dma_wait3A_169 = tpu.memref_slice %arg26[%add3A_140, %dma_wait3A_168] : memref<10240x64xf32, #tpu.memory_space<vmem_shared>> -> memref<128x64xf32, #tpu.memory_space<vmem_shared>>
      tpu.wait_dma2 semaphore(%run_scoped3A : memref<!tpu.dma_semaphore, #tpu.memory_space<semaphore_mem>>) src(%arg21 : memref<128x64xf32, #tpu.memory_space<vmem>>) dst(%dma_wait3A_169 : memref<128x64xf32, #tpu.memory_space<vmem_shared>>)
      tpu.yield
    }) : () -> ()
    %mul3A_141 = arith.constant 640 : i32
    %mul3A_142 = arith.muli %arg1, %mul3A_141 : i32
    %add3A_143 = arith.constant 512 : i32
    %add3A_144 = arith.addi %mul3A_142, %add3A_143 : i32
    "tpu.region"() ({
      %run_scoped3A = tpu.sem_alloc : memref<!tpu.dma_semaphore, #tpu.memory_space<semaphore_mem>>
      %dma_start3A = arith.constant 0 : i32
      %dma_start3A_164 = tpu.memref_slice %arg26[%add3A_144, %dma_start3A] : memref<10240x64xf32, #tpu.memory_space<vmem_shared>> -> memref<128x64xf32, #tpu.memory_space<vmem_shared>>
      %dma_start3A_165 = arith.constant 0 : i32
      %dma_start3A_166 = tpu.memref_slice %arg26[%add3A_144, %dma_start3A_165] : memref<10240x64xf32, #tpu.memory_space<vmem_shared>> -> memref<128x64xf32, #tpu.memory_space<vmem_shared>>
      tpu.enqueue_dma source(%arg21 : memref<128x64xf32, #tpu.memory_space<vmem>>) target(%dma_start3A_166 : memref<128x64xf32, #tpu.memory_space<vmem_shared>>) target_semaphore(%run_scoped3A : memref<!tpu.dma_semaphore, #tpu.memory_space<semaphore_mem>>)
      %dma_wait3A = arith.constant 0 : i32
      %dma_wait3A_167 = tpu.memref_slice %arg26[%add3A_144, %dma_wait3A] : memref<10240x64xf32, #tpu.memory_space<vmem_shared>> -> memref<128x64xf32, #tpu.memory_space<vmem_shared>>
      %dma_wait3A_168 = arith.constant 0 : i32
      %dma_wait3A_169 = tpu.memref_slice %arg26[%add3A_144, %dma_wait3A_168] : memref<10240x64xf32, #tpu.memory_space<vmem_shared>> -> memref<128x64xf32, #tpu.memory_space<vmem_shared>>
      tpu.wait_dma2 semaphore(%run_scoped3A : memref<!tpu.dma_semaphore, #tpu.memory_space<semaphore_mem>>) src(%arg21 : memref<128x64xf32, #tpu.memory_space<vmem>>) dst(%dma_wait3A_169 : memref<128x64xf32, #tpu.memory_space<vmem_shared>>)
      tpu.yield
    }) : () -> ()
    %barrier3A_145 = arith.constant 0 : index
    tpu.barrier barrier_id(%barrier3A_145)
    %scan3A_146 = arith.constant 0 : i32
    %scan3A_147 = arith.constant 0 : i32
    %scan3A_148 = arith.constant 40 : i32
    %scan3A_149 = arith.addi %scan3A_147, %scan3A_148 : i32
    %scan3A_150 = arith.constant 1 : i32
    %scan3A_151 = scf.for %scan3A_164 = %scan3A_147 to %scan3A_149 step %scan3A_150 iter_args(%scan3A_165 = %scan3A_146) -> (i32)  : i32 {
      %mul3A_166 = arith.constant 128 : i32
      %mul3A_167 = arith.muli %scan3A_164, %mul3A_166 : i32
      %add3A_168 = arith.constant 0 : i32
      %add3A_169 = arith.addi %mul3A_167, %add3A_168 : i32
      %get3A = arith.index_cast %add3A_169 : i32 to index
      %get3A_170 = tpu.vector_load %arg15[%get3A] {strides = array<i32>} : memref<5120xi32, #tpu.memory_space<vmem>>, vector<16xi32>,
      %swap3A_171 = arith.constant 0 : index
      %swap3A_172 = tpu.vector_load %arg22[%swap3A_171] {strides = array<i32>} : memref<128xi32, #tpu.memory_space<vmem>>, vector<16xi32>,
      tpu.vector_store %arg22[%swap3A_171], %get3A_170 {strides = array<i32>} : memref<128xi32, #tpu.memory_space<vmem>>, vector<16xi32>,
      %mul3A_173 = arith.constant 128 : i32
      %mul3A_174 = arith.muli %scan3A_164, %mul3A_173 : i32
      %add3A_175 = arith.constant 0 : i32
      %add3A_176 = arith.addi %mul3A_174, %add3A_175 : i32
      %get3A_177 = arith.index_cast %add3A_176 : i32 to index
      %get3A_178 = tpu.vector_load %arg16[%get3A_177] {strides = array<i32>} : memref<5120xi32, #tpu.memory_space<vmem>>, vector<16xi32>,
      %swap3A_179 = arith.constant 0 : index
      %swap3A_180 = tpu.vector_load %arg23[%swap3A_179] {strides = array<i32>} : memref<128xi32, #tpu.memory_space<vmem>>, vector<16xi32>,
      tpu.vector_store %arg23[%swap3A_179], %get3A_178 {strides = array<i32>} : memref<128xi32, #tpu.memory_space<vmem>>, vector<16xi32>,
      %mul3A_181 = arith.constant 128 : i32
      %mul3A_182 = arith.muli %scan3A_164, %mul3A_181 : i32
      %add3A_183 = arith.constant 16 : i32
      %add3A_184 = arith.addi %mul3A_182, %add3A_183 : i32
      %get3A_185 = arith.index_cast %add3A_184 : i32 to index
      %get3A_186 = tpu.vector_load %arg15[%get3A_185] {strides = array<i32>} : memref<5120xi32, #tpu.memory_space<vmem>>, vector<16xi32>,
      %swap3A_187 = arith.constant 16 : index
      %swap3A_188 = tpu.vector_load %arg22[%swap3A_187] {strides = array<i32>} : memref<128xi32, #tpu.memory_space<vmem>>, vector<16xi32>,
      tpu.vector_store %arg22[%swap3A_187], %get3A_186 {strides = array<i32>} : memref<128xi32, #tpu.memory_space<vmem>>, vector<16xi32>,
      %mul3A_189 = arith.constant 128 : i32
      %mul3A_190 = arith.muli %scan3A_164, %mul3A_189 : i32
      %add3A_191 = arith.constant 16 : i32
      %add3A_192 = arith.addi %mul3A_190, %add3A_191 : i32
      %get3A_193 = arith.index_cast %add3A_192 : i32 to index
      %get3A_194 = tpu.vector_load %arg16[%get3A_193] {strides = array<i32>} : memref<5120xi32, #tpu.memory_space<vmem>>, vector<16xi32>,
      %swap3A_195 = arith.constant 16 : index
      %swap3A_196 = tpu.vector_load %arg23[%swap3A_195] {strides = array<i32>} : memref<128xi32, #tpu.memory_space<vmem>>, vector<16xi32>,
      tpu.vector_store %arg23[%swap3A_195], %get3A_194 {strides = array<i32>} : memref<128xi32, #tpu.memory_space<vmem>>, vector<16xi32>,
      %mul3A_197 = arith.constant 128 : i32
      %mul3A_198 = arith.muli %scan3A_164, %mul3A_197 : i32
      %add3A_199 = arith.constant 32 : i32
      %add3A_200 = arith.addi %mul3A_198, %add3A_199 : i32
      %get3A_201 = arith.index_cast %add3A_200 : i32 to index
      %get3A_202 = tpu.vector_load %arg15[%get3A_201] {strides = array<i32>} : memref<5120xi32, #tpu.memory_space<vmem>>, vector<16xi32>,
      %swap3A_203 = arith.constant 32 : index
      %swap3A_204 = tpu.vector_load %arg22[%swap3A_203] {strides = array<i32>} : memref<128xi32, #tpu.memory_space<vmem>>, vector<16xi32>,
      tpu.vector_store %arg22[%swap3A_203], %get3A_202 {strides = array<i32>} : memref<128xi32, #tpu.memory_space<vmem>>, vector<16xi32>,
      %mul3A_205 = arith.constant 128 : i32
      %mul3A_206 = arith.muli %scan3A_164, %mul3A_205 : i32
      %add3A_207 = arith.constant 32 : i32
      %add3A_208 = arith.addi %mul3A_206, %add3A_207 : i32
      %get3A_209 = arith.index_cast %add3A_208 : i32 to index
      %get3A_210 = tpu.vector_load %arg16[%get3A_209] {strides = array<i32>} : memref<5120xi32, #tpu.memory_space<vmem>>, vector<16xi32>,
      %swap3A_211 = arith.constant 32 : index
      %swap3A_212 = tpu.vector_load %arg23[%swap3A_211] {strides = array<i32>} : memref<128xi32, #tpu.memory_space<vmem>>, vector<16xi32>,
      tpu.vector_store %arg23[%swap3A_211], %get3A_210 {strides = array<i32>} : memref<128xi32, #tpu.memory_space<vmem>>, vector<16xi32>,
      %mul3A_213 = arith.constant 128 : i32
      %mul3A_214 = arith.muli %scan3A_164, %mul3A_213 : i32
      %add3A_215 = arith.constant 48 : i32
      %add3A_216 = arith.addi %mul3A_214, %add3A_215 : i32
      %get3A_217 = arith.index_cast %add3A_216 : i32 to index
      %get3A_218 = tpu.vector_load %arg15[%get3A_217] {strides = array<i32>} : memref<5120xi32, #tpu.memory_space<vmem>>, vector<16xi32>,
      %swap3A_219 = arith.constant 48 : index
      %swap3A_220 = tpu.vector_load %arg22[%swap3A_219] {strides = array<i32>} : memref<128xi32, #tpu.memory_space<vmem>>, vector<16xi32>,
      tpu.vector_store %arg22[%swap3A_219], %get3A_218 {strides = array<i32>} : memref<128xi32, #tpu.memory_space<vmem>>, vector<16xi32>,
      %mul3A_221 = arith.constant 128 : i32
      %mul3A_222 = arith.muli %scan3A_164, %mul3A_221 : i32
      %add3A_223 = arith.constant 48 : i32
      %add3A_224 = arith.addi %mul3A_222, %add3A_223 : i32
      %get3A_225 = arith.index_cast %add3A_224 : i32 to index
      %get3A_226 = tpu.vector_load %arg16[%get3A_225] {strides = array<i32>} : memref<5120xi32, #tpu.memory_space<vmem>>, vector<16xi32>,
      %swap3A_227 = arith.constant 48 : index
      %swap3A_228 = tpu.vector_load %arg23[%swap3A_227] {strides = array<i32>} : memref<128xi32, #tpu.memory_space<vmem>>, vector<16xi32>,
      tpu.vector_store %arg23[%swap3A_227], %get3A_226 {strides = array<i32>} : memref<128xi32, #tpu.memory_space<vmem>>, vector<16xi32>,
      %mul3A_229 = arith.constant 128 : i32
      %mul3A_230 = arith.muli %scan3A_164, %mul3A_229 : i32
      %add3A_231 = arith.constant 64 : i32
      %add3A_232 = arith.addi %mul3A_230, %add3A_231 : i32
      %get3A_233 = arith.index_cast %add3A_232 : i32 to index
      %get3A_234 = tpu.vector_load %arg15[%get3A_233] {strides = array<i32>} : memref<5120xi32, #tpu.memory_space<vmem>>, vector<16xi32>,
      %swap3A_235 = arith.constant 64 : index
      %swap3A_236 = tpu.vector_load %arg22[%swap3A_235] {strides = array<i32>} : memref<128xi32, #tpu.memory_space<vmem>>, vector<16xi32>,
      tpu.vector_store %arg22[%swap3A_235], %get3A_234 {strides = array<i32>} : memref<128xi32, #tpu.memory_space<vmem>>, vector<16xi32>,
      %mul3A_237 = arith.constant 128 : i32
      %mul3A_238 = arith.muli %scan3A_164, %mul3A_237 : i32
      %add3A_239 = arith.constant 64 : i32
      %add3A_240 = arith.addi %mul3A_238, %add3A_239 : i32
      %get3A_241 = arith.index_cast %add3A_240 : i32 to index
      %get3A_242 = tpu.vector_load %arg16[%get3A_241] {strides = array<i32>} : memref<5120xi32, #tpu.memory_space<vmem>>, vector<16xi32>,
      %swap3A_243 = arith.constant 64 : index
      %swap3A_244 = tpu.vector_load %arg23[%swap3A_243] {strides = array<i32>} : memref<128xi32, #tpu.memory_space<vmem>>, vector<16xi32>,
      tpu.vector_store %arg23[%swap3A_243], %get3A_242 {strides = array<i32>} : memref<128xi32, #tpu.memory_space<vmem>>, vector<16xi32>,
      %mul3A_245 = arith.constant 128 : i32
      %mul3A_246 = arith.muli %scan3A_164, %mul3A_245 : i32
      %add3A_247 = arith.constant 80 : i32
      %add3A_248 = arith.addi %mul3A_246, %add3A_247 : i32
      %get3A_249 = arith.index_cast %add3A_248 : i32 to index
      %get3A_250 = tpu.vector_load %arg15[%get3A_249] {strides = array<i32>} : memref<5120xi32, #tpu.memory_space<vmem>>, vector<16xi32>,
      %swap3A_251 = arith.constant 80 : index
      %swap3A_252 = tpu.vector_load %arg22[%swap3A_251] {strides = array<i32>} : memref<128xi32, #tpu.memory_space<vmem>>, vector<16xi32>,
      tpu.vector_store %arg22[%swap3A_251], %get3A_250 {strides = array<i32>} : memref<128xi32, #tpu.memory_space<vmem>>, vector<16xi32>,
      %mul3A_253 = arith.constant 128 : i32
      %mul3A_254 = arith.muli %scan3A_164, %mul3A_253 : i32
      %add3A_255 = arith.constant 80 : i32
      %add3A_256 = arith.addi %mul3A_254, %add3A_255 : i32
      %get3A_257 = arith.index_cast %add3A_256 : i32 to index
      %get3A_258 = tpu.vector_load %arg16[%get3A_257] {strides = array<i32>} : memref<5120xi32, #tpu.memory_space<vmem>>, vector<16xi32>,
      %swap3A_259 = arith.constant 80 : index
      %swap3A_260 = tpu.vector_load %arg23[%swap3A_259] {strides = array<i32>} : memref<128xi32, #tpu.memory_space<vmem>>, vector<16xi32>,
      tpu.vector_store %arg23[%swap3A_259], %get3A_258 {strides = array<i32>} : memref<128xi32, #tpu.memory_space<vmem>>, vector<16xi32>,
      %mul3A_261 = arith.constant 128 : i32
      %mul3A_262 = arith.muli %scan3A_164, %mul3A_261 : i32
      %add3A_263 = arith.constant 96 : i32
      %add3A_264 = arith.addi %mul3A_262, %add3A_263 : i32
      %get3A_265 = arith.index_cast %add3A_264 : i32 to index
      %get3A_266 = tpu.vector_load %arg15[%get3A_265] {strides = array<i32>} : memref<5120xi32, #tpu.memory_space<vmem>>, vector<16xi32>,
      %swap3A_267 = arith.constant 96 : index
      %swap3A_268 = tpu.vector_load %arg22[%swap3A_267] {strides = array<i32>} : memref<128xi32, #tpu.memory_space<vmem>>, vector<16xi32>,
      tpu.vector_store %arg22[%swap3A_267], %get3A_266 {strides = array<i32>} : memref<128xi32, #tpu.memory_space<vmem>>, vector<16xi32>,
      %mul3A_269 = arith.constant 128 : i32
      %mul3A_270 = arith.muli %scan3A_164, %mul3A_269 : i32
      %add3A_271 = arith.constant 96 : i32
      %add3A_272 = arith.addi %mul3A_270, %add3A_271 : i32
      %get3A_273 = arith.index_cast %add3A_272 : i32 to index
      %get3A_274 = tpu.vector_load %arg16[%get3A_273] {strides = array<i32>} : memref<5120xi32, #tpu.memory_space<vmem>>, vector<16xi32>,
      %swap3A_275 = arith.constant 96 : index
      %swap3A_276 = tpu.vector_load %arg23[%swap3A_275] {strides = array<i32>} : memref<128xi32, #tpu.memory_space<vmem>>, vector<16xi32>,
      tpu.vector_store %arg23[%swap3A_275], %get3A_274 {strides = array<i32>} : memref<128xi32, #tpu.memory_space<vmem>>, vector<16xi32>,
      %mul3A_277 = arith.constant 128 : i32
      %mul3A_278 = arith.muli %scan3A_164, %mul3A_277 : i32
      %add3A_279 = arith.constant 112 : i32
      %add3A_280 = arith.addi %mul3A_278, %add3A_279 : i32
      %get3A_281 = arith.index_cast %add3A_280 : i32 to index
      %get3A_282 = tpu.vector_load %arg15[%get3A_281] {strides = array<i32>} : memref<5120xi32, #tpu.memory_space<vmem>>, vector<16xi32>,
      %swap3A_283 = arith.constant 112 : index
      %swap3A_284 = tpu.vector_load %arg22[%swap3A_283] {strides = array<i32>} : memref<128xi32, #tpu.memory_space<vmem>>, vector<16xi32>,
      tpu.vector_store %arg22[%swap3A_283], %get3A_282 {strides = array<i32>} : memref<128xi32, #tpu.memory_space<vmem>>, vector<16xi32>,
      %mul3A_285 = arith.constant 128 : i32
      %mul3A_286 = arith.muli %scan3A_164, %mul3A_285 : i32
      %add3A_287 = arith.constant 112 : i32
      %add3A_288 = arith.addi %mul3A_286, %add3A_287 : i32
      %get3A_289 = arith.index_cast %add3A_288 : i32 to index
      %get3A_290 = tpu.vector_load %arg16[%get3A_289] {strides = array<i32>} : memref<5120xi32, #tpu.memory_space<vmem>>, vector<16xi32>,
      %swap3A_291 = arith.constant 112 : index
      %swap3A_292 = tpu.vector_load %arg23[%swap3A_291] {strides = array<i32>} : memref<128xi32, #tpu.memory_space<vmem>>, vector<16xi32>,
      tpu.vector_store %arg23[%swap3A_291], %get3A_290 {strides = array<i32>} : memref<128xi32, #tpu.memory_space<vmem>>, vector<16xi32>,
      %dma_start3A = arith.constant 0 : i32
      %dma_start3A_293 = arith.constant 0 : i32
      %dma_start3A_294 = tpu.memref_slice %arg6[%dma_start3A, %dma_start3A_293] : memref<10000x64xf32, #tpu.memory_space<hbm>> -> memref<10000x64xf32, #tpu.memory_space<hbm>>
      tpu.enqueue_indirect_dma source(%dma_start3A_294 : memref<10000x64xf32, #tpu.memory_space<hbm>>) target(%arg21 : memref<128x64xf32, #tpu.memory_space<vmem>>) offsets(%arg22 : memref<128xi32, #tpu.memory_space<vmem>>) semaphore(%arg27 : memref<!tpu.dma_semaphore, #tpu.memory_space<semaphore_mem>>)
      %dma_wait3A = arith.constant 0 : i32
      %dma_wait3A_295 = arith.constant 0 : i32
      %dma_wait3A_296 = tpu.memref_slice %arg6[%dma_wait3A, %dma_wait3A_295] : memref<10000x64xf32, #tpu.memory_space<hbm>> -> memref<10000x64xf32, #tpu.memory_space<hbm>>
      tpu.wait_indirect_dma semaphore(%arg27 : memref<!tpu.dma_semaphore, #tpu.memory_space<semaphore_mem>>) src(%dma_wait3A_296 : memref<10000x64xf32, #tpu.memory_space<hbm>>) dst(%arg21 : memref<128x64xf32, #tpu.memory_space<vmem>>)
      %scan3A_297 = arith.constant 0 : i32
      %scan3A_298 = arith.constant 0 : i32
      %scan3A_299 = arith.constant 128 : i32
      %scan3A_300 = arith.addi %scan3A_298, %scan3A_299 : i32
      %scan3A_301 = arith.constant 1 : i32
      %scan3A_302 = scf.for %scan3A_305 = %scan3A_298 to %scan3A_300 step %scan3A_301 iter_args(%scan3A_306 = %scan3A_297) -> (i32)  : i32 {
        %mul3A_307 = arith.constant 128 : i32
        %mul3A_308 = arith.muli %scan3A_164, %mul3A_307 : i32
        %add3A_309 = arith.addi %mul3A_308, %scan3A_305 : i32
        %broadcast_in_dim3A_310 = vector.broadcast %add3A_309 : i32 to vector<16xi32>
        %gather3A = tpu.vector_load_idx %arg18[%broadcast_in_dim3A_310] : memref<5120xf32, #tpu.memory_space<vmem>>[vector<16xi32>], vector<16xf32>,
        %get3A_311 = arith.index_cast %scan3A_305 : i32 to index
        %get3A_312 = arith.constant 0 : index
        %get3A_313 = tpu.vector_load %arg21[%get3A_311, %get3A_312] {strides = array<i32>} : memref<128x64xf32, #tpu.memory_space<vmem>>, vector<16xf32>,
        %mul3A_314 = arith.mulf %get3A_313, %gather3A : vector<16xf32>
        %swap3A_315 = arith.index_cast %scan3A_305 : i32 to index
        %swap3A_316 = arith.constant 0 : index
        %swap3A_317 = tpu.vector_load %arg21[%swap3A_315, %swap3A_316] {strides = array<i32>} : memref<128x64xf32, #tpu.memory_space<vmem>>, vector<16xf32>,
        tpu.vector_store %arg21[%swap3A_315, %swap3A_316], %mul3A_314 {strides = array<i32>} : memref<128x64xf32, #tpu.memory_space<vmem>>, vector<16xf32>,
        %get3A_318 = arith.index_cast %scan3A_305 : i32 to index
        %get3A_319 = arith.constant 16 : index
        %get3A_320 = tpu.vector_load %arg21[%get3A_318, %get3A_319] {strides = array<i32>} : memref<128x64xf32, #tpu.memory_space<vmem>>, vector<16xf32>,
        %mul3A_321 = arith.mulf %get3A_320, %gather3A : vector<16xf32>
        %swap3A_322 = arith.index_cast %scan3A_305 : i32 to index
        %swap3A_323 = arith.constant 16 : index
        %swap3A_324 = tpu.vector_load %arg21[%swap3A_322, %swap3A_323] {strides = array<i32>} : memref<128x64xf32, #tpu.memory_space<vmem>>, vector<16xf32>,
        tpu.vector_store %arg21[%swap3A_322, %swap3A_323], %mul3A_321 {strides = array<i32>} : memref<128x64xf32, #tpu.memory_space<vmem>>, vector<16xf32>,
        %get3A_325 = arith.index_cast %scan3A_305 : i32 to index
        %get3A_326 = arith.constant 32 : index
        %get3A_327 = tpu.vector_load %arg21[%get3A_325, %get3A_326] {strides = array<i32>} : memref<128x64xf32, #tpu.memory_space<vmem>>, vector<16xf32>,
        %mul3A_328 = arith.mulf %get3A_327, %gather3A : vector<16xf32>
        %swap3A_329 = arith.index_cast %scan3A_305 : i32 to index
        %swap3A_330 = arith.constant 32 : index
        %swap3A_331 = tpu.vector_load %arg21[%swap3A_329, %swap3A_330] {strides = array<i32>} : memref<128x64xf32, #tpu.memory_space<vmem>>, vector<16xf32>,
        tpu.vector_store %arg21[%swap3A_329, %swap3A_330], %mul3A_328 {strides = array<i32>} : memref<128x64xf32, #tpu.memory_space<vmem>>, vector<16xf32>,
        %get3A_332 = arith.index_cast %scan3A_305 : i32 to index
        %get3A_333 = arith.constant 48 : index
        %get3A_334 = tpu.vector_load %arg21[%get3A_332, %get3A_333] {strides = array<i32>} : memref<128x64xf32, #tpu.memory_space<vmem>>, vector<16xf32>,
        %mul3A_335 = arith.mulf %get3A_334, %gather3A : vector<16xf32>
        %swap3A_336 = arith.index_cast %scan3A_305 : i32 to index
        %swap3A_337 = arith.constant 48 : index
        %swap3A_338 = tpu.vector_load %arg21[%swap3A_336, %swap3A_337] {strides = array<i32>} : memref<128x64xf32, #tpu.memory_space<vmem>>, vector<16xf32>,
        tpu.vector_store %arg21[%swap3A_336, %swap3A_337], %mul3A_335 {strides = array<i32>} : memref<128x64xf32, #tpu.memory_space<vmem>>, vector<16xf32>,
        %scan3A_339 = arith.constant 0 : i32
        scf.yield %scan3A_339 : i32
      }
      %scan3A_303 = arith.constant 128 : i32
      "tpu.region"() ({
        %run_scoped3A = tpu.sem_alloc : memref<!tpu.dma_semaphore, #tpu.memory_space<semaphore_mem>>
        %dma_start3A_305 = arith.constant 0 : i32
        %dma_start3A_306 = arith.constant 0 : i32
        %dma_start3A_307 = tpu.memref_slice %arg26[%dma_start3A_305, %dma_start3A_306] : memref<10240x64xf32, #tpu.memory_space<vmem_shared>> -> memref<10240x64xf32, #tpu.memory_space<vmem_shared>>
        tpu.enqueue_indirect_dma source(%arg21 : memref<128x64xf32, #tpu.memory_space<vmem>>) target(%dma_start3A_307 : memref<10240x64xf32, #tpu.memory_space<vmem_shared>>) offsets(%arg23 : memref<128xi32, #tpu.memory_space<vmem>>) semaphore(%run_scoped3A : memref<!tpu.dma_semaphore, #tpu.memory_space<semaphore_mem>>) {add = true}
        %dma_wait3A_308 = arith.constant 0 : i32
        %dma_wait3A_309 = arith.constant 0 : i32
        %dma_wait3A_310 = tpu.memref_slice %arg26[%dma_wait3A_308, %dma_wait3A_309] : memref<10240x64xf32, #tpu.memory_space<vmem_shared>> -> memref<10240x64xf32, #tpu.memory_space<vmem_shared>>
        tpu.wait_indirect_dma semaphore(%run_scoped3A : memref<!tpu.dma_semaphore, #tpu.memory_space<semaphore_mem>>) src(%arg21 : memref<128x64xf32, #tpu.memory_space<vmem>>) dst(%dma_wait3A_310 : memref<10240x64xf32, #tpu.memory_space<vmem_shared>>)
        tpu.yield
      }) : () -> ()
      %scan3A_304 = arith.constant 0 : i32
      scf.yield %scan3A_304 : i32
    }
    %scan3A_152 = arith.constant 40 : i32
    %barrier3A_153 = arith.constant 0 : index
    tpu.barrier barrier_id(%barrier3A_153)
    %eq3A_154 = arith.constant 0 : i32
    %eq3A_155 = arith.cmpi eq, %arg0, %eq3A_154 : i32
    %convert_element_type3A_156 = arith.extui %eq3A_155 : i1 to i32
    %cond3A_157 = arith.constant 0 : i32
    %cond3A_158 = arith.cmpi ne, %convert_element_type3A_156, %cond3A_157 : i32
    scf.if %cond3A_158 {
      %mul3A_164 = arith.constant 640 : i32
      %mul3A_165 = arith.muli %arg1, %mul3A_164 : i32
      %mul3A_166 = arith.constant 640 : i32
      %mul3A_167 = arith.muli %arg1, %mul3A_166 : i32
      "tpu.region"() ({
        %run_scoped3A = tpu.sem_alloc : memref<!tpu.dma_semaphore, #tpu.memory_space<semaphore_mem>>
        %dma_start3A = arith.constant 0 : i32
        %dma_start3A_168 = tpu.memref_slice %arg10[%mul3A_167, %dma_start3A] : memref<10240x64xf32, #tpu.memory_space<hbm>> -> memref<640x64xf32, #tpu.memory_space<hbm>>
        %dma_start3A_169 = arith.constant 0 : i32
        %dma_start3A_170 = tpu.memref_slice %arg26[%mul3A_165, %dma_start3A_169] : memref<10240x64xf32, #tpu.memory_space<vmem_shared>> -> memref<640x64xf32, #tpu.memory_space<vmem_shared>>
        tpu.enqueue_dma source(%dma_start3A_170 : memref<640x64xf32, #tpu.memory_space<vmem_shared>>) target(%dma_start3A_168 : memref<640x64xf32, #tpu.memory_space<hbm>>) target_semaphore(%run_scoped3A : memref<!tpu.dma_semaphore, #tpu.memory_space<semaphore_mem>>)
        %dma_wait3A = arith.constant 0 : i32
        %dma_wait3A_171 = tpu.memref_slice %arg10[%mul3A_167, %dma_wait3A] : memref<10240x64xf32, #tpu.memory_space<hbm>> -> memref<640x64xf32, #tpu.memory_space<hbm>>
        %dma_wait3A_172 = arith.constant 0 : i32
        %dma_wait3A_173 = tpu.memref_slice %arg26[%mul3A_165, %dma_wait3A_172] : memref<10240x64xf32, #tpu.memory_space<vmem_shared>> -> memref<640x64xf32, #tpu.memory_space<vmem_shared>>
        tpu.wait_dma2 semaphore(%run_scoped3A : memref<!tpu.dma_semaphore, #tpu.memory_space<semaphore_mem>>) src(%dma_wait3A_173 : memref<640x64xf32, #tpu.memory_space<vmem_shared>>) dst(%dma_wait3A_171 : memref<640x64xf32, #tpu.memory_space<hbm>>)
        tpu.yield
      }) : () -> ()
    } else {
    }
    %eq3A_159 = arith.constant 1 : i32
    %eq3A_160 = arith.cmpi eq, %arg0, %eq3A_159 : i32
    %convert_element_type3A_161 = arith.extui %eq3A_160 : i1 to i32
    %cond3A_162 = arith.constant 0 : i32
    %cond3A_163 = arith.cmpi ne, %convert_element_type3A_161, %cond3A_162 : i32
    scf.if %cond3A_163 {
      %mul3A_164 = arith.constant 640 : i32
      %mul3A_165 = arith.muli %arg1, %mul3A_164 : i32
      %mul3A_166 = arith.constant 640 : i32
      %mul3A_167 = arith.muli %arg1, %mul3A_166 : i32
      "tpu.region"() ({
        %run_scoped3A = tpu.sem_alloc : memref<!tpu.dma_semaphore, #tpu.memory_space<semaphore_mem>>
        %dma_start3A = arith.constant 0 : i32
        %dma_start3A_168 = tpu.memref_slice %arg12[%mul3A_167, %dma_start3A] : memref<10240x64xf32, #tpu.memory_space<hbm>> -> memref<640x64xf32, #tpu.memory_space<hbm>>
        %dma_start3A_169 = arith.constant 0 : i32
        %dma_start3A_170 = tpu.memref_slice %arg26[%mul3A_165, %dma_start3A_169] : memref<10240x64xf32, #tpu.memory_space<vmem_shared>> -> memref<640x64xf32, #tpu.memory_space<vmem_shared>>
        tpu.enqueue_dma source(%dma_start3A_170 : memref<640x64xf32, #tpu.memory_space<vmem_shared>>) target(%dma_start3A_168 : memref<640x64xf32, #tpu.memory_space<hbm>>) target_semaphore(%run_scoped3A : memref<!tpu.dma_semaphore, #tpu.memory_space<semaphore_mem>>)
        %dma_wait3A = arith.constant 0 : i32
        %dma_wait3A_171 = tpu.memref_slice %arg12[%mul3A_167, %dma_wait3A] : memref<10240x64xf32, #tpu.memory_space<hbm>> -> memref<640x64xf32, #tpu.memory_space<hbm>>
        %dma_wait3A_172 = arith.constant 0 : i32
        %dma_wait3A_173 = tpu.memref_slice %arg26[%mul3A_165, %dma_wait3A_172] : memref<10240x64xf32, #tpu.memory_space<vmem_shared>> -> memref<640x64xf32, #tpu.memory_space<vmem_shared>>
        tpu.wait_dma2 semaphore(%run_scoped3A : memref<!tpu.dma_semaphore, #tpu.memory_space<semaphore_mem>>) src(%dma_wait3A_173 : memref<640x64xf32, #tpu.memory_space<vmem_shared>>) dst(%dma_wait3A_171 : memref<640x64xf32, #tpu.memory_space<hbm>>)
        tpu.yield
      }) : () -> ()
    } else {
    }
    return
  }
}

module attributes {stable_mosaic.version = 14 : i64} {
  func.func @_t1_body(%arg0: i32, %arg1: memref<1000x256xf32, #tpu.memory_space<vmem>>, %arg2: memref<256x128xf32, #tpu.memory_space<vmem>>, %arg3: memref<1000x64xf32, #tpu.memory_space<vmem>>, %arg4: memref<1000x64xf32, #tpu.memory_space<vmem>>) attributes {dimension_semantics = [#tpu.dimension_semantics<arbitrary>], iteration_bounds = array<i64: 10>, scalar_prefetch = 0 : i64, scratch_operands = 0 : i64, tpu.core_type = #tpu.core_type<tc>, window_params = [{transform_indices = @transform_0, window_bounds = array<i64: 1000, 256>}, {pipeline_mode = #tpu.pipeline_mode<synchronous>, transform_indices = @transform_1, window_bounds = array<i64: 256, 128>}, {transform_indices = @transform_2, window_bounds = array<i64: 1000, 64>}, {transform_indices = @transform_3, window_bounds = array<i64: 1000, 64>}]} {
    %get3A = arith.constant 0 : index
    %get3A_0 = arith.constant 0 : index
    %get3A_1 = vector.load %arg1[%get3A, %get3A_0] : memref<1000x256xf32, #tpu.memory_space<vmem>>, vector<1000x256xf32>
    %get3A_2 = arith.constant 0 : index
    %get3A_3 = arith.constant 0 : index
    %get3A_4 = vector.load %arg2[%get3A_2, %get3A_3] : memref<256x128xf32, #tpu.memory_space<vmem>>, vector<256x128xf32>
    %dot_general3A = arith.constant dense<0.000000e+00> : vector<1000x128xf32>
    %dot_general3A_5 = tpu.matmul %get3A_1, %get3A_4, %dot_general3A {dimension_numbers = #tpu.dot_dimension_numbers<[1], [0], [0], [1], [0, 0, 1, 1], [], []>, transpose_lhs_hint = false} : vector<1000x256xf32>, vector<256x128xf32>, vector<1000x128xf32> -> vector<1000x128xf32>
    %slice3A = vector.extract_strided_slice %dot_general3A_5 {offsets = [0, 0], sizes = [1000, 64], strides = [1, 1]} : vector<1000x128xf32> to vector<1000x64xf32>
    %swap3A = arith.constant 0 : index
    %swap3A_6 = arith.constant 0 : index
    %swap3A_7 = vector.load %arg3[%swap3A, %swap3A_6] : memref<1000x64xf32, #tpu.memory_space<vmem>>, vector<1000x64xf32>
    tpu.vector_store %arg3[%swap3A, %swap3A_6], %slice3A {strides = array<i32>} : memref<1000x64xf32, #tpu.memory_space<vmem>>, vector<1000x64xf32>,
    %slice3A_8 = vector.extract_strided_slice %dot_general3A_5 {offsets = [0, 64], sizes = [1000, 64], strides = [1, 1]} : vector<1000x128xf32> to vector<1000x64xf32>
    %swap3A_9 = arith.constant 0 : index
    %swap3A_10 = arith.constant 0 : index
    %swap3A_11 = vector.load %arg4[%swap3A_9, %swap3A_10] : memref<1000x64xf32, #tpu.memory_space<vmem>>, vector<1000x64xf32>
    tpu.vector_store %arg4[%swap3A_9, %swap3A_10], %slice3A_8 {strides = array<i32>} : memref<1000x64xf32, #tpu.memory_space<vmem>>, vector<1000x64xf32>,
    return
  }
  func.func @transform_0(%arg0: i32) -> (i32, i32) {
    %c0_i32 = arith.constant 0 : i32
    %c0_i32_0 = arith.constant 0 : i32
    return %arg0, %c0_i32 : i32, i32
  }
  func.func @transform_1(%arg0: i32) -> (i32, i32) {
    %c0_i32 = arith.constant 0 : i32
    %c0_i32_0 = arith.constant 0 : i32
    %c0_i32_1 = arith.constant 0 : i32
    return %c0_i32, %c0_i32_0 : i32, i32
  }
  func.func @transform_2(%arg0: i32) -> (i32, i32) {
    %c0_i32 = arith.constant 0 : i32
    %c0_i32_0 = arith.constant 0 : i32
    return %arg0, %c0_i32 : i32, i32
  }
  func.func @transform_3(%arg0: i32) -> (i32, i32) {
    %c0_i32 = arith.constant 0 : i32
    %c0_i32_0 = arith.constant 0 : i32
    return %arg0, %c0_i32 : i32, i32
  }
}

module attributes {stable_mosaic.version = 14 : i64} {
  func.func @_t2_body(%arg0: i32, %arg1: memref<1000x64xf32, #tpu.memory_space<vmem>>, %arg2: memref<1000x64xf32, #tpu.memory_space<vmem>>, %arg3: memref<1000x64xf32, #tpu.memory_space<vmem>>, %arg4: memref<1000x64xf32, #tpu.memory_space<vmem>>, %arg5: memref<1000x64xf32, #tpu.memory_space<vmem>>, %arg6: memref<1000x64xf32, #tpu.memory_space<vmem>>, %arg7: memref<1000x1xf32, #tpu.memory_space<vmem>>, %arg8: memref<1x128xf32, #tpu.memory_space<vmem>>, %arg9: memref<128x256xf32, #tpu.memory_space<vmem>>, %arg10: memref<1000x64xf32, #tpu.memory_space<vmem>>, %arg11: memref<1000x64xf32, #tpu.memory_space<vmem>>, %arg12: memref<1000x64xf32, #tpu.memory_space<vmem>>, %arg13: memref<1000x64xf32, #tpu.memory_space<vmem>>) attributes {dimension_semantics = [#tpu.dimension_semantics<arbitrary>], iteration_bounds = array<i64: 10>, scalar_prefetch = 0 : i64, scratch_operands = 0 : i64, tpu.core_type = #tpu.core_type<tc>, window_params = [{transform_indices = @transform_0, window_bounds = array<i64: 1000, 64>}, {transform_indices = @transform_1, window_bounds = array<i64: 1000, 64>}, {transform_indices = @transform_2, window_bounds = array<i64: 1000, 64>}, {transform_indices = @transform_3, window_bounds = array<i64: 1000, 64>}, {transform_indices = @transform_4, window_bounds = array<i64: 1000, 64>}, {transform_indices = @transform_5, window_bounds = array<i64: 1000, 64>}, {transform_indices = @transform_6, window_bounds = array<i64: 1000, 1>}, {pipeline_mode = #tpu.pipeline_mode<synchronous>, transform_indices = @transform_7, window_bounds = array<i64: 1, 128>}, {pipeline_mode = #tpu.pipeline_mode<synchronous>, transform_indices = @transform_8, window_bounds = array<i64: 128, 256>}, {transform_indices = @transform_9, window_bounds = array<i64: 1000, 64>}, {transform_indices = @transform_10, window_bounds = array<i64: 1000, 64>}, {transform_indices = @transform_11, window_bounds = array<i64: 1000, 64>}, {transform_indices = @transform_12, window_bounds = array<i64: 1000, 64>}]} {
    %get3A = arith.constant 0 : index
    %get3A_0 = arith.constant 0 : index
    %get3A_1 = vector.load %arg7[%get3A, %get3A_0] : memref<1000x1xf32, #tpu.memory_space<vmem>>, vector<1000x1xf32>
    %get3A_2 = arith.constant 0 : index
    %get3A_3 = arith.constant 0 : index
    %get3A_4 = vector.load %arg7[%get3A_2, %get3A_3] : memref<1000x1xf32, #tpu.memory_space<vmem>>, vector<1000x1xf32>
    %mul3A = arith.mulf %get3A_1, %get3A_4 : vector<1000x1xf32>
    %get3A_5 = arith.constant 0 : index
    %get3A_6 = arith.constant 0 : index
    %get3A_7 = vector.load %arg1[%get3A_5, %get3A_6] : memref<1000x64xf32, #tpu.memory_space<vmem>>, vector<1000x64xf32>
    %get3A_8 = arith.constant 0 : index
    %get3A_9 = arith.constant 0 : index
    %get3A_10 = vector.load %arg3[%get3A_8, %get3A_9] : memref<1000x64xf32, #tpu.memory_space<vmem>>, vector<1000x64xf32>
    %add3A = arith.addf %get3A_7, %get3A_10 : vector<1000x64xf32>
    %get3A_11 = arith.constant 0 : index
    %get3A_12 = arith.constant 0 : index
    %get3A_13 = vector.load %arg5[%get3A_11, %get3A_12] : memref<1000x64xf32, #tpu.memory_space<vmem>>, vector<1000x64xf32>
    %mul3A_14 = vector.broadcast %mul3A : vector<1000x1xf32> to vector<1000x64xf32>
    %mul3A_15 = arith.mulf %mul3A_14, %get3A_13 : vector<1000x64xf32>
    %add3A_16 = arith.addf %add3A, %mul3A_15 : vector<1000x64xf32>
    %get3A_17 = arith.constant 0 : index
    %get3A_18 = arith.constant 0 : index
    %get3A_19 = vector.load %arg2[%get3A_17, %get3A_18] : memref<1000x64xf32, #tpu.memory_space<vmem>>, vector<1000x64xf32>
    %get3A_20 = arith.constant 0 : index
    %get3A_21 = arith.constant 0 : index
    %get3A_22 = vector.load %arg4[%get3A_20, %get3A_21] : memref<1000x64xf32, #tpu.memory_space<vmem>>, vector<1000x64xf32>
    %add3A_23 = arith.addf %get3A_19, %get3A_22 : vector<1000x64xf32>
    %get3A_24 = arith.constant 0 : index
    %get3A_25 = arith.constant 0 : index
    %get3A_26 = vector.load %arg6[%get3A_24, %get3A_25] : memref<1000x64xf32, #tpu.memory_space<vmem>>, vector<1000x64xf32>
    %mul3A_27 = vector.broadcast %mul3A : vector<1000x1xf32> to vector<1000x64xf32>
    %mul3A_28 = arith.mulf %mul3A_27, %get3A_26 : vector<1000x64xf32>
    %add3A_29 = arith.addf %add3A_23, %mul3A_28 : vector<1000x64xf32>
    %concatenate3A = tpu.concatenate %add3A_16, %add3A_29 in 1 : vector<1000x64xf32>, vector<1000x64xf32> -> vector<1000x128xf32>
    %get3A_30 = arith.constant 0 : index
    %get3A_31 = arith.constant 0 : index
    %get3A_32 = vector.load %arg8[%get3A_30, %get3A_31] : memref<1x128xf32, #tpu.memory_space<vmem>>, vector<1x128xf32>
    %add3A_33 = vector.broadcast %get3A_32 : vector<1x128xf32> to vector<1000x128xf32>
    %add3A_34 = arith.addf %concatenate3A, %add3A_33 : vector<1000x128xf32>
    %max3A = arith.constant 0.000000e+00 : f32
    %max3A_35 = vector.broadcast %max3A : f32 to vector<1000x128xf32>
    %max3A_36 = arith.maximumf %add3A_34, %max3A_35 : vector<1000x128xf32>
    %get3A_37 = arith.constant 0 : index
    %get3A_38 = arith.constant 0 : index
    %get3A_39 = vector.load %arg9[%get3A_37, %get3A_38] : memref<128x256xf32, #tpu.memory_space<vmem>>, vector<128x256xf32>
    %dot_general3A = arith.constant dense<0.000000e+00> : vector<1000x256xf32>
    %dot_general3A_40 = tpu.matmul %max3A_36, %get3A_39, %dot_general3A {dimension_numbers = #tpu.dot_dimension_numbers<[1], [0], [0], [1], [0, 0, 1, 1], [], []>, transpose_lhs_hint = false} : vector<1000x128xf32>, vector<128x256xf32>, vector<1000x256xf32> -> vector<1000x256xf32>
    %slice3A = vector.extract_strided_slice %dot_general3A_40 {offsets = [0, 0], sizes = [1000, 64], strides = [1, 1]} : vector<1000x256xf32> to vector<1000x64xf32>
    %swap3A = arith.constant 0 : index
    %swap3A_41 = arith.constant 0 : index
    %swap3A_42 = vector.load %arg10[%swap3A, %swap3A_41] : memref<1000x64xf32, #tpu.memory_space<vmem>>, vector<1000x64xf32>
    tpu.vector_store %arg10[%swap3A, %swap3A_41], %slice3A {strides = array<i32>} : memref<1000x64xf32, #tpu.memory_space<vmem>>, vector<1000x64xf32>,
    %slice3A_43 = vector.extract_strided_slice %dot_general3A_40 {offsets = [0, 64], sizes = [1000, 64], strides = [1, 1]} : vector<1000x256xf32> to vector<1000x64xf32>
    %swap3A_44 = arith.constant 0 : index
    %swap3A_45 = arith.constant 0 : index
    %swap3A_46 = vector.load %arg11[%swap3A_44, %swap3A_45] : memref<1000x64xf32, #tpu.memory_space<vmem>>, vector<1000x64xf32>
    tpu.vector_store %arg11[%swap3A_44, %swap3A_45], %slice3A_43 {strides = array<i32>} : memref<1000x64xf32, #tpu.memory_space<vmem>>, vector<1000x64xf32>,
    %slice3A_47 = vector.extract_strided_slice %dot_general3A_40 {offsets = [0, 128], sizes = [1000, 64], strides = [1, 1]} : vector<1000x256xf32> to vector<1000x64xf32>
    %swap3A_48 = arith.constant 0 : index
    %swap3A_49 = arith.constant 0 : index
    %swap3A_50 = vector.load %arg12[%swap3A_48, %swap3A_49] : memref<1000x64xf32, #tpu.memory_space<vmem>>, vector<1000x64xf32>
    tpu.vector_store %arg12[%swap3A_48, %swap3A_49], %slice3A_47 {strides = array<i32>} : memref<1000x64xf32, #tpu.memory_space<vmem>>, vector<1000x64xf32>,
    %slice3A_51 = vector.extract_strided_slice %dot_general3A_40 {offsets = [0, 192], sizes = [1000, 64], strides = [1, 1]} : vector<1000x256xf32> to vector<1000x64xf32>
    %swap3A_52 = arith.constant 0 : index
    %swap3A_53 = arith.constant 0 : index
    %swap3A_54 = vector.load %arg13[%swap3A_52, %swap3A_53] : memref<1000x64xf32, #tpu.memory_space<vmem>>, vector<1000x64xf32>
    tpu.vector_store %arg13[%swap3A_52, %swap3A_53], %slice3A_51 {strides = array<i32>} : memref<1000x64xf32, #tpu.memory_space<vmem>>, vector<1000x64xf32>,
    return
  }
  func.func @transform_0(%arg0: i32) -> (i32, i32) {
    %c0_i32 = arith.constant 0 : i32
    %c0_i32_0 = arith.constant 0 : i32
    return %arg0, %c0_i32 : i32, i32
  }
  func.func @transform_1(%arg0: i32) -> (i32, i32) {
    %c0_i32 = arith.constant 0 : i32
    %c0_i32_0 = arith.constant 0 : i32
    return %arg0, %c0_i32 : i32, i32
  }
  func.func @transform_2(%arg0: i32) -> (i32, i32) {
    %c0_i32 = arith.constant 0 : i32
    %c0_i32_0 = arith.constant 0 : i32
    return %arg0, %c0_i32 : i32, i32
  }
  func.func @transform_3(%arg0: i32) -> (i32, i32) {
    %c0_i32 = arith.constant 0 : i32
    %c0_i32_0 = arith.constant 0 : i32
    return %arg0, %c0_i32 : i32, i32
  }
  func.func @transform_4(%arg0: i32) -> (i32, i32) {
    %c0_i32 = arith.constant 0 : i32
    %c0_i32_0 = arith.constant 0 : i32
    return %arg0, %c0_i32 : i32, i32
  }
  func.func @transform_5(%arg0: i32) -> (i32, i32) {
    %c0_i32 = arith.constant 0 : i32
    %c0_i32_0 = arith.constant 0 : i32
    return %arg0, %c0_i32 : i32, i32
  }
  func.func @transform_6(%arg0: i32) -> (i32, i32) {
    %c0_i32 = arith.constant 0 : i32
    %c0_i32_0 = arith.constant 0 : i32
    return %arg0, %c0_i32 : i32, i32
  }
  func.func @transform_7(%arg0: i32) -> (i32, i32) {
    %c0_i32 = arith.constant 0 : i32
    %c0_i32_0 = arith.constant 0 : i32
    %c0_i32_1 = arith.constant 0 : i32
    return %c0_i32, %c0_i32_0 : i32, i32
  }
  func.func @transform_8(%arg0: i32) -> (i32, i32) {
    %c0_i32 = arith.constant 0 : i32
    %c0_i32_0 = arith.constant 0 : i32
    %c0_i32_1 = arith.constant 0 : i32
    return %c0_i32, %c0_i32_0 : i32, i32
  }
  func.func @transform_9(%arg0: i32) -> (i32, i32) {
    %c0_i32 = arith.constant 0 : i32
    %c0_i32_0 = arith.constant 0 : i32
    return %arg0, %c0_i32 : i32, i32
  }
  func.func @transform_10(%arg0: i32) -> (i32, i32) {
    %c0_i32 = arith.constant 0 : i32
    %c0_i32_0 = arith.constant 0 : i32
    return %arg0, %c0_i32 : i32, i32
  }
  func.func @transform_11(%arg0: i32) -> (i32, i32) {
    %c0_i32 = arith.constant 0 : i32
    %c0_i32_0 = arith.constant 0 : i32
    return %arg0, %c0_i32 : i32, i32
  }
  func.func @transform_12(%arg0: i32) -> (i32, i32) {
    %c0_i32 = arith.constant 0 : i32
    %c0_i32_0 = arith.constant 0 : i32
    return %arg0, %c0_i32 : i32, i32
  }
}

module attributes {stable_mosaic.version = 14 : i64} {
  func.func @_t3_body(%arg0: i32, %arg1: memref<1000x64xf32, #tpu.memory_space<vmem>>, %arg2: memref<1000x64xf32, #tpu.memory_space<vmem>>, %arg3: memref<1000x64xf32, #tpu.memory_space<vmem>>, %arg4: memref<1000x64xf32, #tpu.memory_space<vmem>>, %arg5: memref<1000x64xf32, #tpu.memory_space<vmem>>, %arg6: memref<1000x64xf32, #tpu.memory_space<vmem>>, %arg7: memref<1000x64xf32, #tpu.memory_space<vmem>>, %arg8: memref<1000x64xf32, #tpu.memory_space<vmem>>, %arg9: memref<1000x1xf32, #tpu.memory_space<vmem>>, %arg10: memref<1x256xf32, #tpu.memory_space<vmem>>, %arg11: memref<1000x256xf32, #tpu.memory_space<vmem>>) attributes {dimension_semantics = [#tpu.dimension_semantics<arbitrary>], iteration_bounds = array<i64: 10>, scalar_prefetch = 0 : i64, scratch_operands = 0 : i64, tpu.core_type = #tpu.core_type<tc>, window_params = [{transform_indices = @transform_0, window_bounds = array<i64: 1000, 64>}, {transform_indices = @transform_1, window_bounds = array<i64: 1000, 64>}, {transform_indices = @transform_2, window_bounds = array<i64: 1000, 64>}, {transform_indices = @transform_3, window_bounds = array<i64: 1000, 64>}, {transform_indices = @transform_4, window_bounds = array<i64: 1000, 64>}, {transform_indices = @transform_5, window_bounds = array<i64: 1000, 64>}, {transform_indices = @transform_6, window_bounds = array<i64: 1000, 64>}, {transform_indices = @transform_7, window_bounds = array<i64: 1000, 64>}, {transform_indices = @transform_8, window_bounds = array<i64: 1000, 1>}, {pipeline_mode = #tpu.pipeline_mode<synchronous>, transform_indices = @transform_9, window_bounds = array<i64: 1, 256>}, {transform_indices = @transform_10, window_bounds = array<i64: 1000, 256>}]} {
    %get3A = arith.constant 0 : index
    %get3A_0 = arith.constant 0 : index
    %get3A_1 = vector.load %arg9[%get3A, %get3A_0] : memref<1000x1xf32, #tpu.memory_space<vmem>>, vector<1000x1xf32>
    %get3A_2 = arith.constant 0 : index
    %get3A_3 = arith.constant 0 : index
    %get3A_4 = vector.load %arg9[%get3A_2, %get3A_3] : memref<1000x1xf32, #tpu.memory_space<vmem>>, vector<1000x1xf32>
    %mul3A = arith.mulf %get3A_1, %get3A_4 : vector<1000x1xf32>
    %get3A_5 = arith.constant 0 : index
    %get3A_6 = arith.constant 0 : index
    %get3A_7 = vector.load %arg1[%get3A_5, %get3A_6] : memref<1000x64xf32, #tpu.memory_space<vmem>>, vector<1000x64xf32>
    %get3A_8 = arith.constant 0 : index
    %get3A_9 = arith.constant 0 : index
    %get3A_10 = vector.load %arg5[%get3A_8, %get3A_9] : memref<1000x64xf32, #tpu.memory_space<vmem>>, vector<1000x64xf32>
    %mul3A_11 = vector.broadcast %mul3A : vector<1000x1xf32> to vector<1000x64xf32>
    %mul3A_12 = arith.mulf %mul3A_11, %get3A_10 : vector<1000x64xf32>
    %add3A = arith.addf %get3A_7, %mul3A_12 : vector<1000x64xf32>
    %get3A_13 = arith.constant 0 : index
    %get3A_14 = arith.constant 0 : index
    %get3A_15 = vector.load %arg2[%get3A_13, %get3A_14] : memref<1000x64xf32, #tpu.memory_space<vmem>>, vector<1000x64xf32>
    %get3A_16 = arith.constant 0 : index
    %get3A_17 = arith.constant 0 : index
    %get3A_18 = vector.load %arg6[%get3A_16, %get3A_17] : memref<1000x64xf32, #tpu.memory_space<vmem>>, vector<1000x64xf32>
    %mul3A_19 = vector.broadcast %mul3A : vector<1000x1xf32> to vector<1000x64xf32>
    %mul3A_20 = arith.mulf %mul3A_19, %get3A_18 : vector<1000x64xf32>
    %add3A_21 = arith.addf %get3A_15, %mul3A_20 : vector<1000x64xf32>
    %get3A_22 = arith.constant 0 : index
    %get3A_23 = arith.constant 0 : index
    %get3A_24 = vector.load %arg3[%get3A_22, %get3A_23] : memref<1000x64xf32, #tpu.memory_space<vmem>>, vector<1000x64xf32>
    %get3A_25 = arith.constant 0 : index
    %get3A_26 = arith.constant 0 : index
    %get3A_27 = vector.load %arg7[%get3A_25, %get3A_26] : memref<1000x64xf32, #tpu.memory_space<vmem>>, vector<1000x64xf32>
    %mul3A_28 = vector.broadcast %mul3A : vector<1000x1xf32> to vector<1000x64xf32>
    %mul3A_29 = arith.mulf %mul3A_28, %get3A_27 : vector<1000x64xf32>
    %add3A_30 = arith.addf %get3A_24, %mul3A_29 : vector<1000x64xf32>
    %get3A_31 = arith.constant 0 : index
    %get3A_32 = arith.constant 0 : index
    %get3A_33 = vector.load %arg4[%get3A_31, %get3A_32] : memref<1000x64xf32, #tpu.memory_space<vmem>>, vector<1000x64xf32>
    %get3A_34 = arith.constant 0 : index
    %get3A_35 = arith.constant 0 : index
    %get3A_36 = vector.load %arg8[%get3A_34, %get3A_35] : memref<1000x64xf32, #tpu.memory_space<vmem>>, vector<1000x64xf32>
    %mul3A_37 = vector.broadcast %mul3A : vector<1000x1xf32> to vector<1000x64xf32>
    %mul3A_38 = arith.mulf %mul3A_37, %get3A_36 : vector<1000x64xf32>
    %add3A_39 = arith.addf %get3A_33, %mul3A_38 : vector<1000x64xf32>
    %concatenate3A = tpu.concatenate %add3A, %add3A_21, %add3A_30, %add3A_39 in 1 : vector<1000x64xf32>, vector<1000x64xf32>, vector<1000x64xf32>, vector<1000x64xf32> -> vector<1000x256xf32>
    %get3A_40 = arith.constant 0 : index
    %get3A_41 = arith.constant 0 : index
    %get3A_42 = vector.load %arg10[%get3A_40, %get3A_41] : memref<1x256xf32, #tpu.memory_space<vmem>>, vector<1x256xf32>
    %add3A_43 = vector.broadcast %get3A_42 : vector<1x256xf32> to vector<1000x256xf32>
    %add3A_44 = arith.addf %concatenate3A, %add3A_43 : vector<1000x256xf32>
    %swap3A = arith.constant 0 : index
    %swap3A_45 = arith.constant 0 : index
    %swap3A_46 = vector.load %arg11[%swap3A, %swap3A_45] : memref<1000x256xf32, #tpu.memory_space<vmem>>, vector<1000x256xf32>
    tpu.vector_store %arg11[%swap3A, %swap3A_45], %add3A_44 {strides = array<i32>} : memref<1000x256xf32, #tpu.memory_space<vmem>>, vector<1000x256xf32>,
    return
  }
  func.func @transform_0(%arg0: i32) -> (i32, i32) {
    %c0_i32 = arith.constant 0 : i32
    %c0_i32_0 = arith.constant 0 : i32
    return %arg0, %c0_i32 : i32, i32
  }
  func.func @transform_1(%arg0: i32) -> (i32, i32) {
    %c0_i32 = arith.constant 0 : i32
    %c0_i32_0 = arith.constant 0 : i32
    return %arg0, %c0_i32 : i32, i32
  }
  func.func @transform_2(%arg0: i32) -> (i32, i32) {
    %c0_i32 = arith.constant 0 : i32
    %c0_i32_0 = arith.constant 0 : i32
    return %arg0, %c0_i32 : i32, i32
  }
  func.func @transform_3(%arg0: i32) -> (i32, i32) {
    %c0_i32 = arith.constant 0 : i32
    %c0_i32_0 = arith.constant 0 : i32
    return %arg0, %c0_i32 : i32, i32
  }
  func.func @transform_4(%arg0: i32) -> (i32, i32) {
    %c0_i32 = arith.constant 0 : i32
    %c0_i32_0 = arith.constant 0 : i32
    return %arg0, %c0_i32 : i32, i32
  }
  func.func @transform_5(%arg0: i32) -> (i32, i32) {
    %c0_i32 = arith.constant 0 : i32
    %c0_i32_0 = arith.constant 0 : i32
    return %arg0, %c0_i32 : i32, i32
  }
  func.func @transform_6(%arg0: i32) -> (i32, i32) {
    %c0_i32 = arith.constant 0 : i32
    %c0_i32_0 = arith.constant 0 : i32
    return %arg0, %c0_i32 : i32, i32
  }
  func.func @transform_7(%arg0: i32) -> (i32, i32) {
    %c0_i32 = arith.constant 0 : i32
    %c0_i32_0 = arith.constant 0 : i32
    return %arg0, %c0_i32 : i32, i32
  }
  func.func @transform_8(%arg0: i32) -> (i32, i32) {
    %c0_i32 = arith.constant 0 : i32
    %c0_i32_0 = arith.constant 0 : i32
    return %arg0, %c0_i32 : i32, i32
  }
  func.func @transform_9(%arg0: i32) -> (i32, i32) {
    %c0_i32 = arith.constant 0 : i32
    %c0_i32_0 = arith.constant 0 : i32
    %c0_i32_1 = arith.constant 0 : i32
    return %c0_i32, %c0_i32_0 : i32, i32
  }
  func.func @transform_10(%arg0: i32) -> (i32, i32) {
    %c0_i32 = arith.constant 0 : i32
    %c0_i32_0 = arith.constant 0 : i32
    return %arg0, %c0_i32 : i32, i32
  }
}

</mosaic_0001>

<sc_bundles>
// kernel: kernel.10.cloned.1.call-start
scs
__scs_entry_jumppad:
0x0: {  	(pc) =	sbr.rel $0x88, $3  }
0x1: {  	(tag) =	ssettag $0x0;
	lr =	simm.s32 $0x1  }
0x2: {  	[smem:$0x3F9A] =	sst lr;
	_ =	strace $0xD0000000  }
0x3: {  	_ = 	snop  }
0x4: {  	_ = 	snop  }
0x5: {  	_ = 	snop  }
0x6: {  	_ = 	snop  }
0x7: {  	_ = 	snop  }
__scs_overlays_trampoline_lowered:
0x8: {  	[smem:$0x3FA9] =	sst s0  }
0x9: {  	[smem:$0x3FAA] =	sst s1  }
0xa: {  	[smem:$0x3FAB] =	sst s2  }
0xb: {  	[smem:$0x3FAC] =	sst s3  }
0xc: {  	[smem:$0x3FAD] =	sst s4  }
0xd: {  	[smem:$0x3FAE] =	sst s5  }
0xe: {  	[smem:$0x3FAF] =	sst s6  }
0xf: {  	[smem:$0x3FB0] =	sst s7  }
0x10: {  	[smem:$0x3FB1] =	sst s8  }
0x11: {  	[smem:$0x3FB2] =	sst s9;
	s0 =	simm.s32 @!p0 $0x0  }
0x12: {  	s1 =	sld [smem:$0x3F98];
	s0 =	simm.s32 @p0 $0x1  }
0x13: {  	[smem:$0x3FB3] =	sst s0;
	s0 =	simm.s32 @!p1 $0x0  }
0x14: {  	s2 =	sld [smem:$0x3F97];
	s0 =	simm.s32 @p1 $0x1  }
0x15: {  	[smem:$0x3FB4] =	sst s0;
	s0 =	simm.s32 @!p2 $0x0  }
0x16: {  	s3 =	sld [smem:$0x3FDB];
	s0 =	simm.s32 @p2 $0x1  }
0x17: {  	s4 =	simm.s32 $0x1BF5;
	[smem:$0x3FB6] =	sst s0  }
0x18: {  	s0 =	sld [smem:$0x3F99];
	_ =	swait.ge [sflag:s4], $0x0  }
0x19: {  	s7 =	sld [smem:$0x3F9A]  }
0x1a: {  	s8 =	sadd.s32 $0xFFFFE003, lr  }
0x1b: {  	s9 =	sadd.s32 $0xFFFFFEF7, lr;
	s5 =	simm.s32 $0xFFFFFFFF;
	p2 =	slt.u32 s8, $0xFFFFF086  }
0x1c: {  	p1 =	slt.u32 s9, $0xF7A;
	s5 =	simm.s32 @!p2 $0x0  }
0x1d: {  	s5 =	simm.s32 @p1 $0x1;
	p0 =	seq.s32 s7, s2  }
0x1e: {  	s7 =	smul.u32 @!p0 $0xF7A, s2;
	p2 =	seq.s32 @!p0 s5, $0x0  }
0x1f: {  	s9 =	smul.u32 $0xF7A, s1;
	s8 =	simm.s32 @!p0 $0x1BF5;
	p2 =	por !p2, p0  }
0x20: {  	[sflag:s8] =	ssyncset.s32 @!p0 $0xFFFFF086;
	s6 =	sadd.s32 @!p0 s3, s7;
	s7 =	simm.s32 @!p0 $0x108  }
0x21: {  	s3 =	sadd.s32 s3, s9;
	s6 =	sadd.s32 @!p0 $0x88, s6;
	s7 =	simm.s32 @p2 $0x1082  }
0x22: {  	[simem:s7], [sflag:s8] =	dma.local @!p0 [hbm:s6], $0xF7A  }
0x23: {  	s9 =	sor.u32 $0xD0000000, s2;
	s6 =	simm.s32 $0x108;
	_ =	swait.ge @!p0 [sflag:s8], $0x0  }
0x24: {  	s3 =	sadd.s32 $0x88, s3;
	s6 =	simm.s32 @!p1 $0x1082;
	[sflag:s4] =	ssyncset.s32 $0xFFFFF086  }
0x25: {  	[simem:s6], [sflag:s4] =	dma.local [hbm:s3], $0xF7A  }
0x26: {  	[smem:$0x3F9A] =	sst s1;
	(tag) =	ssettag s2;
	_ =	strace s9  }
0x27: {  	s1 =	sld [smem:$0x3FAA]  }
0x28: {  	s2 =	sld [smem:$0x3FAB]  }
0x29: {  	s4 =	sld [smem:$0x3FAD]  }
0x2a: {  	p0 =	seq.s32 s5, $0x0;
	s5 =	sld [smem:$0x3FAE]  }
0x2b: {  	s6 =	sld [smem:$0x3FAF]  }
0x2c: {  	s7 =	sld [smem:$0x3FB0]  }
0x2d: {  	s3 =	simm.s32 $0x108;
	s8 =	sld [smem:$0x3FB1]  }
0x2e: {  	s3 =	simm.s32 @!p0 $0x1082;
	s9 =	sld [smem:$0x3FB2]  }
0x2f: {  	lr =	sadd.s32 s0, s3;
	s0 =	sld [smem:$0x3FA9]  }
0x30: {  	s3 =	sld [smem:$0x3FAC]  }
0x31: {  	[smem:$0x3FB5] =	sst s10  }
0x32: {  	s10 =	sld [smem:$0x3FB3];
	_ =	sdelay $0x3  }
0x33: {  	p0 =	seq.s32 s10, $0x1;
	s10 =	sld [smem:$0x3FB5];
	_ =	sdelay $0x3  }
0x34: {  	[smem:$0x3FB5] =	sst s10  }
0x35: {  	s10 =	sld [smem:$0x3FB4];
	_ =	sdelay $0x3  }
0x36: {  	p1 =	seq.s32 s10, $0x1;
	s10 =	sld [smem:$0x3FB5];
	_ =	sdelay $0x3  }
0x37: {  	[smem:$0x3FB5] =	sst s10  }
0x38: {  	s10 =	sld [smem:$0x3FB6]  }
0x39: {  	_ = 	snop;
	(pc) =	sbr.ind lr, $3  }
0x3a: {  	_ = 	snop  }
0x3b: {  	_ = 	snop  }
0x3c: {  	p2 =	seq.s32 s10, $0x1;
	s10 =	sld [smem:$0x3FB5]  }
0x3d: {  	_ =	shalt  }
0x3e: {  	_ =	shalt  }
0x3f: {  	_ =	shalt  }
0x40: {  	_ =	shalt  }
0x41: {  	_ =	shalt  }
0x42: {  	_ =	shalt  }
0x43: {  	_ =	shalt  }
0x44: {  	_ =	shalt  }
0x45: {  	_ =	shalt  }
0x46: {  	_ =	shalt  }
0x47: {  	_ =	shalt  }
0x48: {  	_ =	shalt  }
0x49: {  	_ =	shalt  }
0x4a: {  	_ =	shalt  }
0x4b: {  	_ =	shalt  }
0x4c: {  	_ =	shalt  }
0x4d: {  	_ =	shalt  }
0x4e: {  	_ =	shalt  }
0x4f: {  	_ =	shalt  }
0x50: {  	_ =	shalt  }
0x51: {  	_ =	shalt  }
0x52: {  	_ =	shalt  }
0x53: {  	_ =	shalt  }
0x54: {  	_ =	shalt  }
0x55: {  	_ =	shalt  }
0x56: {  	_ =	shalt  }
0x57: {  	_ =	shalt  }
0x58: {  	_ =	shalt  }
0x59: {  	_ =	shalt  }
0x5a: {  	_ =	shalt  }
0x5b: {  	_ =	shalt  }
0x5c: {  	_ =	shalt  }
0x5d: {  	_ =	shalt  }
0x5e: {  	_ =	shalt  }
0x5f: {  	_ =	shalt  }
0x60: {  	_ =	shalt  }
0x61: {  	_ =	shalt  }
0x62: {  	_ =	shalt  }
0x63: {  	_ =	shalt  }
0x64: {  	_ =	shalt  }
0x65: {  	_ =	shalt  }
0x66: {  	_ =	shalt  }
0x67: {  	_ =	shalt  }
0x68: {  	_ =	shalt  }
0x69: {  	_ =	shalt  }
0x6a: {  	_ =	shalt  }
0x6b: {  	_ =	shalt  }
0x6c: {  	_ =	shalt  }
0x6d: {  	_ =	shalt  }
0x6e: {  	_ =	shalt  }
0x6f: {  	_ =	shalt  }
0x70: {  	_ =	shalt  }
0x71: {  	_ =	shalt  }
0x72: {  	_ =	shalt  }
0x73: {  	_ =	shalt  }
0x74: {  	_ =	shalt  }
0x75: {  	_ =	shalt  }
0x76: {  	_ =	shalt  }
0x77: {  	_ =	shalt  }
0x78: {  	_ =	shalt  }
0x79: {  	_ =	shalt  }
0x7a: {  	_ =	shalt  }
0x7b: {  	_ =	shalt  }
0x7c: {  	_ =	shalt  }
0x7d: {  	_ =	shalt  }
0x7e: {  	_ =	shalt  }
0x7f: {  	_ =	shalt  }
0x80: {  	_ =	shalt  }
0x81: {  	_ =	shalt  }
0x82: {  	_ =	shalt  }
0x83: {  	_ =	shalt  }
0x84: {  	_ =	shalt  }
0x85: {  	_ =	shalt  }
0x86: {  	_ =	shalt  }
0x87: {  	_ =	shalt  }
.Lfunc_end0:
.L_simem_size_0:
called_computation.1_lowered:
.L_overlay_start_0:
0x88: {  	s2 =	sld [smem:$0x3FD9]  }
0x89: {  	s3 =	sld [smem:$0x3FFE];
	_ =	sdelay $0x1  }
0x8a: {  	s1 =	srdreg.scid  }
0x8b: {  	s0 =	sand.u32 $0x1, s1  }
0x8c: {  	s17 =	sshll.u32 s0, $0xA;
	s2 =	sadd.s32 s3, s2  }
0x8d: {  	s2 =	sadd.s32 s2, s17  }
0x8e: {  	[smem:$0x3FC1] =	sst s2  }
0x8f: {  	_ = 	snop  }
0x90: {  	s2 =	sld [smem:$0x3FD0];
	(tm) =	ssettm $0x1  }
0x91: {  	s18 =	sld [smem:$0x3FFB];
	_ =	sdelay $0x3  }
0x92: {  	_ =	strace s18  }
0x93: {  	s3 =	sld [smem:$0x3FFC];
	_ =	sdelay $0x3  }
0x94: {  	_ =	strace s3  }
0x95: {  	s3 =	sld [smem:$0x3FFD];
	_ =	sdelay $0x3  }
0x96: {  	_ =	strace s3  }
0x97: {  	_ =	strace $0x8FFFFFFF  }
0x98: {  	s19 =	sld [smem:$0x3FDB];
	_ =	sdelay $0x1  }
0x99: {  	s4 =	simm.s32 $_scs_section_size  }
0x9a: {  	s5 =	simm.s32 $_size__tile_overlayer_lowered;
	s6 =	simm.s32 $_tile_overlayer_lowered  }
0x9b: {  	s22 =	simm.s32 $0x1BFF;
	s21 =	sshll.u32 s6, $0x1;
	s3 =	sadd.s32 s4, s19  }
0x9c: {  	s7 =	simm.s32 $0x0;
	s20 =	sshll.u32 s5, $0x1;
	s5 =	sadd.s32 s21, s3  }
0x9d: {  	[timem:s7], [sflag:s22] =	dma.local [hbm:s5], s20  }
0x9e: {  	_ =	swait.ge [sflag:s22], s20  }
0x9f: {  	s4 =	ssub.s32 $0x0, s20;
	[sflag:s22] =	ssyncset.done $0x0  }
0xa0: {  	[sflag:s22] =	ssyncadd.s32 s4;
	_ =	sdelay $0x1  }
0xa1: {  	s23 =	simm.s32 $0x1B8B  }
0xa2: {  	_ =	swait.ge [sflag:s23], $0x1  }
0xa3: {  	[sflag:s23] =	ssyncset.done $0x0  }
0xa4: {  	s25 =	simm.s32 $0x1B8E;
	s24 =	sld [smem:$0x3FFE];
	[sflag:s23] =	ssyncadd.s32 $0xFFFFFFFF  }
0xa5: {  	s26 =	simm.s32 $execute0_lowered;
	[smem:$0x3FD2] =	sst s25  }
0xa6: {  	s5 =	sshll.u32 s26, $0x1;
	_ =	strace $0x80000049;
	[dreg:$0x1] =	wrdreg $0xFFFFFFFF  }
0xa7: {  	s28 =	simm.s32 $_size_execute0_lowered;
	s3 =	sadd.s32 s3, s5;
	[dreg:$0x0] =	wrdreg $0x0  }
0xa8: {  	s5 =	sshll.u32 s28, $0x1;
	[dreg:$0x2] =	wrdreg s3  }
0xa9: {  	[dreg:$0x3] =	wrdreg s5  }
0xaa: {  	[dreg:$0x4] =	wrdreg $0xC0  }
0xab: {  	_ =	task [dreg:s7], $0x5FFFF  }
0xac: {  	[dreg:$0x1] =	wrdreg $0xFFFFFFFF  }
0xad: {  	[dreg:$0x0] =	wrdreg $0x60  }
0xae: {  	[dreg:$0x2] =	wrdreg s24  }
0xaf: {  	[dreg:$0x3] =	wrdreg s2  }
0xb0: {  	[dreg:$0x4] =	wrdreg $0x99000  }
0xb1: {  	[dreg:$0x5] =	wrdreg $0x9  }
0xb2: {  	_ =	task.clear_ibuf [dreg:s7], $0x6FFFF;
	_ =	strace $0x90000049  }
0xb3: {  	s29 =	simm.s32 $0x9;
	_ =	strace $0x8000004B  }
0xb4: {  	_ =	swait.ge [sflag:s29], $0x1  }
0xb5: {  	[sflag:s29] =	ssyncadd.s32 $0xFFFFFFFF  }
0xb6: {  	_ =	strace $0x9000004B  }
0xb7: {  	_ =	sfence  }
0xb8: {  	s30 =	sld [smem:$0x0];
	_ =	sdelay $0x2  }
0xb9: {  	s31 =	sshll.u32 s1, $0xD;
	s1 =	sshrl.u32 s1, $0x2  }
0xba: {  	s3 =	sand.u32 $0x4000, s31;
	s1 =	sadd.s32 s1, s30  }
0xbb: {  	s0 =	sor.u32 s3, s0;
	s1 =	sshll.u32 s1, $0x11  }
0xbc: {  	s0 =	sor.u32 s1, s0  }
0xbd: {  	s0 =	sadd.s32 $0x8F2B, s0  }
0xbe: {  	[sflag:s0] =	ssyncadd.remote.s32 $0x1  }
0xbf: {  	_ =	sfence.sel $0xFFFF  }
0xc0: {  	[dreg:$0x0] =	wrdreg $0xFFFFFFFF;
	(pc) =	sbr.abs _section_cstart, $3  }
0xc1: {  	[dreg:$0x1] =	wrdreg $0xFFFFFFFF  }
0xc2: {  	_ =	task.clear_ibuf [dreg:s7], $0x2FFFF;
	_ =	strace $0x9FFFFFFF  }
0xc3: {  	(tm) =	ssettm $0x7FFFFFFF  }
tec
execute0_lowered:
.L_overlay_start_1:
0x0: {  	(tag) =	ssettag $0x1  }
0x1: {  	s0 =	rddreg [dreg:$0x0]  }
0x2: {  	s3 =	rddreg [dreg:$0x2];
	s11 =	stileid.u32  }
0x3: {  	s4 =	simm.s32 $0x0;
	s2 =	srdreg.scid;
	s22 =	simm.s32 $0x2  }
0x4: {  	s28 =	simm.s32 $0x9800;
	s29 =	simm.s32 $0x1;
	s30 =	simm.s32 $0x9880  }
0x5: {  	s31 =	simm.s32 $0x0;
	s1 =	smul.u32 $0x500, s11;
	[smem:$0x7FF] =	sst s4  }
0x6: {  	s5 =	sadd.s32 $0x82000, s0;
	s6 =	sadd.s32 $0x95A00, s0;
	s7 =	sadd.s32 $0xA9400, s0  }
0x7: {  	s8 =	sadd.s32 $0xCA00, s0;
	s2 =	sand.u32 $0x1, s2;
	s10 =	smul.u32 $0x28000, s11  }
0x8: {  	s9 =	sadd.s32 $0x20400, s0;
	s12 =	sadd.s32 $0x34400, s0;
	s25 =	smul.u32 $0xA000, s11  }
0x9: {  	_ =	strace $0x8000004A;
	[dreg:$0x4] =	wrdreg s9;
	s23 =	ssub.s32 $0x2, s2  }
0xa: {  	[dreg:$0x5] =	wrdreg s12;
	p0 =	sne.s32 s2, $0x0;
	s1 =	sadd.s32 s1, s0  }
0xb: {  	s0 =	sadd.s32 $0xC8E00, s0;
	s24 =	sshrl.u32 s23, $0x1;
	s10 =	sshrl.u32 s10, $0x2  }
0xc: {  	s15 =	sadd.s32 s25, s3;
	s20 =	sshrl.u32 s25, $0x3;
	s25 =	simm.s32 $0x7800  }
.Ltmp0:
0xd: {  	[dreg:$0x6] =	wrdreg s0;
	s0 =	ssub.s32 s23, s24;
	(pc) =	sbr.rel .LBB2_1-.Ltmp0, $4  }
0xe: {  	s26 =	sadd.s32 $0x7A00, s1;
	s13 =	sadd.s32 $0x2A00, s1;
	s10 =	sadd.s32 s10, s3  }
0xf: {  	s14 =	sadd.s32 $0xC3E00, s1;
	s24 =	simm.s32 $0x5000;
	[dreg:$0x7] =	wrdreg s26  }
0x10: {  	s16 =	sadd.s32 $0x2000, s10;
	s17 =	sadd.s32 $0x4000, s10;
	s18 =	sadd.s32 $0x6000, s10  }
0x11: {  	v0 =	vimm.f32 $0.0e+00;
	s19 =	sadd.s32 $0x8000, s10;
	s21 =	smax.u32 s0, $0x1;
	s26 =	simm.s32 $0x80  }
.LBB2_23:
0x12: {  	s31 =	sadd.s32 $0x1, s31  }
0x13: {  	p1 =	sne.s32 s31, s21  }
.Ltmp1:
0x14: {  	s1 =	sadd.s32 s1, s20;
	[bflag:$0x0] =	sbarrier.arrive $0xFFFF;
	(pc) =	sbr.rel @!p1 .LBB2_24-.Ltmp1, $4  }
0x15: {  	[hbm:s1], [sflag:s0] =	dma.local [spmem:s2], $0x1400  }
0x16: {  	_ =	swait.ge [sflag:s22], $0x1400  }
0x17: {  	[sflag:s22] =	ssyncset.done $0x0  }
0x18: {  	[sflag:s22] =	ssyncadd.s32 $0xFFFFEC00  }
.LBB2_1:
0x19: {  	s0 =	rddreg [dreg:$0x7]  }
0x1a: {  	[tilespmem:s4], [sflag:$0x2] =	stream.linear.gather [hbm4b:s0+s4], $0x2800, $0x38;
	[tilespmem:$0x13900] =	vst v63  }
0x1b: {  	_ =	swait.ge [sflag:s22], $0x2800  }
0x1c: {  	[sflag:s22] =	ssyncset.done $0x0  }
0x1d: {  	s12 =	simm.s32 $0x2800;
	[sflag:s22] =	ssyncadd.s32 $0xFFFFD800  }
0x1e: {  	[tilespmem:s12], [sflag:$0x2] =	stream.linear.gather [hbm4b:s13+s4], $0x2800, $0x38;
	[tilespmem:$0x13900] =	vst v63  }
0x1f: {  	_ =	swait.ge [sflag:s22], $0x2800  }
0x20: {  	[sflag:s22] =	ssyncset.done $0x0  }
0x21: {  	[sflag:s22] =	ssyncadd.s32 $0xFFFFD800  }
0x22: {  	[tilespmem:s24], [sflag:$0x2] =	stream.linear.gather [hbm4b:s14+s4], $0x2800, $0x38;
	[tilespmem:$0x13900] =	vst v63  }
0x23: {  	s23 =	sand.u32 $0x7F00, s4;
	s1 =	sand.u32 $0x30, s4;
	_ =	swait.ge [sflag:s22], $0x2800  }
0x24: {  	s2 =	sshrl.u32 s23, $0x2;
	s0 =	simm.s32 $0x40;
	[sflag:s22] =	ssyncset.done $0x0  }
0x25: {  	s2 =	sor.u32 s1, s2;
	s1 =	simm.s32 $0x0;
	[sflag:s22] =	ssyncadd.s32 $0xFFFFD800  }
.LBB2_2:
0x26: {  	p1 =	sne.s32 s0, $0x7FC0  }
0x27: {  	[tilespmem:s2+$0x7800] =	vst v0;
	s1 =	sadd.s32 $0x10, s1;
	s2 =	smov.u32 s0;
	s0 =	sadd.s32 $0x40, s0  }
.Ltmp2:
0x28: {  	(pc) =	sbr.rel @p1 .LBB2_2-.Ltmp2, $4  }
0x29: {  	_ = 	snop  }
0x2a: {  	s2 =	sand.u32 $0x7F00, s2  }
0x2b: {  	s9 =	sand.u32 $0x30, s1;
	s2 =	sshrl.u32 s2, $0x2  }
0x2c: {  	s2 =	sor.u32 s9, s2  }
0x2d: {  	[tilespmem:s2+$0x7800] =	vst v0  }
0x2e: {  	[spmem:s15] =	stream.linear.scatter [tilespmem:s25], [sflag:$0x2], $0x2000, $0x38;
	[tilespmem:$0x13900] =	vst v63  }
0x2f: {  	_ =	swait.ge [sflag:s22], $0x2000  }
0x30: {  	[sflag:s22] =	ssyncset.done $0x0  }
0x31: {  	[sflag:s22] =	ssyncadd.s32 $0xFFFFE000  }
0x32: {  	[spmem:s16] =	stream.linear.scatter [tilespmem:s25], [sflag:$0x2], $0x2000, $0x38;
	[tilespmem:$0x13900] =	vst v63  }
0x33: {  	_ =	swait.ge [sflag:s22], $0x2000  }
0x34: {  	[sflag:s22] =	ssyncset.done $0x0  }
0x35: {  	[sflag:s22] =	ssyncadd.s32 $0xFFFFE000  }
0x36: {  	[spmem:s17] =	stream.linear.scatter [tilespmem:s25], [sflag:$0x2], $0x2000, $0x38;
	[tilespmem:$0x13900] =	vst v63  }
0x37: {  	_ =	swait.ge [sflag:s22], $0x2000  }
0x38: {  	[sflag:s22] =	ssyncset.done $0x0  }
0x39: {  	[sflag:s22] =	ssyncadd.s32 $0xFFFFE000  }
0x3a: {  	[spmem:s18] =	stream.linear.scatter [tilespmem:s25], [sflag:$0x2], $0x2000, $0x38;
	[tilespmem:$0x13900] =	vst v63  }
0x3b: {  	_ =	swait.ge [sflag:s22], $0x2000  }
0x3c: {  	[sflag:s22] =	ssyncset.done $0x0  }
0x3d: {  	[sflag:s22] =	ssyncadd.s32 $0xFFFFE000  }
0x3e: {  	[spmem:s19] =	stream.linear.scatter [tilespmem:s25], [sflag:$0x2], $0x2000, $0x38;
	[tilespmem:$0x13900] =	vst v63  }
.Ltmp3:
0x3f: {  	_ =	swait.ge [sflag:s22], $0x2000;
	(pc) =	sbr.rel @p0 .LBB2_8-.Ltmp3, $4  }
0x40: {  	[sflag:s22] =	ssyncset.done $0x0  }
0x41: {  	[sflag:s22] =	ssyncadd.s32 $0xFFFFE000  }
0x42: {  	[bflag:$0x0] =	sbarrier.arrive $0xFFFF  }
0x43: {  	s0 =	simm.s32 $0x0;
	s2 =	simm.s32 $0x0;
	s9 =	simm.s32 $0x0  }
.LBB2_4:
0x44: {  	s1 =	sshll.u32 s2, $0x7  }
0x45: {  	v1 =	vld [tilespmem:s1+$0x0];
	_ =	sdelay $0x4  }
0x46: {  	[tilespmem:$0x9800] =	vst v1  }
0x47: {  	v1 =	vld [tilespmem:s1+$0x2800];
	_ =	sdelay $0x4  }
0x48: {  	[tilespmem:$0x9880] =	vst v1  }
0x49: {  	v1 =	vld [tilespmem:s1+$0x10];
	_ =	sdelay $0x4  }
0x4a: {  	[tilespmem:$0x9810] =	vst v1  }
0x4b: {  	v1 =	vld [tilespmem:s1+$0x2810];
	_ =	sdelay $0x4  }
0x4c: {  	[tilespmem:$0x9890] =	vst v1  }
0x4d: {  	v1 =	vld [tilespmem:s1+$0x20];
	_ =	sdelay $0x4  }
0x4e: {  	[tilespmem:$0x9820] =	vst v1  }
0x4f: {  	v1 =	vld [tilespmem:s1+$0x2820];
	_ =	sdelay $0x4  }
0x50: {  	[tilespmem:$0x98A0] =	vst v1  }
0x51: {  	v1 =	vld [tilespmem:s1+$0x30];
	_ =	sdelay $0x4  }
0x52: {  	[tilespmem:$0x9830] =	vst v1  }
0x53: {  	v1 =	vld [tilespmem:s1+$0x2830];
	_ =	sdelay $0x4  }
0x54: {  	[tilespmem:$0x98B0] =	vst v1  }
0x55: {  	v1 =	vld [tilespmem:s1+$0x40];
	_ =	sdelay $0x4  }
0x56: {  	[tilespmem:$0x9840] =	vst v1  }
0x57: {  	v1 =	vld [tilespmem:s1+$0x2840];
	_ =	sdelay $0x4  }
0x58: {  	[tilespmem:$0x98C0] =	vst v1  }
0x59: {  	v1 =	vld [tilespmem:s1+$0x50];
	_ =	sdelay $0x4  }
0x5a: {  	[tilespmem:$0x9850] =	vst v1  }
0x5b: {  	v1 =	vld [tilespmem:s1+$0x2850];
	_ =	sdelay $0x4  }
0x5c: {  	[tilespmem:$0x98D0] =	vst v1  }
0x5d: {  	v1 =	vld [tilespmem:s1+$0x60];
	_ =	sdelay $0x4  }
0x5e: {  	[tilespmem:$0x9860] =	vst v1  }
0x5f: {  	v1 =	vld [tilespmem:s1+$0x2860];
	_ =	sdelay $0x4  }
0x60: {  	[tilespmem:$0x98E0] =	vst v1  }
0x61: {  	v1 =	vld [tilespmem:s1+$0x70];
	_ =	sdelay $0x4  }
0x62: {  	[tilespmem:$0x9870] =	vst v1  }
0x63: {  	v1 =	vld [tilespmem:s1+$0x2870];
	_ =	sdelay $0x4  }
0x64: {  	s12 =	sadd.s32 $0x0, s0;
	[tilespmem:$0x98F0] =	vst v1  }
0x65: {  	[tilespmem:s25], [sflag:$0x1] =	stream.indirect.gather [hbm4b:s5+s26], $0x40, s28, s26, $0xb8;
	[tilespmem:$0x13900] =	vst v63  }
0x66: {  	v1 =	vmov s12;
	_ =	swait.ge [sflag:s29], $0x2000  }
0x67: {  	[sflag:s29] =	ssyncset.done $0x0  }
0x68: {  	s9 =	simm.s32 $0x7820;
	[sflag:s29] =	ssyncadd.s32 $0xFFFFE000  }
0x69: {  	v3 =	vld [tilespmem:s9+$0xFFFFFFF0]  }
0x6a: {  	v4 =	vld [tilespmem:s9+$0x10]  }
0x6b: {  	v6 =	vld.idx.msk [tilespmem:v1+s24+$0x0], $0xffff  }
0x6c: {  	v1 =	vld [tilespmem:s9+$0xFFFFFFE0]  }
0x6d: {  	v7 =	vld [tilespmem:s9+$0x0];
	_ =	sdelay $0x3  }
0x6e: {  	s23 =	sadd.s32 $0x1, s0;
	v2 =	vmul.f32 v1, v6;
	v5 =	vmul.f32 v4, v6  }
0x6f: {  	s10 =	simm.s32 $0x2;
	s11 =	simm.s32 $0x7820;
	v1 =	vmov s23;
	v4 =	vmul.f32 v3, v6;
	v3 =	vmul.f32 v7, v6  }
.LBB2_5:
0x70: {  	p1 =	sne.s32 s10, $0x7F  }
0x71: {  	[tilespmem:s9+$0x10] =	vst v5;
	s11 =	sadd.s32 $0x40, s11;
	s1 =	smov.u32 s10;
	s10 =	sadd.s32 $0x1, s10  }
0x72: {  	[tilespmem:s9+$0xFFFFFFE0] =	vst v2  }
0x73: {  	v6 =	vld [tilespmem:s11+$0xFFFFFFF0];
	[tilespmem:s9+$0xFFFFFFF0] =	vst v4  }
0x74: {  	v4 =	vld [tilespmem:s11+$0x10];
	[tilespmem:s9+$0x0] =	vst v3;
	s9 =	smov.u32 s11  }
0x75: {  	v3 =	vld.idx.msk [tilespmem:v1+s24+$0x0], $0xffff  }
0x76: {  	v1 =	vld [tilespmem:s11+$0xFFFFFFE0]  }
0x77: {  	v7 =	vld [tilespmem:s11+$0x0]  }
.Ltmp4:
0x78: {  	(pc) =	sbr.rel @p1 .LBB2_5-.Ltmp4, $3  }
0x79: {  	_ =	sdelay $0x1  }
0x7a: {  	s1 =	sadd.s32 s1, s0;
	v5 =	vmul.f32 v4, v3;
	v2 =	vmul.f32 v1, v3  }
0x7b: {  	v4 =	vmul.f32 v6, v3;
	v1 =	vmov s1;
	v3 =	vmul.f32 v7, v3  }
0x7c: {  	[tilespmem:s9+$0x10] =	vst v5  }
0x7d: {  	s1 =	sadd.s32 $0x40, s11;
	[tilespmem:s9+$0xFFFFFFE0] =	vst v2  }
0x7e: {  	v2 =	vld [tilespmem:s1+$0xFFFFFFF0];
	[tilespmem:s9+$0xFFFFFFF0] =	vst v4  }
0x7f: {  	v4 =	vld [tilespmem:s1+$0x10];
	[tilespmem:s9+$0x0] =	vst v3  }
0x80: {  	v1 =	vld.idx.msk [tilespmem:v1+s24+$0x0], $0xffff  }
0x81: {  	v3 =	vld [tilespmem:s1+$0xFFFFFFE0];
	_ =	sdelay $0x1  }
0x82: {  	v5 =	vld [tilespmem:s1+$0x0];
	_ =	sdelay $0x1  }
0x83: {  	v4 =	vmul.f32 v4, v1  }
0x84: {  	v3 =	vmul.f32 v3, v1  }
0x85: {  	v2 =	vmul.f32 v2, v1;
	[tilespmem:s1+$0x10] =	vst v4  }
0x86: {  	s2 =	sadd.s32 $0x1, s2;
	v1 =	vmul.f32 v5, v1;
	[tilespmem:s1+$0xFFFFFFE0] =	vst v3  }
0x87: {  	p1 =	seq.s32 s2, $0x50;
	[tilespmem:s1+$0xFFFFFFF0] =	vst v2  }
.Ltmp5:
0x88: {  	[tilespmem:s1+$0x0] =	vst v1;
	(pc) =	sbr.rel @!p1 .LBB2_4-.Ltmp5, $4  }
0x89: {  	[spmem:s3] =	stream.indirect.scatter.add.f32 [tilespmem:s25], [sflag:$0x2], $0x40, s30, s26, $0xb8;
	[tilespmem:$0x13900] =	vst v63  }
0x8a: {  	_ =	swait.ge [sflag:s22], $0x2000  }
0x8b: {  	[sflag:s22] =	ssyncset.done $0x0  }
0x8c: {  	s0 =	sadd.s32 $0x80, s0;
	[sflag:s22] =	ssyncadd.s32 $0xFFFFE000  }
.Ltmp6:
0x8d: {  	(pc) =	sbr.rel .LBB2_12-.Ltmp6, $2  }
0x8e: {  	_ =	sdelay $0x2  }
0x8f: {  	s0 =	rddreg [dreg:$0x1]  }
.LBB2_8:
0x90: {  	s1 =	sshll.u32 s9, $0x7  }
0x91: {  	v1 =	vld [tilespmem:s1+$0x0];
	_ =	sdelay $0x4  }
0x92: {  	[tilespmem:$0x9800] =	vst v1  }
0x93: {  	v1 =	vld [tilespmem:s1+$0x2800];
	_ =	sdelay $0x4  }
0x94: {  	[tilespmem:$0x9880] =	vst v1  }
0x95: {  	v1 =	vld [tilespmem:s1+$0x10];
	_ =	sdelay $0x4  }
0x96: {  	[tilespmem:$0x9810] =	vst v1  }
0x97: {  	v1 =	vld [tilespmem:s1+$0x2810];
	_ =	sdelay $0x4  }
0x98: {  	[tilespmem:$0x9890] =	vst v1  }
0x99: {  	v1 =	vld [tilespmem:s1+$0x20];
	_ =	sdelay $0x4  }
0x9a: {  	[tilespmem:$0x9820] =	vst v1  }
0x9b: {  	v1 =	vld [tilespmem:s1+$0x2820];
	_ =	sdelay $0x4  }
0x9c: {  	[tilespmem:$0x98A0] =	vst v1  }
0x9d: {  	v1 =	vld [tilespmem:s1+$0x30];
	_ =	sdelay $0x4  }
0x9e: {  	[tilespmem:$0x9830] =	vst v1  }
0x9f: {  	v1 =	vld [tilespmem:s1+$0x2830];
	_ =	sdelay $0x4  }
0xa0: {  	[tilespmem:$0x98B0] =	vst v1  }
0xa1: {  	v1 =	vld [tilespmem:s1+$0x40];
	_ =	sdelay $0x4  }
0xa2: {  	[tilespmem:$0x9840] =	vst v1  }
0xa3: {  	v1 =	vld [tilespmem:s1+$0x2840];
	_ =	sdelay $0x4  }
0xa4: {  	[tilespmem:$0x98C0] =	vst v1  }
0xa5: {  	v1 =	vld [tilespmem:s1+$0x50];
	_ =	sdelay $0x4  }
0xa6: {  	[tilespmem:$0x9850] =	vst v1  }
0xa7: {  	v1 =	vld [tilespmem:s1+$0x2850];
	_ =	sdelay $0x4  }
0xa8: {  	[tilespmem:$0x98D0] =	vst v1  }
0xa9: {  	v1 =	vld [tilespmem:s1+$0x60];
	_ =	sdelay $0x4  }
0xaa: {  	[tilespmem:$0x9860] =	vst v1  }
0xab: {  	v1 =	vld [tilespmem:s1+$0x2860];
	_ =	sdelay $0x4  }
0xac: {  	[tilespmem:$0x98E0] =	vst v1  }
0xad: {  	v1 =	vld [tilespmem:s1+$0x70];
	_ =	sdelay $0x4  }
0xae: {  	[tilespmem:$0x9870] =	vst v1  }
0xaf: {  	v1 =	vld [tilespmem:s1+$0x2870];
	_ =	sdelay $0x4  }
0xb0: {  	s12 =	sadd.s32 $0x0, s0;
	[tilespmem:$0x98F0] =	vst v1  }
0xb1: {  	[tilespmem:s25], [sflag:$0x1] =	stream.indirect.gather [hbm4b:s7+s26], $0x40, s28, s26, $0xb8;
	[tilespmem:$0x13900] =	vst v63  }
0xb2: {  	v1 =	vmov s12;
	_ =	swait.ge [sflag:s29], $0x2000  }
0xb3: {  	[sflag:s29] =	ssyncset.done $0x0  }
0xb4: {  	s2 =	simm.s32 $0x7820;
	[sflag:s29] =	ssyncadd.s32 $0xFFFFE000  }
0xb5: {  	v3 =	vld [tilespmem:s2+$0xFFFFFFF0]  }
0xb6: {  	v4 =	vld [tilespmem:s2+$0x10]  }
0xb7: {  	v6 =	vld.idx.msk [tilespmem:v1+s24+$0x0], $0xffff  }
0xb8: {  	v1 =	vld [tilespmem:s2+$0xFFFFFFE0]  }
0xb9: {  	v7 =	vld [tilespmem:s2+$0x0];
	_ =	sdelay $0x3  }
0xba: {  	s23 =	sadd.s32 $0x1, s0;
	v2 =	vmul.f32 v1, v6;
	v5 =	vmul.f32 v4, v6  }
0xbb: {  	s10 =	simm.s32 $0x2;
	s11 =	simm.s32 $0x7820;
	v1 =	vmov s23;
	v4 =	vmul.f32 v3, v6;
	v3 =	vmul.f32 v7, v6  }
.LBB2_9:
0xbc: {  	p1 =	sne.s32 s10, $0x7F  }
0xbd: {  	[tilespmem:s2+$0x10] =	vst v5;
	s11 =	sadd.s32 $0x40, s11;
	s1 =	smov.u32 s10;
	s10 =	sadd.s32 $0x1, s10  }
0xbe: {  	[tilespmem:s2+$0xFFFFFFE0] =	vst v2  }
0xbf: {  	v6 =	vld [tilespmem:s11+$0xFFFFFFF0];
	[tilespmem:s2+$0xFFFFFFF0] =	vst v4  }
0xc0: {  	v4 =	vld [tilespmem:s11+$0x10];
	[tilespmem:s2+$0x0] =	vst v3;
	s2 =	smov.u32 s11  }
0xc1: {  	v3 =	vld.idx.msk [tilespmem:v1+s24+$0x0], $0xffff  }
0xc2: {  	v1 =	vld [tilespmem:s11+$0xFFFFFFE0]  }
0xc3: {  	v7 =	vld [tilespmem:s11+$0x0]  }
.Ltmp7:
0xc4: {  	(pc) =	sbr.rel @p1 .LBB2_9-.Ltmp7, $3  }
0xc5: {  	_ =	sdelay $0x1  }
0xc6: {  	s1 =	sadd.s32 s1, s0;
	v5 =	vmul.f32 v4, v3;
	v2 =	vmul.f32 v1, v3  }
0xc7: {  	v4 =	vmul.f32 v6, v3;
	v1 =	vmov s1;
	v3 =	vmul.f32 v7, v3  }
0xc8: {  	[tilespmem:s2+$0x10] =	vst v5  }
0xc9: {  	s1 =	sadd.s32 $0x40, s11;
	[tilespmem:s2+$0xFFFFFFE0] =	vst v2  }
0xca: {  	v2 =	vld [tilespmem:s1+$0xFFFFFFF0];
	[tilespmem:s2+$0xFFFFFFF0] =	vst v4  }
0xcb: {  	v4 =	vld [tilespmem:s1+$0x10];
	[tilespmem:s2+$0x0] =	vst v3  }
0xcc: {  	v1 =	vld.idx.msk [tilespmem:v1+s24+$0x0], $0xffff  }
0xcd: {  	v3 =	vld [tilespmem:s1+$0xFFFFFFE0];
	_ =	sdelay $0x1  }
0xce: {  	v5 =	vld [tilespmem:s1+$0x0];
	_ =	sdelay $0x1  }
0xcf: {  	v4 =	vmul.f32 v4, v1  }
0xd0: {  	v3 =	vmul.f32 v3, v1  }
0xd1: {  	v2 =	vmul.f32 v2, v1;
	[tilespmem:s1+$0x10] =	vst v4  }
0xd2: {  	s9 =	sadd.s32 $0x1, s9;
	v1 =	vmul.f32 v5, v1;
	[tilespmem:s1+$0xFFFFFFE0] =	vst v3  }
0xd3: {  	p1 =	sne.s32 s9, $0x50;
	[tilespmem:s1+$0xFFFFFFF0] =	vst v2  }
.Ltmp8:
0xd4: {  	[tilespmem:s1+$0x0] =	vst v1;
	(pc) =	sbr.rel @p1 .LBB2_8-.Ltmp8, $4  }
0xd5: {  	[spmem:s3] =	stream.indirect.scatter.add.f32 [tilespmem:s25], [sflag:$0x2], $0x40, s30, s26, $0xb8;
	[tilespmem:$0x13900] =	vst v63  }
0xd6: {  	_ =	swait.ge [sflag:s22], $0x2000  }
0xd7: {  	[sflag:s22] =	ssyncset.done $0x0  }
0xd8: {  	s0 =	sadd.s32 $0x80, s0;
	[sflag:s22] =	ssyncadd.s32 $0xFFFFE000  }
0xd9: {  	s0 =	rddreg [dreg:$0x5]  }
.LBB2_12:
0xda: {  	s23 =	stileid.u32  }
0xdb: {  	s1 =	sadd.s32 s0, s20;
	s0 =	sshll.u32 s23, $0x6  }
0xdc: {  	[bflag:$0x0] =	sbarrier.arrive $0xFFFF;
	s2 =	sshrl.u32 s15, $0x3;
	s0 =	sor.u32 $0x1C02, s0  }
0xdd: {  	[hbm:s1], [sflag:s0] =	dma.local [spmem:s2], $0x1400  }
0xde: {  	s1 =	simm.s32 $0x0  }
0xdf: {  	_ =	swait.ge [sflag:s22], $0x1400;
	s9 =	sand.u32 $0x7F00, s1  }
0xe0: {  	s10 =	sand.u32 $0x30, s1;
	[sflag:s22] =	ssyncset.done $0x0;
	s11 =	sshrl.u32 s9, $0x2  }
0xe1: {  	s9 =	simm.s32 $0x40;
	[sflag:s22] =	ssyncadd.s32 $0xFFFFEC00;
	s10 =	sor.u32 s10, s11  }
.LBB2_13:
0xe2: {  	p1 =	sne.s32 s9, $0x7FC0  }
0xe3: {  	[tilespmem:s10+$0x7800] =	vst v0;
	s1 =	sadd.s32 $0x10, s1;
	s10 =	smov.u32 s9;
	s9 =	sadd.s32 $0x40, s9  }
.Ltmp9:
0xe4: {  	(pc) =	sbr.rel @p1 .LBB2_13-.Ltmp9, $4  }
0xe5: {  	_ = 	snop  }
0xe6: {  	s10 =	sand.u32 $0x7F00, s10  }
0xe7: {  	s11 =	sand.u32 $0x30, s1;
	s10 =	sshrl.u32 s10, $0x2  }
0xe8: {  	s10 =	sor.u32 s11, s10  }
0xe9: {  	[tilespmem:s10+$0x7800] =	vst v0  }
0xea: {  	[spmem:s15] =	stream.linear.scatter [tilespmem:s25], [sflag:$0x2], $0x2000, $0x38;
	[tilespmem:$0x13900] =	vst v63  }
0xeb: {  	_ =	swait.ge [sflag:s22], $0x2000  }
0xec: {  	[sflag:s22] =	ssyncset.done $0x0  }
0xed: {  	[sflag:s22] =	ssyncadd.s32 $0xFFFFE000  }
0xee: {  	[spmem:s16] =	stream.linear.scatter [tilespmem:s25], [sflag:$0x2], $0x2000, $0x38;
	[tilespmem:$0x13900] =	vst v63  }
0xef: {  	_ =	swait.ge [sflag:s22], $0x2000  }
0xf0: {  	[sflag:s22] =	ssyncset.done $0x0  }
0xf1: {  	[sflag:s22] =	ssyncadd.s32 $0xFFFFE000  }
0xf2: {  	[spmem:s17] =	stream.linear.scatter [tilespmem:s25], [sflag:$0x2], $0x2000, $0x38;
	[tilespmem:$0x13900] =	vst v63  }
0xf3: {  	_ =	swait.ge [sflag:s22], $0x2000  }
0xf4: {  	[sflag:s22] =	ssyncset.done $0x0  }
0xf5: {  	[sflag:s22] =	ssyncadd.s32 $0xFFFFE000  }
0xf6: {  	[spmem:s18] =	stream.linear.scatter [tilespmem:s25], [sflag:$0x2], $0x2000, $0x38;
	[tilespmem:$0x13900] =	vst v63  }
0xf7: {  	_ =	swait.ge [sflag:s22], $0x2000  }
0xf8: {  	[sflag:s22] =	ssyncset.done $0x0  }
0xf9: {  	[sflag:s22] =	ssyncadd.s32 $0xFFFFE000  }
0xfa: {  	[spmem:s19] =	stream.linear.scatter [tilespmem:s25], [sflag:$0x2], $0x2000, $0x38;
	[tilespmem:$0x13900] =	vst v63  }
.Ltmp10:
0xfb: {  	_ =	swait.ge [sflag:s22], $0x2000;
	(pc) =	sbr.rel @p0 .LBB2_19-.Ltmp10, $4  }
0xfc: {  	[sflag:s22] =	ssyncset.done $0x0  }
0xfd: {  	[sflag:s22] =	ssyncadd.s32 $0xFFFFE000  }
0xfe: {  	[bflag:$0x0] =	sbarrier.arrive $0xFFFF  }
0xff: {  	s23 =	simm.s32 $0x0;
	s9 =	simm.s32 $0x0;
	s10 =	simm.s32 $0x0  }
.LBB2_15:
0x100: {  	s1 =	sshll.u32 s9, $0x7  }
0x101: {  	v1 =	vld [tilespmem:s1+$0x0];
	_ =	sdelay $0x4  }
0x102: {  	[tilespmem:$0x9800] =	vst v1  }
0x103: {  	v1 =	vld [tilespmem:s1+$0x2800];
	_ =	sdelay $0x4  }
0x104: {  	[tilespmem:$0x9880] =	vst v1  }
0x105: {  	v1 =	vld [tilespmem:s1+$0x10];
	_ =	sdelay $0x4  }
0x106: {  	[tilespmem:$0x9810] =	vst v1  }
0x107: {  	v1 =	vld [tilespmem:s1+$0x2810];
	_ =	sdelay $0x4  }
0x108: {  	[tilespmem:$0x9890] =	vst v1  }
0x109: {  	v1 =	vld [tilespmem:s1+$0x20];
	_ =	sdelay $0x4  }
0x10a: {  	[tilespmem:$0x9820] =	vst v1  }
0x10b: {  	v1 =	vld [tilespmem:s1+$0x2820];
	_ =	sdelay $0x4  }
0x10c: {  	[tilespmem:$0x98A0] =	vst v1  }
0x10d: {  	v1 =	vld [tilespmem:s1+$0x30];
	_ =	sdelay $0x4  }
0x10e: {  	[tilespmem:$0x9830] =	vst v1  }
0x10f: {  	v1 =	vld [tilespmem:s1+$0x2830];
	_ =	sdelay $0x4  }
0x110: {  	[tilespmem:$0x98B0] =	vst v1  }
0x111: {  	v1 =	vld [tilespmem:s1+$0x40];
	_ =	sdelay $0x4  }
0x112: {  	[tilespmem:$0x9840] =	vst v1  }
0x113: {  	v1 =	vld [tilespmem:s1+$0x2840];
	_ =	sdelay $0x4  }
0x114: {  	[tilespmem:$0x98C0] =	vst v1  }
0x115: {  	v1 =	vld [tilespmem:s1+$0x50];
	_ =	sdelay $0x4  }
0x116: {  	[tilespmem:$0x9850] =	vst v1  }
0x117: {  	v1 =	vld [tilespmem:s1+$0x2850];
	_ =	sdelay $0x4  }
0x118: {  	[tilespmem:$0x98D0] =	vst v1  }
0x119: {  	v1 =	vld [tilespmem:s1+$0x60];
	_ =	sdelay $0x4  }
0x11a: {  	[tilespmem:$0x9860] =	vst v1  }
0x11b: {  	v1 =	vld [tilespmem:s1+$0x2860];
	_ =	sdelay $0x4  }
0x11c: {  	[tilespmem:$0x98E0] =	vst v1  }
0x11d: {  	v1 =	vld [tilespmem:s1+$0x70];
	_ =	sdelay $0x4  }
0x11e: {  	[tilespmem:$0x9870] =	vst v1  }
0x11f: {  	v1 =	vld [tilespmem:s1+$0x2870];
	_ =	sdelay $0x4  }
0x120: {  	s11 =	sadd.s32 $0x0, s23;
	[tilespmem:$0x98F0] =	vst v1  }
0x121: {  	[tilespmem:s25], [sflag:$0x1] =	stream.indirect.gather [hbm4b:s6+s26], $0x40, s28, s26, $0xb8;
	[tilespmem:$0x13900] =	vst v63  }
0x122: {  	v1 =	vmov s11;
	_ =	swait.ge [sflag:s29], $0x2000  }
0x123: {  	[sflag:s29] =	ssyncset.done $0x0  }
0x124: {  	s10 =	simm.s32 $0x7820;
	[sflag:s29] =	ssyncadd.s32 $0xFFFFE000  }
0x125: {  	v3 =	vld [tilespmem:s10+$0xFFFFFFF0]  }
0x126: {  	v4 =	vld [tilespmem:s10+$0x10]  }
0x127: {  	v6 =	vld.idx.msk [tilespmem:v1+s24+$0x0], $0xffff  }
0x128: {  	v1 =	vld [tilespmem:s10+$0xFFFFFFE0]  }
0x129: {  	v7 =	vld [tilespmem:s10+$0x0];
	_ =	sdelay $0x3  }
0x12a: {  	s12 =	sadd.s32 $0x1, s23;
	v2 =	vmul.f32 v1, v6;
	v5 =	vmul.f32 v4, v6  }
0x12b: {  	s1 =	simm.s32 $0x7820;
	s11 =	simm.s32 $0x2;
	v1 =	vmov s12;
	v4 =	vmul.f32 v3, v6;
	v3 =	vmul.f32 v7, v6  }
.LBB2_16:
0x12c: {  	p1 =	sne.s32 s11, $0x7F  }
0x12d: {  	[tilespmem:s10+$0x10] =	vst v5;
	s1 =	sadd.s32 $0x40, s1;
	s12 =	smov.u32 s11;
	s11 =	sadd.s32 $0x1, s11  }
0x12e: {  	[tilespmem:s10+$0xFFFFFFE0] =	vst v2  }
0x12f: {  	v6 =	vld [tilespmem:s1+$0xFFFFFFF0];
	[tilespmem:s10+$0xFFFFFFF0] =	vst v4  }
0x130: {  	v4 =	vld [tilespmem:s1+$0x10];
	[tilespmem:s10+$0x0] =	vst v3;
	s10 =	smov.u32 s1  }
0x131: {  	v3 =	vld.idx.msk [tilespmem:v1+s24+$0x0], $0xffff  }
0x132: {  	v1 =	vld [tilespmem:s1+$0xFFFFFFE0]  }
0x133: {  	v7 =	vld [tilespmem:s1+$0x0]  }
.Ltmp11:
0x134: {  	(pc) =	sbr.rel @p1 .LBB2_16-.Ltmp11, $3  }
0x135: {  	_ =	sdelay $0x1  }
0x136: {  	s12 =	sadd.s32 s12, s23;
	v5 =	vmul.f32 v4, v3;
	v2 =	vmul.f32 v1, v3  }
0x137: {  	v4 =	vmul.f32 v6, v3;
	v1 =	vmov s12;
	v3 =	vmul.f32 v7, v3  }
0x138: {  	[tilespmem:s10+$0x10] =	vst v5  }
0x139: {  	s1 =	sadd.s32 $0x40, s1;
	[tilespmem:s10+$0xFFFFFFE0] =	vst v2  }
0x13a: {  	v2 =	vld [tilespmem:s1+$0xFFFFFFF0];
	[tilespmem:s10+$0xFFFFFFF0] =	vst v4  }
0x13b: {  	v4 =	vld [tilespmem:s1+$0x10];
	[tilespmem:s10+$0x0] =	vst v3  }
0x13c: {  	v1 =	vld.idx.msk [tilespmem:v1+s24+$0x0], $0xffff  }
0x13d: {  	v3 =	vld [tilespmem:s1+$0xFFFFFFE0];
	_ =	sdelay $0x1  }
0x13e: {  	v5 =	vld [tilespmem:s1+$0x0];
	_ =	sdelay $0x1  }
0x13f: {  	v4 =	vmul.f32 v4, v1  }
0x140: {  	v3 =	vmul.f32 v3, v1  }
0x141: {  	v2 =	vmul.f32 v2, v1;
	[tilespmem:s1+$0x10] =	vst v4  }
0x142: {  	s9 =	sadd.s32 $0x1, s9;
	v1 =	vmul.f32 v5, v1;
	[tilespmem:s1+$0xFFFFFFE0] =	vst v3  }
0x143: {  	p1 =	seq.s32 s9, $0x50;
	[tilespmem:s1+$0xFFFFFFF0] =	vst v2  }
.Ltmp12:
0x144: {  	[tilespmem:s1+$0x0] =	vst v1;
	(pc) =	sbr.rel @!p1 .LBB2_15-.Ltmp12, $4  }
0x145: {  	[spmem:s3] =	stream.indirect.scatter.add.f32 [tilespmem:s25], [sflag:$0x2], $0x40, s30, s26, $0xb8;
	[tilespmem:$0x13900] =	vst v63  }
0x146: {  	_ =	swait.ge [sflag:s22], $0x2000  }
0x147: {  	[sflag:s22] =	ssyncset.done $0x0  }
0x148: {  	s23 =	sadd.s32 $0x80, s23;
	[sflag:s22] =	ssyncadd.s32 $0xFFFFE000  }
.Ltmp13:
0x149: {  	(pc) =	sbr.rel .LBB2_23-.Ltmp13, $2  }
0x14a: {  	_ =	sdelay $0x2  }
0x14b: {  	s1 =	rddreg [dreg:$0x4]  }
.LBB2_19:
0x14c: {  	s1 =	sshll.u32 s10, $0x7  }
0x14d: {  	v1 =	vld [tilespmem:s1+$0x0];
	_ =	sdelay $0x4  }
0x14e: {  	[tilespmem:$0x9800] =	vst v1  }
0x14f: {  	v1 =	vld [tilespmem:s1+$0x2800];
	_ =	sdelay $0x4  }
0x150: {  	[tilespmem:$0x9880] =	vst v1  }
0x151: {  	v1 =	vld [tilespmem:s1+$0x10];
	_ =	sdelay $0x4  }
0x152: {  	[tilespmem:$0x9810] =	vst v1  }
0x153: {  	v1 =	vld [tilespmem:s1+$0x2810];
	_ =	sdelay $0x4  }
0x154: {  	[tilespmem:$0x9890] =	vst v1  }
0x155: {  	v1 =	vld [tilespmem:s1+$0x20];
	_ =	sdelay $0x4  }
0x156: {  	[tilespmem:$0x9820] =	vst v1  }
0x157: {  	v1 =	vld [tilespmem:s1+$0x2820];
	_ =	sdelay $0x4  }
0x158: {  	[tilespmem:$0x98A0] =	vst v1  }
0x159: {  	v1 =	vld [tilespmem:s1+$0x30];
	_ =	sdelay $0x4  }
0x15a: {  	[tilespmem:$0x9830] =	vst v1  }
0x15b: {  	v1 =	vld [tilespmem:s1+$0x2830];
	_ =	sdelay $0x4  }
0x15c: {  	[tilespmem:$0x98B0] =	vst v1  }
0x15d: {  	v1 =	vld [tilespmem:s1+$0x40];
	_ =	sdelay $0x4  }
0x15e: {  	[tilespmem:$0x9840] =	vst v1  }
0x15f: {  	v1 =	vld [tilespmem:s1+$0x2840];
	_ =	sdelay $0x4  }
0x160: {  	[tilespmem:$0x98C0] =	vst v1  }
0x161: {  	v1 =	vld [tilespmem:s1+$0x50];
	_ =	sdelay $0x4  }
0x162: {  	[tilespmem:$0x9850] =	vst v1  }
0x163: {  	v1 =	vld [tilespmem:s1+$0x2850];
	_ =	sdelay $0x4  }
0x164: {  	[tilespmem:$0x98D0] =	vst v1  }
0x165: {  	v1 =	vld [tilespmem:s1+$0x60];
	_ =	sdelay $0x4  }
0x166: {  	[tilespmem:$0x9860] =	vst v1  }
0x167: {  	v1 =	vld [tilespmem:s1+$0x2860];
	_ =	sdelay $0x4  }
0x168: {  	[tilespmem:$0x98E0] =	vst v1  }
0x169: {  	v1 =	vld [tilespmem:s1+$0x70];
	_ =	sdelay $0x4  }
0x16a: {  	[tilespmem:$0x9870] =	vst v1  }
0x16b: {  	v1 =	vld [tilespmem:s1+$0x2870];
	_ =	sdelay $0x4  }
0x16c: {  	s11 =	sadd.s32 $0x0, s23;
	[tilespmem:$0x98F0] =	vst v1  }
0x16d: {  	[tilespmem:s25], [sflag:$0x1] =	stream.indirect.gather [hbm4b:s8+s26], $0x40, s28, s26, $0xb8;
	[tilespmem:$0x13900] =	vst v63  }
0x16e: {  	v1 =	vmov s11;
	_ =	swait.ge [sflag:s29], $0x2000  }
0x16f: {  	[sflag:s29] =	ssyncset.done $0x0  }
0x170: {  	s9 =	simm.s32 $0x7820;
	[sflag:s29] =	ssyncadd.s32 $0xFFFFE000  }
0x171: {  	v3 =	vld [tilespmem:s9+$0xFFFFFFF0]  }
0x172: {  	v4 =	vld [tilespmem:s9+$0x10]  }
0x173: {  	v6 =	vld.idx.msk [tilespmem:v1+s24+$0x0], $0xffff  }
0x174: {  	v1 =	vld [tilespmem:s9+$0xFFFFFFE0]  }
0x175: {  	v7 =	vld [tilespmem:s9+$0x0];
	_ =	sdelay $0x3  }
0x176: {  	s12 =	sadd.s32 $0x1, s23;
	v2 =	vmul.f32 v1, v6;
	v5 =	vmul.f32 v4, v6  }
0x177: {  	s1 =	simm.s32 $0x7820;
	s11 =	simm.s32 $0x2;
	v1 =	vmov s12;
	v4 =	vmul.f32 v3, v6;
	v3 =	vmul.f32 v7, v6  }
.LBB2_20:
0x178: {  	p1 =	sne.s32 s11, $0x7F  }
0x179: {  	[tilespmem:s9+$0x10] =	vst v5;
	s1 =	sadd.s32 $0x40, s1;
	s12 =	smov.u32 s11;
	s11 =	sadd.s32 $0x1, s11  }
0x17a: {  	[tilespmem:s9+$0xFFFFFFE0] =	vst v2  }
0x17b: {  	v6 =	vld [tilespmem:s1+$0xFFFFFFF0];
	[tilespmem:s9+$0xFFFFFFF0] =	vst v4  }
0x17c: {  	v4 =	vld [tilespmem:s1+$0x10];
	[tilespmem:s9+$0x0] =	vst v3;
	s9 =	smov.u32 s1  }
0x17d: {  	v3 =	vld.idx.msk [tilespmem:v1+s24+$0x0], $0xffff  }
0x17e: {  	v1 =	vld [tilespmem:s1+$0xFFFFFFE0]  }
0x17f: {  	v7 =	vld [tilespmem:s1+$0x0]  }
.Ltmp14:
0x180: {  	(pc) =	sbr.rel @p1 .LBB2_20-.Ltmp14, $3  }
0x181: {  	_ =	sdelay $0x1  }
0x182: {  	s12 =	sadd.s32 s12, s23;
	v5 =	vmul.f32 v4, v3;
	v2 =	vmul.f32 v1, v3  }
0x183: {  	v4 =	vmul.f32 v6, v3;
	v1 =	vmov s12;
	v3 =	vmul.f32 v7, v3  }
0x184: {  	[tilespmem:s9+$0x10] =	vst v5  }
0x185: {  	s1 =	sadd.s32 $0x40, s1;
	[tilespmem:s9+$0xFFFFFFE0] =	vst v2  }
0x186: {  	v2 =	vld [tilespmem:s1+$0xFFFFFFF0];
	[tilespmem:s9+$0xFFFFFFF0] =	vst v4  }
0x187: {  	v4 =	vld [tilespmem:s1+$0x10];
	[tilespmem:s9+$0x0] =	vst v3  }
0x188: {  	v1 =	vld.idx.msk [tilespmem:v1+s24+$0x0], $0xffff  }
0x189: {  	v3 =	vld [tilespmem:s1+$0xFFFFFFE0];
	_ =	sdelay $0x1  }
0x18a: {  	v5 =	vld [tilespmem:s1+$0x0];
	_ =	sdelay $0x1  }
0x18b: {  	v4 =	vmul.f32 v4, v1  }
0x18c: {  	v3 =	vmul.f32 v3, v1  }
0x18d: {  	v2 =	vmul.f32 v2, v1;
	[tilespmem:s1+$0x10] =	vst v4  }
0x18e: {  	s10 =	sadd.s32 $0x1, s10;
	v1 =	vmul.f32 v5, v1;
	[tilespmem:s1+$0xFFFFFFE0] =	vst v3  }
0x18f: {  	p1 =	sne.s32 s10, $0x50;
	[tilespmem:s1+$0xFFFFFFF0] =	vst v2  }
.Ltmp15:
0x190: {  	[tilespmem:s1+$0x0] =	vst v1;
	(pc) =	sbr.rel @p1 .LBB2_19-.Ltmp15, $4  }
0x191: {  	[spmem:s3] =	stream.indirect.scatter.add.f32 [tilespmem:s25], [sflag:$0x2], $0x40, s30, s26, $0xb8;
	[tilespmem:$0x13900] =	vst v63  }
0x192: {  	_ =	swait.ge [sflag:s22], $0x2000  }
0x193: {  	[sflag:s22] =	ssyncset.done $0x0  }
0x194: {  	s23 =	sadd.s32 $0x80, s23;
	[sflag:s22] =	ssyncadd.s32 $0xFFFFE000  }
.Ltmp16:
0x195: {  	(pc) =	sbr.rel .LBB2_23-.Ltmp16, $2  }
0x196: {  	_ =	sdelay $0x2  }
0x197: {  	s1 =	rddreg [dreg:$0x6]  }
.LBB2_24:
0x198: {  	_ =	sfence.sel $0x180000  }
0x199: {  	[bflag:$0x0] =	sbarrier.arrive $0xFFFF  }
0x19a: {  	_ =	strace $0x9000004A  }
0x19b: {  	s0 =	stileid.u32;
	[bflag:$0x2] =	sbarrier.arrive $0xFFFF  }
0x19c: {  	p0 =	sne.s32 s0, $0x0;
	s0 =	rddreg [dreg:$0x3]  }
0x19d: {  	s0 =	sadd.s32 @!p0 $0x100000, s0  }
0x19e: {  	[sflag:s0] =	ssyncadd.tile.s32 @!p0 $0x1;
	_ =	shalt  }
.Lfunc_end2:
_tile_overlayer_lowered:
.L_overlay_start_2:
0x19f: {  	(tag) =	ssettag $0x2  }
0x1a0: {  	s0 =	rddreg [dreg:$0x0];
	s2 =	stileid.u32  }
0x1a1: {  	s1 =	rddreg [dreg:$0x1];
	p0 =	sne.s32 s2, $0x0  }
0x1a2: {  	s3 =	rddreg [dreg:$0x2];
	[bflag:$0x3] =	sbarrier.arrive $0xFFFF;
	s2 =	simm.s32 @!p0 $0x1C02  }
0x1a3: {  	[timem:s3], [sflag:s2] =	dma.local @!p0 [hbm:s0], s1  }
0x1a4: {  	s0 =	simm.s32 @!p0 $0x2  }
0x1a5: {  	_ =	swait.ge @!p0 [sflag:s0], s1  }
0x1a6: {  	s1 =	ssub.s32 @!p0 $0x0, s1;
	[sflag:s0] =	ssyncset.done @!p0 $0x0  }
0x1a7: {  	[sflag:s0] =	ssyncadd.s32 @!p0 s1  }
0x1a8: {  	[bflag:$0x3] =	sbarrier.arrive $0xFFFF  }
0x1a9: {  	_ =	shalt  }

// kernel: kernel.7.cloned.1.call-start
scs
__scs_entry_jumppad:
0x0: {  	(pc) =	sbr.rel $0x88, $3  }
0x1: {  	(tag) =	ssettag $0x0;
	lr =	simm.s32 $0x1  }
0x2: {  	[smem:$0x3F9A] =	sst lr;
	_ =	strace $0xD0000000  }
0x3: {  	_ = 	snop  }
0x4: {  	_ = 	snop  }
0x5: {  	_ = 	snop  }
0x6: {  	_ = 	snop  }
0x7: {  	_ = 	snop  }
__scs_overlays_trampoline_lowered:
0x8: {  	[smem:$0x3FA9] =	sst s0  }
0x9: {  	[smem:$0x3FAA] =	sst s1  }
0xa: {  	[smem:$0x3FAB] =	sst s2  }
0xb: {  	[smem:$0x3FAC] =	sst s3  }
0xc: {  	[smem:$0x3FAD] =	sst s4  }
0xd: {  	[smem:$0x3FAE] =	sst s5  }
0xe: {  	[smem:$0x3FAF] =	sst s6  }
0xf: {  	[smem:$0x3FB0] =	sst s7  }
0x10: {  	[smem:$0x3FB1] =	sst s8  }
0x11: {  	[smem:$0x3FB2] =	sst s9;
	s0 =	simm.s32 @!p0 $0x0  }
0x12: {  	s1 =	sld [smem:$0x3F98];
	s0 =	simm.s32 @p0 $0x1  }
0x13: {  	[smem:$0x3FB3] =	sst s0;
	s0 =	simm.s32 @!p1 $0x0  }
0x14: {  	s2 =	sld [smem:$0x3F97];
	s0 =	simm.s32 @p1 $0x1  }
0x15: {  	[smem:$0x3FB4] =	sst s0;
	s0 =	simm.s32 @!p2 $0x0  }
0x16: {  	s3 =	sld [smem:$0x3FDB];
	s0 =	simm.s32 @p2 $0x1  }
0x17: {  	s4 =	simm.s32 $0x1BF5;
	[smem:$0x3FB6] =	sst s0  }
0x18: {  	s0 =	sld [smem:$0x3F99];
	_ =	swait.ge [sflag:s4], $0x0  }
0x19: {  	s7 =	sld [smem:$0x3F9A]  }
0x1a: {  	s8 =	sadd.s32 $0xFFFFE003, lr  }
0x1b: {  	s9 =	sadd.s32 $0xFFFFFEF7, lr;
	s5 =	simm.s32 $0xFFFFFFFF;
	p2 =	slt.u32 s8, $0xFFFFF086  }
0x1c: {  	p1 =	slt.u32 s9, $0xF7A;
	s5 =	simm.s32 @!p2 $0x0  }
0x1d: {  	s5 =	simm.s32 @p1 $0x1;
	p0 =	seq.s32 s7, s2  }
0x1e: {  	s7 =	smul.u32 @!p0 $0xF7A, s2;
	p2 =	seq.s32 @!p0 s5, $0x0  }
0x1f: {  	s9 =	smul.u32 $0xF7A, s1;
	s8 =	simm.s32 @!p0 $0x1BF5;
	p2 =	por !p2, p0  }
0x20: {  	[sflag:s8] =	ssyncset.s32 @!p0 $0xFFFFF086;
	s6 =	sadd.s32 @!p0 s3, s7;
	s7 =	simm.s32 @!p0 $0x108  }
0x21: {  	s3 =	sadd.s32 s3, s9;
	s6 =	sadd.s32 @!p0 $0x88, s6;
	s7 =	simm.s32 @p2 $0x1082  }
0x22: {  	[simem:s7], [sflag:s8] =	dma.local @!p0 [hbm:s6], $0xF7A  }
0x23: {  	s9 =	sor.u32 $0xD0000000, s2;
	s6 =	simm.s32 $0x108;
	_ =	swait.ge @!p0 [sflag:s8], $0x0  }
0x24: {  	s3 =	sadd.s32 $0x88, s3;
	s6 =	simm.s32 @!p1 $0x1082;
	[sflag:s4] =	ssyncset.s32 $0xFFFFF086  }
0x25: {  	[simem:s6], [sflag:s4] =	dma.local [hbm:s3], $0xF7A  }
0x26: {  	[smem:$0x3F9A] =	sst s1;
	(tag) =	ssettag s2;
	_ =	strace s9  }
0x27: {  	s1 =	sld [smem:$0x3FAA]  }
0x28: {  	s2 =	sld [smem:$0x3FAB]  }
0x29: {  	s4 =	sld [smem:$0x3FAD]  }
0x2a: {  	p0 =	seq.s32 s5, $0x0;
	s5 =	sld [smem:$0x3FAE]  }
0x2b: {  	s6 =	sld [smem:$0x3FAF]  }
0x2c: {  	s7 =	sld [smem:$0x3FB0]  }
0x2d: {  	s3 =	simm.s32 $0x108;
	s8 =	sld [smem:$0x3FB1]  }
0x2e: {  	s3 =	simm.s32 @!p0 $0x1082;
	s9 =	sld [smem:$0x3FB2]  }
0x2f: {  	lr =	sadd.s32 s0, s3;
	s0 =	sld [smem:$0x3FA9]  }
0x30: {  	s3 =	sld [smem:$0x3FAC]  }
0x31: {  	[smem:$0x3FB5] =	sst s10  }
0x32: {  	s10 =	sld [smem:$0x3FB3];
	_ =	sdelay $0x3  }
0x33: {  	p0 =	seq.s32 s10, $0x1;
	s10 =	sld [smem:$0x3FB5];
	_ =	sdelay $0x3  }
0x34: {  	[smem:$0x3FB5] =	sst s10  }
0x35: {  	s10 =	sld [smem:$0x3FB4];
	_ =	sdelay $0x3  }
0x36: {  	p1 =	seq.s32 s10, $0x1;
	s10 =	sld [smem:$0x3FB5];
	_ =	sdelay $0x3  }
0x37: {  	[smem:$0x3FB5] =	sst s10  }
0x38: {  	s10 =	sld [smem:$0x3FB6]  }
0x39: {  	_ = 	snop;
	(pc) =	sbr.ind lr, $3  }
0x3a: {  	_ = 	snop  }
0x3b: {  	_ = 	snop  }
0x3c: {  	p2 =	seq.s32 s10, $0x1;
	s10 =	sld [smem:$0x3FB5]  }
0x3d: {  	_ =	shalt  }
0x3e: {  	_ =	shalt  }
0x3f: {  	_ =	shalt  }
0x40: {  	_ =	shalt  }
0x41: {  	_ =	shalt  }
0x42: {  	_ =	shalt  }
0x43: {  	_ =	shalt  }
0x44: {  	_ =	shalt  }
0x45: {  	_ =	shalt  }
0x46: {  	_ =	shalt  }
0x47: {  	_ =	shalt  }
0x48: {  	_ =	shalt  }
0x49: {  	_ =	shalt  }
0x4a: {  	_ =	shalt  }
0x4b: {  	_ =	shalt  }
0x4c: {  	_ =	shalt  }
0x4d: {  	_ =	shalt  }
0x4e: {  	_ =	shalt  }
0x4f: {  	_ =	shalt  }
0x50: {  	_ =	shalt  }
0x51: {  	_ =	shalt  }
0x52: {  	_ =	shalt  }
0x53: {  	_ =	shalt  }
0x54: {  	_ =	shalt  }
0x55: {  	_ =	shalt  }
0x56: {  	_ =	shalt  }
0x57: {  	_ =	shalt  }
0x58: {  	_ =	shalt  }
0x59: {  	_ =	shalt  }
0x5a: {  	_ =	shalt  }
0x5b: {  	_ =	shalt  }
0x5c: {  	_ =	shalt  }
0x5d: {  	_ =	shalt  }
0x5e: {  	_ =	shalt  }
0x5f: {  	_ =	shalt  }
0x60: {  	_ =	shalt  }
0x61: {  	_ =	shalt  }
0x62: {  	_ =	shalt  }
0x63: {  	_ =	shalt  }
0x64: {  	_ =	shalt  }
0x65: {  	_ =	shalt  }
0x66: {  	_ =	shalt  }
0x67: {  	_ =	shalt  }
0x68: {  	_ =	shalt  }
0x69: {  	_ =	shalt  }
0x6a: {  	_ =	shalt  }
0x6b: {  	_ =	shalt  }
0x6c: {  	_ =	shalt  }
0x6d: {  	_ =	shalt  }
0x6e: {  	_ =	shalt  }
0x6f: {  	_ =	shalt  }
0x70: {  	_ =	shalt  }
0x71: {  	_ =	shalt  }
0x72: {  	_ =	shalt  }
0x73: {  	_ =	shalt  }
0x74: {  	_ =	shalt  }
0x75: {  	_ =	shalt  }
0x76: {  	_ =	shalt  }
0x77: {  	_ =	shalt  }
0x78: {  	_ =	shalt  }
0x79: {  	_ =	shalt  }
0x7a: {  	_ =	shalt  }
0x7b: {  	_ =	shalt  }
0x7c: {  	_ =	shalt  }
0x7d: {  	_ =	shalt  }
0x7e: {  	_ =	shalt  }
0x7f: {  	_ =	shalt  }
0x80: {  	_ =	shalt  }
0x81: {  	_ =	shalt  }
0x82: {  	_ =	shalt  }
0x83: {  	_ =	shalt  }
0x84: {  	_ =	shalt  }
0x85: {  	_ =	shalt  }
0x86: {  	_ =	shalt  }
0x87: {  	_ =	shalt  }
.Lfunc_end0:
.L_simem_size_0:
called_computation_lowered:
.L_overlay_start_0:
0x88: {  	s2 =	sld [smem:$0x3FD9]  }
0x89: {  	s3 =	sld [smem:$0x3FFE];
	_ =	sdelay $0x1  }
0x8a: {  	s1 =	srdreg.scid  }
0x8b: {  	s0 =	sand.u32 $0x1, s1  }
0x8c: {  	s17 =	sshll.u32 s0, $0xA;
	s2 =	sadd.s32 s3, s2  }
0x8d: {  	s2 =	sadd.s32 s2, s17  }
0x8e: {  	[smem:$0x3FC1] =	sst s2  }
0x8f: {  	_ = 	snop  }
0x90: {  	s2 =	sld [smem:$0x3FD0];
	(tm) =	ssettm $0x1  }
0x91: {  	s18 =	sld [smem:$0x3FFB];
	_ =	sdelay $0x3  }
0x92: {  	_ =	strace s18  }
0x93: {  	s3 =	sld [smem:$0x3FFC];
	_ =	sdelay $0x3  }
0x94: {  	_ =	strace s3  }
0x95: {  	s3 =	sld [smem:$0x3FFD];
	_ =	sdelay $0x3  }
0x96: {  	_ =	strace s3  }
0x97: {  	_ =	strace $0x8FFFFFFF  }
0x98: {  	s19 =	sld [smem:$0x3FDB];
	_ =	sdelay $0x1  }
0x99: {  	s4 =	simm.s32 $_scs_section_size  }
0x9a: {  	s5 =	simm.s32 $_size__tile_overlayer_lowered;
	s6 =	simm.s32 $_tile_overlayer_lowered  }
0x9b: {  	s22 =	simm.s32 $0x1BFF;
	s21 =	sshll.u32 s6, $0x1;
	s3 =	sadd.s32 s4, s19  }
0x9c: {  	s7 =	simm.s32 $0x0;
	s20 =	sshll.u32 s5, $0x1;
	s5 =	sadd.s32 s21, s3  }
0x9d: {  	[timem:s7], [sflag:s22] =	dma.local [hbm:s5], s20  }
0x9e: {  	_ =	swait.ge [sflag:s22], s20  }
0x9f: {  	s4 =	ssub.s32 $0x0, s20;
	[sflag:s22] =	ssyncset.done $0x0  }
0xa0: {  	[sflag:s22] =	ssyncadd.s32 s4;
	_ =	sdelay $0x1  }
0xa1: {  	s23 =	simm.s32 $0x1B8B  }
0xa2: {  	_ =	swait.ge [sflag:s23], $0x1  }
0xa3: {  	[sflag:s23] =	ssyncset.done $0x0  }
0xa4: {  	s25 =	simm.s32 $0x1B8E;
	s24 =	sld [smem:$0x3FFE];
	[sflag:s23] =	ssyncadd.s32 $0xFFFFFFFF  }
0xa5: {  	s26 =	simm.s32 $execute0_lowered;
	[smem:$0x3FD2] =	sst s25  }
0xa6: {  	s5 =	sshll.u32 s26, $0x1;
	_ =	strace $0x80000046;
	[dreg:$0x1] =	wrdreg $0xFFFFFFFF  }
0xa7: {  	s28 =	simm.s32 $_size_execute0_lowered;
	s3 =	sadd.s32 s3, s5;
	[dreg:$0x0] =	wrdreg $0x0  }
0xa8: {  	s5 =	sshll.u32 s28, $0x1;
	[dreg:$0x2] =	wrdreg s3  }
0xa9: {  	[dreg:$0x3] =	wrdreg s5  }
0xaa: {  	[dreg:$0x4] =	wrdreg $0xC0  }
0xab: {  	_ =	task [dreg:s7], $0x5FFFF  }
0xac: {  	[dreg:$0x1] =	wrdreg $0xFFFFFFFF  }
0xad: {  	[dreg:$0x0] =	wrdreg $0x60  }
0xae: {  	[dreg:$0x2] =	wrdreg s24  }
0xaf: {  	[dreg:$0x3] =	wrdreg s2  }
0xb0: {  	[dreg:$0x4] =	wrdreg $0x111800  }
0xb1: {  	[dreg:$0x5] =	wrdreg $0x114000  }
0xb2: {  	[dreg:$0x6] =	wrdreg $0x9  }
0xb3: {  	_ =	task.clear_ibuf [dreg:s7], $0x7FFFF;
	_ =	strace $0x90000046  }
0xb4: {  	s29 =	simm.s32 $0x9;
	_ =	strace $0x80000048  }
0xb5: {  	_ =	swait.ge [sflag:s29], $0x1  }
0xb6: {  	[sflag:s29] =	ssyncadd.s32 $0xFFFFFFFF  }
0xb7: {  	_ =	strace $0x90000048  }
0xb8: {  	_ =	sfence  }
0xb9: {  	s30 =	sld [smem:$0x0];
	_ =	sdelay $0x2  }
0xba: {  	s31 =	sshll.u32 s1, $0xD;
	s1 =	sshrl.u32 s1, $0x2  }
0xbb: {  	s3 =	sand.u32 $0x4000, s31;
	s1 =	sadd.s32 s1, s30  }
0xbc: {  	s0 =	sor.u32 s3, s0;
	s1 =	sshll.u32 s1, $0x11  }
0xbd: {  	s0 =	sor.u32 s1, s0  }
0xbe: {  	s0 =	sadd.s32 $0x8F2B, s0  }
0xbf: {  	[sflag:s0] =	ssyncadd.remote.s32 $0x1  }
0xc0: {  	_ =	sfence.sel $0xFFFF  }
0xc1: {  	[dreg:$0x0] =	wrdreg $0xFFFFFFFF;
	(pc) =	sbr.abs _section_cstart, $3  }
0xc2: {  	[dreg:$0x1] =	wrdreg $0xFFFFFFFF  }
0xc3: {  	_ =	task.clear_ibuf [dreg:s7], $0x2FFFF;
	_ =	strace $0x9FFFFFFF  }
0xc4: {  	(tm) =	ssettm $0x7FFFFFFF  }
0xc5: {  	_ =	shalt  }
tec
execute0_lowered:
.L_overlay_start_1:
0x0: {  	(tag) =	ssettag $0x1  }
0x1: {  	s1 =	rddreg [dreg:$0x0]  }
0x2: {  	s0 =	rddreg [dreg:$0x1]  }
0x3: {  	s3 =	rddreg [dreg:$0x2];
	s2 =	srdreg.scid  }
0x4: {  	s4 =	rddreg [dreg:$0x3];
	s17 =	stileid.u32  }
0x5: {  	s5 =	simm.s32 $0x0;
	s28 =	simm.s32 $0x2;
	s29 =	simm.s32 $0x11100  }
0x6: {  	s30 =	simm.s32 $0x80;
	s31 =	simm.s32 $0x11080;
	s2 =	sand.u32 $0x1, s2  }
0x7: {  	s7 =	smul.u32 $0x1400, s17;
	[smem:$0x7FF] =	sst s5;
	s8 =	sadd.s32 $0x2A00, s1  }
0x8: {  	s9 =	sadd.s32 $0x6E800, s1;
	s11 =	sadd.s32 $0x87800, s1;
	s14 =	smul.u32 $0x500, s17  }
0x9: {  	s12 =	sadd.s32 $0x87E00, s1;
	s15 =	sadd.s32 $0x9BE00, s1;
	s6 =	smul.u32 $0x14000, s2  }
0xa: {  	_ =	strace $0x80000047;
	[dreg:$0x5] =	wrdreg s11;
	s11 =	sadd.s32 $0x73800, s1  }
0xb: {  	s13 =	ssub.s32 $0x2, s2;
	p0 =	seq.s32 s2, $0x0;
	s2 =	sor.u32 s17, s2  }
0xc: {  	s16 =	sshrl.u32 s13, $0x1;
	s25 =	sadd.s32 s8, s14;
	s14 =	sadd.s32 s9, s14  }
0xd: {  	s15 =	smov.u32 @p0 s11;
	s7 =	sadd.s32 s7, s6;
	s6 =	sadd.s32 $0x5AE00, s1  }
0xe: {  	s13 =	ssub.s32 s13, s16;
	[dreg:$0x6] =	wrdreg s25;
	s16 =	smul.u32 $0x280, s17  }
0xf: {  	[dreg:$0x7] =	wrdreg s14;
	s14 =	smul.u32 $0xA000, s17;
	s7 =	sshrl.u32 s7, $0x3  }
0x10: {  	s10 =	sadd.s32 s7, s1;
	s1 =	sadd.s32 $0xAFE00, s1;
	s8 =	sadd.s32 s8, s7  }
0x11: {  	s7 =	sadd.s32 s9, s7;
	s18 =	sadd.s32 s16, s3;
	s20 =	sadd.s32 $0x100, s16  }
0x12: {  	s21 =	sshrl.u32 s14, $0x3;
	s24 =	sadd.s32 $0x180, s16;
	[dreg:$0x9] =	wrdreg s8  }
0x13: {  	s26 =	sadd.s32 $0x7A00, s10;
	[dreg:$0xa] =	wrdreg s7;
	s8 =	sadd.s32 $0x80, s16  }
0x14: {  	[dreg:$0xb] =	wrdreg s18;
	s1 =	smov.u32 @p0 s12;
	s22 =	sadd.s32 s20, s3  }
0x15: {  	s23 =	sadd.s32 s15, s21;
	p0 =	sne.s32 s2, $0x0;
	[dreg:$0x8] =	wrdreg s26  }
0x16: {  	s25 =	sadd.s32 s24, s3;
	s9 =	sshll.u32 s20, $0x6;
	[dreg:$0xd] =	wrdreg s22  }
0x17: {  	s20 =	sadd.s32 s14, s4;
	s19 =	sadd.s32 s8, s3;
	[dreg:$0xe] =	wrdreg s23  }
0x18: {  	s1 =	sadd.s32 s1, s21;
	[dreg:$0x10] =	wrdreg s25;
	s26 =	sadd.s32 $0x200, s16  }
0x19: {  	s7 =	sshll.u32 s8, $0x6;
	s22 =	sadd.s32 s9, s4;
	[dreg:$0xc] =	wrdreg s19  }
0x1a: {  	s8 =	simm.s32 $0x11000;
	s9 =	simm.s32 $0x1;
	[dreg:$0xf] =	wrdreg s1  }
0x1b: {  	s19 =	sadd.s32 $0xC3E00, s10;
	s21 =	sadd.s32 s7, s4;
	s1 =	sshll.u32 s24, $0x6  }
0x1c: {  	s23 =	sadd.s32 s26, s3;
	s2 =	sshll.u32 s26, $0x6;
	s26 =	smax.u32 s13, $0x1  }
0x1d: {  	s7 =	simm.s32 $0xF000;
	s10 =	simm.s32 $0x0;
	s24 =	sadd.s32 s1, s4  }
0x1e: {  	v0 =	vimm.f32 $0.0e+00;
	s25 =	sadd.s32 s2, s4;
	s1 =	simm.s32 $0xC800;
	s2 =	simm.s32 $0x8C00  }
.LBB2_1:
0x1f: {  	s11 =	rddreg [dreg:$0x6]  }
0x20: {  	[tilespmem:s5], [sflag:$0x2] =	stream.linear.gather [hbm4b:s11+s5], $0x2800, $0x38;
	[tilespmem:$0x1B400] =	vst v63  }
0x21: {  	_ =	swait.ge [sflag:s28], $0x2800  }
0x22: {  	[sflag:s28] =	ssyncset.done $0x0  }
0x23: {  	s12 =	simm.s32 $0x2800;
	s14 =	rddreg [dreg:$0x7];
	[sflag:s28] =	ssyncadd.s32 $0xFFFFD800  }
0x24: {  	[tilespmem:s12], [sflag:$0x2] =	stream.linear.gather [hbm4b:s14+s5], $0x2800, $0x38;
	[tilespmem:$0x1B400] =	vst v63  }
0x25: {  	_ =	swait.ge [sflag:s28], $0x2800  }
0x26: {  	[sflag:s28] =	ssyncset.done $0x0  }
0x27: {  	s16 =	simm.s32 $0x5000;
	s15 =	rddreg [dreg:$0x8];
	[sflag:s28] =	ssyncadd.s32 $0xFFFFD800  }
0x28: {  	[tilespmem:s16], [sflag:$0x2] =	stream.linear.gather [hbm4b:s15+s5], $0x1400, $0x38;
	[tilespmem:$0x1B400] =	vst v63  }
0x29: {  	_ =	swait.ge [sflag:s28], $0x1400  }
0x2a: {  	[sflag:s28] =	ssyncset.done $0x0  }
0x2b: {  	s18 =	simm.s32 $0x6400;
	s17 =	rddreg [dreg:$0x9];
	[sflag:s28] =	ssyncadd.s32 $0xFFFFEC00  }
0x2c: {  	[tilespmem:s18], [sflag:$0x2] =	stream.linear.gather [hbm4b:s17+s5], $0x1400, $0x38;
	[tilespmem:$0x1B400] =	vst v63  }
0x2d: {  	_ =	swait.ge [sflag:s28], $0x1400  }
0x2e: {  	[sflag:s28] =	ssyncset.done $0x0  }
0x2f: {  	s13 =	simm.s32 $0x7800;
	s12 =	rddreg [dreg:$0xa];
	[sflag:s28] =	ssyncadd.s32 $0xFFFFEC00  }
0x30: {  	[tilespmem:s13], [sflag:$0x2] =	stream.linear.gather [hbm4b:s12+s5], $0x1400, $0x38;
	[tilespmem:$0x1B400] =	vst v63  }
0x31: {  	_ =	swait.ge [sflag:s28], $0x1400  }
0x32: {  	[sflag:s28] =	ssyncset.done $0x0  }
0x33: {  	[sflag:s28] =	ssyncadd.s32 $0xFFFFEC00  }
0x34: {  	[tilespmem:$0x11100] =	vst v0  }
0x35: {  	[tilespmem:$0x11110] =	vst v0  }
0x36: {  	[tilespmem:$0x11120] =	vst v0  }
0x37: {  	[tilespmem:$0x11130] =	vst v0  }
0x38: {  	[tilespmem:$0x11140] =	vst v0  }
0x39: {  	[tilespmem:$0x11150] =	vst v0  }
0x3a: {  	[tilespmem:$0x11160] =	vst v0  }
0x3b: {  	s14 =	rddreg [dreg:$0xb];
	[tilespmem:$0x11170] =	vst v0  }
0x3c: {  	[spmem:s14] =	stream.linear.scatter [tilespmem:s29], [sflag:$0x2], $0x80, $0x38;
	[tilespmem:$0x1B400] =	vst v63  }
0x3d: {  	_ =	swait.ge [sflag:s28], $0x80  }
0x3e: {  	[sflag:s28] =	ssyncset.done $0x0  }
0x3f: {  	s15 =	rddreg [dreg:$0xc];
	[sflag:s28] =	ssyncadd.s32 $0xFFFFFF80  }
0x40: {  	[spmem:s15] =	stream.linear.scatter [tilespmem:s29], [sflag:$0x2], $0x80, $0x38;
	[tilespmem:$0x1B400] =	vst v63  }
0x41: {  	_ =	swait.ge [sflag:s28], $0x80  }
0x42: {  	[sflag:s28] =	ssyncset.done $0x0  }
0x43: {  	s16 =	rddreg [dreg:$0xd];
	[sflag:s28] =	ssyncadd.s32 $0xFFFFFF80  }
0x44: {  	[spmem:s16] =	stream.linear.scatter [tilespmem:s29], [sflag:$0x2], $0x80, $0x38;
	[tilespmem:$0x1B400] =	vst v63  }
0x45: {  	_ =	swait.ge [sflag:s28], $0x80  }
0x46: {  	[sflag:s28] =	ssyncset.done $0x0  }
0x47: {  	s17 =	rddreg [dreg:$0x10];
	[sflag:s28] =	ssyncadd.s32 $0xFFFFFF80  }
0x48: {  	[spmem:s17] =	stream.linear.scatter [tilespmem:s29], [sflag:$0x2], $0x80, $0x38;
	[tilespmem:$0x1B400] =	vst v63  }
0x49: {  	_ =	swait.ge [sflag:s28], $0x80  }
0x4a: {  	[sflag:s28] =	ssyncset.done $0x0  }
0x4b: {  	[sflag:s28] =	ssyncadd.s32 $0xFFFFFF80  }
0x4c: {  	[spmem:s23] =	stream.linear.scatter [tilespmem:s29], [sflag:$0x2], $0x80, $0x38;
	[tilespmem:$0x1B400] =	vst v63  }
0x4d: {  	_ =	swait.ge [sflag:s28], $0x80  }
0x4e: {  	[sflag:s28] =	ssyncset.done $0x0  }
0x4f: {  	[sflag:s28] =	ssyncadd.s32 $0xFFFFFF80  }
0x50: {  	s18 =	simm.s32 $0x0;
	[bflag:$0x0] =	sbarrier.arrive $0xFFFF  }
0x51: {  	v1 =	vld [tilespmem:s18+$0x0];
	_ =	sdelay $0x4  }
0x52: {  	[tilespmem:$0x11080] =	vst v1  }
0x53: {  	v1 =	vld [tilespmem:s18+$0x2800];
	_ =	sdelay $0x4  }
0x54: {  	[tilespmem:$0x11100] =	vst v1  }
0x55: {  	v1 =	vld [tilespmem:s18+$0x10];
	_ =	sdelay $0x4  }
0x56: {  	[tilespmem:$0x11090] =	vst v1  }
0x57: {  	v1 =	vld [tilespmem:s18+$0x2810];
	_ =	sdelay $0x4  }
0x58: {  	[tilespmem:$0x11110] =	vst v1  }
0x59: {  	v1 =	vld [tilespmem:s18+$0x20];
	_ =	sdelay $0x4  }
0x5a: {  	[tilespmem:$0x110A0] =	vst v1  }
0x5b: {  	v1 =	vld [tilespmem:s18+$0x2820];
	_ =	sdelay $0x4  }
0x5c: {  	[tilespmem:$0x11120] =	vst v1  }
0x5d: {  	v1 =	vld [tilespmem:s18+$0x30];
	_ =	sdelay $0x4  }
0x5e: {  	[tilespmem:$0x110B0] =	vst v1  }
0x5f: {  	v1 =	vld [tilespmem:s18+$0x2830];
	_ =	sdelay $0x4  }
0x60: {  	[tilespmem:$0x11130] =	vst v1  }
0x61: {  	v1 =	vld [tilespmem:s18+$0x40];
	_ =	sdelay $0x4  }
0x62: {  	[tilespmem:$0x110C0] =	vst v1  }
0x63: {  	v1 =	vld [tilespmem:s18+$0x2840];
	_ =	sdelay $0x4  }
0x64: {  	[tilespmem:$0x11140] =	vst v1  }
0x65: {  	v1 =	vld [tilespmem:s18+$0x50];
	_ =	sdelay $0x4  }
0x66: {  	[tilespmem:$0x110D0] =	vst v1  }
0x67: {  	v1 =	vld [tilespmem:s18+$0x2850];
	_ =	sdelay $0x4  }
0x68: {  	[tilespmem:$0x11150] =	vst v1  }
0x69: {  	v1 =	vld [tilespmem:s18+$0x60];
	_ =	sdelay $0x4  }
0x6a: {  	[tilespmem:$0x110E0] =	vst v1  }
0x6b: {  	v1 =	vld [tilespmem:s18+$0x2860];
	_ =	sdelay $0x4  }
0x6c: {  	[tilespmem:$0x11160] =	vst v1  }
0x6d: {  	v1 =	vld [tilespmem:s18+$0x70];
	_ =	sdelay $0x4  }
0x6e: {  	[tilespmem:$0x110F0] =	vst v1  }
0x6f: {  	v1 =	vld [tilespmem:s18+$0x2870];
	_ =	sdelay $0x4  }
0x70: {  	[tilespmem:$0x11170] =	vst v1  }
0x71: {  	[spmem:s3] =	stream.indirect.scatter.add.f32 [tilespmem:s29], [sflag:$0x2], $0x1, s31, s30, $0xb8;
	[tilespmem:$0x1B400] =	vst v63  }
0x72: {  	_ =	swait.ge [sflag:s28], $0x80  }
0x73: {  	s11 =	simm.s32 $0x200;
	s14 =	simm.s32 $0x400;
	[sflag:s28] =	ssyncset.done $0x0  }
.LBB2_2:
0x74: {  	s13 =	sshra.s32 s11, $0x2  }
0x75: {  	[sflag:s28] =	ssyncadd.s32 $0xFFFFFF80;
	s11 =	smov.u32 s14;
	s12 =	sadd.s32 $0x200, s14  }
0x76: {  	p1 =	sne.s32 s14, $0x9E00;
	v1 =	vld [tilespmem:s13+$0x0];
	_ =	sdelay $0x4  }
0x77: {  	[tilespmem:$0x11080] =	vst v1  }
0x78: {  	v1 =	vld [tilespmem:s13+$0x2800];
	_ =	sdelay $0x4  }
0x79: {  	[tilespmem:$0x11100] =	vst v1  }
0x7a: {  	v1 =	vld [tilespmem:s13+$0x10];
	_ =	sdelay $0x4  }
0x7b: {  	[tilespmem:$0x11090] =	vst v1  }
0x7c: {  	v1 =	vld [tilespmem:s13+$0x2810];
	_ =	sdelay $0x4  }
0x7d: {  	[tilespmem:$0x11110] =	vst v1  }
0x7e: {  	v1 =	vld [tilespmem:s13+$0x20];
	_ =	sdelay $0x4  }
0x7f: {  	[tilespmem:$0x110A0] =	vst v1  }
0x80: {  	v1 =	vld [tilespmem:s13+$0x2820];
	_ =	sdelay $0x4  }
0x81: {  	[tilespmem:$0x11120] =	vst v1  }
0x82: {  	v1 =	vld [tilespmem:s13+$0x30];
	_ =	sdelay $0x4  }
0x83: {  	[tilespmem:$0x110B0] =	vst v1  }
0x84: {  	v1 =	vld [tilespmem:s13+$0x2830];
	_ =	sdelay $0x4  }
0x85: {  	[tilespmem:$0x11130] =	vst v1  }
0x86: {  	v1 =	vld [tilespmem:s13+$0x40];
	_ =	sdelay $0x4  }
0x87: {  	[tilespmem:$0x110C0] =	vst v1  }
0x88: {  	v1 =	vld [tilespmem:s13+$0x2840];
	_ =	sdelay $0x4  }
0x89: {  	[tilespmem:$0x11140] =	vst v1  }
0x8a: {  	v1 =	vld [tilespmem:s13+$0x50];
	_ =	sdelay $0x4  }
0x8b: {  	[tilespmem:$0x110D0] =	vst v1  }
0x8c: {  	v1 =	vld [tilespmem:s13+$0x2850];
	_ =	sdelay $0x4  }
0x8d: {  	[tilespmem:$0x11150] =	vst v1  }
0x8e: {  	v1 =	vld [tilespmem:s13+$0x60];
	_ =	sdelay $0x4  }
0x8f: {  	[tilespmem:$0x110E0] =	vst v1  }
0x90: {  	v1 =	vld [tilespmem:s13+$0x2860];
	_ =	sdelay $0x4  }
0x91: {  	[tilespmem:$0x11160] =	vst v1  }
0x92: {  	v1 =	vld [tilespmem:s13+$0x70];
	_ =	sdelay $0x4  }
0x93: {  	[tilespmem:$0x110F0] =	vst v1  }
0x94: {  	v1 =	vld [tilespmem:s13+$0x2870];
	_ =	sdelay $0x3  }
.Ltmp0:
0x95: {  	(pc) =	sbr.rel @p1 .LBB2_2-.Ltmp0, $4  }
0x96: {  	[tilespmem:$0x11170] =	vst v1  }
0x97: {  	[spmem:s3] =	stream.indirect.scatter.add.f32 [tilespmem:s29], [sflag:$0x2], $0x1, s31, s30, $0xb8;
	[tilespmem:$0x1B400] =	vst v63  }
0x98: {  	_ =	swait.ge [sflag:s28], $0x80  }
0x99: {  	s14 =	smov.u32 s12;
	[sflag:s28] =	ssyncset.done $0x0  }
0x9a: {  	s11 =	sshra.s32 s11, $0x2;
	[sflag:s28] =	ssyncadd.s32 $0xFFFFFF80  }
0x9b: {  	v1 =	vld [tilespmem:s11+$0x0];
	_ =	sdelay $0x4  }
0x9c: {  	[tilespmem:$0x11080] =	vst v1  }
0x9d: {  	v1 =	vld [tilespmem:s11+$0x2800];
	_ =	sdelay $0x4  }
0x9e: {  	[tilespmem:$0x11100] =	vst v1  }
0x9f: {  	v1 =	vld [tilespmem:s11+$0x10];
	_ =	sdelay $0x4  }
0xa0: {  	[tilespmem:$0x11090] =	vst v1  }
0xa1: {  	v1 =	vld [tilespmem:s11+$0x2810];
	_ =	sdelay $0x4  }
0xa2: {  	[tilespmem:$0x11110] =	vst v1  }
0xa3: {  	v1 =	vld [tilespmem:s11+$0x20];
	_ =	sdelay $0x4  }
0xa4: {  	[tilespmem:$0x110A0] =	vst v1  }
0xa5: {  	v1 =	vld [tilespmem:s11+$0x2820];
	_ =	sdelay $0x4  }
0xa6: {  	[tilespmem:$0x11120] =	vst v1  }
0xa7: {  	v1 =	vld [tilespmem:s11+$0x30];
	_ =	sdelay $0x4  }
0xa8: {  	[tilespmem:$0x110B0] =	vst v1  }
0xa9: {  	v1 =	vld [tilespmem:s11+$0x2830];
	_ =	sdelay $0x4  }
0xaa: {  	[tilespmem:$0x11130] =	vst v1  }
0xab: {  	v1 =	vld [tilespmem:s11+$0x40];
	_ =	sdelay $0x4  }
0xac: {  	[tilespmem:$0x110C0] =	vst v1  }
0xad: {  	v1 =	vld [tilespmem:s11+$0x2840];
	_ =	sdelay $0x4  }
0xae: {  	[tilespmem:$0x11140] =	vst v1  }
0xaf: {  	v1 =	vld [tilespmem:s11+$0x50];
	_ =	sdelay $0x4  }
0xb0: {  	[tilespmem:$0x110D0] =	vst v1  }
0xb1: {  	v1 =	vld [tilespmem:s11+$0x2850];
	_ =	sdelay $0x4  }
0xb2: {  	[tilespmem:$0x11150] =	vst v1  }
0xb3: {  	v1 =	vld [tilespmem:s11+$0x60];
	_ =	sdelay $0x4  }
0xb4: {  	[tilespmem:$0x110E0] =	vst v1  }
0xb5: {  	v1 =	vld [tilespmem:s11+$0x2860];
	_ =	sdelay $0x4  }
0xb6: {  	[tilespmem:$0x11160] =	vst v1  }
0xb7: {  	v1 =	vld [tilespmem:s11+$0x70];
	_ =	sdelay $0x4  }
0xb8: {  	[tilespmem:$0x110F0] =	vst v1  }
0xb9: {  	v1 =	vld [tilespmem:s11+$0x2870];
	_ =	sdelay $0x4  }
0xba: {  	[tilespmem:$0x11170] =	vst v1  }
0xbb: {  	[spmem:s3] =	stream.indirect.scatter.add.f32 [tilespmem:s29], [sflag:$0x2], $0x1, s31, s30, $0xb8;
	[tilespmem:$0x1B400] =	vst v63  }
0xbc: {  	_ =	swait.ge [sflag:s28], $0x80  }
0xbd: {  	[sflag:s28] =	ssyncset.done $0x0  }
0xbe: {  	[sflag:s28] =	ssyncadd.s32 $0xFFFFFF80  }
0xbf: {  	s18 =	simm.s32 $0xA000;
	[bflag:$0x0] =	sbarrier.arrive $0xFFFF  }
0xc0: {  	[tilespmem:s18], [sflag:$0x2] =	stream.linear.gather [spmem:s3], $0x2800, $0x38;
	[tilespmem:$0x1B400] =	vst v63  }
0xc1: {  	_ =	swait.ge [sflag:s28], $0x2800  }
0xc2: {  	[sflag:s28] =	ssyncset.done $0x0  }
0xc3: {  	s12 =	simm.s32 $0x0;
	[sflag:s28] =	ssyncadd.s32 $0xFFFFD800  }
0xc4: {  	v1 =	vld [tilespmem:s12+$0xA000];
	_ =	sdelay $0x4  }
0xc5: {  	s11 =	simm.s32 $0x10;
	v1 =	vadd.f32 $1.000000000e+00, v1  }
0xc6: {  	v2 =	vld [tilespmem:s11+$0xA000]  }
0xc7: {  	v3 =	vshra.s32 v1, $0x1;
	v4 =	vmul.f32 $5.000000000e-01, v1  }
0xc8: {  	v1 =	vsub.s32 $0x5F3759DF, v3  }
0xc9: {  	v3 =	vmul.f32 v1, v4  }
0xca: {  	s13 =	simm.s32 $0x20  }
0xcb: {  	v5 =	vld [tilespmem:s13+$0xA000];
	v2 =	vadd.f32 $1.000000000e+00, v2;
	v3 =	vmul.f32 v1, v3;
	_ =	sdelay $0x1  }
0xcc: {  	v6 =	vshra.s32 v2, $0x1;
	v8 =	vmul.f32 $5.000000000e-01, v2;
	v2 =	vsub.f32 $1.500000000e+00, v3  }
0xcd: {  	v3 =	vsub.s32 $0x5F3759DF, v6  }
0xce: {  	v6 =	vmul.f32 v3, v8;
	v2 =	vmul.f32 v1, v2  }
0xcf: {  	s14 =	simm.s32 $0x30;
	v1 =	vadd.f32 $1.000000000e+00, v5  }
0xd0: {  	v5 =	vld [tilespmem:s14+$0xA000];
	v6 =	vmul.f32 v3, v6;
	v7 =	vmul.f32 v2, v4  }
0xd1: {  	v9 =	vshra.s32 v1, $0x1;
	v1 =	vmul.f32 $5.000000000e-01, v1  }
0xd2: {  	v6 =	vsub.f32 $1.500000000e+00, v6;
	v9 =	vsub.s32 $0x5F3759DF, v9;
	v7 =	vmul.f32 v7, v2  }
0xd3: {  	v10 =	vmul.f32 v9, v1  }
0xd4: {  	v3 =	vmul.f32 v3, v6;
	v6 =	vsub.f32 $1.500000000e+00, v7  }
0xd5: {  	v5 =	vadd.f32 $1.000000000e+00, v5;
	v10 =	vmul.f32 v9, v10  }
0xd6: {  	s15 =	simm.s32 $0x40;
	v11 =	vmul.f32 v3, v8;
	v6 =	vmul.f32 v6, v2  }
0xd7: {  	v7 =	vld [tilespmem:s15+$0xA000];
	v12 =	vshra.s32 v5, $0x1;
	v2 =	vmul.f32 $5.000000000e-01, v5;
	v5 =	vsub.f32 $1.500000000e+00, v10  }
0xd8: {  	v13 =	vsub.s32 $0x5F3759DF, v12;
	v10 =	vmul.f32 v11, v3;
	v4 =	vmul.f32 v6, v4  }
0xd9: {  	v11 =	vmul.f32 v13, v2;
	v5 =	vmul.f32 v9, v5  }
0xda: {  	v9 =	vsub.f32 $1.500000000e+00, v10;
	v4 =	vmul.f32 v4, v6  }
0xdb: {  	v10 =	vmul.f32 v13, v11;
	v11 =	vmul.f32 v5, v1  }
0xdc: {  	s16 =	simm.s32 $0x50;
	v7 =	vadd.f32 $1.000000000e+00, v7;
	v3 =	vmul.f32 v9, v3  }
0xdd: {  	v14 =	vsub.f32 $1.500000000e+00, v4;
	v15 =	vsub.f32 $1.500000000e+00, v10;
	v10 =	vmul.f32 v11, v5;
	v11 =	vld [tilespmem:s16+$0xA000]  }
0xde: {  	v12 =	vshra.s32 v7, $0x1;
	v4 =	vmul.f32 $5.000000000e-01, v7  }
0xdf: {  	v7 =	vsub.s32 $0x5F3759DF, v12;
	v9 =	vmul.f32 v3, v8;
	v6 =	vmul.f32 v14, v6  }
0xe0: {  	s17 =	simm.s32 $0x180;
	v12 =	vmul.f32 v7, v4;
	v8 =	vmul.f32 v13, v15  }
.LBB2_4:
0xe1: {  	s18 =	sshra.s32 s17, $0x2  }
0xe2: {  	v13 =	vadd.f32 $1.000000000e+00, v11;
	v10 =	vsub.f32 $1.500000000e+00, v10;
	v9 =	vmul.f32 v9, v3;
	[tilespmem:s12+$0xC800] =	vst v6;
	s12 =	smov.u32 s11;
	s11 =	smov.u32 s13;
	p1 =	sne.s32 s17, $0x9FC0  }
.Ltmp1:
0xe3: {  	s13 =	smov.u32 s14;
	s14 =	smov.u32 s15;
	v11 =	vld [tilespmem:s18+$0xA000];
	v6 =	vmul.f32 v7, v12;
	v12 =	vmul.f32 v8, v2;
	(pc) =	sbr.rel @p1 .LBB2_4-.Ltmp1, $4  }
0xe4: {  	s17 =	sadd.s32 $0x40, s17;
	s15 =	smov.u32 s16;
	v14 =	vshra.s32 v13, $0x1;
	v15 =	vmul.f32 v10, v5;
	v16 =	vsub.f32 $1.500000000e+00, v9;
	v5 =	vmovc v8  }
0xe5: {  	s16 =	smov.u32 s18;
	v13 =	vmul.f32 $5.000000000e-01, v13;
	v8 =	vsub.f32 $1.500000000e+00, v6;
	v10 =	vmul.f32 v12, v5  }
0xe6: {  	v14 =	vsub.s32 $0x5F3759DF, v14;
	v9 =	vmul.f32 v15, v1;
	v6 =	vmul.f32 v16, v3;
	v3 =	vmovc v15;
	v1 =	vmovc v2  }
0xe7: {  	v12 =	vmul.f32 v14, v13;
	v2 =	vmovc v4;
	v4 =	vmovc v13;
	v8 =	vmul.f32 v7, v8;
	v7 =	vmov v14  }
0xe8: {  	v11 =	vadd.f32 $1.000000000e+00, v11;
	_ =	sdelay $0x1  }
0xe9: {  	v13 =	vshra.s32 v11, $0x1;
	v11 =	vmul.f32 $5.000000000e-01, v11  }
0xea: {  	v13 =	vsub.s32 $0x5F3759DF, v13  }
0xeb: {  	v14 =	vmul.f32 v13, v11  }
0xec: {  	v12 =	vmul.f32 v7, v12  }
0xed: {  	v14 =	vmul.f32 v13, v14  }
0xee: {  	v12 =	vsub.f32 $1.500000000e+00, v12  }
0xef: {  	v14 =	vsub.f32 $1.500000000e+00, v14  }
0xf0: {  	v56 =	vmul.f32 v7, v12  }
0xf1: {  	v57 =	vmul.f32 v8, v2;
	v13 =	vmul.f32 v13, v14  }
0xf2: {  	v58 =	vmul.f32 v56, v4  }
0xf3: {  	v12 =	vmul.f32 v57, v8;
	v15 =	vmul.f32 v13, v11  }
0xf4: {  	v10 =	vsub.f32 $1.500000000e+00, v10;
	v14 =	vmul.f32 v58, v56  }
0xf5: {  	v12 =	vsub.f32 $1.500000000e+00, v12;
	v15 =	vmul.f32 v15, v13  }
0xf6: {  	v5 =	vmul.f32 v10, v5;
	v59 =	vsub.f32 $1.500000000e+00, v14  }
0xf7: {  	v9 =	vmul.f32 v9, v3;
	v60 =	vmul.f32 v12, v8;
	v61 =	vsub.f32 $1.500000000e+00, v15  }
0xf8: {  	v1 =	vmul.f32 v5, v1;
	v7 =	vmul.f32 v59, v56  }
0xf9: {  	v2 =	vmul.f32 v60, v2;
	v62 =	vmul.f32 v61, v13  }
0xfa: {  	v1 =	vmul.f32 v1, v5;
	v4 =	vmul.f32 v7, v4  }
0xfb: {  	v9 =	vsub.f32 $1.500000000e+00, v9;
	v2 =	vmul.f32 v2, v60;
	v11 =	vmul.f32 v62, v11  }
0xfc: {  	v1 =	vsub.f32 $1.500000000e+00, v1;
	v4 =	vmul.f32 v4, v7  }
0xfd: {  	v3 =	vmul.f32 v9, v3;
	v2 =	vsub.f32 $1.500000000e+00, v2;
	v63 =	vmul.f32 v11, v62  }
0xfe: {  	[tilespmem:s12+$0xC800] =	vst v6;
	v1 =	vmul.f32 v1, v5;
	v4 =	vsub.f32 $1.500000000e+00, v4  }
0xff: {  	[tilespmem:s11+$0xC800] =	vst v3;
	v2 =	vmul.f32 v2, v60;
	v3 =	vsub.f32 $1.500000000e+00, v63  }
0x100: {  	[tilespmem:s13+$0xC800] =	vst v1;
	v1 =	vmul.f32 v4, v7  }
0x101: {  	[tilespmem:s14+$0xC800] =	vst v2;
	v2 =	vmul.f32 v3, v62  }
0x102: {  	[tilespmem:s15+$0xC800] =	vst v1  }
0x103: {  	s12 =	simm.s32 @!p0 $0xC800;
	s11 =	simm.s32 @!p0 $0x0;
	s13 =	rddreg [dreg:$0x5];
	[tilespmem:s16+$0xC800] =	vst v2  }
0x104: {  	[hbm4b:s13+s11] =	stream.linear.scatter @!p0 [tilespmem:s12], [sflag:$0x2], $0x2710, $0x38;
	[tilespmem:$0x1B400] =	vst v63  }
0x105: {  	s11 =	simm.s32 @!p0 $0x2  }
0x106: {  	_ =	swait.ge @!p0 [sflag:s11], $0x2710  }
0x107: {  	[sflag:s11] =	ssyncset.done @!p0 $0x0  }
0x108: {  	[sflag:s11] =	ssyncadd.s32 @!p0 $0xFFFFD8F0;
	s11 =	simm.s32 $0x0  }
0x109: {  	v1 =	vld [tilespmem:s11+$0x5000]  }
0x10a: {  	v3 =	vld [tilespmem:s11+$0x6400];
	_ =	sdelay $0x5  }
0x10b: {  	v2 =	vld [tilespmem:s11+$0x7800]  }
0x10c: {  	v1 =	vld.idx.msk [tilespmem:v1+s1+$0x0], $0xffff  }
0x10d: {  	s12 =	simm.s32 $0x10;
	s13 =	simm.s32 $0x80;
	v3 =	vld.idx.msk [tilespmem:v3+s1+$0x0], $0xffff  }
.LBB2_6:
0x10e: {  	p1 =	sne.s32 s13, $0x4FC0;
	v4 =	vld [tilespmem:s12+$0x5000];
	_ =	sdelay $0x1  }
0x10f: {  	v5 =	vld [tilespmem:s12+$0x6400]  }
0x110: {  	v1 =	vmul.f32 v1, v2;
	_ =	sdelay $0x1  }
0x111: {  	v1 =	vmul.f32 v3, v1  }
.Ltmp2:
0x112: {  	(pc) =	sbr.rel @p1 .LBB2_6-.Ltmp2, $4  }
0x113: {  	[tilespmem:s11+$0x8C00] =	vst v1;
	s11 =	smov.u32 s12  }
0x114: {  	v1 =	vld.idx.msk [tilespmem:v4+s1+$0x0], $0xffff  }
0x115: {  	v2 =	vld [tilespmem:s11+$0x7800]  }
0x116: {  	s12 =	sshra.s32 s13, $0x2;
	s13 =	sadd.s32 $0x40, s13;
	v3 =	vld.idx.msk [tilespmem:v5+s1+$0x0], $0xffff  }
0x117: {  	v4 =	vld [tilespmem:s12+$0x5000];
	_ =	sdelay $0x2  }
0x118: {  	v5 =	vld [tilespmem:s12+$0x6400];
	v1 =	vmul.f32 v1, v2;
	_ =	sdelay $0x1  }
0x119: {  	v1 =	vmul.f32 v3, v1;
	_ =	sdelay $0x1  }
0x11a: {  	[tilespmem:s11+$0x8C00] =	vst v1  }
0x11b: {  	v1 =	vld.idx.msk [tilespmem:v4+s1+$0x0], $0xffff  }
0x11c: {  	v2 =	vld [tilespmem:s12+$0x7800];
	_ =	sdelay $0x1  }
0x11d: {  	v3 =	vld.idx.msk [tilespmem:v5+s1+$0x0], $0xffff;
	_ =	sdelay $0x2  }
0x11e: {  	v1 =	vmul.f32 v1, v2;
	_ =	sdelay $0x1  }
0x11f: {  	v1 =	vmul.f32 v3, v1;
	_ =	sdelay $0x1  }
0x120: {  	s11 =	simm.s32 $0x0;
	[tilespmem:s12+$0x8C00] =	vst v1  }
0x121: {  	[hbm4b:s19+s11] =	stream.linear.scatter [tilespmem:s2], [sflag:$0x2], $0x1400, $0x38;
	[tilespmem:$0x1B400] =	vst v63  }
0x122: {  	s18 =	sand.u32 $0x7F00, s11;
	_ =	swait.ge [sflag:s28], $0x1400  }
0x123: {  	s13 =	sand.u32 $0x30, s11;
	s14 =	sshrl.u32 s18, $0x2;
	[sflag:s28] =	ssyncset.done $0x0  }
0x124: {  	s13 =	sor.u32 s13, s14;
	s12 =	simm.s32 $0x40;
	[sflag:s28] =	ssyncadd.s32 $0xFFFFEC00  }
.LBB2_8:
0x125: {  	p1 =	sne.s32 s12, $0x7FC0  }
0x126: {  	[tilespmem:s13+$0xF000] =	vst v0;
	s11 =	sadd.s32 $0x10, s11;
	s13 =	smov.u32 s12;
	s12 =	sadd.s32 $0x40, s12  }
.Ltmp3:
0x127: {  	(pc) =	sbr.rel @p1 .LBB2_8-.Ltmp3, $4  }
0x128: {  	_ = 	snop  }
0x129: {  	s13 =	sand.u32 $0x7F00, s13  }
0x12a: {  	s14 =	sand.u32 $0x30, s11;
	s13 =	sshrl.u32 s13, $0x2  }
0x12b: {  	s13 =	sor.u32 s14, s13  }
0x12c: {  	[tilespmem:s13+$0xF000] =	vst v0  }
0x12d: {  	[spmem:s20] =	stream.linear.scatter [tilespmem:s7], [sflag:$0x2], $0x2000, $0x38;
	[tilespmem:$0x1B400] =	vst v63  }
0x12e: {  	_ =	swait.ge [sflag:s28], $0x2000  }
0x12f: {  	[sflag:s28] =	ssyncset.done $0x0  }
0x130: {  	[sflag:s28] =	ssyncadd.s32 $0xFFFFE000  }
0x131: {  	[spmem:s21] =	stream.linear.scatter [tilespmem:s7], [sflag:$0x2], $0x2000, $0x38;
	[tilespmem:$0x1B400] =	vst v63  }
0x132: {  	_ =	swait.ge [sflag:s28], $0x2000  }
0x133: {  	[sflag:s28] =	ssyncset.done $0x0  }
0x134: {  	[sflag:s28] =	ssyncadd.s32 $0xFFFFE000  }
0x135: {  	[spmem:s22] =	stream.linear.scatter [tilespmem:s7], [sflag:$0x2], $0x2000, $0x38;
	[tilespmem:$0x1B400] =	vst v63  }
0x136: {  	_ =	swait.ge [sflag:s28], $0x2000  }
0x137: {  	[sflag:s28] =	ssyncset.done $0x0  }
0x138: {  	[sflag:s28] =	ssyncadd.s32 $0xFFFFE000  }
0x139: {  	[spmem:s24] =	stream.linear.scatter [tilespmem:s7], [sflag:$0x2], $0x2000, $0x38;
	[tilespmem:$0x1B400] =	vst v63  }
0x13a: {  	_ =	swait.ge [sflag:s28], $0x2000  }
0x13b: {  	[sflag:s28] =	ssyncset.done $0x0  }
0x13c: {  	[sflag:s28] =	ssyncadd.s32 $0xFFFFE000  }
0x13d: {  	[spmem:s25] =	stream.linear.scatter [tilespmem:s7], [sflag:$0x2], $0x2000, $0x38;
	[tilespmem:$0x1B400] =	vst v63  }
0x13e: {  	_ =	swait.ge [sflag:s28], $0x2000  }
0x13f: {  	[sflag:s28] =	ssyncset.done $0x0  }
0x140: {  	[sflag:s28] =	ssyncadd.s32 $0xFFFFE000  }
0x141: {  	s11 =	simm.s32 $0x0;
	s12 =	simm.s32 $0x0;
	[bflag:$0x0] =	sbarrier.arrive $0xFFFF  }
.LBB2_10:
0x142: {  	s13 =	sshll.u32 s12, $0x7  }
0x143: {  	v1 =	vld [tilespmem:s13+$0x5000];
	_ =	sdelay $0x4  }
0x144: {  	[tilespmem:$0x11000] =	vst v1  }
0x145: {  	v1 =	vld [tilespmem:s13+$0x6400];
	_ =	sdelay $0x4  }
0x146: {  	[tilespmem:$0x11080] =	vst v1  }
0x147: {  	v1 =	vld [tilespmem:s13+$0x5010];
	_ =	sdelay $0x4  }
0x148: {  	[tilespmem:$0x11010] =	vst v1  }
0x149: {  	v1 =	vld [tilespmem:s13+$0x6410];
	_ =	sdelay $0x4  }
0x14a: {  	[tilespmem:$0x11090] =	vst v1  }
0x14b: {  	v1 =	vld [tilespmem:s13+$0x5020];
	_ =	sdelay $0x4  }
0x14c: {  	[tilespmem:$0x11020] =	vst v1  }
0x14d: {  	v1 =	vld [tilespmem:s13+$0x6420];
	_ =	sdelay $0x4  }
0x14e: {  	[tilespmem:$0x110A0] =	vst v1  }
0x14f: {  	v1 =	vld [tilespmem:s13+$0x5030];
	_ =	sdelay $0x4  }
0x150: {  	[tilespmem:$0x11030] =	vst v1  }
0x151: {  	v1 =	vld [tilespmem:s13+$0x6430];
	_ =	sdelay $0x4  }
0x152: {  	[tilespmem:$0x110B0] =	vst v1  }
0x153: {  	v1 =	vld [tilespmem:s13+$0x5040];
	_ =	sdelay $0x4  }
0x154: {  	[tilespmem:$0x11040] =	vst v1  }
0x155: {  	v1 =	vld [tilespmem:s13+$0x6440];
	_ =	sdelay $0x4  }
0x156: {  	[tilespmem:$0x110C0] =	vst v1  }
0x157: {  	v1 =	vld [tilespmem:s13+$0x5050];
	_ =	sdelay $0x4  }
0x158: {  	[tilespmem:$0x11050] =	vst v1  }
0x159: {  	v1 =	vld [tilespmem:s13+$0x6450];
	_ =	sdelay $0x4  }
0x15a: {  	[tilespmem:$0x110D0] =	vst v1  }
0x15b: {  	v1 =	vld [tilespmem:s13+$0x5060];
	_ =	sdelay $0x4  }
0x15c: {  	[tilespmem:$0x11060] =	vst v1  }
0x15d: {  	v1 =	vld [tilespmem:s13+$0x6460];
	_ =	sdelay $0x4  }
0x15e: {  	[tilespmem:$0x110E0] =	vst v1  }
0x15f: {  	v1 =	vld [tilespmem:s13+$0x5070];
	_ =	sdelay $0x4  }
0x160: {  	[tilespmem:$0x11070] =	vst v1  }
0x161: {  	v1 =	vld [tilespmem:s13+$0x6470];
	_ =	sdelay $0x4  }
0x162: {  	s18 =	sadd.s32 $0x0, s11;
	[tilespmem:$0x110F0] =	vst v1  }
0x163: {  	[tilespmem:s7], [sflag:$0x1] =	stream.indirect.gather [hbm4b:s0+s30], $0x40, s8, s30, $0xb8;
	[tilespmem:$0x1B400] =	vst v63  }
0x164: {  	v1 =	vmov s18;
	_ =	swait.ge [sflag:s9], $0x2000  }
0x165: {  	[sflag:s9] =	ssyncset.done $0x0  }
0x166: {  	s13 =	simm.s32 $0xF020;
	[sflag:s9] =	ssyncadd.s32 $0xFFFFE000  }
0x167: {  	v3 =	vld [tilespmem:s13+$0xFFFFFFF0]  }
0x168: {  	v4 =	vld [tilespmem:s13+$0x10]  }
0x169: {  	v6 =	vld.idx.msk [tilespmem:v1+s2+$0x0], $0xffff  }
0x16a: {  	v1 =	vld [tilespmem:s13+$0xFFFFFFE0]  }
0x16b: {  	v7 =	vld [tilespmem:s13+$0x0];
	_ =	sdelay $0x3  }
0x16c: {  	s15 =	sadd.s32 $0x1, s11;
	v2 =	vmul.f32 v1, v6;
	v5 =	vmul.f32 v4, v6  }
0x16d: {  	s14 =	simm.s32 $0x2;
	v1 =	vmov s15;
	v4 =	vmul.f32 v3, v6;
	v3 =	vmul.f32 v7, v6;
	s15 =	simm.s32 $0xF020  }
.LBB2_11:
0x16e: {  	p1 =	sne.s32 s14, $0x7F  }
0x16f: {  	[tilespmem:s13+$0x10] =	vst v5;
	s15 =	sadd.s32 $0x40, s15;
	s16 =	smov.u32 s14;
	s14 =	sadd.s32 $0x1, s14  }
0x170: {  	[tilespmem:s13+$0xFFFFFFE0] =	vst v2  }
0x171: {  	v6 =	vld [tilespmem:s15+$0xFFFFFFF0];
	[tilespmem:s13+$0xFFFFFFF0] =	vst v4  }
0x172: {  	v4 =	vld [tilespmem:s15+$0x10];
	[tilespmem:s13+$0x0] =	vst v3;
	s13 =	smov.u32 s15  }
0x173: {  	v3 =	vld.idx.msk [tilespmem:v1+s2+$0x0], $0xffff  }
0x174: {  	v1 =	vld [tilespmem:s15+$0xFFFFFFE0]  }
0x175: {  	v7 =	vld [tilespmem:s15+$0x0]  }
.Ltmp4:
0x176: {  	(pc) =	sbr.rel @p1 .LBB2_11-.Ltmp4, $3  }
0x177: {  	_ =	sdelay $0x1  }
0x178: {  	s16 =	sadd.s32 s16, s11;
	v5 =	vmul.f32 v4, v3;
	v2 =	vmul.f32 v1, v3  }
0x179: {  	v4 =	vmul.f32 v6, v3;
	v1 =	vmov s16;
	v3 =	vmul.f32 v7, v3  }
0x17a: {  	[tilespmem:s13+$0x10] =	vst v5  }
0x17b: {  	s14 =	sadd.s32 $0x40, s15;
	[tilespmem:s13+$0xFFFFFFE0] =	vst v2  }
0x17c: {  	v2 =	vld [tilespmem:s14+$0xFFFFFFF0];
	[tilespmem:s13+$0xFFFFFFF0] =	vst v4  }
0x17d: {  	v4 =	vld [tilespmem:s14+$0x10];
	[tilespmem:s13+$0x0] =	vst v3  }
0x17e: {  	v1 =	vld.idx.msk [tilespmem:v1+s2+$0x0], $0xffff  }
0x17f: {  	v3 =	vld [tilespmem:s14+$0xFFFFFFE0];
	_ =	sdelay $0x1  }
0x180: {  	v5 =	vld [tilespmem:s14+$0x0];
	_ =	sdelay $0x1  }
0x181: {  	v4 =	vmul.f32 v4, v1  }
0x182: {  	v3 =	vmul.f32 v3, v1  }
0x183: {  	v2 =	vmul.f32 v2, v1;
	[tilespmem:s14+$0x10] =	vst v4  }
0x184: {  	s12 =	sadd.s32 $0x1, s12;
	v1 =	vmul.f32 v5, v1;
	[tilespmem:s14+$0xFFFFFFE0] =	vst v3  }
0x185: {  	p1 =	sne.s32 s12, $0x28;
	[tilespmem:s14+$0xFFFFFFF0] =	vst v2  }
.Ltmp5:
0x186: {  	[tilespmem:s14+$0x0] =	vst v1;
	(pc) =	sbr.rel @p1 .LBB2_10-.Ltmp5, $4  }
0x187: {  	[spmem:s4] =	stream.indirect.scatter.add.f32 [tilespmem:s7], [sflag:$0x2], $0x40, s31, s30, $0xb8;
	[tilespmem:$0x1B400] =	vst v63  }
0x188: {  	_ =	swait.ge [sflag:s28], $0x2000  }
0x189: {  	[sflag:s28] =	ssyncset.done $0x0  }
0x18a: {  	s11 =	sadd.s32 $0x80, s11;
	[sflag:s28] =	ssyncadd.s32 $0xFFFFE000  }
0x18b: {  	s11 =	stileid.u32  }
0x18c: {  	[bflag:$0x0] =	sbarrier.arrive $0xFFFF;
	s11 =	sshll.u32 s11, $0x6  }
0x18d: {  	s12 =	sshrl.u32 s20, $0x3;
	s13 =	rddreg [dreg:$0xe];
	s11 =	sor.u32 $0x1C02, s11  }
0x18e: {  	[hbm:s13], [sflag:s11] =	dma.local [spmem:s12], $0x1400  }
0x18f: {  	s13 =	simm.s32 $0x0  }
0x190: {  	_ =	swait.ge [sflag:s28], $0x1400;
	s14 =	sand.u32 $0x7F00, s13  }
0x191: {  	s15 =	sand.u32 $0x30, s13;
	[sflag:s28] =	ssyncset.done $0x0;
	s16 =	sshrl.u32 s14, $0x2  }
0x192: {  	s14 =	simm.s32 $0x40;
	[sflag:s28] =	ssyncadd.s32 $0xFFFFEC00;
	s15 =	sor.u32 s15, s16  }
.LBB2_14:
0x193: {  	p1 =	sne.s32 s14, $0x7FC0  }
0x194: {  	[tilespmem:s15+$0xF000] =	vst v0;
	s13 =	sadd.s32 $0x10, s13;
	s15 =	smov.u32 s14;
	s14 =	sadd.s32 $0x40, s14  }
.Ltmp6:
0x195: {  	(pc) =	sbr.rel @p1 .LBB2_14-.Ltmp6, $4  }
0x196: {  	_ = 	snop  }
0x197: {  	s15 =	sand.u32 $0x7F00, s15  }
0x198: {  	s16 =	sand.u32 $0x30, s13;
	s15 =	sshrl.u32 s15, $0x2  }
0x199: {  	s15 =	sor.u32 s16, s15  }
0x19a: {  	[tilespmem:s15+$0xF000] =	vst v0  }
0x19b: {  	[spmem:s20] =	stream.linear.scatter [tilespmem:s7], [sflag:$0x2], $0x2000, $0x38;
	[tilespmem:$0x1B400] =	vst v63  }
0x19c: {  	_ =	swait.ge [sflag:s28], $0x2000  }
0x19d: {  	[sflag:s28] =	ssyncset.done $0x0  }
0x19e: {  	[sflag:s28] =	ssyncadd.s32 $0xFFFFE000  }
0x19f: {  	[spmem:s21] =	stream.linear.scatter [tilespmem:s7], [sflag:$0x2], $0x2000, $0x38;
	[tilespmem:$0x1B400] =	vst v63  }
0x1a0: {  	_ =	swait.ge [sflag:s28], $0x2000  }
0x1a1: {  	[sflag:s28] =	ssyncset.done $0x0  }
0x1a2: {  	[sflag:s28] =	ssyncadd.s32 $0xFFFFE000  }
0x1a3: {  	[spmem:s22] =	stream.linear.scatter [tilespmem:s7], [sflag:$0x2], $0x2000, $0x38;
	[tilespmem:$0x1B400] =	vst v63  }
0x1a4: {  	_ =	swait.ge [sflag:s28], $0x2000  }
0x1a5: {  	[sflag:s28] =	ssyncset.done $0x0  }
0x1a6: {  	[sflag:s28] =	ssyncadd.s32 $0xFFFFE000  }
0x1a7: {  	[spmem:s24] =	stream.linear.scatter [tilespmem:s7], [sflag:$0x2], $0x2000, $0x38;
	[tilespmem:$0x1B400] =	vst v63  }
0x1a8: {  	_ =	swait.ge [sflag:s28], $0x2000  }
0x1a9: {  	[sflag:s28] =	ssyncset.done $0x0  }
0x1aa: {  	[sflag:s28] =	ssyncadd.s32 $0xFFFFE000  }
0x1ab: {  	[spmem:s25] =	stream.linear.scatter [tilespmem:s7], [sflag:$0x2], $0x2000, $0x38;
	[tilespmem:$0x1B400] =	vst v63  }
0x1ac: {  	_ =	swait.ge [sflag:s28], $0x2000  }
0x1ad: {  	[sflag:s28] =	ssyncset.done $0x0  }
0x1ae: {  	[sflag:s28] =	ssyncadd.s32 $0xFFFFE000  }
0x1af: {  	s13 =	simm.s32 $0x0;
	s14 =	simm.s32 $0x0;
	[bflag:$0x0] =	sbarrier.arrive $0xFFFF  }
.LBB2_16:
0x1b0: {  	s15 =	sshll.u32 s14, $0x7  }
0x1b1: {  	v1 =	vld [tilespmem:s15+$0x5000];
	_ =	sdelay $0x4  }
0x1b2: {  	[tilespmem:$0x11000] =	vst v1  }
0x1b3: {  	v1 =	vld [tilespmem:s15+$0x6400];
	_ =	sdelay $0x4  }
0x1b4: {  	[tilespmem:$0x11080] =	vst v1  }
0x1b5: {  	v1 =	vld [tilespmem:s15+$0x5010];
	_ =	sdelay $0x4  }
0x1b6: {  	[tilespmem:$0x11010] =	vst v1  }
0x1b7: {  	v1 =	vld [tilespmem:s15+$0x6410];
	_ =	sdelay $0x4  }
0x1b8: {  	[tilespmem:$0x11090] =	vst v1  }
0x1b9: {  	v1 =	vld [tilespmem:s15+$0x5020];
	_ =	sdelay $0x4  }
0x1ba: {  	[tilespmem:$0x11020] =	vst v1  }
0x1bb: {  	v1 =	vld [tilespmem:s15+$0x6420];
	_ =	sdelay $0x4  }
0x1bc: {  	[tilespmem:$0x110A0] =	vst v1  }
0x1bd: {  	v1 =	vld [tilespmem:s15+$0x5030];
	_ =	sdelay $0x4  }
0x1be: {  	[tilespmem:$0x11030] =	vst v1  }
0x1bf: {  	v1 =	vld [tilespmem:s15+$0x6430];
	_ =	sdelay $0x4  }
0x1c0: {  	[tilespmem:$0x110B0] =	vst v1  }
0x1c1: {  	v1 =	vld [tilespmem:s15+$0x5040];
	_ =	sdelay $0x4  }
0x1c2: {  	[tilespmem:$0x11040] =	vst v1  }
0x1c3: {  	v1 =	vld [tilespmem:s15+$0x6440];
	_ =	sdelay $0x4  }
0x1c4: {  	[tilespmem:$0x110C0] =	vst v1  }
0x1c5: {  	v1 =	vld [tilespmem:s15+$0x5050];
	_ =	sdelay $0x4  }
0x1c6: {  	[tilespmem:$0x11050] =	vst v1  }
0x1c7: {  	v1 =	vld [tilespmem:s15+$0x6450];
	_ =	sdelay $0x4  }
0x1c8: {  	[tilespmem:$0x110D0] =	vst v1  }
0x1c9: {  	v1 =	vld [tilespmem:s15+$0x5060];
	_ =	sdelay $0x4  }
0x1ca: {  	[tilespmem:$0x11060] =	vst v1  }
0x1cb: {  	v1 =	vld [tilespmem:s15+$0x6460];
	_ =	sdelay $0x4  }
0x1cc: {  	[tilespmem:$0x110E0] =	vst v1  }
0x1cd: {  	v1 =	vld [tilespmem:s15+$0x5070];
	_ =	sdelay $0x4  }
0x1ce: {  	[tilespmem:$0x11070] =	vst v1  }
0x1cf: {  	v1 =	vld [tilespmem:s15+$0x6470];
	_ =	sdelay $0x4  }
0x1d0: {  	s18 =	sadd.s32 $0x0, s13;
	[tilespmem:$0x110F0] =	vst v1  }
0x1d1: {  	[tilespmem:s7], [sflag:$0x1] =	stream.indirect.gather [hbm4b:s6+s30], $0x40, s8, s30, $0xb8;
	[tilespmem:$0x1B400] =	vst v63  }
0x1d2: {  	v1 =	vmov s18;
	_ =	swait.ge [sflag:s9], $0x2000  }
0x1d3: {  	[sflag:s9] =	ssyncset.done $0x0  }
0x1d4: {  	s15 =	simm.s32 $0xF020;
	[sflag:s9] =	ssyncadd.s32 $0xFFFFE000  }
0x1d5: {  	v3 =	vld [tilespmem:s15+$0xFFFFFFF0]  }
0x1d6: {  	v4 =	vld [tilespmem:s15+$0x10]  }
0x1d7: {  	v6 =	vld.idx.msk [tilespmem:v1+s2+$0x0], $0xffff  }
0x1d8: {  	v1 =	vld [tilespmem:s15+$0xFFFFFFE0]  }
0x1d9: {  	v7 =	vld [tilespmem:s15+$0x0];
	_ =	sdelay $0x3  }
0x1da: {  	s17 =	sadd.s32 $0x1, s13;
	v2 =	vmul.f32 v1, v6;
	v5 =	vmul.f32 v4, v6  }
0x1db: {  	s16 =	simm.s32 $0x2;
	v1 =	vmov s17;
	v4 =	vmul.f32 v3, v6;
	v3 =	vmul.f32 v7, v6;
	s17 =	simm.s32 $0xF020  }
.LBB2_17:
0x1dc: {  	p1 =	sne.s32 s16, $0x7F  }
0x1dd: {  	[tilespmem:s15+$0x10] =	vst v5;
	s17 =	sadd.s32 $0x40, s17;
	s18 =	smov.u32 s16;
	s16 =	sadd.s32 $0x1, s16  }
0x1de: {  	[tilespmem:s15+$0xFFFFFFE0] =	vst v2  }
0x1df: {  	v6 =	vld [tilespmem:s17+$0xFFFFFFF0];
	[tilespmem:s15+$0xFFFFFFF0] =	vst v4  }
0x1e0: {  	v4 =	vld [tilespmem:s17+$0x10];
	[tilespmem:s15+$0x0] =	vst v3;
	s15 =	smov.u32 s17  }
0x1e1: {  	v3 =	vld.idx.msk [tilespmem:v1+s2+$0x0], $0xffff  }
0x1e2: {  	v1 =	vld [tilespmem:s17+$0xFFFFFFE0]  }
0x1e3: {  	v7 =	vld [tilespmem:s17+$0x0]  }
.Ltmp7:
0x1e4: {  	(pc) =	sbr.rel @p1 .LBB2_17-.Ltmp7, $3  }
0x1e5: {  	_ =	sdelay $0x1  }
0x1e6: {  	s18 =	sadd.s32 s18, s13;
	v5 =	vmul.f32 v4, v3;
	v2 =	vmul.f32 v1, v3  }
0x1e7: {  	v4 =	vmul.f32 v6, v3;
	v1 =	vmov s18;
	v3 =	vmul.f32 v7, v3  }
0x1e8: {  	[tilespmem:s15+$0x10] =	vst v5  }
0x1e9: {  	s16 =	sadd.s32 $0x40, s17;
	[tilespmem:s15+$0xFFFFFFE0] =	vst v2  }
0x1ea: {  	v2 =	vld [tilespmem:s16+$0xFFFFFFF0];
	[tilespmem:s15+$0xFFFFFFF0] =	vst v4  }
0x1eb: {  	v4 =	vld [tilespmem:s16+$0x10];
	[tilespmem:s15+$0x0] =	vst v3  }
0x1ec: {  	v1 =	vld.idx.msk [tilespmem:v1+s2+$0x0], $0xffff  }
0x1ed: {  	v3 =	vld [tilespmem:s16+$0xFFFFFFE0];
	_ =	sdelay $0x1  }
0x1ee: {  	v5 =	vld [tilespmem:s16+$0x0];
	_ =	sdelay $0x1  }
0x1ef: {  	v4 =	vmul.f32 v4, v1  }
0x1f0: {  	v3 =	vmul.f32 v3, v1  }
0x1f1: {  	v2 =	vmul.f32 v2, v1;
	[tilespmem:s16+$0x10] =	vst v4  }
0x1f2: {  	s14 =	sadd.s32 $0x1, s14;
	v1 =	vmul.f32 v5, v1;
	[tilespmem:s16+$0xFFFFFFE0] =	vst v3  }
0x1f3: {  	p1 =	sne.s32 s14, $0x28;
	[tilespmem:s16+$0xFFFFFFF0] =	vst v2  }
.Ltmp8:
0x1f4: {  	[tilespmem:s16+$0x0] =	vst v1;
	(pc) =	sbr.rel @p1 .LBB2_16-.Ltmp8, $4  }
0x1f5: {  	[spmem:s4] =	stream.indirect.scatter.add.f32 [tilespmem:s7], [sflag:$0x2], $0x40, s31, s30, $0xb8;
	[tilespmem:$0x1B400] =	vst v63  }
0x1f6: {  	_ =	swait.ge [sflag:s28], $0x2000  }
0x1f7: {  	[sflag:s28] =	ssyncset.done $0x0  }
0x1f8: {  	s13 =	sadd.s32 $0x80, s13;
	[sflag:s28] =	ssyncadd.s32 $0xFFFFE000  }
0x1f9: {  	s10 =	sadd.s32 $0x1, s10  }
0x1fa: {  	[bflag:$0x0] =	sbarrier.arrive $0xFFFF;
	p1 =	sne.s32 s10, s26  }
.Ltmp9:
0x1fb: {  	s13 =	rddreg [dreg:$0xf];
	(pc) =	sbr.rel @p1 .LBB2_1-.Ltmp9, $4  }
0x1fc: {  	[hbm:s13], [sflag:s11] =	dma.local [spmem:s12], $0x1400  }
0x1fd: {  	_ =	swait.ge [sflag:s28], $0x1400  }
0x1fe: {  	[sflag:s28] =	ssyncset.done $0x0  }
0x1ff: {  	[sflag:s28] =	ssyncadd.s32 $0xFFFFEC00  }
0x200: {  	_ =	sfence.sel $0x180000  }
0x201: {  	[bflag:$0x0] =	sbarrier.arrive $0xFFFF  }
0x202: {  	_ =	strace $0x90000047  }
0x203: {  	s0 =	stileid.u32;
	[bflag:$0x2] =	sbarrier.arrive $0xFFFF  }
0x204: {  	p0 =	sne.s32 s0, $0x0;
	s0 =	rddreg [dreg:$0x4]  }
0x205: {  	s0 =	sadd.s32 @!p0 $0x100000, s0  }
0x206: {  	[sflag:s0] =	ssyncadd.tile.s32 @!p0 $0x1;
	_ =	shalt  }
.Lfunc_end2:
_tile_overlayer_lowered:
.L_overlay_start_2:
0x207: {  	(tag) =	ssettag $0x2  }
0x208: {  	s0 =	rddreg [dreg:$0x0];
	s2 =	stileid.u32  }
0x209: {  	s1 =	rddreg [dreg:$0x1];
	p0 =	sne.s32 s2, $0x0  }
0x20a: {  	s3 =	rddreg [dreg:$0x2];
	[bflag:$0x3] =	sbarrier.arrive $0xFFFF;
	s2 =	simm.s32 @!p0 $0x1C02  }
0x20b: {  	[timem:s3], [sflag:s2] =	dma.local @!p0 [hbm:s0], s1  }
0x20c: {  	s0 =	simm.s32 @!p0 $0x2  }
0x20d: {  	_ =	swait.ge @!p0 [sflag:s0], s1  }
0x20e: {  	s1 =	ssub.s32 @!p0 $0x0, s1;
	[sflag:s0] =	ssyncset.done @!p0 $0x0  }
0x20f: {  	[sflag:s0] =	ssyncadd.s32 @!p0 s1  }
0x210: {  	[bflag:$0x3] =	sbarrier.arrive $0xFFFF  }
0x211: {  	_ =	shalt  }

</sc_bundles>
